<compile_context>
chip_gen: v7x
topology: tpu7x:2x2x1
jax: 0.10.2.dev20260603
libtpu: 0.0.44.dev20260713+nightly
codegen_flags: <defaults>
</compile_context>

<pallas_src>
import functools

import jax
import jax.numpy as jnp
from jax import lax
from jax.experimental import pallas as pl
from jax.experimental.pallas import tpu as pltpu
from jax.experimental.pallas import tpu_sc as plsc

_NC, _NS = 2, 16
_CHUNK = 128
_G = 8


def _granule_rows(n_vertices):
    return (3 * (n_vertices - 1)) // _G + 2


def _sc_gather_pairs(sflat3, oflat3, sidx2, oidx3):
    B = sflat3.shape[0]
    ns_chunks, nc = sidx2.shape
    no_chunks = oidx3.shape[1]
    A_S = ns_chunks * nc
    A_O = no_chunks * nc

    mesh = plsc.VectorSubcoreMesh(core_axis_name="c", subcore_axis_name="s")

    @functools.partial(
        pl.kernel,
        out_type=(
            jax.ShapeDtypeStruct((B, 2, A_S, _G), jnp.float32),
            jax.ShapeDtypeStruct((B, 2, A_O, _G), jnp.float32),
        ),
        mesh=mesh,
        scratch_types=[
            pltpu.VMEM((ns_chunks, nc), jnp.int32),
            pltpu.VMEM((no_chunks, nc), jnp.int32),
            pltpu.VMEM((ns_chunks, nc), jnp.int32),
            pltpu.VMEM((ns_chunks, nc), jnp.int32),
            pltpu.VMEM((no_chunks, nc), jnp.int32),
            pltpu.VMEM((no_chunks, nc), jnp.int32),
            pltpu.VMEM((A_S, _G), jnp.float32),
            pltpu.VMEM((A_S, _G), jnp.float32),
            pltpu.VMEM((A_O, _G), jnp.float32),
            pltpu.VMEM((A_O, _G), jnp.float32),
            pltpu.SemaphoreType.DMA,
        ],
        compiler_params=pltpu.CompilerParams(use_tc_tiling_on_sc=False),
    )
    def gather_kernel(sflat_hbm, oflat_hbm, sidx_hbm, oidx_hbm,
                      out_s_hbm, out_o_hbm,
                      sidx_vm, oidx_vm, gsa_vm, gsb_vm, goa_vm, gob_vm,
                      sra_vm, srb_vm, ora_vm, orb_vm, sem):
        b = lax.axis_index("s") * _NC + lax.axis_index("c")
        pltpu.sync_copy(sidx_hbm, sidx_vm)
        pltpu.sync_copy(oidx_hbm.at[b], oidx_vm)

        three = jnp.full((16,), 3, jnp.int32)
        shift3 = jnp.full((16,), 3, jnp.int32)
        one = jnp.full((16,), 1, jnp.int32)

        def make_rows(idx_vm, ga_vm, gb_vm, nchunks):
            for j in range(nchunks):
                for k in range(nc // 16):
                    sl = pl.ds(k * 16, 16)
                    v = idx_vm[j, sl]
                    g = lax.shift_right_logical(lax.mul(v, three), shift3)
                    ga_vm[j, sl] = g
                    gb_vm[j, sl] = lax.add(g, one)

        make_rows(sidx_vm, gsa_vm, gsb_vm, ns_chunks)
        make_rows(oidx_vm, goa_vm, gob_vm, no_chunks)

        copies = []
        for gv, dst, nch, tab in (
                (gsa_vm, sra_vm, ns_chunks, sflat_hbm),
                (gsb_vm, srb_vm, ns_chunks, sflat_hbm),
                (goa_vm, ora_vm, no_chunks, oflat_hbm),
                (gob_vm, orb_vm, no_chunks, oflat_hbm)):
            for j in range(nch):
                copies.append(pltpu.async_copy(
                    tab.at[b].at[gv.at[j]],
                    dst.at[pl.ds(j * nc, nc)], sem))
        for c in copies:
            c.wait()

        pltpu.sync_copy(sra_vm, out_s_hbm.at[b, 0])
        pltpu.sync_copy(srb_vm, out_s_hbm.at[b, 1])
        pltpu.sync_copy(ora_vm, out_o_hbm.at[b, 0])
        pltpu.sync_copy(orb_vm, out_o_hbm.at[b, 1])

    return gather_kernel(sflat3, oflat3, sidx2, oidx3)


def _extract_xyz(pairs16, idx_i32, n):
    off = lax.bitwise_and(3 * idx_i32, jnp.full((n, 1), 7, jnp.int32))
    exts = []
    for c in range(3):
        acc = jnp.zeros((n, 1), jnp.float32)
        for q in range(8):
            acc = acc + jnp.where(off == q, pairs16[:, q + c:q + c + 1], 0.0)
        exts.append(acc)
    return exts


def _tc_loss_sum(rel3, spairs, opairs, sidxf, oidxf, tile):
    B, A_S, L3 = rel3.shape
    A_O = opairs.shape[2]
    nt = A_S // tile

    def body(rel_ref, sp_ref, op_ref, si_ref, oi_ref, out_ref):
        step = pl.program_id(0) * nt + pl.program_id(1)
        rel = rel_ref[0]

        sidx = si_ref[0].astype(jnp.int32)
        spair16 = jnp.concatenate([sp_ref[0, 0], sp_ref[0, 1]], axis=1)
        se0, se1, se2 = _extract_xyz(spair16, sidx, tile)
        colv = lax.broadcasted_iota(jnp.int32, (tile, 8), 1)
        aug = jnp.where(colv == 0, se0,
                        jnp.where(colv == 1, se1,
                                  jnp.where(colv == 2, se2,
                                            jnp.where(colv == 3, 1.0, 0.0))))

        oidx = oi_ref[0].astype(jnp.int32)
        opair16 = jnp.concatenate([op_ref[0, 0], op_ref[0, 1]], axis=1)
        oe = _extract_xyz(opair16, oidx, A_O)
        orow = lax.broadcasted_iota(jnp.int32, (A_O, L3), 0)
        olane = lax.broadcasted_iota(jnp.int32, (A_O, L3), 1)
        qrow = (orow == olane // 3).astype(jnp.float32)
        lane1 = lax.broadcasted_iota(jnp.int32, (1, L3), 1)
        lane_c = lane1 - (lane1 // 3) * 3
        obj_int = jnp.zeros((1, L3), jnp.float32)
        for c in range(3):
            rep = lax.dot_general(oe[c], qrow, (((0,), (0,)), ((), ())),
                                  preferred_element_type=jnp.float32)
            obj_int = obj_int + rep * (lane_c == c).astype(jnp.float32)

        rowv = lax.broadcasted_iota(jnp.int32, (8, L3), 0)
        lanec8 = lax.broadcasted_iota(jnp.int32, (8, L3), 1)
        lanec8 = lanec8 - (lanec8 // 3) * 3
        m8 = jnp.where(rowv == 3, obj_int,
                       jnp.where(rowv == lanec8, -1.0, 0.0))
        base = lax.dot_general(aug, m8, (((1,), (0,)), ((), ())),
                               preferred_element_type=jnp.float32)
        absdiff = jnp.abs(base - rel)
        ones = jnp.ones((L3, 1), jnp.float32)
        psum = jnp.sum(lax.dot_general(
            absdiff, ones, (((1,), (0,)), ((), ())),
            preferred_element_type=jnp.float32))

        @pl.when(step == 0)
        def _():
            out_ref[0, 0] = psum

        @pl.when(step != 0)
        def _():
            out_ref[0, 0] += psum

    return pl.pallas_call(
        body,
        grid=(B, nt),
        in_specs=[
            pl.BlockSpec((1, tile, L3), lambda b, i: (b, i, 0)),
            pl.BlockSpec((1, 2, tile, _G), lambda b, i: (b, 0, i, 0)),
            pl.BlockSpec((1, 2, A_O, _G), lambda b, i: (b, 0, 0, 0)),
            pl.BlockSpec((1, tile, 1), lambda b, i: (0, i, 0)),
            pl.BlockSpec((1, A_O, 1), lambda b, i: (b, 0, 0)),
        ],
        out_specs=pl.BlockSpec(memory_space=pltpu.SMEM),
        out_shape=jax.ShapeDtypeStruct((1, 1), jnp.float32),
        compiler_params=pltpu.CompilerParams(
            dimension_semantics=("arbitrary", "arbitrary")),
    )(rel3, spairs, opairs, sidxf, oidxf)


def kernel(smpl_v_orig, object_v_orig, rel_dist, smpl_anchor_indices,
           object_anchor_indices):
    B, n_smpl, _ = smpl_v_orig.shape
    n_obj = object_v_orig.shape[1]
    A_S = smpl_anchor_indices.shape[0]
    A_O = object_anchor_indices.shape[1]

    ns8 = _granule_rows(n_smpl)
    no8 = _granule_rows(n_obj)
    sflat = jnp.pad(smpl_v_orig.reshape(B, -1),
                    ((0, 0), (0, ns8 * _G - 3 * n_smpl)))
    oflat = jnp.pad(object_v_orig.reshape(B, -1),
                    ((0, 0), (0, no8 * _G - 3 * n_obj)))
    sflat3 = sflat.reshape(B, ns8, _G)
    oflat3 = oflat.reshape(B, no8, _G)

    sidx = smpl_anchor_indices.astype(jnp.int32)
    oidx = object_anchor_indices.astype(jnp.int32)
    sidx2 = sidx.reshape(A_S // _CHUNK, _CHUNK)
    oidx3 = oidx.reshape(B, A_O // _CHUNK, _CHUNK)

    spairs, opairs = _sc_gather_pairs(sflat3, oflat3, sidx2, oidx3)

    rel3 = rel_dist.reshape(B, A_S, A_O * 3)
    sidxf = sidx.astype(jnp.float32).reshape(1, A_S, 1)
    oidxf = oidx.astype(jnp.float32).reshape(B, A_O, 1)

    total = _tc_loss_sum(rel3, spairs, opairs, sidxf, oidxf, tile=1024)
    count = B * A_S * A_O * 3
    return (total / count).reshape(())

# --- scband reference (transcript-rebuilt; emitter-appended) ---
"""Pipeline reference for scband-relative-distance-loss-84963043049845 (READ-ONLY COPY).

The authoritative reference and input builder live on the scoring server;
editing this copy changes nothing except your own understanding.
"""

import jax, jax.numpy as jnp
import numpy as np

B, N_SMPL, N_OBJ, A_S, A_O = 32, 6890, 10000, 1024, 256


def setup_inputs(seed: int = 0) -> dict:
    key = jax.random.key(seed)
    k1, k2, k3, k4, k5 = jax.random.split(key, 5)
    smpl_v_orig = jax.random.normal(k1, (B, N_SMPL, 3), dtype=jnp.float32)
    object_v_orig = jax.random.normal(k2, (B, N_OBJ, 3), dtype=jnp.float32)
    rel_dist = jax.random.normal(k3, (B, A_S * A_O * 3), dtype=jnp.float32)
    smpl_anchor_indices = jax.random.randint(k4, (A_S,), 0, N_SMPL, dtype=jnp.int64 if jax.config.read('jax_enable_x64') else jnp.int32)
    object_anchor_indices = jax.random.randint(k5, (B, A_O), 0, N_OBJ, dtype=jnp.int64 if jax.config.read('jax_enable_x64') else jnp.int32)
    return {
        'smpl_v_orig': smpl_v_orig,
        'object_v_orig': object_v_orig,
        'rel_dist': rel_dist,
        'smpl_anchor_indices': smpl_anchor_indices,
        'object_anchor_indices': object_anchor_indices,
    }


def reference(smpl_v_orig, object_v_orig, rel_dist, smpl_anchor_indices, object_anchor_indices):
    # smpl_v = hoi_dict['smpl_v_orig'][:, self.smpl_anchor_indices]
    smpl_v = jnp.take(smpl_v_orig, smpl_anchor_indices, axis=1)  # [B, A_S, 3]
    # object_v = stack([object_v_orig[b, indices_b] for b ...])
    object_v = jax.vmap(lambda v, idx: jnp.take(v, idx, axis=0))(object_v_orig, object_anchor_indices)  # [B, A_O, 3]
    batch_size = smpl_v.shape[0]
    smpl_v = smpl_v.reshape(batch_size, -1, 1, 3)
    object_v = object_v.reshape(batch_size, 1, -1, 3)
    rd = object_v - smpl_v  # [B, A_S, A_O, 3]
    rd = rd.reshape(batch_size, -1)
    rel_dist_loss = jnp.mean(jnp.abs(rd - rel_dist))
    return rel_dist_loss

if __name__ == "__main__":
    import jax
    _d = setup_inputs()
    print(jax.jit(kernel)(*tuple(_d.values())))

</pallas_src>

<mosaic_0001>
#map = affine_map<(d0, d1) -> (0, 0, 0)>
#map1 = affine_map<(d0, d1) -> (0, 0)>
#map2 = affine_map<(d0, d1) -> (0, 0, 0, 0)>
module attributes {stable_mosaic.version = 14 : i64} {
  func.func @gather_kernel(%arg0: i32, %arg1: i32, %arg2: memref<32x2585x8xf32, #tpu.memory_space<hbm>>, %arg3: memref<32x3751x8xf32, #tpu.memory_space<hbm>>, %arg4: memref<8x128xi32, #tpu.memory_space<hbm>>, %arg5: memref<32x2x128xi32, #tpu.memory_space<hbm>>, %arg6: memref<32x2x1024x8xf32, #tpu.memory_space<hbm>>, %arg7: memref<32x2x256x8xf32, #tpu.memory_space<hbm>>, %arg8: memref<8x128xi32, #tpu.memory_space<vmem>>, %arg9: memref<2x128xi32, #tpu.memory_space<vmem>>, %arg10: memref<8x128xi32, #tpu.memory_space<vmem>>, %arg11: memref<8x128xi32, #tpu.memory_space<vmem>>, %arg12: memref<2x128xi32, #tpu.memory_space<vmem>>, %arg13: memref<2x128xi32, #tpu.memory_space<vmem>>, %arg14: memref<1024x8xf32, #tpu.memory_space<vmem>>, %arg15: memref<1024x8xf32, #tpu.memory_space<vmem>>, %arg16: memref<256x8xf32, #tpu.memory_space<vmem>>, %arg17: memref<256x8xf32, #tpu.memory_space<vmem>>, %arg18: memref<!tpu.dma_semaphore, #tpu.memory_space<semaphore_mem>>) attributes {dimension_semantics = [#tpu.dimension_semantics<core_parallel>, #tpu.dimension_semantics<subcore_parallel>], iteration_bounds = array<i64: 2, 16>, scalar_prefetch = 0 : i64, scratch_operands = 11 : i64, tpu.core_type = #tpu.core_type<sc_vector_subcore>, window_params = [{transform_indices = #map}, {transform_indices = #map}, {transform_indices = #map1}, {transform_indices = #map}, {transform_indices = #map2}, {transform_indices = #map2}]} {
    %mul3A = arith.constant 2 : i32
    %mul3A_0 = arith.muli %arg1, %mul3A : i32
    %add3A = arith.addi %mul3A_0, %arg0 : i32
    "tpu.region"() ({
      %run_scoped3A_2164 = tpu.sem_alloc : memref<!tpu.dma_semaphore, #tpu.memory_space<semaphore_mem>>
      tpu.enqueue_dma source(%arg4 : memref<8x128xi32, #tpu.memory_space<hbm>>) target(%arg8 : memref<8x128xi32, #tpu.memory_space<vmem>>) target_semaphore(%run_scoped3A_2164 : memref<!tpu.dma_semaphore, #tpu.memory_space<semaphore_mem>>)
      tpu.wait_dma2 semaphore(%run_scoped3A_2164 : memref<!tpu.dma_semaphore, #tpu.memory_space<semaphore_mem>>) src(%arg4 : memref<8x128xi32, #tpu.memory_space<hbm>>) dst(%arg8 : memref<8x128xi32, #tpu.memory_space<vmem>>)
      tpu.yield
    }) : () -> ()
    "tpu.region"() ({
      %run_scoped3A_2164 = tpu.sem_alloc : memref<!tpu.dma_semaphore, #tpu.memory_space<semaphore_mem>>
      %dma_start3A_2165 = arith.constant 0 : i32
      %dma_start3A_2166 = arith.constant 0 : i32
      %dma_start3A_2167 = tpu.memref_slice %arg5[%add3A, %dma_start3A_2165, %dma_start3A_2166] : memref<32x2x128xi32, #tpu.memory_space<hbm>> -> memref<1x2x128xi32, #tpu.memory_space<hbm>>
      %dma_start3A_2168 = tpu.memref_squeeze %dma_start3A_2167 : memref<1x2x128xi32, #tpu.memory_space<hbm>> -> memref<2x128xi32, #tpu.memory_space<hbm>>
      %dma_start3A_2169 = arith.constant 0 : i32
      %dma_start3A_2170 = arith.constant 0 : i32
      %dma_start3A_2171 = tpu.memref_slice %arg5[%add3A, %dma_start3A_2169, %dma_start3A_2170] : memref<32x2x128xi32, #tpu.memory_space<hbm>> -> memref<1x2x128xi32, #tpu.memory_space<hbm>>
      %dma_start3A_2172 = tpu.memref_squeeze %dma_start3A_2171 : memref<1x2x128xi32, #tpu.memory_space<hbm>> -> memref<2x128xi32, #tpu.memory_space<hbm>>
      tpu.enqueue_dma source(%dma_start3A_2172 : memref<2x128xi32, #tpu.memory_space<hbm>>) target(%arg9 : memref<2x128xi32, #tpu.memory_space<vmem>>) target_semaphore(%run_scoped3A_2164 : memref<!tpu.dma_semaphore, #tpu.memory_space<semaphore_mem>>)
      %dma_wait3A_2173 = arith.constant 0 : i32
      %dma_wait3A_2174 = arith.constant 0 : i32
      %dma_wait3A_2175 = tpu.memref_slice %arg5[%add3A, %dma_wait3A_2173, %dma_wait3A_2174] : memref<32x2x128xi32, #tpu.memory_space<hbm>> -> memref<1x2x128xi32, #tpu.memory_space<hbm>>
      %dma_wait3A_2176 = tpu.memref_squeeze %dma_wait3A_2175 : memref<1x2x128xi32, #tpu.memory_space<hbm>> -> memref<2x128xi32, #tpu.memory_space<hbm>>
      %dma_wait3A_2177 = arith.constant 0 : i32
      %dma_wait3A_2178 = arith.constant 0 : i32
      %dma_wait3A_2179 = tpu.memref_slice %arg5[%add3A, %dma_wait3A_2177, %dma_wait3A_2178] : memref<32x2x128xi32, #tpu.memory_space<hbm>> -> memref<1x2x128xi32, #tpu.memory_space<hbm>>
      %dma_wait3A_2180 = tpu.memref_squeeze %dma_wait3A_2179 : memref<1x2x128xi32, #tpu.memory_space<hbm>> -> memref<2x128xi32, #tpu.memory_space<hbm>>
      tpu.wait_dma2 semaphore(%run_scoped3A_2164 : memref<!tpu.dma_semaphore, #tpu.memory_space<semaphore_mem>>) src(%dma_wait3A_2180 : memref<2x128xi32, #tpu.memory_space<hbm>>) dst(%arg9 : memref<2x128xi32, #tpu.memory_space<vmem>>)
      tpu.yield
    }) : () -> ()
    %broadcast_in_dim3A = arith.constant 3 : i32
    %broadcast_in_dim3A_1 = vector.broadcast %broadcast_in_dim3A : i32 to vector<16xi32>
    %broadcast_in_dim3A_2 = arith.constant 3 : i32
    %broadcast_in_dim3A_3 = vector.broadcast %broadcast_in_dim3A_2 : i32 to vector<16xi32>
    %broadcast_in_dim3A_4 = arith.constant 1 : i32
    %broadcast_in_dim3A_5 = vector.broadcast %broadcast_in_dim3A_4 : i32 to vector<16xi32>
    %get3A = arith.constant 0 : i32
    %get3A_6 = arith.index_cast %get3A : i32 to index
    %get3A_7 = arith.constant 0 : index
    %get3A_8 = tpu.vector_load %arg8[%get3A_6, %get3A_7] {strides = array<i32>} : memref<8x128xi32, #tpu.memory_space<vmem>>, vector<1x16xi32>,
    %get3A_9 = vector.shape_cast %get3A_8 : vector<1x16xi32> to vector<16xi32>
    %mul3A_10 = arith.muli %get3A_9, %broadcast_in_dim3A_1 : vector<16xi32>
    %shift_right_logical3A = arith.shrui %mul3A_10, %broadcast_in_dim3A_3 : vector<16xi32>
    %swap3A = arith.constant 0 : i32
    %swap3A_11 = arith.index_cast %swap3A : i32 to index
    %swap3A_12 = arith.constant 0 : index
    %swap3A_13 = tpu.vector_load %arg10[%swap3A_11, %swap3A_12] {strides = array<i32>} : memref<8x128xi32, #tpu.memory_space<vmem>>, vector<1x16xi32>,
    %swap3A_14 = vector.shape_cast %swap3A_13 : vector<1x16xi32> to vector<16xi32>
    %swap3A_15 = vector.shape_cast %shift_right_logical3A : vector<16xi32> to vector<1x16xi32>
    tpu.vector_store %arg10[%swap3A_11, %swap3A_12], %swap3A_15 {strides = array<i32>} : memref<8x128xi32, #tpu.memory_space<vmem>>, vector<1x16xi32>,
    %add3A_16 = arith.addi %shift_right_logical3A, %broadcast_in_dim3A_5 : vector<16xi32>
    %swap3A_17 = arith.constant 0 : i32
    %swap3A_18 = arith.index_cast %swap3A_17 : i32 to index
    %swap3A_19 = arith.constant 0 : index
    %swap3A_20 = tpu.vector_load %arg11[%swap3A_18, %swap3A_19] {strides = array<i32>} : memref<8x128xi32, #tpu.memory_space<vmem>>, vector<1x16xi32>,
    %swap3A_21 = vector.shape_cast %swap3A_20 : vector<1x16xi32> to vector<16xi32>
    %swap3A_22 = vector.shape_cast %add3A_16 : vector<16xi32> to vector<1x16xi32>
    tpu.vector_store %arg11[%swap3A_18, %swap3A_19], %swap3A_22 {strides = array<i32>} : memref<8x128xi32, #tpu.memory_space<vmem>>, vector<1x16xi32>,
    %get3A_23 = arith.constant 0 : i32
    %get3A_24 = arith.index_cast %get3A_23 : i32 to index
    %get3A_25 = arith.constant 16 : index
    %get3A_26 = tpu.vector_load %arg8[%get3A_24, %get3A_25] {strides = array<i32>} : memref<8x128xi32, #tpu.memory_space<vmem>>, vector<1x16xi32>,
    %get3A_27 = vector.shape_cast %get3A_26 : vector<1x16xi32> to vector<16xi32>
    %mul3A_28 = arith.muli %get3A_27, %broadcast_in_dim3A_1 : vector<16xi32>
    %shift_right_logical3A_29 = arith.shrui %mul3A_28, %broadcast_in_dim3A_3 : vector<16xi32>
    %swap3A_30 = arith.constant 0 : i32
    %swap3A_31 = arith.index_cast %swap3A_30 : i32 to index
    %swap3A_32 = arith.constant 16 : index
    %swap3A_33 = tpu.vector_load %arg10[%swap3A_31, %swap3A_32] {strides = array<i32>} : memref<8x128xi32, #tpu.memory_space<vmem>>, vector<1x16xi32>,
    %swap3A_34 = vector.shape_cast %swap3A_33 : vector<1x16xi32> to vector<16xi32>
    %swap3A_35 = vector.shape_cast %shift_right_logical3A_29 : vector<16xi32> to vector<1x16xi32>
    tpu.vector_store %arg10[%swap3A_31, %swap3A_32], %swap3A_35 {strides = array<i32>} : memref<8x128xi32, #tpu.memory_space<vmem>>, vector<1x16xi32>,
    %add3A_36 = arith.addi %shift_right_logical3A_29, %broadcast_in_dim3A_5 : vector<16xi32>
    %swap3A_37 = arith.constant 0 : i32
    %swap3A_38 = arith.index_cast %swap3A_37 : i32 to index
    %swap3A_39 = arith.constant 16 : index
    %swap3A_40 = tpu.vector_load %arg11[%swap3A_38, %swap3A_39] {strides = array<i32>} : memref<8x128xi32, #tpu.memory_space<vmem>>, vector<1x16xi32>,
    %swap3A_41 = vector.shape_cast %swap3A_40 : vector<1x16xi32> to vector<16xi32>
    %swap3A_42 = vector.shape_cast %add3A_36 : vector<16xi32> to vector<1x16xi32>
    tpu.vector_store %arg11[%swap3A_38, %swap3A_39], %swap3A_42 {strides = array<i32>} : memref<8x128xi32, #tpu.memory_space<vmem>>, vector<1x16xi32>,
    %get3A_43 = arith.constant 0 : i32
    %get3A_44 = arith.index_cast %get3A_43 : i32 to index
    %get3A_45 = arith.constant 32 : index
    %get3A_46 = tpu.vector_load %arg8[%get3A_44, %get3A_45] {strides = array<i32>} : memref<8x128xi32, #tpu.memory_space<vmem>>, vector<1x16xi32>,
    %get3A_47 = vector.shape_cast %get3A_46 : vector<1x16xi32> to vector<16xi32>
    %mul3A_48 = arith.muli %get3A_47, %broadcast_in_dim3A_1 : vector<16xi32>
    %shift_right_logical3A_49 = arith.shrui %mul3A_48, %broadcast_in_dim3A_3 : vector<16xi32>
    %swap3A_50 = arith.constant 0 : i32
    %swap3A_51 = arith.index_cast %swap3A_50 : i32 to index
    %swap3A_52 = arith.constant 32 : index
    %swap3A_53 = tpu.vector_load %arg10[%swap3A_51, %swap3A_52] {strides = array<i32>} : memref<8x128xi32, #tpu.memory_space<vmem>>, vector<1x16xi32>,
    %swap3A_54 = vector.shape_cast %swap3A_53 : vector<1x16xi32> to vector<16xi32>
    %swap3A_55 = vector.shape_cast %shift_right_logical3A_49 : vector<16xi32> to vector<1x16xi32>
    tpu.vector_store %arg10[%swap3A_51, %swap3A_52], %swap3A_55 {strides = array<i32>} : memref<8x128xi32, #tpu.memory_space<vmem>>, vector<1x16xi32>,
    %add3A_56 = arith.addi %shift_right_logical3A_49, %broadcast_in_dim3A_5 : vector<16xi32>
    %swap3A_57 = arith.constant 0 : i32
    %swap3A_58 = arith.index_cast %swap3A_57 : i32 to index
    %swap3A_59 = arith.constant 32 : index
    %swap3A_60 = tpu.vector_load %arg11[%swap3A_58, %swap3A_59] {strides = array<i32>} : memref<8x128xi32, #tpu.memory_space<vmem>>, vector<1x16xi32>,
    %swap3A_61 = vector.shape_cast %swap3A_60 : vector<1x16xi32> to vector<16xi32>
    %swap3A_62 = vector.shape_cast %add3A_56 : vector<16xi32> to vector<1x16xi32>
    tpu.vector_store %arg11[%swap3A_58, %swap3A_59], %swap3A_62 {strides = array<i32>} : memref<8x128xi32, #tpu.memory_space<vmem>>, vector<1x16xi32>,
    %get3A_63 = arith.constant 0 : i32
    %get3A_64 = arith.index_cast %get3A_63 : i32 to index
    %get3A_65 = arith.constant 48 : index
    %get3A_66 = tpu.vector_load %arg8[%get3A_64, %get3A_65] {strides = array<i32>} : memref<8x128xi32, #tpu.memory_space<vmem>>, vector<1x16xi32>,
    %get3A_67 = vector.shape_cast %get3A_66 : vector<1x16xi32> to vector<16xi32>
    %mul3A_68 = arith.muli %get3A_67, %broadcast_in_dim3A_1 : vector<16xi32>
    %shift_right_logical3A_69 = arith.shrui %mul3A_68, %broadcast_in_dim3A_3 : vector<16xi32>
    %swap3A_70 = arith.constant 0 : i32
    %swap3A_71 = arith.index_cast %swap3A_70 : i32 to index
    %swap3A_72 = arith.constant 48 : index
    %swap3A_73 = tpu.vector_load %arg10[%swap3A_71, %swap3A_72] {strides = array<i32>} : memref<8x128xi32, #tpu.memory_space<vmem>>, vector<1x16xi32>,
    %swap3A_74 = vector.shape_cast %swap3A_73 : vector<1x16xi32> to vector<16xi32>
    %swap3A_75 = vector.shape_cast %shift_right_logical3A_69 : vector<16xi32> to vector<1x16xi32>
    tpu.vector_store %arg10[%swap3A_71, %swap3A_72], %swap3A_75 {strides = array<i32>} : memref<8x128xi32, #tpu.memory_space<vmem>>, vector<1x16xi32>,
    %add3A_76 = arith.addi %shift_right_logical3A_69, %broadcast_in_dim3A_5 : vector<16xi32>
    %swap3A_77 = arith.constant 0 : i32
    %swap3A_78 = arith.index_cast %swap3A_77 : i32 to index
    %swap3A_79 = arith.constant 48 : index
    %swap3A_80 = tpu.vector_load %arg11[%swap3A_78, %swap3A_79] {strides = array<i32>} : memref<8x128xi32, #tpu.memory_space<vmem>>, vector<1x16xi32>,
    %swap3A_81 = vector.shape_cast %swap3A_80 : vector<1x16xi32> to vector<16xi32>
    %swap3A_82 = vector.shape_cast %add3A_76 : vector<16xi32> to vector<1x16xi32>
    tpu.vector_store %arg11[%swap3A_78, %swap3A_79], %swap3A_82 {strides = array<i32>} : memref<8x128xi32, #tpu.memory_space<vmem>>, vector<1x16xi32>,
    %get3A_83 = arith.constant 0 : i32
    %get3A_84 = arith.index_cast %get3A_83 : i32 to index
    %get3A_85 = arith.constant 64 : index
    %get3A_86 = tpu.vector_load %arg8[%get3A_84, %get3A_85] {strides = array<i32>} : memref<8x128xi32, #tpu.memory_space<vmem>>, vector<1x16xi32>,
    %get3A_87 = vector.shape_cast %get3A_86 : vector<1x16xi32> to vector<16xi32>
    %mul3A_88 = arith.muli %get3A_87, %broadcast_in_dim3A_1 : vector<16xi32>
    %shift_right_logical3A_89 = arith.shrui %mul3A_88, %broadcast_in_dim3A_3 : vector<16xi32>
    %swap3A_90 = arith.constant 0 : i32
    %swap3A_91 = arith.index_cast %swap3A_90 : i32 to index
    %swap3A_92 = arith.constant 64 : index
    %swap3A_93 = tpu.vector_load %arg10[%swap3A_91, %swap3A_92] {strides = array<i32>} : memref<8x128xi32, #tpu.memory_space<vmem>>, vector<1x16xi32>,
    %swap3A_94 = vector.shape_cast %swap3A_93 : vector<1x16xi32> to vector<16xi32>
    %swap3A_95 = vector.shape_cast %shift_right_logical3A_89 : vector<16xi32> to vector<1x16xi32>
    tpu.vector_store %arg10[%swap3A_91, %swap3A_92], %swap3A_95 {strides = array<i32>} : memref<8x128xi32, #tpu.memory_space<vmem>>, vector<1x16xi32>,
    %add3A_96 = arith.addi %shift_right_logical3A_89, %broadcast_in_dim3A_5 : vector<16xi32>
    %swap3A_97 = arith.constant 0 : i32
    %swap3A_98 = arith.index_cast %swap3A_97 : i32 to index
    %swap3A_99 = arith.constant 64 : index
    %swap3A_100 = tpu.vector_load %arg11[%swap3A_98, %swap3A_99] {strides = array<i32>} : memref<8x128xi32, #tpu.memory_space<vmem>>, vector<1x16xi32>,
    %swap3A_101 = vector.shape_cast %swap3A_100 : vector<1x16xi32> to vector<16xi32>
    %swap3A_102 = vector.shape_cast %add3A_96 : vector<16xi32> to vector<1x16xi32>
    tpu.vector_store %arg11[%swap3A_98, %swap3A_99], %swap3A_102 {strides = array<i32>} : memref<8x128xi32, #tpu.memory_space<vmem>>, vector<1x16xi32>,
    %get3A_103 = arith.constant 0 : i32
    %get3A_104 = arith.index_cast %get3A_103 : i32 to index
    %get3A_105 = arith.constant 80 : index
    %get3A_106 = tpu.vector_load %arg8[%get3A_104, %get3A_105] {strides = array<i32>} : memref<8x128xi32, #tpu.memory_space<vmem>>, vector<1x16xi32>,
    %get3A_107 = vector.shape_cast %get3A_106 : vector<1x16xi32> to vector<16xi32>
    %mul3A_108 = arith.muli %get3A_107, %broadcast_in_dim3A_1 : vector<16xi32>
    %shift_right_logical3A_109 = arith.shrui %mul3A_108, %broadcast_in_dim3A_3 : vector<16xi32>
    %swap3A_110 = arith.constant 0 : i32
    %swap3A_111 = arith.index_cast %swap3A_110 : i32 to index
    %swap3A_112 = arith.constant 80 : index
    %swap3A_113 = tpu.vector_load %arg10[%swap3A_111, %swap3A_112] {strides = array<i32>} : memref<8x128xi32, #tpu.memory_space<vmem>>, vector<1x16xi32>,
    %swap3A_114 = vector.shape_cast %swap3A_113 : vector<1x16xi32> to vector<16xi32>
    %swap3A_115 = vector.shape_cast %shift_right_logical3A_109 : vector<16xi32> to vector<1x16xi32>
    tpu.vector_store %arg10[%swap3A_111, %swap3A_112], %swap3A_115 {strides = array<i32>} : memref<8x128xi32, #tpu.memory_space<vmem>>, vector<1x16xi32>,
    %add3A_116 = arith.addi %shift_right_logical3A_109, %broadcast_in_dim3A_5 : vector<16xi32>
    %swap3A_117 = arith.constant 0 : i32
    %swap3A_118 = arith.index_cast %swap3A_117 : i32 to index
    %swap3A_119 = arith.constant 80 : index
    %swap3A_120 = tpu.vector_load %arg11[%swap3A_118, %swap3A_119] {strides = array<i32>} : memref<8x128xi32, #tpu.memory_space<vmem>>, vector<1x16xi32>,
    %swap3A_121 = vector.shape_cast %swap3A_120 : vector<1x16xi32> to vector<16xi32>
    %swap3A_122 = vector.shape_cast %add3A_116 : vector<16xi32> to vector<1x16xi32>
    tpu.vector_store %arg11[%swap3A_118, %swap3A_119], %swap3A_122 {strides = array<i32>} : memref<8x128xi32, #tpu.memory_space<vmem>>, vector<1x16xi32>,
    %get3A_123 = arith.constant 0 : i32
    %get3A_124 = arith.index_cast %get3A_123 : i32 to index
    %get3A_125 = arith.constant 96 : index
    %get3A_126 = tpu.vector_load %arg8[%get3A_124, %get3A_125] {strides = array<i32>} : memref<8x128xi32, #tpu.memory_space<vmem>>, vector<1x16xi32>,
    %get3A_127 = vector.shape_cast %get3A_126 : vector<1x16xi32> to vector<16xi32>
    %mul3A_128 = arith.muli %get3A_127, %broadcast_in_dim3A_1 : vector<16xi32>
    %shift_right_logical3A_129 = arith.shrui %mul3A_128, %broadcast_in_dim3A_3 : vector<16xi32>
    %swap3A_130 = arith.constant 0 : i32
    %swap3A_131 = arith.index_cast %swap3A_130 : i32 to index
    %swap3A_132 = arith.constant 96 : index
    %swap3A_133 = tpu.vector_load %arg10[%swap3A_131, %swap3A_132] {strides = array<i32>} : memref<8x128xi32, #tpu.memory_space<vmem>>, vector<1x16xi32>,
    %swap3A_134 = vector.shape_cast %swap3A_133 : vector<1x16xi32> to vector<16xi32>
    %swap3A_135 = vector.shape_cast %shift_right_logical3A_129 : vector<16xi32> to vector<1x16xi32>
    tpu.vector_store %arg10[%swap3A_131, %swap3A_132], %swap3A_135 {strides = array<i32>} : memref<8x128xi32, #tpu.memory_space<vmem>>, vector<1x16xi32>,
    %add3A_136 = arith.addi %shift_right_logical3A_129, %broadcast_in_dim3A_5 : vector<16xi32>
    %swap3A_137 = arith.constant 0 : i32
    %swap3A_138 = arith.index_cast %swap3A_137 : i32 to index
    %swap3A_139 = arith.constant 96 : index
    %swap3A_140 = tpu.vector_load %arg11[%swap3A_138, %swap3A_139] {strides = array<i32>} : memref<8x128xi32, #tpu.memory_space<vmem>>, vector<1x16xi32>,
    %swap3A_141 = vector.shape_cast %swap3A_140 : vector<1x16xi32> to vector<16xi32>
    %swap3A_142 = vector.shape_cast %add3A_136 : vector<16xi32> to vector<1x16xi32>
    tpu.vector_store %arg11[%swap3A_138, %swap3A_139], %swap3A_142 {strides = array<i32>} : memref<8x128xi32, #tpu.memory_space<vmem>>, vector<1x16xi32>,
    %get3A_143 = arith.constant 0 : i32
    %get3A_144 = arith.index_cast %get3A_143 : i32 to index
    %get3A_145 = arith.constant 112 : index
    %get3A_146 = tpu.vector_load %arg8[%get3A_144, %get3A_145] {strides = array<i32>} : memref<8x128xi32, #tpu.memory_space<vmem>>, vector<1x16xi32>,
    %get3A_147 = vector.shape_cast %get3A_146 : vector<1x16xi32> to vector<16xi32>
    %mul3A_148 = arith.muli %get3A_147, %broadcast_in_dim3A_1 : vector<16xi32>
    %shift_right_logical3A_149 = arith.shrui %mul3A_148, %broadcast_in_dim3A_3 : vector<16xi32>
    %swap3A_150 = arith.constant 0 : i32
    %swap3A_151 = arith.index_cast %swap3A_150 : i32 to index
    %swap3A_152 = arith.constant 112 : index
    %swap3A_153 = tpu.vector_load %arg10[%swap3A_151, %swap3A_152] {strides = array<i32>} : memref<8x128xi32, #tpu.memory_space<vmem>>, vector<1x16xi32>,
    %swap3A_154 = vector.shape_cast %swap3A_153 : vector<1x16xi32> to vector<16xi32>
    %swap3A_155 = vector.shape_cast %shift_right_logical3A_149 : vector<16xi32> to vector<1x16xi32>
    tpu.vector_store %arg10[%swap3A_151, %swap3A_152], %swap3A_155 {strides = array<i32>} : memref<8x128xi32, #tpu.memory_space<vmem>>, vector<1x16xi32>,
    %add3A_156 = arith.addi %shift_right_logical3A_149, %broadcast_in_dim3A_5 : vector<16xi32>
    %swap3A_157 = arith.constant 0 : i32
    %swap3A_158 = arith.index_cast %swap3A_157 : i32 to index
    %swap3A_159 = arith.constant 112 : index
    %swap3A_160 = tpu.vector_load %arg11[%swap3A_158, %swap3A_159] {strides = array<i32>} : memref<8x128xi32, #tpu.memory_space<vmem>>, vector<1x16xi32>,
    %swap3A_161 = vector.shape_cast %swap3A_160 : vector<1x16xi32> to vector<16xi32>
    %swap3A_162 = vector.shape_cast %add3A_156 : vector<16xi32> to vector<1x16xi32>
    tpu.vector_store %arg11[%swap3A_158, %swap3A_159], %swap3A_162 {strides = array<i32>} : memref<8x128xi32, #tpu.memory_space<vmem>>, vector<1x16xi32>,
    %get3A_163 = arith.constant 1 : i32
    %get3A_164 = arith.index_cast %get3A_163 : i32 to index
    %get3A_165 = arith.constant 0 : index
    %get3A_166 = tpu.vector_load %arg8[%get3A_164, %get3A_165] {strides = array<i32>} : memref<8x128xi32, #tpu.memory_space<vmem>>, vector<1x16xi32>,
    %get3A_167 = vector.shape_cast %get3A_166 : vector<1x16xi32> to vector<16xi32>
    %mul3A_168 = arith.muli %get3A_167, %broadcast_in_dim3A_1 : vector<16xi32>
    %shift_right_logical3A_169 = arith.shrui %mul3A_168, %broadcast_in_dim3A_3 : vector<16xi32>
    %swap3A_170 = arith.constant 1 : i32
    %swap3A_171 = arith.index_cast %swap3A_170 : i32 to index
    %swap3A_172 = arith.constant 0 : index
    %swap3A_173 = tpu.vector_load %arg10[%swap3A_171, %swap3A_172] {strides = array<i32>} : memref<8x128xi32, #tpu.memory_space<vmem>>, vector<1x16xi32>,
    %swap3A_174 = vector.shape_cast %swap3A_173 : vector<1x16xi32> to vector<16xi32>
    %swap3A_175 = vector.shape_cast %shift_right_logical3A_169 : vector<16xi32> to vector<1x16xi32>
    tpu.vector_store %arg10[%swap3A_171, %swap3A_172], %swap3A_175 {strides = array<i32>} : memref<8x128xi32, #tpu.memory_space<vmem>>, vector<1x16xi32>,
    %add3A_176 = arith.addi %shift_right_logical3A_169, %broadcast_in_dim3A_5 : vector<16xi32>
    %swap3A_177 = arith.constant 1 : i32
    %swap3A_178 = arith.index_cast %swap3A_177 : i32 to index
    %swap3A_179 = arith.constant 0 : index
    %swap3A_180 = tpu.vector_load %arg11[%swap3A_178, %swap3A_179] {strides = array<i32>} : memref<8x128xi32, #tpu.memory_space<vmem>>, vector<1x16xi32>,
    %swap3A_181 = vector.shape_cast %swap3A_180 : vector<1x16xi32> to vector<16xi32>
    %swap3A_182 = vector.shape_cast %add3A_176 : vector<16xi32> to vector<1x16xi32>
    tpu.vector_store %arg11[%swap3A_178, %swap3A_179], %swap3A_182 {strides = array<i32>} : memref<8x128xi32, #tpu.memory_space<vmem>>, vector<1x16xi32>,
    %get3A_183 = arith.constant 1 : i32
    %get3A_184 = arith.index_cast %get3A_183 : i32 to index
    %get3A_185 = arith.constant 16 : index
    %get3A_186 = tpu.vector_load %arg8[%get3A_184, %get3A_185] {strides = array<i32>} : memref<8x128xi32, #tpu.memory_space<vmem>>, vector<1x16xi32>,
    %get3A_187 = vector.shape_cast %get3A_186 : vector<1x16xi32> to vector<16xi32>
    %mul3A_188 = arith.muli %get3A_187, %broadcast_in_dim3A_1 : vector<16xi32>
    %shift_right_logical3A_189 = arith.shrui %mul3A_188, %broadcast_in_dim3A_3 : vector<16xi32>
    %swap3A_190 = arith.constant 1 : i32
    %swap3A_191 = arith.index_cast %swap3A_190 : i32 to index
    %swap3A_192 = arith.constant 16 : index
    %swap3A_193 = tpu.vector_load %arg10[%swap3A_191, %swap3A_192] {strides = array<i32>} : memref<8x128xi32, #tpu.memory_space<vmem>>, vector<1x16xi32>,
    %swap3A_194 = vector.shape_cast %swap3A_193 : vector<1x16xi32> to vector<16xi32>
    %swap3A_195 = vector.shape_cast %shift_right_logical3A_189 : vector<16xi32> to vector<1x16xi32>
    tpu.vector_store %arg10[%swap3A_191, %swap3A_192], %swap3A_195 {strides = array<i32>} : memref<8x128xi32, #tpu.memory_space<vmem>>, vector<1x16xi32>,
    %add3A_196 = arith.addi %shift_right_logical3A_189, %broadcast_in_dim3A_5 : vector<16xi32>
    %swap3A_197 = arith.constant 1 : i32
    %swap3A_198 = arith.index_cast %swap3A_197 : i32 to index
    %swap3A_199 = arith.constant 16 : index
    %swap3A_200 = tpu.vector_load %arg11[%swap3A_198, %swap3A_199] {strides = array<i32>} : memref<8x128xi32, #tpu.memory_space<vmem>>, vector<1x16xi32>,
    %swap3A_201 = vector.shape_cast %swap3A_200 : vector<1x16xi32> to vector<16xi32>
    %swap3A_202 = vector.shape_cast %add3A_196 : vector<16xi32> to vector<1x16xi32>
    tpu.vector_store %arg11[%swap3A_198, %swap3A_199], %swap3A_202 {strides = array<i32>} : memref<8x128xi32, #tpu.memory_space<vmem>>, vector<1x16xi32>,
    %get3A_203 = arith.constant 1 : i32
    %get3A_204 = arith.index_cast %get3A_203 : i32 to index
    %get3A_205 = arith.constant 32 : index
    %get3A_206 = tpu.vector_load %arg8[%get3A_204, %get3A_205] {strides = array<i32>} : memref<8x128xi32, #tpu.memory_space<vmem>>, vector<1x16xi32>,
    %get3A_207 = vector.shape_cast %get3A_206 : vector<1x16xi32> to vector<16xi32>
    %mul3A_208 = arith.muli %get3A_207, %broadcast_in_dim3A_1 : vector<16xi32>
    %shift_right_logical3A_209 = arith.shrui %mul3A_208, %broadcast_in_dim3A_3 : vector<16xi32>
    %swap3A_210 = arith.constant 1 : i32
    %swap3A_211 = arith.index_cast %swap3A_210 : i32 to index
    %swap3A_212 = arith.constant 32 : index
    %swap3A_213 = tpu.vector_load %arg10[%swap3A_211, %swap3A_212] {strides = array<i32>} : memref<8x128xi32, #tpu.memory_space<vmem>>, vector<1x16xi32>,
    %swap3A_214 = vector.shape_cast %swap3A_213 : vector<1x16xi32> to vector<16xi32>
    %swap3A_215 = vector.shape_cast %shift_right_logical3A_209 : vector<16xi32> to vector<1x16xi32>
    tpu.vector_store %arg10[%swap3A_211, %swap3A_212], %swap3A_215 {strides = array<i32>} : memref<8x128xi32, #tpu.memory_space<vmem>>, vector<1x16xi32>,
    %add3A_216 = arith.addi %shift_right_logical3A_209, %broadcast_in_dim3A_5 : vector<16xi32>
    %swap3A_217 = arith.constant 1 : i32
    %swap3A_218 = arith.index_cast %swap3A_217 : i32 to index
    %swap3A_219 = arith.constant 32 : index
    %swap3A_220 = tpu.vector_load %arg11[%swap3A_218, %swap3A_219] {strides = array<i32>} : memref<8x128xi32, #tpu.memory_space<vmem>>, vector<1x16xi32>,
    %swap3A_221 = vector.shape_cast %swap3A_220 : vector<1x16xi32> to vector<16xi32>
    %swap3A_222 = vector.shape_cast %add3A_216 : vector<16xi32> to vector<1x16xi32>
    tpu.vector_store %arg11[%swap3A_218, %swap3A_219], %swap3A_222 {strides = array<i32>} : memref<8x128xi32, #tpu.memory_space<vmem>>, vector<1x16xi32>,
    %get3A_223 = arith.constant 1 : i32
    %get3A_224 = arith.index_cast %get3A_223 : i32 to index
    %get3A_225 = arith.constant 48 : index
    %get3A_226 = tpu.vector_load %arg8[%get3A_224, %get3A_225] {strides = array<i32>} : memref<8x128xi32, #tpu.memory_space<vmem>>, vector<1x16xi32>,
    %get3A_227 = vector.shape_cast %get3A_226 : vector<1x16xi32> to vector<16xi32>
    %mul3A_228 = arith.muli %get3A_227, %broadcast_in_dim3A_1 : vector<16xi32>
    %shift_right_logical3A_229 = arith.shrui %mul3A_228, %broadcast_in_dim3A_3 : vector<16xi32>
    %swap3A_230 = arith.constant 1 : i32
    %swap3A_231 = arith.index_cast %swap3A_230 : i32 to index
    %swap3A_232 = arith.constant 48 : index
    %swap3A_233 = tpu.vector_load %arg10[%swap3A_231, %swap3A_232] {strides = array<i32>} : memref<8x128xi32, #tpu.memory_space<vmem>>, vector<1x16xi32>,
    %swap3A_234 = vector.shape_cast %swap3A_233 : vector<1x16xi32> to vector<16xi32>
    %swap3A_235 = vector.shape_cast %shift_right_logical3A_229 : vector<16xi32> to vector<1x16xi32>
    tpu.vector_store %arg10[%swap3A_231, %swap3A_232], %swap3A_235 {strides = array<i32>} : memref<8x128xi32, #tpu.memory_space<vmem>>, vector<1x16xi32>,
    %add3A_236 = arith.addi %shift_right_logical3A_229, %broadcast_in_dim3A_5 : vector<16xi32>
    %swap3A_237 = arith.constant 1 : i32
    %swap3A_238 = arith.index_cast %swap3A_237 : i32 to index
    %swap3A_239 = arith.constant 48 : index
    %swap3A_240 = tpu.vector_load %arg11[%swap3A_238, %swap3A_239] {strides = array<i32>} : memref<8x128xi32, #tpu.memory_space<vmem>>, vector<1x16xi32>,
    %swap3A_241 = vector.shape_cast %swap3A_240 : vector<1x16xi32> to vector<16xi32>
    %swap3A_242 = vector.shape_cast %add3A_236 : vector<16xi32> to vector<1x16xi32>
    tpu.vector_store %arg11[%swap3A_238, %swap3A_239], %swap3A_242 {strides = array<i32>} : memref<8x128xi32, #tpu.memory_space<vmem>>, vector<1x16xi32>,
    %get3A_243 = arith.constant 1 : i32
    %get3A_244 = arith.index_cast %get3A_243 : i32 to index
    %get3A_245 = arith.constant 64 : index
    %get3A_246 = tpu.vector_load %arg8[%get3A_244, %get3A_245] {strides = array<i32>} : memref<8x128xi32, #tpu.memory_space<vmem>>, vector<1x16xi32>,
    %get3A_247 = vector.shape_cast %get3A_246 : vector<1x16xi32> to vector<16xi32>
    %mul3A_248 = arith.muli %get3A_247, %broadcast_in_dim3A_1 : vector<16xi32>
    %shift_right_logical3A_249 = arith.shrui %mul3A_248, %broadcast_in_dim3A_3 : vector<16xi32>
    %swap3A_250 = arith.constant 1 : i32
    %swap3A_251 = arith.index_cast %swap3A_250 : i32 to index
    %swap3A_252 = arith.constant 64 : index
    %swap3A_253 = tpu.vector_load %arg10[%swap3A_251, %swap3A_252] {strides = array<i32>} : memref<8x128xi32, #tpu.memory_space<vmem>>, vector<1x16xi32>,
    %swap3A_254 = vector.shape_cast %swap3A_253 : vector<1x16xi32> to vector<16xi32>
    %swap3A_255 = vector.shape_cast %shift_right_logical3A_249 : vector<16xi32> to vector<1x16xi32>
    tpu.vector_store %arg10[%swap3A_251, %swap3A_252], %swap3A_255 {strides = array<i32>} : memref<8x128xi32, #tpu.memory_space<vmem>>, vector<1x16xi32>,
    %add3A_256 = arith.addi %shift_right_logical3A_249, %broadcast_in_dim3A_5 : vector<16xi32>
    %swap3A_257 = arith.constant 1 : i32
    %swap3A_258 = arith.index_cast %swap3A_257 : i32 to index
    %swap3A_259 = arith.constant 64 : index
    %swap3A_260 = tpu.vector_load %arg11[%swap3A_258, %swap3A_259] {strides = array<i32>} : memref<8x128xi32, #tpu.memory_space<vmem>>, vector<1x16xi32>,
    %swap3A_261 = vector.shape_cast %swap3A_260 : vector<1x16xi32> to vector<16xi32>
    %swap3A_262 = vector.shape_cast %add3A_256 : vector<16xi32> to vector<1x16xi32>
    tpu.vector_store %arg11[%swap3A_258, %swap3A_259], %swap3A_262 {strides = array<i32>} : memref<8x128xi32, #tpu.memory_space<vmem>>, vector<1x16xi32>,
    %get3A_263 = arith.constant 1 : i32
    %get3A_264 = arith.index_cast %get3A_263 : i32 to index
    %get3A_265 = arith.constant 80 : index
    %get3A_266 = tpu.vector_load %arg8[%get3A_264, %get3A_265] {strides = array<i32>} : memref<8x128xi32, #tpu.memory_space<vmem>>, vector<1x16xi32>,
    %get3A_267 = vector.shape_cast %get3A_266 : vector<1x16xi32> to vector<16xi32>
    %mul3A_268 = arith.muli %get3A_267, %broadcast_in_dim3A_1 : vector<16xi32>
    %shift_right_logical3A_269 = arith.shrui %mul3A_268, %broadcast_in_dim3A_3 : vector<16xi32>
    %swap3A_270 = arith.constant 1 : i32
    %swap3A_271 = arith.index_cast %swap3A_270 : i32 to index
    %swap3A_272 = arith.constant 80 : index
    %swap3A_273 = tpu.vector_load %arg10[%swap3A_271, %swap3A_272] {strides = array<i32>} : memref<8x128xi32, #tpu.memory_space<vmem>>, vector<1x16xi32>,
    %swap3A_274 = vector.shape_cast %swap3A_273 : vector<1x16xi32> to vector<16xi32>
    %swap3A_275 = vector.shape_cast %shift_right_logical3A_269 : vector<16xi32> to vector<1x16xi32>
    tpu.vector_store %arg10[%swap3A_271, %swap3A_272], %swap3A_275 {strides = array<i32>} : memref<8x128xi32, #tpu.memory_space<vmem>>, vector<1x16xi32>,
    %add3A_276 = arith.addi %shift_right_logical3A_269, %broadcast_in_dim3A_5 : vector<16xi32>
    %swap3A_277 = arith.constant 1 : i32
    %swap3A_278 = arith.index_cast %swap3A_277 : i32 to index
    %swap3A_279 = arith.constant 80 : index
    %swap3A_280 = tpu.vector_load %arg11[%swap3A_278, %swap3A_279] {strides = array<i32>} : memref<8x128xi32, #tpu.memory_space<vmem>>, vector<1x16xi32>,
    %swap3A_281 = vector.shape_cast %swap3A_280 : vector<1x16xi32> to vector<16xi32>
    %swap3A_282 = vector.shape_cast %add3A_276 : vector<16xi32> to vector<1x16xi32>
    tpu.vector_store %arg11[%swap3A_278, %swap3A_279], %swap3A_282 {strides = array<i32>} : memref<8x128xi32, #tpu.memory_space<vmem>>, vector<1x16xi32>,
    %get3A_283 = arith.constant 1 : i32
    %get3A_284 = arith.index_cast %get3A_283 : i32 to index
    %get3A_285 = arith.constant 96 : index
    %get3A_286 = tpu.vector_load %arg8[%get3A_284, %get3A_285] {strides = array<i32>} : memref<8x128xi32, #tpu.memory_space<vmem>>, vector<1x16xi32>,
    %get3A_287 = vector.shape_cast %get3A_286 : vector<1x16xi32> to vector<16xi32>
    %mul3A_288 = arith.muli %get3A_287, %broadcast_in_dim3A_1 : vector<16xi32>
    %shift_right_logical3A_289 = arith.shrui %mul3A_288, %broadcast_in_dim3A_3 : vector<16xi32>
    %swap3A_290 = arith.constant 1 : i32
    %swap3A_291 = arith.index_cast %swap3A_290 : i32 to index
    %swap3A_292 = arith.constant 96 : index
    %swap3A_293 = tpu.vector_load %arg10[%swap3A_291, %swap3A_292] {strides = array<i32>} : memref<8x128xi32, #tpu.memory_space<vmem>>, vector<1x16xi32>,
    %swap3A_294 = vector.shape_cast %swap3A_293 : vector<1x16xi32> to vector<16xi32>
    %swap3A_295 = vector.shape_cast %shift_right_logical3A_289 : vector<16xi32> to vector<1x16xi32>
    tpu.vector_store %arg10[%swap3A_291, %swap3A_292], %swap3A_295 {strides = array<i32>} : memref<8x128xi32, #tpu.memory_space<vmem>>, vector<1x16xi32>,
    %add3A_296 = arith.addi %shift_right_logical3A_289, %broadcast_in_dim3A_5 : vector<16xi32>
    %swap3A_297 = arith.constant 1 : i32
    %swap3A_298 = arith.index_cast %swap3A_297 : i32 to index
    %swap3A_299 = arith.constant 96 : index
    %swap3A_300 = tpu.vector_load %arg11[%swap3A_298, %swap3A_299] {strides = array<i32>} : memref<8x128xi32, #tpu.memory_space<vmem>>, vector<1x16xi32>,
    %swap3A_301 = vector.shape_cast %swap3A_300 : vector<1x16xi32> to vector<16xi32>
    %swap3A_302 = vector.shape_cast %add3A_296 : vector<16xi32> to vector<1x16xi32>
    tpu.vector_store %arg11[%swap3A_298, %swap3A_299], %swap3A_302 {strides = array<i32>} : memref<8x128xi32, #tpu.memory_space<vmem>>, vector<1x16xi32>,
    %get3A_303 = arith.constant 1 : i32
    %get3A_304 = arith.index_cast %get3A_303 : i32 to index
    %get3A_305 = arith.constant 112 : index
    %get3A_306 = tpu.vector_load %arg8[%get3A_304, %get3A_305] {strides = array<i32>} : memref<8x128xi32, #tpu.memory_space<vmem>>, vector<1x16xi32>,
    %get3A_307 = vector.shape_cast %get3A_306 : vector<1x16xi32> to vector<16xi32>
    %mul3A_308 = arith.muli %get3A_307, %broadcast_in_dim3A_1 : vector<16xi32>
    %shift_right_logical3A_309 = arith.shrui %mul3A_308, %broadcast_in_dim3A_3 : vector<16xi32>
    %swap3A_310 = arith.constant 1 : i32
    %swap3A_311 = arith.index_cast %swap3A_310 : i32 to index
    %swap3A_312 = arith.constant 112 : index
    %swap3A_313 = tpu.vector_load %arg10[%swap3A_311, %swap3A_312] {strides = array<i32>} : memref<8x128xi32, #tpu.memory_space<vmem>>, vector<1x16xi32>,
    %swap3A_314 = vector.shape_cast %swap3A_313 : vector<1x16xi32> to vector<16xi32>
    %swap3A_315 = vector.shape_cast %shift_right_logical3A_309 : vector<16xi32> to vector<1x16xi32>
    tpu.vector_store %arg10[%swap3A_311, %swap3A_312], %swap3A_315 {strides = array<i32>} : memref<8x128xi32, #tpu.memory_space<vmem>>, vector<1x16xi32>,
    %add3A_316 = arith.addi %shift_right_logical3A_309, %broadcast_in_dim3A_5 : vector<16xi32>
    %swap3A_317 = arith.constant 1 : i32
    %swap3A_318 = arith.index_cast %swap3A_317 : i32 to index
    %swap3A_319 = arith.constant 112 : index
    %swap3A_320 = tpu.vector_load %arg11[%swap3A_318, %swap3A_319] {strides = array<i32>} : memref<8x128xi32, #tpu.memory_space<vmem>>, vector<1x16xi32>,
    %swap3A_321 = vector.shape_cast %swap3A_320 : vector<1x16xi32> to vector<16xi32>
    %swap3A_322 = vector.shape_cast %add3A_316 : vector<16xi32> to vector<1x16xi32>
    tpu.vector_store %arg11[%swap3A_318, %swap3A_319], %swap3A_322 {strides = array<i32>} : memref<8x128xi32, #tpu.memory_space<vmem>>, vector<1x16xi32>,
    %get3A_323 = arith.constant 2 : i32
    %get3A_324 = arith.index_cast %get3A_323 : i32 to index
    %get3A_325 = arith.constant 0 : index
    %get3A_326 = tpu.vector_load %arg8[%get3A_324, %get3A_325] {strides = array<i32>} : memref<8x128xi32, #tpu.memory_space<vmem>>, vector<1x16xi32>,
    %get3A_327 = vector.shape_cast %get3A_326 : vector<1x16xi32> to vector<16xi32>
    %mul3A_328 = arith.muli %get3A_327, %broadcast_in_dim3A_1 : vector<16xi32>
    %shift_right_logical3A_329 = arith.shrui %mul3A_328, %broadcast_in_dim3A_3 : vector<16xi32>
    %swap3A_330 = arith.constant 2 : i32
    %swap3A_331 = arith.index_cast %swap3A_330 : i32 to index
    %swap3A_332 = arith.constant 0 : index
    %swap3A_333 = tpu.vector_load %arg10[%swap3A_331, %swap3A_332] {strides = array<i32>} : memref<8x128xi32, #tpu.memory_space<vmem>>, vector<1x16xi32>,
    %swap3A_334 = vector.shape_cast %swap3A_333 : vector<1x16xi32> to vector<16xi32>
    %swap3A_335 = vector.shape_cast %shift_right_logical3A_329 : vector<16xi32> to vector<1x16xi32>
    tpu.vector_store %arg10[%swap3A_331, %swap3A_332], %swap3A_335 {strides = array<i32>} : memref<8x128xi32, #tpu.memory_space<vmem>>, vector<1x16xi32>,
    %add3A_336 = arith.addi %shift_right_logical3A_329, %broadcast_in_dim3A_5 : vector<16xi32>
    %swap3A_337 = arith.constant 2 : i32
    %swap3A_338 = arith.index_cast %swap3A_337 : i32 to index
    %swap3A_339 = arith.constant 0 : index
    %swap3A_340 = tpu.vector_load %arg11[%swap3A_338, %swap3A_339] {strides = array<i32>} : memref<8x128xi32, #tpu.memory_space<vmem>>, vector<1x16xi32>,
    %swap3A_341 = vector.shape_cast %swap3A_340 : vector<1x16xi32> to vector<16xi32>
    %swap3A_342 = vector.shape_cast %add3A_336 : vector<16xi32> to vector<1x16xi32>
    tpu.vector_store %arg11[%swap3A_338, %swap3A_339], %swap3A_342 {strides = array<i32>} : memref<8x128xi32, #tpu.memory_space<vmem>>, vector<1x16xi32>,
    %get3A_343 = arith.constant 2 : i32
    %get3A_344 = arith.index_cast %get3A_343 : i32 to index
    %get3A_345 = arith.constant 16 : index
    %get3A_346 = tpu.vector_load %arg8[%get3A_344, %get3A_345] {strides = array<i32>} : memref<8x128xi32, #tpu.memory_space<vmem>>, vector<1x16xi32>,
    %get3A_347 = vector.shape_cast %get3A_346 : vector<1x16xi32> to vector<16xi32>
    %mul3A_348 = arith.muli %get3A_347, %broadcast_in_dim3A_1 : vector<16xi32>
    %shift_right_logical3A_349 = arith.shrui %mul3A_348, %broadcast_in_dim3A_3 : vector<16xi32>
    %swap3A_350 = arith.constant 2 : i32
    %swap3A_351 = arith.index_cast %swap3A_350 : i32 to index
    %swap3A_352 = arith.constant 16 : index
    %swap3A_353 = tpu.vector_load %arg10[%swap3A_351, %swap3A_352] {strides = array<i32>} : memref<8x128xi32, #tpu.memory_space<vmem>>, vector<1x16xi32>,
    %swap3A_354 = vector.shape_cast %swap3A_353 : vector<1x16xi32> to vector<16xi32>
    %swap3A_355 = vector.shape_cast %shift_right_logical3A_349 : vector<16xi32> to vector<1x16xi32>
    tpu.vector_store %arg10[%swap3A_351, %swap3A_352], %swap3A_355 {strides = array<i32>} : memref<8x128xi32, #tpu.memory_space<vmem>>, vector<1x16xi32>,
    %add3A_356 = arith.addi %shift_right_logical3A_349, %broadcast_in_dim3A_5 : vector<16xi32>
    %swap3A_357 = arith.constant 2 : i32
    %swap3A_358 = arith.index_cast %swap3A_357 : i32 to index
    %swap3A_359 = arith.constant 16 : index
    %swap3A_360 = tpu.vector_load %arg11[%swap3A_358, %swap3A_359] {strides = array<i32>} : memref<8x128xi32, #tpu.memory_space<vmem>>, vector<1x16xi32>,
    %swap3A_361 = vector.shape_cast %swap3A_360 : vector<1x16xi32> to vector<16xi32>
    %swap3A_362 = vector.shape_cast %add3A_356 : vector<16xi32> to vector<1x16xi32>
    tpu.vector_store %arg11[%swap3A_358, %swap3A_359], %swap3A_362 {strides = array<i32>} : memref<8x128xi32, #tpu.memory_space<vmem>>, vector<1x16xi32>,
    %get3A_363 = arith.constant 2 : i32
    %get3A_364 = arith.index_cast %get3A_363 : i32 to index
    %get3A_365 = arith.constant 32 : index
    %get3A_366 = tpu.vector_load %arg8[%get3A_364, %get3A_365] {strides = array<i32>} : memref<8x128xi32, #tpu.memory_space<vmem>>, vector<1x16xi32>,
    %get3A_367 = vector.shape_cast %get3A_366 : vector<1x16xi32> to vector<16xi32>
    %mul3A_368 = arith.muli %get3A_367, %broadcast_in_dim3A_1 : vector<16xi32>
    %shift_right_logical3A_369 = arith.shrui %mul3A_368, %broadcast_in_dim3A_3 : vector<16xi32>
    %swap3A_370 = arith.constant 2 : i32
    %swap3A_371 = arith.index_cast %swap3A_370 : i32 to index
    %swap3A_372 = arith.constant 32 : index
    %swap3A_373 = tpu.vector_load %arg10[%swap3A_371, %swap3A_372] {strides = array<i32>} : memref<8x128xi32, #tpu.memory_space<vmem>>, vector<1x16xi32>,
    %swap3A_374 = vector.shape_cast %swap3A_373 : vector<1x16xi32> to vector<16xi32>
    %swap3A_375 = vector.shape_cast %shift_right_logical3A_369 : vector<16xi32> to vector<1x16xi32>
    tpu.vector_store %arg10[%swap3A_371, %swap3A_372], %swap3A_375 {strides = array<i32>} : memref<8x128xi32, #tpu.memory_space<vmem>>, vector<1x16xi32>,
    %add3A_376 = arith.addi %shift_right_logical3A_369, %broadcast_in_dim3A_5 : vector<16xi32>
    %swap3A_377 = arith.constant 2 : i32
    %swap3A_378 = arith.index_cast %swap3A_377 : i32 to index
    %swap3A_379 = arith.constant 32 : index
    %swap3A_380 = tpu.vector_load %arg11[%swap3A_378, %swap3A_379] {strides = array<i32>} : memref<8x128xi32, #tpu.memory_space<vmem>>, vector<1x16xi32>,
    %swap3A_381 = vector.shape_cast %swap3A_380 : vector<1x16xi32> to vector<16xi32>
    %swap3A_382 = vector.shape_cast %add3A_376 : vector<16xi32> to vector<1x16xi32>
    tpu.vector_store %arg11[%swap3A_378, %swap3A_379], %swap3A_382 {strides = array<i32>} : memref<8x128xi32, #tpu.memory_space<vmem>>, vector<1x16xi32>,
    %get3A_383 = arith.constant 2 : i32
    %get3A_384 = arith.index_cast %get3A_383 : i32 to index
    %get3A_385 = arith.constant 48 : index
    %get3A_386 = tpu.vector_load %arg8[%get3A_384, %get3A_385] {strides = array<i32>} : memref<8x128xi32, #tpu.memory_space<vmem>>, vector<1x16xi32>,
    %get3A_387 = vector.shape_cast %get3A_386 : vector<1x16xi32> to vector<16xi32>
    %mul3A_388 = arith.muli %get3A_387, %broadcast_in_dim3A_1 : vector<16xi32>
    %shift_right_logical3A_389 = arith.shrui %mul3A_388, %broadcast_in_dim3A_3 : vector<16xi32>
    %swap3A_390 = arith.constant 2 : i32
    %swap3A_391 = arith.index_cast %swap3A_390 : i32 to index
    %swap3A_392 = arith.constant 48 : index
    %swap3A_393 = tpu.vector_load %arg10[%swap3A_391, %swap3A_392] {strides = array<i32>} : memref<8x128xi32, #tpu.memory_space<vmem>>, vector<1x16xi32>,
    %swap3A_394 = vector.shape_cast %swap3A_393 : vector<1x16xi32> to vector<16xi32>
    %swap3A_395 = vector.shape_cast %shift_right_logical3A_389 : vector<16xi32> to vector<1x16xi32>
    tpu.vector_store %arg10[%swap3A_391, %swap3A_392], %swap3A_395 {strides = array<i32>} : memref<8x128xi32, #tpu.memory_space<vmem>>, vector<1x16xi32>,
    %add3A_396 = arith.addi %shift_right_logical3A_389, %broadcast_in_dim3A_5 : vector<16xi32>
    %swap3A_397 = arith.constant 2 : i32
    %swap3A_398 = arith.index_cast %swap3A_397 : i32 to index
    %swap3A_399 = arith.constant 48 : index
    %swap3A_400 = tpu.vector_load %arg11[%swap3A_398, %swap3A_399] {strides = array<i32>} : memref<8x128xi32, #tpu.memory_space<vmem>>, vector<1x16xi32>,
    %swap3A_401 = vector.shape_cast %swap3A_400 : vector<1x16xi32> to vector<16xi32>
    %swap3A_402 = vector.shape_cast %add3A_396 : vector<16xi32> to vector<1x16xi32>
    tpu.vector_store %arg11[%swap3A_398, %swap3A_399], %swap3A_402 {strides = array<i32>} : memref<8x128xi32, #tpu.memory_space<vmem>>, vector<1x16xi32>,
    %get3A_403 = arith.constant 2 : i32
    %get3A_404 = arith.index_cast %get3A_403 : i32 to index
    %get3A_405 = arith.constant 64 : index
    %get3A_406 = tpu.vector_load %arg8[%get3A_404, %get3A_405] {strides = array<i32>} : memref<8x128xi32, #tpu.memory_space<vmem>>, vector<1x16xi32>,
    %get3A_407 = vector.shape_cast %get3A_406 : vector<1x16xi32> to vector<16xi32>
    %mul3A_408 = arith.muli %get3A_407, %broadcast_in_dim3A_1 : vector<16xi32>
    %shift_right_logical3A_409 = arith.shrui %mul3A_408, %broadcast_in_dim3A_3 : vector<16xi32>
    %swap3A_410 = arith.constant 2 : i32
    %swap3A_411 = arith.index_cast %swap3A_410 : i32 to index
    %swap3A_412 = arith.constant 64 : index
    %swap3A_413 = tpu.vector_load %arg10[%swap3A_411, %swap3A_412] {strides = array<i32>} : memref<8x128xi32, #tpu.memory_space<vmem>>, vector<1x16xi32>,
    %swap3A_414 = vector.shape_cast %swap3A_413 : vector<1x16xi32> to vector<16xi32>
    %swap3A_415 = vector.shape_cast %shift_right_logical3A_409 : vector<16xi32> to vector<1x16xi32>
    tpu.vector_store %arg10[%swap3A_411, %swap3A_412], %swap3A_415 {strides = array<i32>} : memref<8x128xi32, #tpu.memory_space<vmem>>, vector<1x16xi32>,
    %add3A_416 = arith.addi %shift_right_logical3A_409, %broadcast_in_dim3A_5 : vector<16xi32>
    %swap3A_417 = arith.constant 2 : i32
    %swap3A_418 = arith.index_cast %swap3A_417 : i32 to index
    %swap3A_419 = arith.constant 64 : index
    %swap3A_420 = tpu.vector_load %arg11[%swap3A_418, %swap3A_419] {strides = array<i32>} : memref<8x128xi32, #tpu.memory_space<vmem>>, vector<1x16xi32>,
    %swap3A_421 = vector.shape_cast %swap3A_420 : vector<1x16xi32> to vector<16xi32>
    %swap3A_422 = vector.shape_cast %add3A_416 : vector<16xi32> to vector<1x16xi32>
    tpu.vector_store %arg11[%swap3A_418, %swap3A_419], %swap3A_422 {strides = array<i32>} : memref<8x128xi32, #tpu.memory_space<vmem>>, vector<1x16xi32>,
    %get3A_423 = arith.constant 2 : i32
    %get3A_424 = arith.index_cast %get3A_423 : i32 to index
    %get3A_425 = arith.constant 80 : index
    %get3A_426 = tpu.vector_load %arg8[%get3A_424, %get3A_425] {strides = array<i32>} : memref<8x128xi32, #tpu.memory_space<vmem>>, vector<1x16xi32>,
    %get3A_427 = vector.shape_cast %get3A_426 : vector<1x16xi32> to vector<16xi32>
    %mul3A_428 = arith.muli %get3A_427, %broadcast_in_dim3A_1 : vector<16xi32>
    %shift_right_logical3A_429 = arith.shrui %mul3A_428, %broadcast_in_dim3A_3 : vector<16xi32>
    %swap3A_430 = arith.constant 2 : i32
    %swap3A_431 = arith.index_cast %swap3A_430 : i32 to index
    %swap3A_432 = arith.constant 80 : index
    %swap3A_433 = tpu.vector_load %arg10[%swap3A_431, %swap3A_432] {strides = array<i32>} : memref<8x128xi32, #tpu.memory_space<vmem>>, vector<1x16xi32>,
    %swap3A_434 = vector.shape_cast %swap3A_433 : vector<1x16xi32> to vector<16xi32>
    %swap3A_435 = vector.shape_cast %shift_right_logical3A_429 : vector<16xi32> to vector<1x16xi32>
    tpu.vector_store %arg10[%swap3A_431, %swap3A_432], %swap3A_435 {strides = array<i32>} : memref<8x128xi32, #tpu.memory_space<vmem>>, vector<1x16xi32>,
    %add3A_436 = arith.addi %shift_right_logical3A_429, %broadcast_in_dim3A_5 : vector<16xi32>
    %swap3A_437 = arith.constant 2 : i32
    %swap3A_438 = arith.index_cast %swap3A_437 : i32 to index
    %swap3A_439 = arith.constant 80 : index
    %swap3A_440 = tpu.vector_load %arg11[%swap3A_438, %swap3A_439] {strides = array<i32>} : memref<8x128xi32, #tpu.memory_space<vmem>>, vector<1x16xi32>,
    %swap3A_441 = vector.shape_cast %swap3A_440 : vector<1x16xi32> to vector<16xi32>
    %swap3A_442 = vector.shape_cast %add3A_436 : vector<16xi32> to vector<1x16xi32>
    tpu.vector_store %arg11[%swap3A_438, %swap3A_439], %swap3A_442 {strides = array<i32>} : memref<8x128xi32, #tpu.memory_space<vmem>>, vector<1x16xi32>,
    %get3A_443 = arith.constant 2 : i32
    %get3A_444 = arith.index_cast %get3A_443 : i32 to index
    %get3A_445 = arith.constant 96 : index
    %get3A_446 = tpu.vector_load %arg8[%get3A_444, %get3A_445] {strides = array<i32>} : memref<8x128xi32, #tpu.memory_space<vmem>>, vector<1x16xi32>,
    %get3A_447 = vector.shape_cast %get3A_446 : vector<1x16xi32> to vector<16xi32>
    %mul3A_448 = arith.muli %get3A_447, %broadcast_in_dim3A_1 : vector<16xi32>
    %shift_right_logical3A_449 = arith.shrui %mul3A_448, %broadcast_in_dim3A_3 : vector<16xi32>
    %swap3A_450 = arith.constant 2 : i32
    %swap3A_451 = arith.index_cast %swap3A_450 : i32 to index
    %swap3A_452 = arith.constant 96 : index
    %swap3A_453 = tpu.vector_load %arg10[%swap3A_451, %swap3A_452] {strides = array<i32>} : memref<8x128xi32, #tpu.memory_space<vmem>>, vector<1x16xi32>,
    %swap3A_454 = vector.shape_cast %swap3A_453 : vector<1x16xi32> to vector<16xi32>
    %swap3A_455 = vector.shape_cast %shift_right_logical3A_449 : vector<16xi32> to vector<1x16xi32>
    tpu.vector_store %arg10[%swap3A_451, %swap3A_452], %swap3A_455 {strides = array<i32>} : memref<8x128xi32, #tpu.memory_space<vmem>>, vector<1x16xi32>,
    %add3A_456 = arith.addi %shift_right_logical3A_449, %broadcast_in_dim3A_5 : vector<16xi32>
    %swap3A_457 = arith.constant 2 : i32
    %swap3A_458 = arith.index_cast %swap3A_457 : i32 to index
    %swap3A_459 = arith.constant 96 : index
    %swap3A_460 = tpu.vector_load %arg11[%swap3A_458, %swap3A_459] {strides = array<i32>} : memref<8x128xi32, #tpu.memory_space<vmem>>, vector<1x16xi32>,
    %swap3A_461 = vector.shape_cast %swap3A_460 : vector<1x16xi32> to vector<16xi32>
    %swap3A_462 = vector.shape_cast %add3A_456 : vector<16xi32> to vector<1x16xi32>
    tpu.vector_store %arg11[%swap3A_458, %swap3A_459], %swap3A_462 {strides = array<i32>} : memref<8x128xi32, #tpu.memory_space<vmem>>, vector<1x16xi32>,
    %get3A_463 = arith.constant 2 : i32
    %get3A_464 = arith.index_cast %get3A_463 : i32 to index
    %get3A_465 = arith.constant 112 : index
    %get3A_466 = tpu.vector_load %arg8[%get3A_464, %get3A_465] {strides = array<i32>} : memref<8x128xi32, #tpu.memory_space<vmem>>, vector<1x16xi32>,
    %get3A_467 = vector.shape_cast %get3A_466 : vector<1x16xi32> to vector<16xi32>
    %mul3A_468 = arith.muli %get3A_467, %broadcast_in_dim3A_1 : vector<16xi32>
    %shift_right_logical3A_469 = arith.shrui %mul3A_468, %broadcast_in_dim3A_3 : vector<16xi32>
    %swap3A_470 = arith.constant 2 : i32
    %swap3A_471 = arith.index_cast %swap3A_470 : i32 to index
    %swap3A_472 = arith.constant 112 : index
    %swap3A_473 = tpu.vector_load %arg10[%swap3A_471, %swap3A_472] {strides = array<i32>} : memref<8x128xi32, #tpu.memory_space<vmem>>, vector<1x16xi32>,
    %swap3A_474 = vector.shape_cast %swap3A_473 : vector<1x16xi32> to vector<16xi32>
    %swap3A_475 = vector.shape_cast %shift_right_logical3A_469 : vector<16xi32> to vector<1x16xi32>
    tpu.vector_store %arg10[%swap3A_471, %swap3A_472], %swap3A_475 {strides = array<i32>} : memref<8x128xi32, #tpu.memory_space<vmem>>, vector<1x16xi32>,
    %add3A_476 = arith.addi %shift_right_logical3A_469, %broadcast_in_dim3A_5 : vector<16xi32>
    %swap3A_477 = arith.constant 2 : i32
    %swap3A_478 = arith.index_cast %swap3A_477 : i32 to index
    %swap3A_479 = arith.constant 112 : index
    %swap3A_480 = tpu.vector_load %arg11[%swap3A_478, %swap3A_479] {strides = array<i32>} : memref<8x128xi32, #tpu.memory_space<vmem>>, vector<1x16xi32>,
    %swap3A_481 = vector.shape_cast %swap3A_480 : vector<1x16xi32> to vector<16xi32>
    %swap3A_482 = vector.shape_cast %add3A_476 : vector<16xi32> to vector<1x16xi32>
    tpu.vector_store %arg11[%swap3A_478, %swap3A_479], %swap3A_482 {strides = array<i32>} : memref<8x128xi32, #tpu.memory_space<vmem>>, vector<1x16xi32>,
    %get3A_483 = arith.constant 3 : i32
    %get3A_484 = arith.index_cast %get3A_483 : i32 to index
    %get3A_485 = arith.constant 0 : index
    %get3A_486 = tpu.vector_load %arg8[%get3A_484, %get3A_485] {strides = array<i32>} : memref<8x128xi32, #tpu.memory_space<vmem>>, vector<1x16xi32>,
    %get3A_487 = vector.shape_cast %get3A_486 : vector<1x16xi32> to vector<16xi32>
    %mul3A_488 = arith.muli %get3A_487, %broadcast_in_dim3A_1 : vector<16xi32>
    %shift_right_logical3A_489 = arith.shrui %mul3A_488, %broadcast_in_dim3A_3 : vector<16xi32>
    %swap3A_490 = arith.constant 3 : i32
    %swap3A_491 = arith.index_cast %swap3A_490 : i32 to index
    %swap3A_492 = arith.constant 0 : index
    %swap3A_493 = tpu.vector_load %arg10[%swap3A_491, %swap3A_492] {strides = array<i32>} : memref<8x128xi32, #tpu.memory_space<vmem>>, vector<1x16xi32>,
    %swap3A_494 = vector.shape_cast %swap3A_493 : vector<1x16xi32> to vector<16xi32>
    %swap3A_495 = vector.shape_cast %shift_right_logical3A_489 : vector<16xi32> to vector<1x16xi32>
    tpu.vector_store %arg10[%swap3A_491, %swap3A_492], %swap3A_495 {strides = array<i32>} : memref<8x128xi32, #tpu.memory_space<vmem>>, vector<1x16xi32>,
    %add3A_496 = arith.addi %shift_right_logical3A_489, %broadcast_in_dim3A_5 : vector<16xi32>
    %swap3A_497 = arith.constant 3 : i32
    %swap3A_498 = arith.index_cast %swap3A_497 : i32 to index
    %swap3A_499 = arith.constant 0 : index
    %swap3A_500 = tpu.vector_load %arg11[%swap3A_498, %swap3A_499] {strides = array<i32>} : memref<8x128xi32, #tpu.memory_space<vmem>>, vector<1x16xi32>,
    %swap3A_501 = vector.shape_cast %swap3A_500 : vector<1x16xi32> to vector<16xi32>
    %swap3A_502 = vector.shape_cast %add3A_496 : vector<16xi32> to vector<1x16xi32>
    tpu.vector_store %arg11[%swap3A_498, %swap3A_499], %swap3A_502 {strides = array<i32>} : memref<8x128xi32, #tpu.memory_space<vmem>>, vector<1x16xi32>,
    %get3A_503 = arith.constant 3 : i32
    %get3A_504 = arith.index_cast %get3A_503 : i32 to index
    %get3A_505 = arith.constant 16 : index
    %get3A_506 = tpu.vector_load %arg8[%get3A_504, %get3A_505] {strides = array<i32>} : memref<8x128xi32, #tpu.memory_space<vmem>>, vector<1x16xi32>,
    %get3A_507 = vector.shape_cast %get3A_506 : vector<1x16xi32> to vector<16xi32>
    %mul3A_508 = arith.muli %get3A_507, %broadcast_in_dim3A_1 : vector<16xi32>
    %shift_right_logical3A_509 = arith.shrui %mul3A_508, %broadcast_in_dim3A_3 : vector<16xi32>
    %swap3A_510 = arith.constant 3 : i32
    %swap3A_511 = arith.index_cast %swap3A_510 : i32 to index
    %swap3A_512 = arith.constant 16 : index
    %swap3A_513 = tpu.vector_load %arg10[%swap3A_511, %swap3A_512] {strides = array<i32>} : memref<8x128xi32, #tpu.memory_space<vmem>>, vector<1x16xi32>,
    %swap3A_514 = vector.shape_cast %swap3A_513 : vector<1x16xi32> to vector<16xi32>
    %swap3A_515 = vector.shape_cast %shift_right_logical3A_509 : vector<16xi32> to vector<1x16xi32>
    tpu.vector_store %arg10[%swap3A_511, %swap3A_512], %swap3A_515 {strides = array<i32>} : memref<8x128xi32, #tpu.memory_space<vmem>>, vector<1x16xi32>,
    %add3A_516 = arith.addi %shift_right_logical3A_509, %broadcast_in_dim3A_5 : vector<16xi32>
    %swap3A_517 = arith.constant 3 : i32
    %swap3A_518 = arith.index_cast %swap3A_517 : i32 to index
    %swap3A_519 = arith.constant 16 : index
    %swap3A_520 = tpu.vector_load %arg11[%swap3A_518, %swap3A_519] {strides = array<i32>} : memref<8x128xi32, #tpu.memory_space<vmem>>, vector<1x16xi32>,
    %swap3A_521 = vector.shape_cast %swap3A_520 : vector<1x16xi32> to vector<16xi32>
    %swap3A_522 = vector.shape_cast %add3A_516 : vector<16xi32> to vector<1x16xi32>
    tpu.vector_store %arg11[%swap3A_518, %swap3A_519], %swap3A_522 {strides = array<i32>} : memref<8x128xi32, #tpu.memory_space<vmem>>, vector<1x16xi32>,
    %get3A_523 = arith.constant 3 : i32
    %get3A_524 = arith.index_cast %get3A_523 : i32 to index
    %get3A_525 = arith.constant 32 : index
    %get3A_526 = tpu.vector_load %arg8[%get3A_524, %get3A_525] {strides = array<i32>} : memref<8x128xi32, #tpu.memory_space<vmem>>, vector<1x16xi32>,
    %get3A_527 = vector.shape_cast %get3A_526 : vector<1x16xi32> to vector<16xi32>
    %mul3A_528 = arith.muli %get3A_527, %broadcast_in_dim3A_1 : vector<16xi32>
    %shift_right_logical3A_529 = arith.shrui %mul3A_528, %broadcast_in_dim3A_3 : vector<16xi32>
    %swap3A_530 = arith.constant 3 : i32
    %swap3A_531 = arith.index_cast %swap3A_530 : i32 to index
    %swap3A_532 = arith.constant 32 : index
    %swap3A_533 = tpu.vector_load %arg10[%swap3A_531, %swap3A_532] {strides = array<i32>} : memref<8x128xi32, #tpu.memory_space<vmem>>, vector<1x16xi32>,
    %swap3A_534 = vector.shape_cast %swap3A_533 : vector<1x16xi32> to vector<16xi32>
    %swap3A_535 = vector.shape_cast %shift_right_logical3A_529 : vector<16xi32> to vector<1x16xi32>
    tpu.vector_store %arg10[%swap3A_531, %swap3A_532], %swap3A_535 {strides = array<i32>} : memref<8x128xi32, #tpu.memory_space<vmem>>, vector<1x16xi32>,
    %add3A_536 = arith.addi %shift_right_logical3A_529, %broadcast_in_dim3A_5 : vector<16xi32>
    %swap3A_537 = arith.constant 3 : i32
    %swap3A_538 = arith.index_cast %swap3A_537 : i32 to index
    %swap3A_539 = arith.constant 32 : index
    %swap3A_540 = tpu.vector_load %arg11[%swap3A_538, %swap3A_539] {strides = array<i32>} : memref<8x128xi32, #tpu.memory_space<vmem>>, vector<1x16xi32>,
    %swap3A_541 = vector.shape_cast %swap3A_540 : vector<1x16xi32> to vector<16xi32>
    %swap3A_542 = vector.shape_cast %add3A_536 : vector<16xi32> to vector<1x16xi32>
    tpu.vector_store %arg11[%swap3A_538, %swap3A_539], %swap3A_542 {strides = array<i32>} : memref<8x128xi32, #tpu.memory_space<vmem>>, vector<1x16xi32>,
    %get3A_543 = arith.constant 3 : i32
    %get3A_544 = arith.index_cast %get3A_543 : i32 to index
    %get3A_545 = arith.constant 48 : index
    %get3A_546 = tpu.vector_load %arg8[%get3A_544, %get3A_545] {strides = array<i32>} : memref<8x128xi32, #tpu.memory_space<vmem>>, vector<1x16xi32>,
    %get3A_547 = vector.shape_cast %get3A_546 : vector<1x16xi32> to vector<16xi32>
    %mul3A_548 = arith.muli %get3A_547, %broadcast_in_dim3A_1 : vector<16xi32>
    %shift_right_logical3A_549 = arith.shrui %mul3A_548, %broadcast_in_dim3A_3 : vector<16xi32>
    %swap3A_550 = arith.constant 3 : i32
    %swap3A_551 = arith.index_cast %swap3A_550 : i32 to index
    %swap3A_552 = arith.constant 48 : index
    %swap3A_553 = tpu.vector_load %arg10[%swap3A_551, %swap3A_552] {strides = array<i32>} : memref<8x128xi32, #tpu.memory_space<vmem>>, vector<1x16xi32>,
    %swap3A_554 = vector.shape_cast %swap3A_553 : vector<1x16xi32> to vector<16xi32>
    %swap3A_555 = vector.shape_cast %shift_right_logical3A_549 : vector<16xi32> to vector<1x16xi32>
    tpu.vector_store %arg10[%swap3A_551, %swap3A_552], %swap3A_555 {strides = array<i32>} : memref<8x128xi32, #tpu.memory_space<vmem>>, vector<1x16xi32>,
    %add3A_556 = arith.addi %shift_right_logical3A_549, %broadcast_in_dim3A_5 : vector<16xi32>
    %swap3A_557 = arith.constant 3 : i32
    %swap3A_558 = arith.index_cast %swap3A_557 : i32 to index
    %swap3A_559 = arith.constant 48 : index
    %swap3A_560 = tpu.vector_load %arg11[%swap3A_558, %swap3A_559] {strides = array<i32>} : memref<8x128xi32, #tpu.memory_space<vmem>>, vector<1x16xi32>,
    %swap3A_561 = vector.shape_cast %swap3A_560 : vector<1x16xi32> to vector<16xi32>
    %swap3A_562 = vector.shape_cast %add3A_556 : vector<16xi32> to vector<1x16xi32>
    tpu.vector_store %arg11[%swap3A_558, %swap3A_559], %swap3A_562 {strides = array<i32>} : memref<8x128xi32, #tpu.memory_space<vmem>>, vector<1x16xi32>,
    %get3A_563 = arith.constant 3 : i32
    %get3A_564 = arith.index_cast %get3A_563 : i32 to index
    %get3A_565 = arith.constant 64 : index
    %get3A_566 = tpu.vector_load %arg8[%get3A_564, %get3A_565] {strides = array<i32>} : memref<8x128xi32, #tpu.memory_space<vmem>>, vector<1x16xi32>,
    %get3A_567 = vector.shape_cast %get3A_566 : vector<1x16xi32> to vector<16xi32>
    %mul3A_568 = arith.muli %get3A_567, %broadcast_in_dim3A_1 : vector<16xi32>
    %shift_right_logical3A_569 = arith.shrui %mul3A_568, %broadcast_in_dim3A_3 : vector<16xi32>
    %swap3A_570 = arith.constant 3 : i32
    %swap3A_571 = arith.index_cast %swap3A_570 : i32 to index
    %swap3A_572 = arith.constant 64 : index
    %swap3A_573 = tpu.vector_load %arg10[%swap3A_571, %swap3A_572] {strides = array<i32>} : memref<8x128xi32, #tpu.memory_space<vmem>>, vector<1x16xi32>,
    %swap3A_574 = vector.shape_cast %swap3A_573 : vector<1x16xi32> to vector<16xi32>
    %swap3A_575 = vector.shape_cast %shift_right_logical3A_569 : vector<16xi32> to vector<1x16xi32>
    tpu.vector_store %arg10[%swap3A_571, %swap3A_572], %swap3A_575 {strides = array<i32>} : memref<8x128xi32, #tpu.memory_space<vmem>>, vector<1x16xi32>,
    %add3A_576 = arith.addi %shift_right_logical3A_569, %broadcast_in_dim3A_5 : vector<16xi32>
    %swap3A_577 = arith.constant 3 : i32
    %swap3A_578 = arith.index_cast %swap3A_577 : i32 to index
    %swap3A_579 = arith.constant 64 : index
    %swap3A_580 = tpu.vector_load %arg11[%swap3A_578, %swap3A_579] {strides = array<i32>} : memref<8x128xi32, #tpu.memory_space<vmem>>, vector<1x16xi32>,
    %swap3A_581 = vector.shape_cast %swap3A_580 : vector<1x16xi32> to vector<16xi32>
    %swap3A_582 = vector.shape_cast %add3A_576 : vector<16xi32> to vector<1x16xi32>
    tpu.vector_store %arg11[%swap3A_578, %swap3A_579], %swap3A_582 {strides = array<i32>} : memref<8x128xi32, #tpu.memory_space<vmem>>, vector<1x16xi32>,
    %get3A_583 = arith.constant 3 : i32
    %get3A_584 = arith.index_cast %get3A_583 : i32 to index
    %get3A_585 = arith.constant 80 : index
    %get3A_586 = tpu.vector_load %arg8[%get3A_584, %get3A_585] {strides = array<i32>} : memref<8x128xi32, #tpu.memory_space<vmem>>, vector<1x16xi32>,
    %get3A_587 = vector.shape_cast %get3A_586 : vector<1x16xi32> to vector<16xi32>
    %mul3A_588 = arith.muli %get3A_587, %broadcast_in_dim3A_1 : vector<16xi32>
    %shift_right_logical3A_589 = arith.shrui %mul3A_588, %broadcast_in_dim3A_3 : vector<16xi32>
    %swap3A_590 = arith.constant 3 : i32
    %swap3A_591 = arith.index_cast %swap3A_590 : i32 to index
    %swap3A_592 = arith.constant 80 : index
    %swap3A_593 = tpu.vector_load %arg10[%swap3A_591, %swap3A_592] {strides = array<i32>} : memref<8x128xi32, #tpu.memory_space<vmem>>, vector<1x16xi32>,
    %swap3A_594 = vector.shape_cast %swap3A_593 : vector<1x16xi32> to vector<16xi32>
    %swap3A_595 = vector.shape_cast %shift_right_logical3A_589 : vector<16xi32> to vector<1x16xi32>
    tpu.vector_store %arg10[%swap3A_591, %swap3A_592], %swap3A_595 {strides = array<i32>} : memref<8x128xi32, #tpu.memory_space<vmem>>, vector<1x16xi32>,
    %add3A_596 = arith.addi %shift_right_logical3A_589, %broadcast_in_dim3A_5 : vector<16xi32>
    %swap3A_597 = arith.constant 3 : i32
    %swap3A_598 = arith.index_cast %swap3A_597 : i32 to index
    %swap3A_599 = arith.constant 80 : index
    %swap3A_600 = tpu.vector_load %arg11[%swap3A_598, %swap3A_599] {strides = array<i32>} : memref<8x128xi32, #tpu.memory_space<vmem>>, vector<1x16xi32>,
    %swap3A_601 = vector.shape_cast %swap3A_600 : vector<1x16xi32> to vector<16xi32>
    %swap3A_602 = vector.shape_cast %add3A_596 : vector<16xi32> to vector<1x16xi32>
    tpu.vector_store %arg11[%swap3A_598, %swap3A_599], %swap3A_602 {strides = array<i32>} : memref<8x128xi32, #tpu.memory_space<vmem>>, vector<1x16xi32>,
    %get3A_603 = arith.constant 3 : i32
    %get3A_604 = arith.index_cast %get3A_603 : i32 to index
    %get3A_605 = arith.constant 96 : index
    %get3A_606 = tpu.vector_load %arg8[%get3A_604, %get3A_605] {strides = array<i32>} : memref<8x128xi32, #tpu.memory_space<vmem>>, vector<1x16xi32>,
    %get3A_607 = vector.shape_cast %get3A_606 : vector<1x16xi32> to vector<16xi32>
    %mul3A_608 = arith.muli %get3A_607, %broadcast_in_dim3A_1 : vector<16xi32>
    %shift_right_logical3A_609 = arith.shrui %mul3A_608, %broadcast_in_dim3A_3 : vector<16xi32>
    %swap3A_610 = arith.constant 3 : i32
    %swap3A_611 = arith.index_cast %swap3A_610 : i32 to index
    %swap3A_612 = arith.constant 96 : index
    %swap3A_613 = tpu.vector_load %arg10[%swap3A_611, %swap3A_612] {strides = array<i32>} : memref<8x128xi32, #tpu.memory_space<vmem>>, vector<1x16xi32>,
    %swap3A_614 = vector.shape_cast %swap3A_613 : vector<1x16xi32> to vector<16xi32>
    %swap3A_615 = vector.shape_cast %shift_right_logical3A_609 : vector<16xi32> to vector<1x16xi32>
    tpu.vector_store %arg10[%swap3A_611, %swap3A_612], %swap3A_615 {strides = array<i32>} : memref<8x128xi32, #tpu.memory_space<vmem>>, vector<1x16xi32>,
    %add3A_616 = arith.addi %shift_right_logical3A_609, %broadcast_in_dim3A_5 : vector<16xi32>
    %swap3A_617 = arith.constant 3 : i32
    %swap3A_618 = arith.index_cast %swap3A_617 : i32 to index
    %swap3A_619 = arith.constant 96 : index
    %swap3A_620 = tpu.vector_load %arg11[%swap3A_618, %swap3A_619] {strides = array<i32>} : memref<8x128xi32, #tpu.memory_space<vmem>>, vector<1x16xi32>,
    %swap3A_621 = vector.shape_cast %swap3A_620 : vector<1x16xi32> to vector<16xi32>
    %swap3A_622 = vector.shape_cast %add3A_616 : vector<16xi32> to vector<1x16xi32>
    tpu.vector_store %arg11[%swap3A_618, %swap3A_619], %swap3A_622 {strides = array<i32>} : memref<8x128xi32, #tpu.memory_space<vmem>>, vector<1x16xi32>,
    %get3A_623 = arith.constant 3 : i32
    %get3A_624 = arith.index_cast %get3A_623 : i32 to index
    %get3A_625 = arith.constant 112 : index
    %get3A_626 = tpu.vector_load %arg8[%get3A_624, %get3A_625] {strides = array<i32>} : memref<8x128xi32, #tpu.memory_space<vmem>>, vector<1x16xi32>,
    %get3A_627 = vector.shape_cast %get3A_626 : vector<1x16xi32> to vector<16xi32>
    %mul3A_628 = arith.muli %get3A_627, %broadcast_in_dim3A_1 : vector<16xi32>
    %shift_right_logical3A_629 = arith.shrui %mul3A_628, %broadcast_in_dim3A_3 : vector<16xi32>
    %swap3A_630 = arith.constant 3 : i32
    %swap3A_631 = arith.index_cast %swap3A_630 : i32 to index
    %swap3A_632 = arith.constant 112 : index
    %swap3A_633 = tpu.vector_load %arg10[%swap3A_631, %swap3A_632] {strides = array<i32>} : memref<8x128xi32, #tpu.memory_space<vmem>>, vector<1x16xi32>,
    %swap3A_634 = vector.shape_cast %swap3A_633 : vector<1x16xi32> to vector<16xi32>
    %swap3A_635 = vector.shape_cast %shift_right_logical3A_629 : vector<16xi32> to vector<1x16xi32>
    tpu.vector_store %arg10[%swap3A_631, %swap3A_632], %swap3A_635 {strides = array<i32>} : memref<8x128xi32, #tpu.memory_space<vmem>>, vector<1x16xi32>,
    %add3A_636 = arith.addi %shift_right_logical3A_629, %broadcast_in_dim3A_5 : vector<16xi32>
    %swap3A_637 = arith.constant 3 : i32
    %swap3A_638 = arith.index_cast %swap3A_637 : i32 to index
    %swap3A_639 = arith.constant 112 : index
    %swap3A_640 = tpu.vector_load %arg11[%swap3A_638, %swap3A_639] {strides = array<i32>} : memref<8x128xi32, #tpu.memory_space<vmem>>, vector<1x16xi32>,
    %swap3A_641 = vector.shape_cast %swap3A_640 : vector<1x16xi32> to vector<16xi32>
    %swap3A_642 = vector.shape_cast %add3A_636 : vector<16xi32> to vector<1x16xi32>
    tpu.vector_store %arg11[%swap3A_638, %swap3A_639], %swap3A_642 {strides = array<i32>} : memref<8x128xi32, #tpu.memory_space<vmem>>, vector<1x16xi32>,
    %get3A_643 = arith.constant 4 : i32
    %get3A_644 = arith.index_cast %get3A_643 : i32 to index
    %get3A_645 = arith.constant 0 : index
    %get3A_646 = tpu.vector_load %arg8[%get3A_644, %get3A_645] {strides = array<i32>} : memref<8x128xi32, #tpu.memory_space<vmem>>, vector<1x16xi32>,
    %get3A_647 = vector.shape_cast %get3A_646 : vector<1x16xi32> to vector<16xi32>
    %mul3A_648 = arith.muli %get3A_647, %broadcast_in_dim3A_1 : vector<16xi32>
    %shift_right_logical3A_649 = arith.shrui %mul3A_648, %broadcast_in_dim3A_3 : vector<16xi32>
    %swap3A_650 = arith.constant 4 : i32
    %swap3A_651 = arith.index_cast %swap3A_650 : i32 to index
    %swap3A_652 = arith.constant 0 : index
    %swap3A_653 = tpu.vector_load %arg10[%swap3A_651, %swap3A_652] {strides = array<i32>} : memref<8x128xi32, #tpu.memory_space<vmem>>, vector<1x16xi32>,
    %swap3A_654 = vector.shape_cast %swap3A_653 : vector<1x16xi32> to vector<16xi32>
    %swap3A_655 = vector.shape_cast %shift_right_logical3A_649 : vector<16xi32> to vector<1x16xi32>
    tpu.vector_store %arg10[%swap3A_651, %swap3A_652], %swap3A_655 {strides = array<i32>} : memref<8x128xi32, #tpu.memory_space<vmem>>, vector<1x16xi32>,
    %add3A_656 = arith.addi %shift_right_logical3A_649, %broadcast_in_dim3A_5 : vector<16xi32>
    %swap3A_657 = arith.constant 4 : i32
    %swap3A_658 = arith.index_cast %swap3A_657 : i32 to index
    %swap3A_659 = arith.constant 0 : index
    %swap3A_660 = tpu.vector_load %arg11[%swap3A_658, %swap3A_659] {strides = array<i32>} : memref<8x128xi32, #tpu.memory_space<vmem>>, vector<1x16xi32>,
    %swap3A_661 = vector.shape_cast %swap3A_660 : vector<1x16xi32> to vector<16xi32>
    %swap3A_662 = vector.shape_cast %add3A_656 : vector<16xi32> to vector<1x16xi32>
    tpu.vector_store %arg11[%swap3A_658, %swap3A_659], %swap3A_662 {strides = array<i32>} : memref<8x128xi32, #tpu.memory_space<vmem>>, vector<1x16xi32>,
    %get3A_663 = arith.constant 4 : i32
    %get3A_664 = arith.index_cast %get3A_663 : i32 to index
    %get3A_665 = arith.constant 16 : index
    %get3A_666 = tpu.vector_load %arg8[%get3A_664, %get3A_665] {strides = array<i32>} : memref<8x128xi32, #tpu.memory_space<vmem>>, vector<1x16xi32>,
    %get3A_667 = vector.shape_cast %get3A_666 : vector<1x16xi32> to vector<16xi32>
    %mul3A_668 = arith.muli %get3A_667, %broadcast_in_dim3A_1 : vector<16xi32>
    %shift_right_logical3A_669 = arith.shrui %mul3A_668, %broadcast_in_dim3A_3 : vector<16xi32>
    %swap3A_670 = arith.constant 4 : i32
    %swap3A_671 = arith.index_cast %swap3A_670 : i32 to index
    %swap3A_672 = arith.constant 16 : index
    %swap3A_673 = tpu.vector_load %arg10[%swap3A_671, %swap3A_672] {strides = array<i32>} : memref<8x128xi32, #tpu.memory_space<vmem>>, vector<1x16xi32>,
    %swap3A_674 = vector.shape_cast %swap3A_673 : vector<1x16xi32> to vector<16xi32>
    %swap3A_675 = vector.shape_cast %shift_right_logical3A_669 : vector<16xi32> to vector<1x16xi32>
    tpu.vector_store %arg10[%swap3A_671, %swap3A_672], %swap3A_675 {strides = array<i32>} : memref<8x128xi32, #tpu.memory_space<vmem>>, vector<1x16xi32>,
    %add3A_676 = arith.addi %shift_right_logical3A_669, %broadcast_in_dim3A_5 : vector<16xi32>
    %swap3A_677 = arith.constant 4 : i32
    %swap3A_678 = arith.index_cast %swap3A_677 : i32 to index
    %swap3A_679 = arith.constant 16 : index
    %swap3A_680 = tpu.vector_load %arg11[%swap3A_678, %swap3A_679] {strides = array<i32>} : memref<8x128xi32, #tpu.memory_space<vmem>>, vector<1x16xi32>,
    %swap3A_681 = vector.shape_cast %swap3A_680 : vector<1x16xi32> to vector<16xi32>
    %swap3A_682 = vector.shape_cast %add3A_676 : vector<16xi32> to vector<1x16xi32>
    tpu.vector_store %arg11[%swap3A_678, %swap3A_679], %swap3A_682 {strides = array<i32>} : memref<8x128xi32, #tpu.memory_space<vmem>>, vector<1x16xi32>,
    %get3A_683 = arith.constant 4 : i32
    %get3A_684 = arith.index_cast %get3A_683 : i32 to index
    %get3A_685 = arith.constant 32 : index
    %get3A_686 = tpu.vector_load %arg8[%get3A_684, %get3A_685] {strides = array<i32>} : memref<8x128xi32, #tpu.memory_space<vmem>>, vector<1x16xi32>,
    %get3A_687 = vector.shape_cast %get3A_686 : vector<1x16xi32> to vector<16xi32>
    %mul3A_688 = arith.muli %get3A_687, %broadcast_in_dim3A_1 : vector<16xi32>
    %shift_right_logical3A_689 = arith.shrui %mul3A_688, %broadcast_in_dim3A_3 : vector<16xi32>
    %swap3A_690 = arith.constant 4 : i32
    %swap3A_691 = arith.index_cast %swap3A_690 : i32 to index
    %swap3A_692 = arith.constant 32 : index
    %swap3A_693 = tpu.vector_load %arg10[%swap3A_691, %swap3A_692] {strides = array<i32>} : memref<8x128xi32, #tpu.memory_space<vmem>>, vector<1x16xi32>,
    %swap3A_694 = vector.shape_cast %swap3A_693 : vector<1x16xi32> to vector<16xi32>
    %swap3A_695 = vector.shape_cast %shift_right_logical3A_689 : vector<16xi32> to vector<1x16xi32>
    tpu.vector_store %arg10[%swap3A_691, %swap3A_692], %swap3A_695 {strides = array<i32>} : memref<8x128xi32, #tpu.memory_space<vmem>>, vector<1x16xi32>,
    %add3A_696 = arith.addi %shift_right_logical3A_689, %broadcast_in_dim3A_5 : vector<16xi32>
    %swap3A_697 = arith.constant 4 : i32
    %swap3A_698 = arith.index_cast %swap3A_697 : i32 to index
    %swap3A_699 = arith.constant 32 : index
    %swap3A_700 = tpu.vector_load %arg11[%swap3A_698, %swap3A_699] {strides = array<i32>} : memref<8x128xi32, #tpu.memory_space<vmem>>, vector<1x16xi32>,
    %swap3A_701 = vector.shape_cast %swap3A_700 : vector<1x16xi32> to vector<16xi32>
    %swap3A_702 = vector.shape_cast %add3A_696 : vector<16xi32> to vector<1x16xi32>
    tpu.vector_store %arg11[%swap3A_698, %swap3A_699], %swap3A_702 {strides = array<i32>} : memref<8x128xi32, #tpu.memory_space<vmem>>, vector<1x16xi32>,
    %get3A_703 = arith.constant 4 : i32
    %get3A_704 = arith.index_cast %get3A_703 : i32 to index
    %get3A_705 = arith.constant 48 : index
    %get3A_706 = tpu.vector_load %arg8[%get3A_704, %get3A_705] {strides = array<i32>} : memref<8x128xi32, #tpu.memory_space<vmem>>, vector<1x16xi32>,
    %get3A_707 = vector.shape_cast %get3A_706 : vector<1x16xi32> to vector<16xi32>
    %mul3A_708 = arith.muli %get3A_707, %broadcast_in_dim3A_1 : vector<16xi32>
    %shift_right_logical3A_709 = arith.shrui %mul3A_708, %broadcast_in_dim3A_3 : vector<16xi32>
    %swap3A_710 = arith.constant 4 : i32
    %swap3A_711 = arith.index_cast %swap3A_710 : i32 to index
    %swap3A_712 = arith.constant 48 : index
    %swap3A_713 = tpu.vector_load %arg10[%swap3A_711, %swap3A_712] {strides = array<i32>} : memref<8x128xi32, #tpu.memory_space<vmem>>, vector<1x16xi32>,
    %swap3A_714 = vector.shape_cast %swap3A_713 : vector<1x16xi32> to vector<16xi32>
    %swap3A_715 = vector.shape_cast %shift_right_logical3A_709 : vector<16xi32> to vector<1x16xi32>
    tpu.vector_store %arg10[%swap3A_711, %swap3A_712], %swap3A_715 {strides = array<i32>} : memref<8x128xi32, #tpu.memory_space<vmem>>, vector<1x16xi32>,
    %add3A_716 = arith.addi %shift_right_logical3A_709, %broadcast_in_dim3A_5 : vector<16xi32>
    %swap3A_717 = arith.constant 4 : i32
    %swap3A_718 = arith.index_cast %swap3A_717 : i32 to index
    %swap3A_719 = arith.constant 48 : index
    %swap3A_720 = tpu.vector_load %arg11[%swap3A_718, %swap3A_719] {strides = array<i32>} : memref<8x128xi32, #tpu.memory_space<vmem>>, vector<1x16xi32>,
    %swap3A_721 = vector.shape_cast %swap3A_720 : vector<1x16xi32> to vector<16xi32>
    %swap3A_722 = vector.shape_cast %add3A_716 : vector<16xi32> to vector<1x16xi32>
    tpu.vector_store %arg11[%swap3A_718, %swap3A_719], %swap3A_722 {strides = array<i32>} : memref<8x128xi32, #tpu.memory_space<vmem>>, vector<1x16xi32>,
    %get3A_723 = arith.constant 4 : i32
    %get3A_724 = arith.index_cast %get3A_723 : i32 to index
    %get3A_725 = arith.constant 64 : index
    %get3A_726 = tpu.vector_load %arg8[%get3A_724, %get3A_725] {strides = array<i32>} : memref<8x128xi32, #tpu.memory_space<vmem>>, vector<1x16xi32>,
    %get3A_727 = vector.shape_cast %get3A_726 : vector<1x16xi32> to vector<16xi32>
    %mul3A_728 = arith.muli %get3A_727, %broadcast_in_dim3A_1 : vector<16xi32>
    %shift_right_logical3A_729 = arith.shrui %mul3A_728, %broadcast_in_dim3A_3 : vector<16xi32>
    %swap3A_730 = arith.constant 4 : i32
    %swap3A_731 = arith.index_cast %swap3A_730 : i32 to index
    %swap3A_732 = arith.constant 64 : index
    %swap3A_733 = tpu.vector_load %arg10[%swap3A_731, %swap3A_732] {strides = array<i32>} : memref<8x128xi32, #tpu.memory_space<vmem>>, vector<1x16xi32>,
    %swap3A_734 = vector.shape_cast %swap3A_733 : vector<1x16xi32> to vector<16xi32>
    %swap3A_735 = vector.shape_cast %shift_right_logical3A_729 : vector<16xi32> to vector<1x16xi32>
    tpu.vector_store %arg10[%swap3A_731, %swap3A_732], %swap3A_735 {strides = array<i32>} : memref<8x128xi32, #tpu.memory_space<vmem>>, vector<1x16xi32>,
    %add3A_736 = arith.addi %shift_right_logical3A_729, %broadcast_in_dim3A_5 : vector<16xi32>
    %swap3A_737 = arith.constant 4 : i32
    %swap3A_738 = arith.index_cast %swap3A_737 : i32 to index
    %swap3A_739 = arith.constant 64 : index
    %swap3A_740 = tpu.vector_load %arg11[%swap3A_738, %swap3A_739] {strides = array<i32>} : memref<8x128xi32, #tpu.memory_space<vmem>>, vector<1x16xi32>,
    %swap3A_741 = vector.shape_cast %swap3A_740 : vector<1x16xi32> to vector<16xi32>
    %swap3A_742 = vector.shape_cast %add3A_736 : vector<16xi32> to vector<1x16xi32>
    tpu.vector_store %arg11[%swap3A_738, %swap3A_739], %swap3A_742 {strides = array<i32>} : memref<8x128xi32, #tpu.memory_space<vmem>>, vector<1x16xi32>,
    %get3A_743 = arith.constant 4 : i32
    %get3A_744 = arith.index_cast %get3A_743 : i32 to index
    %get3A_745 = arith.constant 80 : index
    %get3A_746 = tpu.vector_load %arg8[%get3A_744, %get3A_745] {strides = array<i32>} : memref<8x128xi32, #tpu.memory_space<vmem>>, vector<1x16xi32>,
    %get3A_747 = vector.shape_cast %get3A_746 : vector<1x16xi32> to vector<16xi32>
    %mul3A_748 = arith.muli %get3A_747, %broadcast_in_dim3A_1 : vector<16xi32>
    %shift_right_logical3A_749 = arith.shrui %mul3A_748, %broadcast_in_dim3A_3 : vector<16xi32>
    %swap3A_750 = arith.constant 4 : i32
    %swap3A_751 = arith.index_cast %swap3A_750 : i32 to index
    %swap3A_752 = arith.constant 80 : index
    %swap3A_753 = tpu.vector_load %arg10[%swap3A_751, %swap3A_752] {strides = array<i32>} : memref<8x128xi32, #tpu.memory_space<vmem>>, vector<1x16xi32>,
    %swap3A_754 = vector.shape_cast %swap3A_753 : vector<1x16xi32> to vector<16xi32>
    %swap3A_755 = vector.shape_cast %shift_right_logical3A_749 : vector<16xi32> to vector<1x16xi32>
    tpu.vector_store %arg10[%swap3A_751, %swap3A_752], %swap3A_755 {strides = array<i32>} : memref<8x128xi32, #tpu.memory_space<vmem>>, vector<1x16xi32>,
    %add3A_756 = arith.addi %shift_right_logical3A_749, %broadcast_in_dim3A_5 : vector<16xi32>
    %swap3A_757 = arith.constant 4 : i32
    %swap3A_758 = arith.index_cast %swap3A_757 : i32 to index
    %swap3A_759 = arith.constant 80 : index
    %swap3A_760 = tpu.vector_load %arg11[%swap3A_758, %swap3A_759] {strides = array<i32>} : memref<8x128xi32, #tpu.memory_space<vmem>>, vector<1x16xi32>,
    %swap3A_761 = vector.shape_cast %swap3A_760 : vector<1x16xi32> to vector<16xi32>
    %swap3A_762 = vector.shape_cast %add3A_756 : vector<16xi32> to vector<1x16xi32>
    tpu.vector_store %arg11[%swap3A_758, %swap3A_759], %swap3A_762 {strides = array<i32>} : memref<8x128xi32, #tpu.memory_space<vmem>>, vector<1x16xi32>,
    %get3A_763 = arith.constant 4 : i32
    %get3A_764 = arith.index_cast %get3A_763 : i32 to index
    %get3A_765 = arith.constant 96 : index
    %get3A_766 = tpu.vector_load %arg8[%get3A_764, %get3A_765] {strides = array<i32>} : memref<8x128xi32, #tpu.memory_space<vmem>>, vector<1x16xi32>,
    %get3A_767 = vector.shape_cast %get3A_766 : vector<1x16xi32> to vector<16xi32>
    %mul3A_768 = arith.muli %get3A_767, %broadcast_in_dim3A_1 : vector<16xi32>
    %shift_right_logical3A_769 = arith.shrui %mul3A_768, %broadcast_in_dim3A_3 : vector<16xi32>
    %swap3A_770 = arith.constant 4 : i32
    %swap3A_771 = arith.index_cast %swap3A_770 : i32 to index
    %swap3A_772 = arith.constant 96 : index
    %swap3A_773 = tpu.vector_load %arg10[%swap3A_771, %swap3A_772] {strides = array<i32>} : memref<8x128xi32, #tpu.memory_space<vmem>>, vector<1x16xi32>,
    %swap3A_774 = vector.shape_cast %swap3A_773 : vector<1x16xi32> to vector<16xi32>
    %swap3A_775 = vector.shape_cast %shift_right_logical3A_769 : vector<16xi32> to vector<1x16xi32>
    tpu.vector_store %arg10[%swap3A_771, %swap3A_772], %swap3A_775 {strides = array<i32>} : memref<8x128xi32, #tpu.memory_space<vmem>>, vector<1x16xi32>,
    %add3A_776 = arith.addi %shift_right_logical3A_769, %broadcast_in_dim3A_5 : vector<16xi32>
    %swap3A_777 = arith.constant 4 : i32
    %swap3A_778 = arith.index_cast %swap3A_777 : i32 to index
    %swap3A_779 = arith.constant 96 : index
    %swap3A_780 = tpu.vector_load %arg11[%swap3A_778, %swap3A_779] {strides = array<i32>} : memref<8x128xi32, #tpu.memory_space<vmem>>, vector<1x16xi32>,
    %swap3A_781 = vector.shape_cast %swap3A_780 : vector<1x16xi32> to vector<16xi32>
    %swap3A_782 = vector.shape_cast %add3A_776 : vector<16xi32> to vector<1x16xi32>
    tpu.vector_store %arg11[%swap3A_778, %swap3A_779], %swap3A_782 {strides = array<i32>} : memref<8x128xi32, #tpu.memory_space<vmem>>, vector<1x16xi32>,
    %get3A_783 = arith.constant 4 : i32
    %get3A_784 = arith.index_cast %get3A_783 : i32 to index
    %get3A_785 = arith.constant 112 : index
    %get3A_786 = tpu.vector_load %arg8[%get3A_784, %get3A_785] {strides = array<i32>} : memref<8x128xi32, #tpu.memory_space<vmem>>, vector<1x16xi32>,
    %get3A_787 = vector.shape_cast %get3A_786 : vector<1x16xi32> to vector<16xi32>
    %mul3A_788 = arith.muli %get3A_787, %broadcast_in_dim3A_1 : vector<16xi32>
    %shift_right_logical3A_789 = arith.shrui %mul3A_788, %broadcast_in_dim3A_3 : vector<16xi32>
    %swap3A_790 = arith.constant 4 : i32
    %swap3A_791 = arith.index_cast %swap3A_790 : i32 to index
    %swap3A_792 = arith.constant 112 : index
    %swap3A_793 = tpu.vector_load %arg10[%swap3A_791, %swap3A_792] {strides = array<i32>} : memref<8x128xi32, #tpu.memory_space<vmem>>, vector<1x16xi32>,
    %swap3A_794 = vector.shape_cast %swap3A_793 : vector<1x16xi32> to vector<16xi32>
    %swap3A_795 = vector.shape_cast %shift_right_logical3A_789 : vector<16xi32> to vector<1x16xi32>
    tpu.vector_store %arg10[%swap3A_791, %swap3A_792], %swap3A_795 {strides = array<i32>} : memref<8x128xi32, #tpu.memory_space<vmem>>, vector<1x16xi32>,
    %add3A_796 = arith.addi %shift_right_logical3A_789, %broadcast_in_dim3A_5 : vector<16xi32>
    %swap3A_797 = arith.constant 4 : i32
    %swap3A_798 = arith.index_cast %swap3A_797 : i32 to index
    %swap3A_799 = arith.constant 112 : index
    %swap3A_800 = tpu.vector_load %arg11[%swap3A_798, %swap3A_799] {strides = array<i32>} : memref<8x128xi32, #tpu.memory_space<vmem>>, vector<1x16xi32>,
    %swap3A_801 = vector.shape_cast %swap3A_800 : vector<1x16xi32> to vector<16xi32>
    %swap3A_802 = vector.shape_cast %add3A_796 : vector<16xi32> to vector<1x16xi32>
    tpu.vector_store %arg11[%swap3A_798, %swap3A_799], %swap3A_802 {strides = array<i32>} : memref<8x128xi32, #tpu.memory_space<vmem>>, vector<1x16xi32>,
    %get3A_803 = arith.constant 5 : i32
    %get3A_804 = arith.index_cast %get3A_803 : i32 to index
    %get3A_805 = arith.constant 0 : index
    %get3A_806 = tpu.vector_load %arg8[%get3A_804, %get3A_805] {strides = array<i32>} : memref<8x128xi32, #tpu.memory_space<vmem>>, vector<1x16xi32>,
    %get3A_807 = vector.shape_cast %get3A_806 : vector<1x16xi32> to vector<16xi32>
    %mul3A_808 = arith.muli %get3A_807, %broadcast_in_dim3A_1 : vector<16xi32>
    %shift_right_logical3A_809 = arith.shrui %mul3A_808, %broadcast_in_dim3A_3 : vector<16xi32>
    %swap3A_810 = arith.constant 5 : i32
    %swap3A_811 = arith.index_cast %swap3A_810 : i32 to index
    %swap3A_812 = arith.constant 0 : index
    %swap3A_813 = tpu.vector_load %arg10[%swap3A_811, %swap3A_812] {strides = array<i32>} : memref<8x128xi32, #tpu.memory_space<vmem>>, vector<1x16xi32>,
    %swap3A_814 = vector.shape_cast %swap3A_813 : vector<1x16xi32> to vector<16xi32>
    %swap3A_815 = vector.shape_cast %shift_right_logical3A_809 : vector<16xi32> to vector<1x16xi32>
    tpu.vector_store %arg10[%swap3A_811, %swap3A_812], %swap3A_815 {strides = array<i32>} : memref<8x128xi32, #tpu.memory_space<vmem>>, vector<1x16xi32>,
    %add3A_816 = arith.addi %shift_right_logical3A_809, %broadcast_in_dim3A_5 : vector<16xi32>
    %swap3A_817 = arith.constant 5 : i32
    %swap3A_818 = arith.index_cast %swap3A_817 : i32 to index
    %swap3A_819 = arith.constant 0 : index
    %swap3A_820 = tpu.vector_load %arg11[%swap3A_818, %swap3A_819] {strides = array<i32>} : memref<8x128xi32, #tpu.memory_space<vmem>>, vector<1x16xi32>,
    %swap3A_821 = vector.shape_cast %swap3A_820 : vector<1x16xi32> to vector<16xi32>
    %swap3A_822 = vector.shape_cast %add3A_816 : vector<16xi32> to vector<1x16xi32>
    tpu.vector_store %arg11[%swap3A_818, %swap3A_819], %swap3A_822 {strides = array<i32>} : memref<8x128xi32, #tpu.memory_space<vmem>>, vector<1x16xi32>,
    %get3A_823 = arith.constant 5 : i32
    %get3A_824 = arith.index_cast %get3A_823 : i32 to index
    %get3A_825 = arith.constant 16 : index
    %get3A_826 = tpu.vector_load %arg8[%get3A_824, %get3A_825] {strides = array<i32>} : memref<8x128xi32, #tpu.memory_space<vmem>>, vector<1x16xi32>,
    %get3A_827 = vector.shape_cast %get3A_826 : vector<1x16xi32> to vector<16xi32>
    %mul3A_828 = arith.muli %get3A_827, %broadcast_in_dim3A_1 : vector<16xi32>
    %shift_right_logical3A_829 = arith.shrui %mul3A_828, %broadcast_in_dim3A_3 : vector<16xi32>
    %swap3A_830 = arith.constant 5 : i32
    %swap3A_831 = arith.index_cast %swap3A_830 : i32 to index
    %swap3A_832 = arith.constant 16 : index
    %swap3A_833 = tpu.vector_load %arg10[%swap3A_831, %swap3A_832] {strides = array<i32>} : memref<8x128xi32, #tpu.memory_space<vmem>>, vector<1x16xi32>,
    %swap3A_834 = vector.shape_cast %swap3A_833 : vector<1x16xi32> to vector<16xi32>
    %swap3A_835 = vector.shape_cast %shift_right_logical3A_829 : vector<16xi32> to vector<1x16xi32>
    tpu.vector_store %arg10[%swap3A_831, %swap3A_832], %swap3A_835 {strides = array<i32>} : memref<8x128xi32, #tpu.memory_space<vmem>>, vector<1x16xi32>,
    %add3A_836 = arith.addi %shift_right_logical3A_829, %broadcast_in_dim3A_5 : vector<16xi32>
    %swap3A_837 = arith.constant 5 : i32
    %swap3A_838 = arith.index_cast %swap3A_837 : i32 to index
    %swap3A_839 = arith.constant 16 : index
    %swap3A_840 = tpu.vector_load %arg11[%swap3A_838, %swap3A_839] {strides = array<i32>} : memref<8x128xi32, #tpu.memory_space<vmem>>, vector<1x16xi32>,
    %swap3A_841 = vector.shape_cast %swap3A_840 : vector<1x16xi32> to vector<16xi32>
    %swap3A_842 = vector.shape_cast %add3A_836 : vector<16xi32> to vector<1x16xi32>
    tpu.vector_store %arg11[%swap3A_838, %swap3A_839], %swap3A_842 {strides = array<i32>} : memref<8x128xi32, #tpu.memory_space<vmem>>, vector<1x16xi32>,
    %get3A_843 = arith.constant 5 : i32
    %get3A_844 = arith.index_cast %get3A_843 : i32 to index
    %get3A_845 = arith.constant 32 : index
    %get3A_846 = tpu.vector_load %arg8[%get3A_844, %get3A_845] {strides = array<i32>} : memref<8x128xi32, #tpu.memory_space<vmem>>, vector<1x16xi32>,
    %get3A_847 = vector.shape_cast %get3A_846 : vector<1x16xi32> to vector<16xi32>
    %mul3A_848 = arith.muli %get3A_847, %broadcast_in_dim3A_1 : vector<16xi32>
    %shift_right_logical3A_849 = arith.shrui %mul3A_848, %broadcast_in_dim3A_3 : vector<16xi32>
    %swap3A_850 = arith.constant 5 : i32
    %swap3A_851 = arith.index_cast %swap3A_850 : i32 to index
    %swap3A_852 = arith.constant 32 : index
    %swap3A_853 = tpu.vector_load %arg10[%swap3A_851, %swap3A_852] {strides = array<i32>} : memref<8x128xi32, #tpu.memory_space<vmem>>, vector<1x16xi32>,
    %swap3A_854 = vector.shape_cast %swap3A_853 : vector<1x16xi32> to vector<16xi32>
    %swap3A_855 = vector.shape_cast %shift_right_logical3A_849 : vector<16xi32> to vector<1x16xi32>
    tpu.vector_store %arg10[%swap3A_851, %swap3A_852], %swap3A_855 {strides = array<i32>} : memref<8x128xi32, #tpu.memory_space<vmem>>, vector<1x16xi32>,
    %add3A_856 = arith.addi %shift_right_logical3A_849, %broadcast_in_dim3A_5 : vector<16xi32>
    %swap3A_857 = arith.constant 5 : i32
    %swap3A_858 = arith.index_cast %swap3A_857 : i32 to index
    %swap3A_859 = arith.constant 32 : index
    %swap3A_860 = tpu.vector_load %arg11[%swap3A_858, %swap3A_859] {strides = array<i32>} : memref<8x128xi32, #tpu.memory_space<vmem>>, vector<1x16xi32>,
    %swap3A_861 = vector.shape_cast %swap3A_860 : vector<1x16xi32> to vector<16xi32>
    %swap3A_862 = vector.shape_cast %add3A_856 : vector<16xi32> to vector<1x16xi32>
    tpu.vector_store %arg11[%swap3A_858, %swap3A_859], %swap3A_862 {strides = array<i32>} : memref<8x128xi32, #tpu.memory_space<vmem>>, vector<1x16xi32>,
    %get3A_863 = arith.constant 5 : i32
    %get3A_864 = arith.index_cast %get3A_863 : i32 to index
    %get3A_865 = arith.constant 48 : index
    %get3A_866 = tpu.vector_load %arg8[%get3A_864, %get3A_865] {strides = array<i32>} : memref<8x128xi32, #tpu.memory_space<vmem>>, vector<1x16xi32>,
    %get3A_867 = vector.shape_cast %get3A_866 : vector<1x16xi32> to vector<16xi32>
    %mul3A_868 = arith.muli %get3A_867, %broadcast_in_dim3A_1 : vector<16xi32>
    %shift_right_logical3A_869 = arith.shrui %mul3A_868, %broadcast_in_dim3A_3 : vector<16xi32>
    %swap3A_870 = arith.constant 5 : i32
    %swap3A_871 = arith.index_cast %swap3A_870 : i32 to index
    %swap3A_872 = arith.constant 48 : index
    %swap3A_873 = tpu.vector_load %arg10[%swap3A_871, %swap3A_872] {strides = array<i32>} : memref<8x128xi32, #tpu.memory_space<vmem>>, vector<1x16xi32>,
    %swap3A_874 = vector.shape_cast %swap3A_873 : vector<1x16xi32> to vector<16xi32>
    %swap3A_875 = vector.shape_cast %shift_right_logical3A_869 : vector<16xi32> to vector<1x16xi32>
    tpu.vector_store %arg10[%swap3A_871, %swap3A_872], %swap3A_875 {strides = array<i32>} : memref<8x128xi32, #tpu.memory_space<vmem>>, vector<1x16xi32>,
    %add3A_876 = arith.addi %shift_right_logical3A_869, %broadcast_in_dim3A_5 : vector<16xi32>
    %swap3A_877 = arith.constant 5 : i32
    %swap3A_878 = arith.index_cast %swap3A_877 : i32 to index
    %swap3A_879 = arith.constant 48 : index
    %swap3A_880 = tpu.vector_load %arg11[%swap3A_878, %swap3A_879] {strides = array<i32>} : memref<8x128xi32, #tpu.memory_space<vmem>>, vector<1x16xi32>,
    %swap3A_881 = vector.shape_cast %swap3A_880 : vector<1x16xi32> to vector<16xi32>
    %swap3A_882 = vector.shape_cast %add3A_876 : vector<16xi32> to vector<1x16xi32>
    tpu.vector_store %arg11[%swap3A_878, %swap3A_879], %swap3A_882 {strides = array<i32>} : memref<8x128xi32, #tpu.memory_space<vmem>>, vector<1x16xi32>,
    %get3A_883 = arith.constant 5 : i32
    %get3A_884 = arith.index_cast %get3A_883 : i32 to index
    %get3A_885 = arith.constant 64 : index
    %get3A_886 = tpu.vector_load %arg8[%get3A_884, %get3A_885] {strides = array<i32>} : memref<8x128xi32, #tpu.memory_space<vmem>>, vector<1x16xi32>,
    %get3A_887 = vector.shape_cast %get3A_886 : vector<1x16xi32> to vector<16xi32>
    %mul3A_888 = arith.muli %get3A_887, %broadcast_in_dim3A_1 : vector<16xi32>
    %shift_right_logical3A_889 = arith.shrui %mul3A_888, %broadcast_in_dim3A_3 : vector<16xi32>
    %swap3A_890 = arith.constant 5 : i32
    %swap3A_891 = arith.index_cast %swap3A_890 : i32 to index
    %swap3A_892 = arith.constant 64 : index
    %swap3A_893 = tpu.vector_load %arg10[%swap3A_891, %swap3A_892] {strides = array<i32>} : memref<8x128xi32, #tpu.memory_space<vmem>>, vector<1x16xi32>,
    %swap3A_894 = vector.shape_cast %swap3A_893 : vector<1x16xi32> to vector<16xi32>
    %swap3A_895 = vector.shape_cast %shift_right_logical3A_889 : vector<16xi32> to vector<1x16xi32>
    tpu.vector_store %arg10[%swap3A_891, %swap3A_892], %swap3A_895 {strides = array<i32>} : memref<8x128xi32, #tpu.memory_space<vmem>>, vector<1x16xi32>,
    %add3A_896 = arith.addi %shift_right_logical3A_889, %broadcast_in_dim3A_5 : vector<16xi32>
    %swap3A_897 = arith.constant 5 : i32
    %swap3A_898 = arith.index_cast %swap3A_897 : i32 to index
    %swap3A_899 = arith.constant 64 : index
    %swap3A_900 = tpu.vector_load %arg11[%swap3A_898, %swap3A_899] {strides = array<i32>} : memref<8x128xi32, #tpu.memory_space<vmem>>, vector<1x16xi32>,
    %swap3A_901 = vector.shape_cast %swap3A_900 : vector<1x16xi32> to vector<16xi32>
    %swap3A_902 = vector.shape_cast %add3A_896 : vector<16xi32> to vector<1x16xi32>
    tpu.vector_store %arg11[%swap3A_898, %swap3A_899], %swap3A_902 {strides = array<i32>} : memref<8x128xi32, #tpu.memory_space<vmem>>, vector<1x16xi32>,
    %get3A_903 = arith.constant 5 : i32
    %get3A_904 = arith.index_cast %get3A_903 : i32 to index
    %get3A_905 = arith.constant 80 : index
    %get3A_906 = tpu.vector_load %arg8[%get3A_904, %get3A_905] {strides = array<i32>} : memref<8x128xi32, #tpu.memory_space<vmem>>, vector<1x16xi32>,
    %get3A_907 = vector.shape_cast %get3A_906 : vector<1x16xi32> to vector<16xi32>
    %mul3A_908 = arith.muli %get3A_907, %broadcast_in_dim3A_1 : vector<16xi32>
    %shift_right_logical3A_909 = arith.shrui %mul3A_908, %broadcast_in_dim3A_3 : vector<16xi32>
    %swap3A_910 = arith.constant 5 : i32
    %swap3A_911 = arith.index_cast %swap3A_910 : i32 to index
    %swap3A_912 = arith.constant 80 : index
    %swap3A_913 = tpu.vector_load %arg10[%swap3A_911, %swap3A_912] {strides = array<i32>} : memref<8x128xi32, #tpu.memory_space<vmem>>, vector<1x16xi32>,
    %swap3A_914 = vector.shape_cast %swap3A_913 : vector<1x16xi32> to vector<16xi32>
    %swap3A_915 = vector.shape_cast %shift_right_logical3A_909 : vector<16xi32> to vector<1x16xi32>
    tpu.vector_store %arg10[%swap3A_911, %swap3A_912], %swap3A_915 {strides = array<i32>} : memref<8x128xi32, #tpu.memory_space<vmem>>, vector<1x16xi32>,
    %add3A_916 = arith.addi %shift_right_logical3A_909, %broadcast_in_dim3A_5 : vector<16xi32>
    %swap3A_917 = arith.constant 5 : i32
    %swap3A_918 = arith.index_cast %swap3A_917 : i32 to index
    %swap3A_919 = arith.constant 80 : index
    %swap3A_920 = tpu.vector_load %arg11[%swap3A_918, %swap3A_919] {strides = array<i32>} : memref<8x128xi32, #tpu.memory_space<vmem>>, vector<1x16xi32>,
    %swap3A_921 = vector.shape_cast %swap3A_920 : vector<1x16xi32> to vector<16xi32>
    %swap3A_922 = vector.shape_cast %add3A_916 : vector<16xi32> to vector<1x16xi32>
    tpu.vector_store %arg11[%swap3A_918, %swap3A_919], %swap3A_922 {strides = array<i32>} : memref<8x128xi32, #tpu.memory_space<vmem>>, vector<1x16xi32>,
    %get3A_923 = arith.constant 5 : i32
    %get3A_924 = arith.index_cast %get3A_923 : i32 to index
    %get3A_925 = arith.constant 96 : index
    %get3A_926 = tpu.vector_load %arg8[%get3A_924, %get3A_925] {strides = array<i32>} : memref<8x128xi32, #tpu.memory_space<vmem>>, vector<1x16xi32>,
    %get3A_927 = vector.shape_cast %get3A_926 : vector<1x16xi32> to vector<16xi32>
    %mul3A_928 = arith.muli %get3A_927, %broadcast_in_dim3A_1 : vector<16xi32>
    %shift_right_logical3A_929 = arith.shrui %mul3A_928, %broadcast_in_dim3A_3 : vector<16xi32>
    %swap3A_930 = arith.constant 5 : i32
    %swap3A_931 = arith.index_cast %swap3A_930 : i32 to index
    %swap3A_932 = arith.constant 96 : index
    %swap3A_933 = tpu.vector_load %arg10[%swap3A_931, %swap3A_932] {strides = array<i32>} : memref<8x128xi32, #tpu.memory_space<vmem>>, vector<1x16xi32>,
    %swap3A_934 = vector.shape_cast %swap3A_933 : vector<1x16xi32> to vector<16xi32>
    %swap3A_935 = vector.shape_cast %shift_right_logical3A_929 : vector<16xi32> to vector<1x16xi32>
    tpu.vector_store %arg10[%swap3A_931, %swap3A_932], %swap3A_935 {strides = array<i32>} : memref<8x128xi32, #tpu.memory_space<vmem>>, vector<1x16xi32>,
    %add3A_936 = arith.addi %shift_right_logical3A_929, %broadcast_in_dim3A_5 : vector<16xi32>
    %swap3A_937 = arith.constant 5 : i32
    %swap3A_938 = arith.index_cast %swap3A_937 : i32 to index
    %swap3A_939 = arith.constant 96 : index
    %swap3A_940 = tpu.vector_load %arg11[%swap3A_938, %swap3A_939] {strides = array<i32>} : memref<8x128xi32, #tpu.memory_space<vmem>>, vector<1x16xi32>,
    %swap3A_941 = vector.shape_cast %swap3A_940 : vector<1x16xi32> to vector<16xi32>
    %swap3A_942 = vector.shape_cast %add3A_936 : vector<16xi32> to vector<1x16xi32>
    tpu.vector_store %arg11[%swap3A_938, %swap3A_939], %swap3A_942 {strides = array<i32>} : memref<8x128xi32, #tpu.memory_space<vmem>>, vector<1x16xi32>,
    %get3A_943 = arith.constant 5 : i32
    %get3A_944 = arith.index_cast %get3A_943 : i32 to index
    %get3A_945 = arith.constant 112 : index
    %get3A_946 = tpu.vector_load %arg8[%get3A_944, %get3A_945] {strides = array<i32>} : memref<8x128xi32, #tpu.memory_space<vmem>>, vector<1x16xi32>,
    %get3A_947 = vector.shape_cast %get3A_946 : vector<1x16xi32> to vector<16xi32>
    %mul3A_948 = arith.muli %get3A_947, %broadcast_in_dim3A_1 : vector<16xi32>
    %shift_right_logical3A_949 = arith.shrui %mul3A_948, %broadcast_in_dim3A_3 : vector<16xi32>
    %swap3A_950 = arith.constant 5 : i32
    %swap3A_951 = arith.index_cast %swap3A_950 : i32 to index
    %swap3A_952 = arith.constant 112 : index
    %swap3A_953 = tpu.vector_load %arg10[%swap3A_951, %swap3A_952] {strides = array<i32>} : memref<8x128xi32, #tpu.memory_space<vmem>>, vector<1x16xi32>,
    %swap3A_954 = vector.shape_cast %swap3A_953 : vector<1x16xi32> to vector<16xi32>
    %swap3A_955 = vector.shape_cast %shift_right_logical3A_949 : vector<16xi32> to vector<1x16xi32>
    tpu.vector_store %arg10[%swap3A_951, %swap3A_952], %swap3A_955 {strides = array<i32>} : memref<8x128xi32, #tpu.memory_space<vmem>>, vector<1x16xi32>,
    %add3A_956 = arith.addi %shift_right_logical3A_949, %broadcast_in_dim3A_5 : vector<16xi32>
    %swap3A_957 = arith.constant 5 : i32
    %swap3A_958 = arith.index_cast %swap3A_957 : i32 to index
    %swap3A_959 = arith.constant 112 : index
    %swap3A_960 = tpu.vector_load %arg11[%swap3A_958, %swap3A_959] {strides = array<i32>} : memref<8x128xi32, #tpu.memory_space<vmem>>, vector<1x16xi32>,
    %swap3A_961 = vector.shape_cast %swap3A_960 : vector<1x16xi32> to vector<16xi32>
    %swap3A_962 = vector.shape_cast %add3A_956 : vector<16xi32> to vector<1x16xi32>
    tpu.vector_store %arg11[%swap3A_958, %swap3A_959], %swap3A_962 {strides = array<i32>} : memref<8x128xi32, #tpu.memory_space<vmem>>, vector<1x16xi32>,
    %get3A_963 = arith.constant 6 : i32
    %get3A_964 = arith.index_cast %get3A_963 : i32 to index
    %get3A_965 = arith.constant 0 : index
    %get3A_966 = tpu.vector_load %arg8[%get3A_964, %get3A_965] {strides = array<i32>} : memref<8x128xi32, #tpu.memory_space<vmem>>, vector<1x16xi32>,
    %get3A_967 = vector.shape_cast %get3A_966 : vector<1x16xi32> to vector<16xi32>
    %mul3A_968 = arith.muli %get3A_967, %broadcast_in_dim3A_1 : vector<16xi32>
    %shift_right_logical3A_969 = arith.shrui %mul3A_968, %broadcast_in_dim3A_3 : vector<16xi32>
    %swap3A_970 = arith.constant 6 : i32
    %swap3A_971 = arith.index_cast %swap3A_970 : i32 to index
    %swap3A_972 = arith.constant 0 : index
    %swap3A_973 = tpu.vector_load %arg10[%swap3A_971, %swap3A_972] {strides = array<i32>} : memref<8x128xi32, #tpu.memory_space<vmem>>, vector<1x16xi32>,
    %swap3A_974 = vector.shape_cast %swap3A_973 : vector<1x16xi32> to vector<16xi32>
    %swap3A_975 = vector.shape_cast %shift_right_logical3A_969 : vector<16xi32> to vector<1x16xi32>
    tpu.vector_store %arg10[%swap3A_971, %swap3A_972], %swap3A_975 {strides = array<i32>} : memref<8x128xi32, #tpu.memory_space<vmem>>, vector<1x16xi32>,
    %add3A_976 = arith.addi %shift_right_logical3A_969, %broadcast_in_dim3A_5 : vector<16xi32>
    %swap3A_977 = arith.constant 6 : i32
    %swap3A_978 = arith.index_cast %swap3A_977 : i32 to index
    %swap3A_979 = arith.constant 0 : index
    %swap3A_980 = tpu.vector_load %arg11[%swap3A_978, %swap3A_979] {strides = array<i32>} : memref<8x128xi32, #tpu.memory_space<vmem>>, vector<1x16xi32>,
    %swap3A_981 = vector.shape_cast %swap3A_980 : vector<1x16xi32> to vector<16xi32>
    %swap3A_982 = vector.shape_cast %add3A_976 : vector<16xi32> to vector<1x16xi32>
    tpu.vector_store %arg11[%swap3A_978, %swap3A_979], %swap3A_982 {strides = array<i32>} : memref<8x128xi32, #tpu.memory_space<vmem>>, vector<1x16xi32>,
    %get3A_983 = arith.constant 6 : i32
    %get3A_984 = arith.index_cast %get3A_983 : i32 to index
    %get3A_985 = arith.constant 16 : index
    %get3A_986 = tpu.vector_load %arg8[%get3A_984, %get3A_985] {strides = array<i32>} : memref<8x128xi32, #tpu.memory_space<vmem>>, vector<1x16xi32>,
    %get3A_987 = vector.shape_cast %get3A_986 : vector<1x16xi32> to vector<16xi32>
    %mul3A_988 = arith.muli %get3A_987, %broadcast_in_dim3A_1 : vector<16xi32>
    %shift_right_logical3A_989 = arith.shrui %mul3A_988, %broadcast_in_dim3A_3 : vector<16xi32>
    %swap3A_990 = arith.constant 6 : i32
    %swap3A_991 = arith.index_cast %swap3A_990 : i32 to index
    %swap3A_992 = arith.constant 16 : index
    %swap3A_993 = tpu.vector_load %arg10[%swap3A_991, %swap3A_992] {strides = array<i32>} : memref<8x128xi32, #tpu.memory_space<vmem>>, vector<1x16xi32>,
    %swap3A_994 = vector.shape_cast %swap3A_993 : vector<1x16xi32> to vector<16xi32>
    %swap3A_995 = vector.shape_cast %shift_right_logical3A_989 : vector<16xi32> to vector<1x16xi32>
    tpu.vector_store %arg10[%swap3A_991, %swap3A_992], %swap3A_995 {strides = array<i32>} : memref<8x128xi32, #tpu.memory_space<vmem>>, vector<1x16xi32>,
    %add3A_996 = arith.addi %shift_right_logical3A_989, %broadcast_in_dim3A_5 : vector<16xi32>
    %swap3A_997 = arith.constant 6 : i32
    %swap3A_998 = arith.index_cast %swap3A_997 : i32 to index
    %swap3A_999 = arith.constant 16 : index
    %swap3A_1000 = tpu.vector_load %arg11[%swap3A_998, %swap3A_999] {strides = array<i32>} : memref<8x128xi32, #tpu.memory_space<vmem>>, vector<1x16xi32>,
    %swap3A_1001 = vector.shape_cast %swap3A_1000 : vector<1x16xi32> to vector<16xi32>
    %swap3A_1002 = vector.shape_cast %add3A_996 : vector<16xi32> to vector<1x16xi32>
    tpu.vector_store %arg11[%swap3A_998, %swap3A_999], %swap3A_1002 {strides = array<i32>} : memref<8x128xi32, #tpu.memory_space<vmem>>, vector<1x16xi32>,
    %get3A_1003 = arith.constant 6 : i32
    %get3A_1004 = arith.index_cast %get3A_1003 : i32 to index
    %get3A_1005 = arith.constant 32 : index
    %get3A_1006 = tpu.vector_load %arg8[%get3A_1004, %get3A_1005] {strides = array<i32>} : memref<8x128xi32, #tpu.memory_space<vmem>>, vector<1x16xi32>,
    %get3A_1007 = vector.shape_cast %get3A_1006 : vector<1x16xi32> to vector<16xi32>
    %mul3A_1008 = arith.muli %get3A_1007, %broadcast_in_dim3A_1 : vector<16xi32>
    %shift_right_logical3A_1009 = arith.shrui %mul3A_1008, %broadcast_in_dim3A_3 : vector<16xi32>
    %swap3A_1010 = arith.constant 6 : i32
    %swap3A_1011 = arith.index_cast %swap3A_1010 : i32 to index
    %swap3A_1012 = arith.constant 32 : index
    %swap3A_1013 = tpu.vector_load %arg10[%swap3A_1011, %swap3A_1012] {strides = array<i32>} : memref<8x128xi32, #tpu.memory_space<vmem>>, vector<1x16xi32>,
    %swap3A_1014 = vector.shape_cast %swap3A_1013 : vector<1x16xi32> to vector<16xi32>
    %swap3A_1015 = vector.shape_cast %shift_right_logical3A_1009 : vector<16xi32> to vector<1x16xi32>
    tpu.vector_store %arg10[%swap3A_1011, %swap3A_1012], %swap3A_1015 {strides = array<i32>} : memref<8x128xi32, #tpu.memory_space<vmem>>, vector<1x16xi32>,
    %add3A_1016 = arith.addi %shift_right_logical3A_1009, %broadcast_in_dim3A_5 : vector<16xi32>
    %swap3A_1017 = arith.constant 6 : i32
    %swap3A_1018 = arith.index_cast %swap3A_1017 : i32 to index
    %swap3A_1019 = arith.constant 32 : index
    %swap3A_1020 = tpu.vector_load %arg11[%swap3A_1018, %swap3A_1019] {strides = array<i32>} : memref<8x128xi32, #tpu.memory_space<vmem>>, vector<1x16xi32>,
    %swap3A_1021 = vector.shape_cast %swap3A_1020 : vector<1x16xi32> to vector<16xi32>
    %swap3A_1022 = vector.shape_cast %add3A_1016 : vector<16xi32> to vector<1x16xi32>
    tpu.vector_store %arg11[%swap3A_1018, %swap3A_1019], %swap3A_1022 {strides = array<i32>} : memref<8x128xi32, #tpu.memory_space<vmem>>, vector<1x16xi32>,
    %get3A_1023 = arith.constant 6 : i32
    %get3A_1024 = arith.index_cast %get3A_1023 : i32 to index
    %get3A_1025 = arith.constant 48 : index
    %get3A_1026 = tpu.vector_load %arg8[%get3A_1024, %get3A_1025] {strides = array<i32>} : memref<8x128xi32, #tpu.memory_space<vmem>>, vector<1x16xi32>,
    %get3A_1027 = vector.shape_cast %get3A_1026 : vector<1x16xi32> to vector<16xi32>
    %mul3A_1028 = arith.muli %get3A_1027, %broadcast_in_dim3A_1 : vector<16xi32>
    %shift_right_logical3A_1029 = arith.shrui %mul3A_1028, %broadcast_in_dim3A_3 : vector<16xi32>
    %swap3A_1030 = arith.constant 6 : i32
    %swap3A_1031 = arith.index_cast %swap3A_1030 : i32 to index
    %swap3A_1032 = arith.constant 48 : index
    %swap3A_1033 = tpu.vector_load %arg10[%swap3A_1031, %swap3A_1032] {strides = array<i32>} : memref<8x128xi32, #tpu.memory_space<vmem>>, vector<1x16xi32>,
    %swap3A_1034 = vector.shape_cast %swap3A_1033 : vector<1x16xi32> to vector<16xi32>
    %swap3A_1035 = vector.shape_cast %shift_right_logical3A_1029 : vector<16xi32> to vector<1x16xi32>
    tpu.vector_store %arg10[%swap3A_1031, %swap3A_1032], %swap3A_1035 {strides = array<i32>} : memref<8x128xi32, #tpu.memory_space<vmem>>, vector<1x16xi32>,
    %add3A_1036 = arith.addi %shift_right_logical3A_1029, %broadcast_in_dim3A_5 : vector<16xi32>
    %swap3A_1037 = arith.constant 6 : i32
    %swap3A_1038 = arith.index_cast %swap3A_1037 : i32 to index
    %swap3A_1039 = arith.constant 48 : index
    %swap3A_1040 = tpu.vector_load %arg11[%swap3A_1038, %swap3A_1039] {strides = array<i32>} : memref<8x128xi32, #tpu.memory_space<vmem>>, vector<1x16xi32>,
    %swap3A_1041 = vector.shape_cast %swap3A_1040 : vector<1x16xi32> to vector<16xi32>
    %swap3A_1042 = vector.shape_cast %add3A_1036 : vector<16xi32> to vector<1x16xi32>
    tpu.vector_store %arg11[%swap3A_1038, %swap3A_1039], %swap3A_1042 {strides = array<i32>} : memref<8x128xi32, #tpu.memory_space<vmem>>, vector<1x16xi32>,
    %get3A_1043 = arith.constant 6 : i32
    %get3A_1044 = arith.index_cast %get3A_1043 : i32 to index
    %get3A_1045 = arith.constant 64 : index
    %get3A_1046 = tpu.vector_load %arg8[%get3A_1044, %get3A_1045] {strides = array<i32>} : memref<8x128xi32, #tpu.memory_space<vmem>>, vector<1x16xi32>,
    %get3A_1047 = vector.shape_cast %get3A_1046 : vector<1x16xi32> to vector<16xi32>
    %mul3A_1048 = arith.muli %get3A_1047, %broadcast_in_dim3A_1 : vector<16xi32>
    %shift_right_logical3A_1049 = arith.shrui %mul3A_1048, %broadcast_in_dim3A_3 : vector<16xi32>
    %swap3A_1050 = arith.constant 6 : i32
    %swap3A_1051 = arith.index_cast %swap3A_1050 : i32 to index
    %swap3A_1052 = arith.constant 64 : index
    %swap3A_1053 = tpu.vector_load %arg10[%swap3A_1051, %swap3A_1052] {strides = array<i32>} : memref<8x128xi32, #tpu.memory_space<vmem>>, vector<1x16xi32>,
    %swap3A_1054 = vector.shape_cast %swap3A_1053 : vector<1x16xi32> to vector<16xi32>
    %swap3A_1055 = vector.shape_cast %shift_right_logical3A_1049 : vector<16xi32> to vector<1x16xi32>
    tpu.vector_store %arg10[%swap3A_1051, %swap3A_1052], %swap3A_1055 {strides = array<i32>} : memref<8x128xi32, #tpu.memory_space<vmem>>, vector<1x16xi32>,
    %add3A_1056 = arith.addi %shift_right_logical3A_1049, %broadcast_in_dim3A_5 : vector<16xi32>
    %swap3A_1057 = arith.constant 6 : i32
    %swap3A_1058 = arith.index_cast %swap3A_1057 : i32 to index
    %swap3A_1059 = arith.constant 64 : index
    %swap3A_1060 = tpu.vector_load %arg11[%swap3A_1058, %swap3A_1059] {strides = array<i32>} : memref<8x128xi32, #tpu.memory_space<vmem>>, vector<1x16xi32>,
    %swap3A_1061 = vector.shape_cast %swap3A_1060 : vector<1x16xi32> to vector<16xi32>
    %swap3A_1062 = vector.shape_cast %add3A_1056 : vector<16xi32> to vector<1x16xi32>
    tpu.vector_store %arg11[%swap3A_1058, %swap3A_1059], %swap3A_1062 {strides = array<i32>} : memref<8x128xi32, #tpu.memory_space<vmem>>, vector<1x16xi32>,
    %get3A_1063 = arith.constant 6 : i32
    %get3A_1064 = arith.index_cast %get3A_1063 : i32 to index
    %get3A_1065 = arith.constant 80 : index
    %get3A_1066 = tpu.vector_load %arg8[%get3A_1064, %get3A_1065] {strides = array<i32>} : memref<8x128xi32, #tpu.memory_space<vmem>>, vector<1x16xi32>,
    %get3A_1067 = vector.shape_cast %get3A_1066 : vector<1x16xi32> to vector<16xi32>
    %mul3A_1068 = arith.muli %get3A_1067, %broadcast_in_dim3A_1 : vector<16xi32>
    %shift_right_logical3A_1069 = arith.shrui %mul3A_1068, %broadcast_in_dim3A_3 : vector<16xi32>
    %swap3A_1070 = arith.constant 6 : i32
    %swap3A_1071 = arith.index_cast %swap3A_1070 : i32 to index
    %swap3A_1072 = arith.constant 80 : index
    %swap3A_1073 = tpu.vector_load %arg10[%swap3A_1071, %swap3A_1072] {strides = array<i32>} : memref<8x128xi32, #tpu.memory_space<vmem>>, vector<1x16xi32>,
    %swap3A_1074 = vector.shape_cast %swap3A_1073 : vector<1x16xi32> to vector<16xi32>
    %swap3A_1075 = vector.shape_cast %shift_right_logical3A_1069 : vector<16xi32> to vector<1x16xi32>
    tpu.vector_store %arg10[%swap3A_1071, %swap3A_1072], %swap3A_1075 {strides = array<i32>} : memref<8x128xi32, #tpu.memory_space<vmem>>, vector<1x16xi32>,
    %add3A_1076 = arith.addi %shift_right_logical3A_1069, %broadcast_in_dim3A_5 : vector<16xi32>
    %swap3A_1077 = arith.constant 6 : i32
    %swap3A_1078 = arith.index_cast %swap3A_1077 : i32 to index
    %swap3A_1079 = arith.constant 80 : index
    %swap3A_1080 = tpu.vector_load %arg11[%swap3A_1078, %swap3A_1079] {strides = array<i32>} : memref<8x128xi32, #tpu.memory_space<vmem>>, vector<1x16xi32>,
    %swap3A_1081 = vector.shape_cast %swap3A_1080 : vector<1x16xi32> to vector<16xi32>
    %swap3A_1082 = vector.shape_cast %add3A_1076 : vector<16xi32> to vector<1x16xi32>
    tpu.vector_store %arg11[%swap3A_1078, %swap3A_1079], %swap3A_1082 {strides = array<i32>} : memref<8x128xi32, #tpu.memory_space<vmem>>, vector<1x16xi32>,
    %get3A_1083 = arith.constant 6 : i32
    %get3A_1084 = arith.index_cast %get3A_1083 : i32 to index
    %get3A_1085 = arith.constant 96 : index
    %get3A_1086 = tpu.vector_load %arg8[%get3A_1084, %get3A_1085] {strides = array<i32>} : memref<8x128xi32, #tpu.memory_space<vmem>>, vector<1x16xi32>,
    %get3A_1087 = vector.shape_cast %get3A_1086 : vector<1x16xi32> to vector<16xi32>
    %mul3A_1088 = arith.muli %get3A_1087, %broadcast_in_dim3A_1 : vector<16xi32>
    %shift_right_logical3A_1089 = arith.shrui %mul3A_1088, %broadcast_in_dim3A_3 : vector<16xi32>
    %swap3A_1090 = arith.constant 6 : i32
    %swap3A_1091 = arith.index_cast %swap3A_1090 : i32 to index
    %swap3A_1092 = arith.constant 96 : index
    %swap3A_1093 = tpu.vector_load %arg10[%swap3A_1091, %swap3A_1092] {strides = array<i32>} : memref<8x128xi32, #tpu.memory_space<vmem>>, vector<1x16xi32>,
    %swap3A_1094 = vector.shape_cast %swap3A_1093 : vector<1x16xi32> to vector<16xi32>
    %swap3A_1095 = vector.shape_cast %shift_right_logical3A_1089 : vector<16xi32> to vector<1x16xi32>
    tpu.vector_store %arg10[%swap3A_1091, %swap3A_1092], %swap3A_1095 {strides = array<i32>} : memref<8x128xi32, #tpu.memory_space<vmem>>, vector<1x16xi32>,
    %add3A_1096 = arith.addi %shift_right_logical3A_1089, %broadcast_in_dim3A_5 : vector<16xi32>
    %swap3A_1097 = arith.constant 6 : i32
    %swap3A_1098 = arith.index_cast %swap3A_1097 : i32 to index
    %swap3A_1099 = arith.constant 96 : index
    %swap3A_1100 = tpu.vector_load %arg11[%swap3A_1098, %swap3A_1099] {strides = array<i32>} : memref<8x128xi32, #tpu.memory_space<vmem>>, vector<1x16xi32>,
    %swap3A_1101 = vector.shape_cast %swap3A_1100 : vector<1x16xi32> to vector<16xi32>
    %swap3A_1102 = vector.shape_cast %add3A_1096 : vector<16xi32> to vector<1x16xi32>
    tpu.vector_store %arg11[%swap3A_1098, %swap3A_1099], %swap3A_1102 {strides = array<i32>} : memref<8x128xi32, #tpu.memory_space<vmem>>, vector<1x16xi32>,
    %get3A_1103 = arith.constant 6 : i32
    %get3A_1104 = arith.index_cast %get3A_1103 : i32 to index
    %get3A_1105 = arith.constant 112 : index
    %get3A_1106 = tpu.vector_load %arg8[%get3A_1104, %get3A_1105] {strides = array<i32>} : memref<8x128xi32, #tpu.memory_space<vmem>>, vector<1x16xi32>,
    %get3A_1107 = vector.shape_cast %get3A_1106 : vector<1x16xi32> to vector<16xi32>
    %mul3A_1108 = arith.muli %get3A_1107, %broadcast_in_dim3A_1 : vector<16xi32>
    %shift_right_logical3A_1109 = arith.shrui %mul3A_1108, %broadcast_in_dim3A_3 : vector<16xi32>
    %swap3A_1110 = arith.constant 6 : i32
    %swap3A_1111 = arith.index_cast %swap3A_1110 : i32 to index
    %swap3A_1112 = arith.constant 112 : index
    %swap3A_1113 = tpu.vector_load %arg10[%swap3A_1111, %swap3A_1112] {strides = array<i32>} : memref<8x128xi32, #tpu.memory_space<vmem>>, vector<1x16xi32>,
    %swap3A_1114 = vector.shape_cast %swap3A_1113 : vector<1x16xi32> to vector<16xi32>
    %swap3A_1115 = vector.shape_cast %shift_right_logical3A_1109 : vector<16xi32> to vector<1x16xi32>
    tpu.vector_store %arg10[%swap3A_1111, %swap3A_1112], %swap3A_1115 {strides = array<i32>} : memref<8x128xi32, #tpu.memory_space<vmem>>, vector<1x16xi32>,
    %add3A_1116 = arith.addi %shift_right_logical3A_1109, %broadcast_in_dim3A_5 : vector<16xi32>
    %swap3A_1117 = arith.constant 6 : i32
    %swap3A_1118 = arith.index_cast %swap3A_1117 : i32 to index
    %swap3A_1119 = arith.constant 112 : index
    %swap3A_1120 = tpu.vector_load %arg11[%swap3A_1118, %swap3A_1119] {strides = array<i32>} : memref<8x128xi32, #tpu.memory_space<vmem>>, vector<1x16xi32>,
    %swap3A_1121 = vector.shape_cast %swap3A_1120 : vector<1x16xi32> to vector<16xi32>
    %swap3A_1122 = vector.shape_cast %add3A_1116 : vector<16xi32> to vector<1x16xi32>
    tpu.vector_store %arg11[%swap3A_1118, %swap3A_1119], %swap3A_1122 {strides = array<i32>} : memref<8x128xi32, #tpu.memory_space<vmem>>, vector<1x16xi32>,
    %get3A_1123 = arith.constant 7 : i32
    %get3A_1124 = arith.index_cast %get3A_1123 : i32 to index
    %get3A_1125 = arith.constant 0 : index
    %get3A_1126 = tpu.vector_load %arg8[%get3A_1124, %get3A_1125] {strides = array<i32>} : memref<8x128xi32, #tpu.memory_space<vmem>>, vector<1x16xi32>,
    %get3A_1127 = vector.shape_cast %get3A_1126 : vector<1x16xi32> to vector<16xi32>
    %mul3A_1128 = arith.muli %get3A_1127, %broadcast_in_dim3A_1 : vector<16xi32>
    %shift_right_logical3A_1129 = arith.shrui %mul3A_1128, %broadcast_in_dim3A_3 : vector<16xi32>
    %swap3A_1130 = arith.constant 7 : i32
    %swap3A_1131 = arith.index_cast %swap3A_1130 : i32 to index
    %swap3A_1132 = arith.constant 0 : index
    %swap3A_1133 = tpu.vector_load %arg10[%swap3A_1131, %swap3A_1132] {strides = array<i32>} : memref<8x128xi32, #tpu.memory_space<vmem>>, vector<1x16xi32>,
    %swap3A_1134 = vector.shape_cast %swap3A_1133 : vector<1x16xi32> to vector<16xi32>
    %swap3A_1135 = vector.shape_cast %shift_right_logical3A_1129 : vector<16xi32> to vector<1x16xi32>
    tpu.vector_store %arg10[%swap3A_1131, %swap3A_1132], %swap3A_1135 {strides = array<i32>} : memref<8x128xi32, #tpu.memory_space<vmem>>, vector<1x16xi32>,
    %add3A_1136 = arith.addi %shift_right_logical3A_1129, %broadcast_in_dim3A_5 : vector<16xi32>
    %swap3A_1137 = arith.constant 7 : i32
    %swap3A_1138 = arith.index_cast %swap3A_1137 : i32 to index
    %swap3A_1139 = arith.constant 0 : index
    %swap3A_1140 = tpu.vector_load %arg11[%swap3A_1138, %swap3A_1139] {strides = array<i32>} : memref<8x128xi32, #tpu.memory_space<vmem>>, vector<1x16xi32>,
    %swap3A_1141 = vector.shape_cast %swap3A_1140 : vector<1x16xi32> to vector<16xi32>
    %swap3A_1142 = vector.shape_cast %add3A_1136 : vector<16xi32> to vector<1x16xi32>
    tpu.vector_store %arg11[%swap3A_1138, %swap3A_1139], %swap3A_1142 {strides = array<i32>} : memref<8x128xi32, #tpu.memory_space<vmem>>, vector<1x16xi32>,
    %get3A_1143 = arith.constant 7 : i32
    %get3A_1144 = arith.index_cast %get3A_1143 : i32 to index
    %get3A_1145 = arith.constant 16 : index
    %get3A_1146 = tpu.vector_load %arg8[%get3A_1144, %get3A_1145] {strides = array<i32>} : memref<8x128xi32, #tpu.memory_space<vmem>>, vector<1x16xi32>,
    %get3A_1147 = vector.shape_cast %get3A_1146 : vector<1x16xi32> to vector<16xi32>
    %mul3A_1148 = arith.muli %get3A_1147, %broadcast_in_dim3A_1 : vector<16xi32>
    %shift_right_logical3A_1149 = arith.shrui %mul3A_1148, %broadcast_in_dim3A_3 : vector<16xi32>
    %swap3A_1150 = arith.constant 7 : i32
    %swap3A_1151 = arith.index_cast %swap3A_1150 : i32 to index
    %swap3A_1152 = arith.constant 16 : index
    %swap3A_1153 = tpu.vector_load %arg10[%swap3A_1151, %swap3A_1152] {strides = array<i32>} : memref<8x128xi32, #tpu.memory_space<vmem>>, vector<1x16xi32>,
    %swap3A_1154 = vector.shape_cast %swap3A_1153 : vector<1x16xi32> to vector<16xi32>
    %swap3A_1155 = vector.shape_cast %shift_right_logical3A_1149 : vector<16xi32> to vector<1x16xi32>
    tpu.vector_store %arg10[%swap3A_1151, %swap3A_1152], %swap3A_1155 {strides = array<i32>} : memref<8x128xi32, #tpu.memory_space<vmem>>, vector<1x16xi32>,
    %add3A_1156 = arith.addi %shift_right_logical3A_1149, %broadcast_in_dim3A_5 : vector<16xi32>
    %swap3A_1157 = arith.constant 7 : i32
    %swap3A_1158 = arith.index_cast %swap3A_1157 : i32 to index
    %swap3A_1159 = arith.constant 16 : index
    %swap3A_1160 = tpu.vector_load %arg11[%swap3A_1158, %swap3A_1159] {strides = array<i32>} : memref<8x128xi32, #tpu.memory_space<vmem>>, vector<1x16xi32>,
    %swap3A_1161 = vector.shape_cast %swap3A_1160 : vector<1x16xi32> to vector<16xi32>
    %swap3A_1162 = vector.shape_cast %add3A_1156 : vector<16xi32> to vector<1x16xi32>
    tpu.vector_store %arg11[%swap3A_1158, %swap3A_1159], %swap3A_1162 {strides = array<i32>} : memref<8x128xi32, #tpu.memory_space<vmem>>, vector<1x16xi32>,
    %get3A_1163 = arith.constant 7 : i32
    %get3A_1164 = arith.index_cast %get3A_1163 : i32 to index
    %get3A_1165 = arith.constant 32 : index
    %get3A_1166 = tpu.vector_load %arg8[%get3A_1164, %get3A_1165] {strides = array<i32>} : memref<8x128xi32, #tpu.memory_space<vmem>>, vector<1x16xi32>,
    %get3A_1167 = vector.shape_cast %get3A_1166 : vector<1x16xi32> to vector<16xi32>
    %mul3A_1168 = arith.muli %get3A_1167, %broadcast_in_dim3A_1 : vector<16xi32>
    %shift_right_logical3A_1169 = arith.shrui %mul3A_1168, %broadcast_in_dim3A_3 : vector<16xi32>
    %swap3A_1170 = arith.constant 7 : i32
    %swap3A_1171 = arith.index_cast %swap3A_1170 : i32 to index
    %swap3A_1172 = arith.constant 32 : index
    %swap3A_1173 = tpu.vector_load %arg10[%swap3A_1171, %swap3A_1172] {strides = array<i32>} : memref<8x128xi32, #tpu.memory_space<vmem>>, vector<1x16xi32>,
    %swap3A_1174 = vector.shape_cast %swap3A_1173 : vector<1x16xi32> to vector<16xi32>
    %swap3A_1175 = vector.shape_cast %shift_right_logical3A_1169 : vector<16xi32> to vector<1x16xi32>
    tpu.vector_store %arg10[%swap3A_1171, %swap3A_1172], %swap3A_1175 {strides = array<i32>} : memref<8x128xi32, #tpu.memory_space<vmem>>, vector<1x16xi32>,
    %add3A_1176 = arith.addi %shift_right_logical3A_1169, %broadcast_in_dim3A_5 : vector<16xi32>
    %swap3A_1177 = arith.constant 7 : i32
    %swap3A_1178 = arith.index_cast %swap3A_1177 : i32 to index
    %swap3A_1179 = arith.constant 32 : index
    %swap3A_1180 = tpu.vector_load %arg11[%swap3A_1178, %swap3A_1179] {strides = array<i32>} : memref<8x128xi32, #tpu.memory_space<vmem>>, vector<1x16xi32>,
    %swap3A_1181 = vector.shape_cast %swap3A_1180 : vector<1x16xi32> to vector<16xi32>
    %swap3A_1182 = vector.shape_cast %add3A_1176 : vector<16xi32> to vector<1x16xi32>
    tpu.vector_store %arg11[%swap3A_1178, %swap3A_1179], %swap3A_1182 {strides = array<i32>} : memref<8x128xi32, #tpu.memory_space<vmem>>, vector<1x16xi32>,
    %get3A_1183 = arith.constant 7 : i32
    %get3A_1184 = arith.index_cast %get3A_1183 : i32 to index
    %get3A_1185 = arith.constant 48 : index
    %get3A_1186 = tpu.vector_load %arg8[%get3A_1184, %get3A_1185] {strides = array<i32>} : memref<8x128xi32, #tpu.memory_space<vmem>>, vector<1x16xi32>,
    %get3A_1187 = vector.shape_cast %get3A_1186 : vector<1x16xi32> to vector<16xi32>
    %mul3A_1188 = arith.muli %get3A_1187, %broadcast_in_dim3A_1 : vector<16xi32>
    %shift_right_logical3A_1189 = arith.shrui %mul3A_1188, %broadcast_in_dim3A_3 : vector<16xi32>
    %swap3A_1190 = arith.constant 7 : i32
    %swap3A_1191 = arith.index_cast %swap3A_1190 : i32 to index
    %swap3A_1192 = arith.constant 48 : index
    %swap3A_1193 = tpu.vector_load %arg10[%swap3A_1191, %swap3A_1192] {strides = array<i32>} : memref<8x128xi32, #tpu.memory_space<vmem>>, vector<1x16xi32>,
    %swap3A_1194 = vector.shape_cast %swap3A_1193 : vector<1x16xi32> to vector<16xi32>
    %swap3A_1195 = vector.shape_cast %shift_right_logical3A_1189 : vector<16xi32> to vector<1x16xi32>
    tpu.vector_store %arg10[%swap3A_1191, %swap3A_1192], %swap3A_1195 {strides = array<i32>} : memref<8x128xi32, #tpu.memory_space<vmem>>, vector<1x16xi32>,
    %add3A_1196 = arith.addi %shift_right_logical3A_1189, %broadcast_in_dim3A_5 : vector<16xi32>
    %swap3A_1197 = arith.constant 7 : i32
    %swap3A_1198 = arith.index_cast %swap3A_1197 : i32 to index
    %swap3A_1199 = arith.constant 48 : index
    %swap3A_1200 = tpu.vector_load %arg11[%swap3A_1198, %swap3A_1199] {strides = array<i32>} : memref<8x128xi32, #tpu.memory_space<vmem>>, vector<1x16xi32>,
    %swap3A_1201 = vector.shape_cast %swap3A_1200 : vector<1x16xi32> to vector<16xi32>
    %swap3A_1202 = vector.shape_cast %add3A_1196 : vector<16xi32> to vector<1x16xi32>
    tpu.vector_store %arg11[%swap3A_1198, %swap3A_1199], %swap3A_1202 {strides = array<i32>} : memref<8x128xi32, #tpu.memory_space<vmem>>, vector<1x16xi32>,
    %get3A_1203 = arith.constant 7 : i32
    %get3A_1204 = arith.index_cast %get3A_1203 : i32 to index
    %get3A_1205 = arith.constant 64 : index
    %get3A_1206 = tpu.vector_load %arg8[%get3A_1204, %get3A_1205] {strides = array<i32>} : memref<8x128xi32, #tpu.memory_space<vmem>>, vector<1x16xi32>,
    %get3A_1207 = vector.shape_cast %get3A_1206 : vector<1x16xi32> to vector<16xi32>
    %mul3A_1208 = arith.muli %get3A_1207, %broadcast_in_dim3A_1 : vector<16xi32>
    %shift_right_logical3A_1209 = arith.shrui %mul3A_1208, %broadcast_in_dim3A_3 : vector<16xi32>
    %swap3A_1210 = arith.constant 7 : i32
    %swap3A_1211 = arith.index_cast %swap3A_1210 : i32 to index
    %swap3A_1212 = arith.constant 64 : index
    %swap3A_1213 = tpu.vector_load %arg10[%swap3A_1211, %swap3A_1212] {strides = array<i32>} : memref<8x128xi32, #tpu.memory_space<vmem>>, vector<1x16xi32>,
    %swap3A_1214 = vector.shape_cast %swap3A_1213 : vector<1x16xi32> to vector<16xi32>
    %swap3A_1215 = vector.shape_cast %shift_right_logical3A_1209 : vector<16xi32> to vector<1x16xi32>
    tpu.vector_store %arg10[%swap3A_1211, %swap3A_1212], %swap3A_1215 {strides = array<i32>} : memref<8x128xi32, #tpu.memory_space<vmem>>, vector<1x16xi32>,
    %add3A_1216 = arith.addi %shift_right_logical3A_1209, %broadcast_in_dim3A_5 : vector<16xi32>
    %swap3A_1217 = arith.constant 7 : i32
    %swap3A_1218 = arith.index_cast %swap3A_1217 : i32 to index
    %swap3A_1219 = arith.constant 64 : index
    %swap3A_1220 = tpu.vector_load %arg11[%swap3A_1218, %swap3A_1219] {strides = array<i32>} : memref<8x128xi32, #tpu.memory_space<vmem>>, vector<1x16xi32>,
    %swap3A_1221 = vector.shape_cast %swap3A_1220 : vector<1x16xi32> to vector<16xi32>
    %swap3A_1222 = vector.shape_cast %add3A_1216 : vector<16xi32> to vector<1x16xi32>
    tpu.vector_store %arg11[%swap3A_1218, %swap3A_1219], %swap3A_1222 {strides = array<i32>} : memref<8x128xi32, #tpu.memory_space<vmem>>, vector<1x16xi32>,
    %get3A_1223 = arith.constant 7 : i32
    %get3A_1224 = arith.index_cast %get3A_1223 : i32 to index
    %get3A_1225 = arith.constant 80 : index
    %get3A_1226 = tpu.vector_load %arg8[%get3A_1224, %get3A_1225] {strides = array<i32>} : memref<8x128xi32, #tpu.memory_space<vmem>>, vector<1x16xi32>,
    %get3A_1227 = vector.shape_cast %get3A_1226 : vector<1x16xi32> to vector<16xi32>
    %mul3A_1228 = arith.muli %get3A_1227, %broadcast_in_dim3A_1 : vector<16xi32>
    %shift_right_logical3A_1229 = arith.shrui %mul3A_1228, %broadcast_in_dim3A_3 : vector<16xi32>
    %swap3A_1230 = arith.constant 7 : i32
    %swap3A_1231 = arith.index_cast %swap3A_1230 : i32 to index
    %swap3A_1232 = arith.constant 80 : index
    %swap3A_1233 = tpu.vector_load %arg10[%swap3A_1231, %swap3A_1232] {strides = array<i32>} : memref<8x128xi32, #tpu.memory_space<vmem>>, vector<1x16xi32>,
    %swap3A_1234 = vector.shape_cast %swap3A_1233 : vector<1x16xi32> to vector<16xi32>
    %swap3A_1235 = vector.shape_cast %shift_right_logical3A_1229 : vector<16xi32> to vector<1x16xi32>
    tpu.vector_store %arg10[%swap3A_1231, %swap3A_1232], %swap3A_1235 {strides = array<i32>} : memref<8x128xi32, #tpu.memory_space<vmem>>, vector<1x16xi32>,
    %add3A_1236 = arith.addi %shift_right_logical3A_1229, %broadcast_in_dim3A_5 : vector<16xi32>
    %swap3A_1237 = arith.constant 7 : i32
    %swap3A_1238 = arith.index_cast %swap3A_1237 : i32 to index
    %swap3A_1239 = arith.constant 80 : index
    %swap3A_1240 = tpu.vector_load %arg11[%swap3A_1238, %swap3A_1239] {strides = array<i32>} : memref<8x128xi32, #tpu.memory_space<vmem>>, vector<1x16xi32>,
    %swap3A_1241 = vector.shape_cast %swap3A_1240 : vector<1x16xi32> to vector<16xi32>
    %swap3A_1242 = vector.shape_cast %add3A_1236 : vector<16xi32> to vector<1x16xi32>
    tpu.vector_store %arg11[%swap3A_1238, %swap3A_1239], %swap3A_1242 {strides = array<i32>} : memref<8x128xi32, #tpu.memory_space<vmem>>, vector<1x16xi32>,
    %get3A_1243 = arith.constant 7 : i32
    %get3A_1244 = arith.index_cast %get3A_1243 : i32 to index
    %get3A_1245 = arith.constant 96 : index
    %get3A_1246 = tpu.vector_load %arg8[%get3A_1244, %get3A_1245] {strides = array<i32>} : memref<8x128xi32, #tpu.memory_space<vmem>>, vector<1x16xi32>,
    %get3A_1247 = vector.shape_cast %get3A_1246 : vector<1x16xi32> to vector<16xi32>
    %mul3A_1248 = arith.muli %get3A_1247, %broadcast_in_dim3A_1 : vector<16xi32>
    %shift_right_logical3A_1249 = arith.shrui %mul3A_1248, %broadcast_in_dim3A_3 : vector<16xi32>
    %swap3A_1250 = arith.constant 7 : i32
    %swap3A_1251 = arith.index_cast %swap3A_1250 : i32 to index
    %swap3A_1252 = arith.constant 96 : index
    %swap3A_1253 = tpu.vector_load %arg10[%swap3A_1251, %swap3A_1252] {strides = array<i32>} : memref<8x128xi32, #tpu.memory_space<vmem>>, vector<1x16xi32>,
    %swap3A_1254 = vector.shape_cast %swap3A_1253 : vector<1x16xi32> to vector<16xi32>
    %swap3A_1255 = vector.shape_cast %shift_right_logical3A_1249 : vector<16xi32> to vector<1x16xi32>
    tpu.vector_store %arg10[%swap3A_1251, %swap3A_1252], %swap3A_1255 {strides = array<i32>} : memref<8x128xi32, #tpu.memory_space<vmem>>, vector<1x16xi32>,
    %add3A_1256 = arith.addi %shift_right_logical3A_1249, %broadcast_in_dim3A_5 : vector<16xi32>
    %swap3A_1257 = arith.constant 7 : i32
    %swap3A_1258 = arith.index_cast %swap3A_1257 : i32 to index
    %swap3A_1259 = arith.constant 96 : index
    %swap3A_1260 = tpu.vector_load %arg11[%swap3A_1258, %swap3A_1259] {strides = array<i32>} : memref<8x128xi32, #tpu.memory_space<vmem>>, vector<1x16xi32>,
    %swap3A_1261 = vector.shape_cast %swap3A_1260 : vector<1x16xi32> to vector<16xi32>
    %swap3A_1262 = vector.shape_cast %add3A_1256 : vector<16xi32> to vector<1x16xi32>
    tpu.vector_store %arg11[%swap3A_1258, %swap3A_1259], %swap3A_1262 {strides = array<i32>} : memref<8x128xi32, #tpu.memory_space<vmem>>, vector<1x16xi32>,
    %get3A_1263 = arith.constant 7 : i32
    %get3A_1264 = arith.index_cast %get3A_1263 : i32 to index
    %get3A_1265 = arith.constant 112 : index
    %get3A_1266 = tpu.vector_load %arg8[%get3A_1264, %get3A_1265] {strides = array<i32>} : memref<8x128xi32, #tpu.memory_space<vmem>>, vector<1x16xi32>,
    %get3A_1267 = vector.shape_cast %get3A_1266 : vector<1x16xi32> to vector<16xi32>
    %mul3A_1268 = arith.muli %get3A_1267, %broadcast_in_dim3A_1 : vector<16xi32>
    %shift_right_logical3A_1269 = arith.shrui %mul3A_1268, %broadcast_in_dim3A_3 : vector<16xi32>
    %swap3A_1270 = arith.constant 7 : i32
    %swap3A_1271 = arith.index_cast %swap3A_1270 : i32 to index
    %swap3A_1272 = arith.constant 112 : index
    %swap3A_1273 = tpu.vector_load %arg10[%swap3A_1271, %swap3A_1272] {strides = array<i32>} : memref<8x128xi32, #tpu.memory_space<vmem>>, vector<1x16xi32>,
    %swap3A_1274 = vector.shape_cast %swap3A_1273 : vector<1x16xi32> to vector<16xi32>
    %swap3A_1275 = vector.shape_cast %shift_right_logical3A_1269 : vector<16xi32> to vector<1x16xi32>
    tpu.vector_store %arg10[%swap3A_1271, %swap3A_1272], %swap3A_1275 {strides = array<i32>} : memref<8x128xi32, #tpu.memory_space<vmem>>, vector<1x16xi32>,
    %add3A_1276 = arith.addi %shift_right_logical3A_1269, %broadcast_in_dim3A_5 : vector<16xi32>
    %swap3A_1277 = arith.constant 7 : i32
    %swap3A_1278 = arith.index_cast %swap3A_1277 : i32 to index
    %swap3A_1279 = arith.constant 112 : index
    %swap3A_1280 = tpu.vector_load %arg11[%swap3A_1278, %swap3A_1279] {strides = array<i32>} : memref<8x128xi32, #tpu.memory_space<vmem>>, vector<1x16xi32>,
    %swap3A_1281 = vector.shape_cast %swap3A_1280 : vector<1x16xi32> to vector<16xi32>
    %swap3A_1282 = vector.shape_cast %add3A_1276 : vector<16xi32> to vector<1x16xi32>
    tpu.vector_store %arg11[%swap3A_1278, %swap3A_1279], %swap3A_1282 {strides = array<i32>} : memref<8x128xi32, #tpu.memory_space<vmem>>, vector<1x16xi32>,
    %get3A_1283 = arith.constant 0 : i32
    %get3A_1284 = arith.index_cast %get3A_1283 : i32 to index
    %get3A_1285 = arith.constant 0 : index
    %get3A_1286 = tpu.vector_load %arg9[%get3A_1284, %get3A_1285] {strides = array<i32>} : memref<2x128xi32, #tpu.memory_space<vmem>>, vector<1x16xi32>,
    %get3A_1287 = vector.shape_cast %get3A_1286 : vector<1x16xi32> to vector<16xi32>
    %mul3A_1288 = arith.muli %get3A_1287, %broadcast_in_dim3A_1 : vector<16xi32>
    %shift_right_logical3A_1289 = arith.shrui %mul3A_1288, %broadcast_in_dim3A_3 : vector<16xi32>
    %swap3A_1290 = arith.constant 0 : i32
    %swap3A_1291 = arith.index_cast %swap3A_1290 : i32 to index
    %swap3A_1292 = arith.constant 0 : index
    %swap3A_1293 = tpu.vector_load %arg12[%swap3A_1291, %swap3A_1292] {strides = array<i32>} : memref<2x128xi32, #tpu.memory_space<vmem>>, vector<1x16xi32>,
    %swap3A_1294 = vector.shape_cast %swap3A_1293 : vector<1x16xi32> to vector<16xi32>
    %swap3A_1295 = vector.shape_cast %shift_right_logical3A_1289 : vector<16xi32> to vector<1x16xi32>
    tpu.vector_store %arg12[%swap3A_1291, %swap3A_1292], %swap3A_1295 {strides = array<i32>} : memref<2x128xi32, #tpu.memory_space<vmem>>, vector<1x16xi32>,
    %add3A_1296 = arith.addi %shift_right_logical3A_1289, %broadcast_in_dim3A_5 : vector<16xi32>
    %swap3A_1297 = arith.constant 0 : i32
    %swap3A_1298 = arith.index_cast %swap3A_1297 : i32 to index
    %swap3A_1299 = arith.constant 0 : index
    %swap3A_1300 = tpu.vector_load %arg13[%swap3A_1298, %swap3A_1299] {strides = array<i32>} : memref<2x128xi32, #tpu.memory_space<vmem>>, vector<1x16xi32>,
    %swap3A_1301 = vector.shape_cast %swap3A_1300 : vector<1x16xi32> to vector<16xi32>
    %swap3A_1302 = vector.shape_cast %add3A_1296 : vector<16xi32> to vector<1x16xi32>
    tpu.vector_store %arg13[%swap3A_1298, %swap3A_1299], %swap3A_1302 {strides = array<i32>} : memref<2x128xi32, #tpu.memory_space<vmem>>, vector<1x16xi32>,
    %get3A_1303 = arith.constant 0 : i32
    %get3A_1304 = arith.index_cast %get3A_1303 : i32 to index
    %get3A_1305 = arith.constant 16 : index
    %get3A_1306 = tpu.vector_load %arg9[%get3A_1304, %get3A_1305] {strides = array<i32>} : memref<2x128xi32, #tpu.memory_space<vmem>>, vector<1x16xi32>,
    %get3A_1307 = vector.shape_cast %get3A_1306 : vector<1x16xi32> to vector<16xi32>
    %mul3A_1308 = arith.muli %get3A_1307, %broadcast_in_dim3A_1 : vector<16xi32>
    %shift_right_logical3A_1309 = arith.shrui %mul3A_1308, %broadcast_in_dim3A_3 : vector<16xi32>
    %swap3A_1310 = arith.constant 0 : i32
    %swap3A_1311 = arith.index_cast %swap3A_1310 : i32 to index
    %swap3A_1312 = arith.constant 16 : index
    %swap3A_1313 = tpu.vector_load %arg12[%swap3A_1311, %swap3A_1312] {strides = array<i32>} : memref<2x128xi32, #tpu.memory_space<vmem>>, vector<1x16xi32>,
    %swap3A_1314 = vector.shape_cast %swap3A_1313 : vector<1x16xi32> to vector<16xi32>
    %swap3A_1315 = vector.shape_cast %shift_right_logical3A_1309 : vector<16xi32> to vector<1x16xi32>
    tpu.vector_store %arg12[%swap3A_1311, %swap3A_1312], %swap3A_1315 {strides = array<i32>} : memref<2x128xi32, #tpu.memory_space<vmem>>, vector<1x16xi32>,
    %add3A_1316 = arith.addi %shift_right_logical3A_1309, %broadcast_in_dim3A_5 : vector<16xi32>
    %swap3A_1317 = arith.constant 0 : i32
    %swap3A_1318 = arith.index_cast %swap3A_1317 : i32 to index
    %swap3A_1319 = arith.constant 16 : index
    %swap3A_1320 = tpu.vector_load %arg13[%swap3A_1318, %swap3A_1319] {strides = array<i32>} : memref<2x128xi32, #tpu.memory_space<vmem>>, vector<1x16xi32>,
    %swap3A_1321 = vector.shape_cast %swap3A_1320 : vector<1x16xi32> to vector<16xi32>
    %swap3A_1322 = vector.shape_cast %add3A_1316 : vector<16xi32> to vector<1x16xi32>
    tpu.vector_store %arg13[%swap3A_1318, %swap3A_1319], %swap3A_1322 {strides = array<i32>} : memref<2x128xi32, #tpu.memory_space<vmem>>, vector<1x16xi32>,
    %get3A_1323 = arith.constant 0 : i32
    %get3A_1324 = arith.index_cast %get3A_1323 : i32 to index
    %get3A_1325 = arith.constant 32 : index
    %get3A_1326 = tpu.vector_load %arg9[%get3A_1324, %get3A_1325] {strides = array<i32>} : memref<2x128xi32, #tpu.memory_space<vmem>>, vector<1x16xi32>,
    %get3A_1327 = vector.shape_cast %get3A_1326 : vector<1x16xi32> to vector<16xi32>
    %mul3A_1328 = arith.muli %get3A_1327, %broadcast_in_dim3A_1 : vector<16xi32>
    %shift_right_logical3A_1329 = arith.shrui %mul3A_1328, %broadcast_in_dim3A_3 : vector<16xi32>
    %swap3A_1330 = arith.constant 0 : i32
    %swap3A_1331 = arith.index_cast %swap3A_1330 : i32 to index
    %swap3A_1332 = arith.constant 32 : index
    %swap3A_1333 = tpu.vector_load %arg12[%swap3A_1331, %swap3A_1332] {strides = array<i32>} : memref<2x128xi32, #tpu.memory_space<vmem>>, vector<1x16xi32>,
    %swap3A_1334 = vector.shape_cast %swap3A_1333 : vector<1x16xi32> to vector<16xi32>
    %swap3A_1335 = vector.shape_cast %shift_right_logical3A_1329 : vector<16xi32> to vector<1x16xi32>
    tpu.vector_store %arg12[%swap3A_1331, %swap3A_1332], %swap3A_1335 {strides = array<i32>} : memref<2x128xi32, #tpu.memory_space<vmem>>, vector<1x16xi32>,
    %add3A_1336 = arith.addi %shift_right_logical3A_1329, %broadcast_in_dim3A_5 : vector<16xi32>
    %swap3A_1337 = arith.constant 0 : i32
    %swap3A_1338 = arith.index_cast %swap3A_1337 : i32 to index
    %swap3A_1339 = arith.constant 32 : index
    %swap3A_1340 = tpu.vector_load %arg13[%swap3A_1338, %swap3A_1339] {strides = array<i32>} : memref<2x128xi32, #tpu.memory_space<vmem>>, vector<1x16xi32>,
    %swap3A_1341 = vector.shape_cast %swap3A_1340 : vector<1x16xi32> to vector<16xi32>
    %swap3A_1342 = vector.shape_cast %add3A_1336 : vector<16xi32> to vector<1x16xi32>
    tpu.vector_store %arg13[%swap3A_1338, %swap3A_1339], %swap3A_1342 {strides = array<i32>} : memref<2x128xi32, #tpu.memory_space<vmem>>, vector<1x16xi32>,
    %get3A_1343 = arith.constant 0 : i32
    %get3A_1344 = arith.index_cast %get3A_1343 : i32 to index
    %get3A_1345 = arith.constant 48 : index
    %get3A_1346 = tpu.vector_load %arg9[%get3A_1344, %get3A_1345] {strides = array<i32>} : memref<2x128xi32, #tpu.memory_space<vmem>>, vector<1x16xi32>,
    %get3A_1347 = vector.shape_cast %get3A_1346 : vector<1x16xi32> to vector<16xi32>
    %mul3A_1348 = arith.muli %get3A_1347, %broadcast_in_dim3A_1 : vector<16xi32>
    %shift_right_logical3A_1349 = arith.shrui %mul3A_1348, %broadcast_in_dim3A_3 : vector<16xi32>
    %swap3A_1350 = arith.constant 0 : i32
    %swap3A_1351 = arith.index_cast %swap3A_1350 : i32 to index
    %swap3A_1352 = arith.constant 48 : index
    %swap3A_1353 = tpu.vector_load %arg12[%swap3A_1351, %swap3A_1352] {strides = array<i32>} : memref<2x128xi32, #tpu.memory_space<vmem>>, vector<1x16xi32>,
    %swap3A_1354 = vector.shape_cast %swap3A_1353 : vector<1x16xi32> to vector<16xi32>
    %swap3A_1355 = vector.shape_cast %shift_right_logical3A_1349 : vector<16xi32> to vector<1x16xi32>
    tpu.vector_store %arg12[%swap3A_1351, %swap3A_1352], %swap3A_1355 {strides = array<i32>} : memref<2x128xi32, #tpu.memory_space<vmem>>, vector<1x16xi32>,
    %add3A_1356 = arith.addi %shift_right_logical3A_1349, %broadcast_in_dim3A_5 : vector<16xi32>
    %swap3A_1357 = arith.constant 0 : i32
    %swap3A_1358 = arith.index_cast %swap3A_1357 : i32 to index
    %swap3A_1359 = arith.constant 48 : index
    %swap3A_1360 = tpu.vector_load %arg13[%swap3A_1358, %swap3A_1359] {strides = array<i32>} : memref<2x128xi32, #tpu.memory_space<vmem>>, vector<1x16xi32>,
    %swap3A_1361 = vector.shape_cast %swap3A_1360 : vector<1x16xi32> to vector<16xi32>
    %swap3A_1362 = vector.shape_cast %add3A_1356 : vector<16xi32> to vector<1x16xi32>
    tpu.vector_store %arg13[%swap3A_1358, %swap3A_1359], %swap3A_1362 {strides = array<i32>} : memref<2x128xi32, #tpu.memory_space<vmem>>, vector<1x16xi32>,
    %get3A_1363 = arith.constant 0 : i32
    %get3A_1364 = arith.index_cast %get3A_1363 : i32 to index
    %get3A_1365 = arith.constant 64 : index
    %get3A_1366 = tpu.vector_load %arg9[%get3A_1364, %get3A_1365] {strides = array<i32>} : memref<2x128xi32, #tpu.memory_space<vmem>>, vector<1x16xi32>,
    %get3A_1367 = vector.shape_cast %get3A_1366 : vector<1x16xi32> to vector<16xi32>
    %mul3A_1368 = arith.muli %get3A_1367, %broadcast_in_dim3A_1 : vector<16xi32>
    %shift_right_logical3A_1369 = arith.shrui %mul3A_1368, %broadcast_in_dim3A_3 : vector<16xi32>
    %swap3A_1370 = arith.constant 0 : i32
    %swap3A_1371 = arith.index_cast %swap3A_1370 : i32 to index
    %swap3A_1372 = arith.constant 64 : index
    %swap3A_1373 = tpu.vector_load %arg12[%swap3A_1371, %swap3A_1372] {strides = array<i32>} : memref<2x128xi32, #tpu.memory_space<vmem>>, vector<1x16xi32>,
    %swap3A_1374 = vector.shape_cast %swap3A_1373 : vector<1x16xi32> to vector<16xi32>
    %swap3A_1375 = vector.shape_cast %shift_right_logical3A_1369 : vector<16xi32> to vector<1x16xi32>
    tpu.vector_store %arg12[%swap3A_1371, %swap3A_1372], %swap3A_1375 {strides = array<i32>} : memref<2x128xi32, #tpu.memory_space<vmem>>, vector<1x16xi32>,
    %add3A_1376 = arith.addi %shift_right_logical3A_1369, %broadcast_in_dim3A_5 : vector<16xi32>
    %swap3A_1377 = arith.constant 0 : i32
    %swap3A_1378 = arith.index_cast %swap3A_1377 : i32 to index
    %swap3A_1379 = arith.constant 64 : index
    %swap3A_1380 = tpu.vector_load %arg13[%swap3A_1378, %swap3A_1379] {strides = array<i32>} : memref<2x128xi32, #tpu.memory_space<vmem>>, vector<1x16xi32>,
    %swap3A_1381 = vector.shape_cast %swap3A_1380 : vector<1x16xi32> to vector<16xi32>
    %swap3A_1382 = vector.shape_cast %add3A_1376 : vector<16xi32> to vector<1x16xi32>
    tpu.vector_store %arg13[%swap3A_1378, %swap3A_1379], %swap3A_1382 {strides = array<i32>} : memref<2x128xi32, #tpu.memory_space<vmem>>, vector<1x16xi32>,
    %get3A_1383 = arith.constant 0 : i32
    %get3A_1384 = arith.index_cast %get3A_1383 : i32 to index
    %get3A_1385 = arith.constant 80 : index
    %get3A_1386 = tpu.vector_load %arg9[%get3A_1384, %get3A_1385] {strides = array<i32>} : memref<2x128xi32, #tpu.memory_space<vmem>>, vector<1x16xi32>,
    %get3A_1387 = vector.shape_cast %get3A_1386 : vector<1x16xi32> to vector<16xi32>
    %mul3A_1388 = arith.muli %get3A_1387, %broadcast_in_dim3A_1 : vector<16xi32>
    %shift_right_logical3A_1389 = arith.shrui %mul3A_1388, %broadcast_in_dim3A_3 : vector<16xi32>
    %swap3A_1390 = arith.constant 0 : i32
    %swap3A_1391 = arith.index_cast %swap3A_1390 : i32 to index
    %swap3A_1392 = arith.constant 80 : index
    %swap3A_1393 = tpu.vector_load %arg12[%swap3A_1391, %swap3A_1392] {strides = array<i32>} : memref<2x128xi32, #tpu.memory_space<vmem>>, vector<1x16xi32>,
    %swap3A_1394 = vector.shape_cast %swap3A_1393 : vector<1x16xi32> to vector<16xi32>
    %swap3A_1395 = vector.shape_cast %shift_right_logical3A_1389 : vector<16xi32> to vector<1x16xi32>
    tpu.vector_store %arg12[%swap3A_1391, %swap3A_1392], %swap3A_1395 {strides = array<i32>} : memref<2x128xi32, #tpu.memory_space<vmem>>, vector<1x16xi32>,
    %add3A_1396 = arith.addi %shift_right_logical3A_1389, %broadcast_in_dim3A_5 : vector<16xi32>
    %swap3A_1397 = arith.constant 0 : i32
    %swap3A_1398 = arith.index_cast %swap3A_1397 : i32 to index
    %swap3A_1399 = arith.constant 80 : index
    %swap3A_1400 = tpu.vector_load %arg13[%swap3A_1398, %swap3A_1399] {strides = array<i32>} : memref<2x128xi32, #tpu.memory_space<vmem>>, vector<1x16xi32>,
    %swap3A_1401 = vector.shape_cast %swap3A_1400 : vector<1x16xi32> to vector<16xi32>
    %swap3A_1402 = vector.shape_cast %add3A_1396 : vector<16xi32> to vector<1x16xi32>
    tpu.vector_store %arg13[%swap3A_1398, %swap3A_1399], %swap3A_1402 {strides = array<i32>} : memref<2x128xi32, #tpu.memory_space<vmem>>, vector<1x16xi32>,
    %get3A_1403 = arith.constant 0 : i32
    %get3A_1404 = arith.index_cast %get3A_1403 : i32 to index
    %get3A_1405 = arith.constant 96 : index
    %get3A_1406 = tpu.vector_load %arg9[%get3A_1404, %get3A_1405] {strides = array<i32>} : memref<2x128xi32, #tpu.memory_space<vmem>>, vector<1x16xi32>,
    %get3A_1407 = vector.shape_cast %get3A_1406 : vector<1x16xi32> to vector<16xi32>
    %mul3A_1408 = arith.muli %get3A_1407, %broadcast_in_dim3A_1 : vector<16xi32>
    %shift_right_logical3A_1409 = arith.shrui %mul3A_1408, %broadcast_in_dim3A_3 : vector<16xi32>
    %swap3A_1410 = arith.constant 0 : i32
    %swap3A_1411 = arith.index_cast %swap3A_1410 : i32 to index
    %swap3A_1412 = arith.constant 96 : index
    %swap3A_1413 = tpu.vector_load %arg12[%swap3A_1411, %swap3A_1412] {strides = array<i32>} : memref<2x128xi32, #tpu.memory_space<vmem>>, vector<1x16xi32>,
    %swap3A_1414 = vector.shape_cast %swap3A_1413 : vector<1x16xi32> to vector<16xi32>
    %swap3A_1415 = vector.shape_cast %shift_right_logical3A_1409 : vector<16xi32> to vector<1x16xi32>
    tpu.vector_store %arg12[%swap3A_1411, %swap3A_1412], %swap3A_1415 {strides = array<i32>} : memref<2x128xi32, #tpu.memory_space<vmem>>, vector<1x16xi32>,
    %add3A_1416 = arith.addi %shift_right_logical3A_1409, %broadcast_in_dim3A_5 : vector<16xi32>
    %swap3A_1417 = arith.constant 0 : i32
    %swap3A_1418 = arith.index_cast %swap3A_1417 : i32 to index
    %swap3A_1419 = arith.constant 96 : index
    %swap3A_1420 = tpu.vector_load %arg13[%swap3A_1418, %swap3A_1419] {strides = array<i32>} : memref<2x128xi32, #tpu.memory_space<vmem>>, vector<1x16xi32>,
    %swap3A_1421 = vector.shape_cast %swap3A_1420 : vector<1x16xi32> to vector<16xi32>
    %swap3A_1422 = vector.shape_cast %add3A_1416 : vector<16xi32> to vector<1x16xi32>
    tpu.vector_store %arg13[%swap3A_1418, %swap3A_1419], %swap3A_1422 {strides = array<i32>} : memref<2x128xi32, #tpu.memory_space<vmem>>, vector<1x16xi32>,
    %get3A_1423 = arith.constant 0 : i32
    %get3A_1424 = arith.index_cast %get3A_1423 : i32 to index
    %get3A_1425 = arith.constant 112 : index
    %get3A_1426 = tpu.vector_load %arg9[%get3A_1424, %get3A_1425] {strides = array<i32>} : memref<2x128xi32, #tpu.memory_space<vmem>>, vector<1x16xi32>,
    %get3A_1427 = vector.shape_cast %get3A_1426 : vector<1x16xi32> to vector<16xi32>
    %mul3A_1428 = arith.muli %get3A_1427, %broadcast_in_dim3A_1 : vector<16xi32>
    %shift_right_logical3A_1429 = arith.shrui %mul3A_1428, %broadcast_in_dim3A_3 : vector<16xi32>
    %swap3A_1430 = arith.constant 0 : i32
    %swap3A_1431 = arith.index_cast %swap3A_1430 : i32 to index
    %swap3A_1432 = arith.constant 112 : index
    %swap3A_1433 = tpu.vector_load %arg12[%swap3A_1431, %swap3A_1432] {strides = array<i32>} : memref<2x128xi32, #tpu.memory_space<vmem>>, vector<1x16xi32>,
    %swap3A_1434 = vector.shape_cast %swap3A_1433 : vector<1x16xi32> to vector<16xi32>
    %swap3A_1435 = vector.shape_cast %shift_right_logical3A_1429 : vector<16xi32> to vector<1x16xi32>
    tpu.vector_store %arg12[%swap3A_1431, %swap3A_1432], %swap3A_1435 {strides = array<i32>} : memref<2x128xi32, #tpu.memory_space<vmem>>, vector<1x16xi32>,
    %add3A_1436 = arith.addi %shift_right_logical3A_1429, %broadcast_in_dim3A_5 : vector<16xi32>
    %swap3A_1437 = arith.constant 0 : i32
    %swap3A_1438 = arith.index_cast %swap3A_1437 : i32 to index
    %swap3A_1439 = arith.constant 112 : index
    %swap3A_1440 = tpu.vector_load %arg13[%swap3A_1438, %swap3A_1439] {strides = array<i32>} : memref<2x128xi32, #tpu.memory_space<vmem>>, vector<1x16xi32>,
    %swap3A_1441 = vector.shape_cast %swap3A_1440 : vector<1x16xi32> to vector<16xi32>
    %swap3A_1442 = vector.shape_cast %add3A_1436 : vector<16xi32> to vector<1x16xi32>
    tpu.vector_store %arg13[%swap3A_1438, %swap3A_1439], %swap3A_1442 {strides = array<i32>} : memref<2x128xi32, #tpu.memory_space<vmem>>, vector<1x16xi32>,
    %get3A_1443 = arith.constant 1 : i32
    %get3A_1444 = arith.index_cast %get3A_1443 : i32 to index
    %get3A_1445 = arith.constant 0 : index
    %get3A_1446 = tpu.vector_load %arg9[%get3A_1444, %get3A_1445] {strides = array<i32>} : memref<2x128xi32, #tpu.memory_space<vmem>>, vector<1x16xi32>,
    %get3A_1447 = vector.shape_cast %get3A_1446 : vector<1x16xi32> to vector<16xi32>
    %mul3A_1448 = arith.muli %get3A_1447, %broadcast_in_dim3A_1 : vector<16xi32>
    %shift_right_logical3A_1449 = arith.shrui %mul3A_1448, %broadcast_in_dim3A_3 : vector<16xi32>
    %swap3A_1450 = arith.constant 1 : i32
    %swap3A_1451 = arith.index_cast %swap3A_1450 : i32 to index
    %swap3A_1452 = arith.constant 0 : index
    %swap3A_1453 = tpu.vector_load %arg12[%swap3A_1451, %swap3A_1452] {strides = array<i32>} : memref<2x128xi32, #tpu.memory_space<vmem>>, vector<1x16xi32>,
    %swap3A_1454 = vector.shape_cast %swap3A_1453 : vector<1x16xi32> to vector<16xi32>
    %swap3A_1455 = vector.shape_cast %shift_right_logical3A_1449 : vector<16xi32> to vector<1x16xi32>
    tpu.vector_store %arg12[%swap3A_1451, %swap3A_1452], %swap3A_1455 {strides = array<i32>} : memref<2x128xi32, #tpu.memory_space<vmem>>, vector<1x16xi32>,
    %add3A_1456 = arith.addi %shift_right_logical3A_1449, %broadcast_in_dim3A_5 : vector<16xi32>
    %swap3A_1457 = arith.constant 1 : i32
    %swap3A_1458 = arith.index_cast %swap3A_1457 : i32 to index
    %swap3A_1459 = arith.constant 0 : index
    %swap3A_1460 = tpu.vector_load %arg13[%swap3A_1458, %swap3A_1459] {strides = array<i32>} : memref<2x128xi32, #tpu.memory_space<vmem>>, vector<1x16xi32>,
    %swap3A_1461 = vector.shape_cast %swap3A_1460 : vector<1x16xi32> to vector<16xi32>
    %swap3A_1462 = vector.shape_cast %add3A_1456 : vector<16xi32> to vector<1x16xi32>
    tpu.vector_store %arg13[%swap3A_1458, %swap3A_1459], %swap3A_1462 {strides = array<i32>} : memref<2x128xi32, #tpu.memory_space<vmem>>, vector<1x16xi32>,
    %get3A_1463 = arith.constant 1 : i32
    %get3A_1464 = arith.index_cast %get3A_1463 : i32 to index
    %get3A_1465 = arith.constant 16 : index
    %get3A_1466 = tpu.vector_load %arg9[%get3A_1464, %get3A_1465] {strides = array<i32>} : memref<2x128xi32, #tpu.memory_space<vmem>>, vector<1x16xi32>,
    %get3A_1467 = vector.shape_cast %get3A_1466 : vector<1x16xi32> to vector<16xi32>
    %mul3A_1468 = arith.muli %get3A_1467, %broadcast_in_dim3A_1 : vector<16xi32>
    %shift_right_logical3A_1469 = arith.shrui %mul3A_1468, %broadcast_in_dim3A_3 : vector<16xi32>
    %swap3A_1470 = arith.constant 1 : i32
    %swap3A_1471 = arith.index_cast %swap3A_1470 : i32 to index
    %swap3A_1472 = arith.constant 16 : index
    %swap3A_1473 = tpu.vector_load %arg12[%swap3A_1471, %swap3A_1472] {strides = array<i32>} : memref<2x128xi32, #tpu.memory_space<vmem>>, vector<1x16xi32>,
    %swap3A_1474 = vector.shape_cast %swap3A_1473 : vector<1x16xi32> to vector<16xi32>
    %swap3A_1475 = vector.shape_cast %shift_right_logical3A_1469 : vector<16xi32> to vector<1x16xi32>
    tpu.vector_store %arg12[%swap3A_1471, %swap3A_1472], %swap3A_1475 {strides = array<i32>} : memref<2x128xi32, #tpu.memory_space<vmem>>, vector<1x16xi32>,
    %add3A_1476 = arith.addi %shift_right_logical3A_1469, %broadcast_in_dim3A_5 : vector<16xi32>
    %swap3A_1477 = arith.constant 1 : i32
    %swap3A_1478 = arith.index_cast %swap3A_1477 : i32 to index
    %swap3A_1479 = arith.constant 16 : index
    %swap3A_1480 = tpu.vector_load %arg13[%swap3A_1478, %swap3A_1479] {strides = array<i32>} : memref<2x128xi32, #tpu.memory_space<vmem>>, vector<1x16xi32>,
    %swap3A_1481 = vector.shape_cast %swap3A_1480 : vector<1x16xi32> to vector<16xi32>
    %swap3A_1482 = vector.shape_cast %add3A_1476 : vector<16xi32> to vector<1x16xi32>
    tpu.vector_store %arg13[%swap3A_1478, %swap3A_1479], %swap3A_1482 {strides = array<i32>} : memref<2x128xi32, #tpu.memory_space<vmem>>, vector<1x16xi32>,
    %get3A_1483 = arith.constant 1 : i32
    %get3A_1484 = arith.index_cast %get3A_1483 : i32 to index
    %get3A_1485 = arith.constant 32 : index
    %get3A_1486 = tpu.vector_load %arg9[%get3A_1484, %get3A_1485] {strides = array<i32>} : memref<2x128xi32, #tpu.memory_space<vmem>>, vector<1x16xi32>,
    %get3A_1487 = vector.shape_cast %get3A_1486 : vector<1x16xi32> to vector<16xi32>
    %mul3A_1488 = arith.muli %get3A_1487, %broadcast_in_dim3A_1 : vector<16xi32>
    %shift_right_logical3A_1489 = arith.shrui %mul3A_1488, %broadcast_in_dim3A_3 : vector<16xi32>
    %swap3A_1490 = arith.constant 1 : i32
    %swap3A_1491 = arith.index_cast %swap3A_1490 : i32 to index
    %swap3A_1492 = arith.constant 32 : index
    %swap3A_1493 = tpu.vector_load %arg12[%swap3A_1491, %swap3A_1492] {strides = array<i32>} : memref<2x128xi32, #tpu.memory_space<vmem>>, vector<1x16xi32>,
    %swap3A_1494 = vector.shape_cast %swap3A_1493 : vector<1x16xi32> to vector<16xi32>
    %swap3A_1495 = vector.shape_cast %shift_right_logical3A_1489 : vector<16xi32> to vector<1x16xi32>
    tpu.vector_store %arg12[%swap3A_1491, %swap3A_1492], %swap3A_1495 {strides = array<i32>} : memref<2x128xi32, #tpu.memory_space<vmem>>, vector<1x16xi32>,
    %add3A_1496 = arith.addi %shift_right_logical3A_1489, %broadcast_in_dim3A_5 : vector<16xi32>
    %swap3A_1497 = arith.constant 1 : i32
    %swap3A_1498 = arith.index_cast %swap3A_1497 : i32 to index
    %swap3A_1499 = arith.constant 32 : index
    %swap3A_1500 = tpu.vector_load %arg13[%swap3A_1498, %swap3A_1499] {strides = array<i32>} : memref<2x128xi32, #tpu.memory_space<vmem>>, vector<1x16xi32>,
    %swap3A_1501 = vector.shape_cast %swap3A_1500 : vector<1x16xi32> to vector<16xi32>
    %swap3A_1502 = vector.shape_cast %add3A_1496 : vector<16xi32> to vector<1x16xi32>
    tpu.vector_store %arg13[%swap3A_1498, %swap3A_1499], %swap3A_1502 {strides = array<i32>} : memref<2x128xi32, #tpu.memory_space<vmem>>, vector<1x16xi32>,
    %get3A_1503 = arith.constant 1 : i32
    %get3A_1504 = arith.index_cast %get3A_1503 : i32 to index
    %get3A_1505 = arith.constant 48 : index
    %get3A_1506 = tpu.vector_load %arg9[%get3A_1504, %get3A_1505] {strides = array<i32>} : memref<2x128xi32, #tpu.memory_space<vmem>>, vector<1x16xi32>,
    %get3A_1507 = vector.shape_cast %get3A_1506 : vector<1x16xi32> to vector<16xi32>
    %mul3A_1508 = arith.muli %get3A_1507, %broadcast_in_dim3A_1 : vector<16xi32>
    %shift_right_logical3A_1509 = arith.shrui %mul3A_1508, %broadcast_in_dim3A_3 : vector<16xi32>
    %swap3A_1510 = arith.constant 1 : i32
    %swap3A_1511 = arith.index_cast %swap3A_1510 : i32 to index
    %swap3A_1512 = arith.constant 48 : index
    %swap3A_1513 = tpu.vector_load %arg12[%swap3A_1511, %swap3A_1512] {strides = array<i32>} : memref<2x128xi32, #tpu.memory_space<vmem>>, vector<1x16xi32>,
    %swap3A_1514 = vector.shape_cast %swap3A_1513 : vector<1x16xi32> to vector<16xi32>
    %swap3A_1515 = vector.shape_cast %shift_right_logical3A_1509 : vector<16xi32> to vector<1x16xi32>
    tpu.vector_store %arg12[%swap3A_1511, %swap3A_1512], %swap3A_1515 {strides = array<i32>} : memref<2x128xi32, #tpu.memory_space<vmem>>, vector<1x16xi32>,
    %add3A_1516 = arith.addi %shift_right_logical3A_1509, %broadcast_in_dim3A_5 : vector<16xi32>
    %swap3A_1517 = arith.constant 1 : i32
    %swap3A_1518 = arith.index_cast %swap3A_1517 : i32 to index
    %swap3A_1519 = arith.constant 48 : index
    %swap3A_1520 = tpu.vector_load %arg13[%swap3A_1518, %swap3A_1519] {strides = array<i32>} : memref<2x128xi32, #tpu.memory_space<vmem>>, vector<1x16xi32>,
    %swap3A_1521 = vector.shape_cast %swap3A_1520 : vector<1x16xi32> to vector<16xi32>
    %swap3A_1522 = vector.shape_cast %add3A_1516 : vector<16xi32> to vector<1x16xi32>
    tpu.vector_store %arg13[%swap3A_1518, %swap3A_1519], %swap3A_1522 {strides = array<i32>} : memref<2x128xi32, #tpu.memory_space<vmem>>, vector<1x16xi32>,
    %get3A_1523 = arith.constant 1 : i32
    %get3A_1524 = arith.index_cast %get3A_1523 : i32 to index
    %get3A_1525 = arith.constant 64 : index
    %get3A_1526 = tpu.vector_load %arg9[%get3A_1524, %get3A_1525] {strides = array<i32>} : memref<2x128xi32, #tpu.memory_space<vmem>>, vector<1x16xi32>,
    %get3A_1527 = vector.shape_cast %get3A_1526 : vector<1x16xi32> to vector<16xi32>
    %mul3A_1528 = arith.muli %get3A_1527, %broadcast_in_dim3A_1 : vector<16xi32>
    %shift_right_logical3A_1529 = arith.shrui %mul3A_1528, %broadcast_in_dim3A_3 : vector<16xi32>
    %swap3A_1530 = arith.constant 1 : i32
    %swap3A_1531 = arith.index_cast %swap3A_1530 : i32 to index
    %swap3A_1532 = arith.constant 64 : index
    %swap3A_1533 = tpu.vector_load %arg12[%swap3A_1531, %swap3A_1532] {strides = array<i32>} : memref<2x128xi32, #tpu.memory_space<vmem>>, vector<1x16xi32>,
    %swap3A_1534 = vector.shape_cast %swap3A_1533 : vector<1x16xi32> to vector<16xi32>
    %swap3A_1535 = vector.shape_cast %shift_right_logical3A_1529 : vector<16xi32> to vector<1x16xi32>
    tpu.vector_store %arg12[%swap3A_1531, %swap3A_1532], %swap3A_1535 {strides = array<i32>} : memref<2x128xi32, #tpu.memory_space<vmem>>, vector<1x16xi32>,
    %add3A_1536 = arith.addi %shift_right_logical3A_1529, %broadcast_in_dim3A_5 : vector<16xi32>
    %swap3A_1537 = arith.constant 1 : i32
    %swap3A_1538 = arith.index_cast %swap3A_1537 : i32 to index
    %swap3A_1539 = arith.constant 64 : index
    %swap3A_1540 = tpu.vector_load %arg13[%swap3A_1538, %swap3A_1539] {strides = array<i32>} : memref<2x128xi32, #tpu.memory_space<vmem>>, vector<1x16xi32>,
    %swap3A_1541 = vector.shape_cast %swap3A_1540 : vector<1x16xi32> to vector<16xi32>
    %swap3A_1542 = vector.shape_cast %add3A_1536 : vector<16xi32> to vector<1x16xi32>
    tpu.vector_store %arg13[%swap3A_1538, %swap3A_1539], %swap3A_1542 {strides = array<i32>} : memref<2x128xi32, #tpu.memory_space<vmem>>, vector<1x16xi32>,
    %get3A_1543 = arith.constant 1 : i32
    %get3A_1544 = arith.index_cast %get3A_1543 : i32 to index
    %get3A_1545 = arith.constant 80 : index
    %get3A_1546 = tpu.vector_load %arg9[%get3A_1544, %get3A_1545] {strides = array<i32>} : memref<2x128xi32, #tpu.memory_space<vmem>>, vector<1x16xi32>,
    %get3A_1547 = vector.shape_cast %get3A_1546 : vector<1x16xi32> to vector<16xi32>
    %mul3A_1548 = arith.muli %get3A_1547, %broadcast_in_dim3A_1 : vector<16xi32>
    %shift_right_logical3A_1549 = arith.shrui %mul3A_1548, %broadcast_in_dim3A_3 : vector<16xi32>
    %swap3A_1550 = arith.constant 1 : i32
    %swap3A_1551 = arith.index_cast %swap3A_1550 : i32 to index
    %swap3A_1552 = arith.constant 80 : index
    %swap3A_1553 = tpu.vector_load %arg12[%swap3A_1551, %swap3A_1552] {strides = array<i32>} : memref<2x128xi32, #tpu.memory_space<vmem>>, vector<1x16xi32>,
    %swap3A_1554 = vector.shape_cast %swap3A_1553 : vector<1x16xi32> to vector<16xi32>
    %swap3A_1555 = vector.shape_cast %shift_right_logical3A_1549 : vector<16xi32> to vector<1x16xi32>
    tpu.vector_store %arg12[%swap3A_1551, %swap3A_1552], %swap3A_1555 {strides = array<i32>} : memref<2x128xi32, #tpu.memory_space<vmem>>, vector<1x16xi32>,
    %add3A_1556 = arith.addi %shift_right_logical3A_1549, %broadcast_in_dim3A_5 : vector<16xi32>
    %swap3A_1557 = arith.constant 1 : i32
    %swap3A_1558 = arith.index_cast %swap3A_1557 : i32 to index
    %swap3A_1559 = arith.constant 80 : index
    %swap3A_1560 = tpu.vector_load %arg13[%swap3A_1558, %swap3A_1559] {strides = array<i32>} : memref<2x128xi32, #tpu.memory_space<vmem>>, vector<1x16xi32>,
    %swap3A_1561 = vector.shape_cast %swap3A_1560 : vector<1x16xi32> to vector<16xi32>
    %swap3A_1562 = vector.shape_cast %add3A_1556 : vector<16xi32> to vector<1x16xi32>
    tpu.vector_store %arg13[%swap3A_1558, %swap3A_1559], %swap3A_1562 {strides = array<i32>} : memref<2x128xi32, #tpu.memory_space<vmem>>, vector<1x16xi32>,
    %get3A_1563 = arith.constant 1 : i32
    %get3A_1564 = arith.index_cast %get3A_1563 : i32 to index
    %get3A_1565 = arith.constant 96 : index
    %get3A_1566 = tpu.vector_load %arg9[%get3A_1564, %get3A_1565] {strides = array<i32>} : memref<2x128xi32, #tpu.memory_space<vmem>>, vector<1x16xi32>,
    %get3A_1567 = vector.shape_cast %get3A_1566 : vector<1x16xi32> to vector<16xi32>
    %mul3A_1568 = arith.muli %get3A_1567, %broadcast_in_dim3A_1 : vector<16xi32>
    %shift_right_logical3A_1569 = arith.shrui %mul3A_1568, %broadcast_in_dim3A_3 : vector<16xi32>
    %swap3A_1570 = arith.constant 1 : i32
    %swap3A_1571 = arith.index_cast %swap3A_1570 : i32 to index
    %swap3A_1572 = arith.constant 96 : index
    %swap3A_1573 = tpu.vector_load %arg12[%swap3A_1571, %swap3A_1572] {strides = array<i32>} : memref<2x128xi32, #tpu.memory_space<vmem>>, vector<1x16xi32>,
    %swap3A_1574 = vector.shape_cast %swap3A_1573 : vector<1x16xi32> to vector<16xi32>
    %swap3A_1575 = vector.shape_cast %shift_right_logical3A_1569 : vector<16xi32> to vector<1x16xi32>
    tpu.vector_store %arg12[%swap3A_1571, %swap3A_1572], %swap3A_1575 {strides = array<i32>} : memref<2x128xi32, #tpu.memory_space<vmem>>, vector<1x16xi32>,
    %add3A_1576 = arith.addi %shift_right_logical3A_1569, %broadcast_in_dim3A_5 : vector<16xi32>
    %swap3A_1577 = arith.constant 1 : i32
    %swap3A_1578 = arith.index_cast %swap3A_1577 : i32 to index
    %swap3A_1579 = arith.constant 96 : index
    %swap3A_1580 = tpu.vector_load %arg13[%swap3A_1578, %swap3A_1579] {strides = array<i32>} : memref<2x128xi32, #tpu.memory_space<vmem>>, vector<1x16xi32>,
    %swap3A_1581 = vector.shape_cast %swap3A_1580 : vector<1x16xi32> to vector<16xi32>
    %swap3A_1582 = vector.shape_cast %add3A_1576 : vector<16xi32> to vector<1x16xi32>
    tpu.vector_store %arg13[%swap3A_1578, %swap3A_1579], %swap3A_1582 {strides = array<i32>} : memref<2x128xi32, #tpu.memory_space<vmem>>, vector<1x16xi32>,
    %get3A_1583 = arith.constant 1 : i32
    %get3A_1584 = arith.index_cast %get3A_1583 : i32 to index
    %get3A_1585 = arith.constant 112 : index
    %get3A_1586 = tpu.vector_load %arg9[%get3A_1584, %get3A_1585] {strides = array<i32>} : memref<2x128xi32, #tpu.memory_space<vmem>>, vector<1x16xi32>,
    %get3A_1587 = vector.shape_cast %get3A_1586 : vector<1x16xi32> to vector<16xi32>
    %mul3A_1588 = arith.muli %get3A_1587, %broadcast_in_dim3A_1 : vector<16xi32>
    %shift_right_logical3A_1589 = arith.shrui %mul3A_1588, %broadcast_in_dim3A_3 : vector<16xi32>
    %swap3A_1590 = arith.constant 1 : i32
    %swap3A_1591 = arith.index_cast %swap3A_1590 : i32 to index
    %swap3A_1592 = arith.constant 112 : index
    %swap3A_1593 = tpu.vector_load %arg12[%swap3A_1591, %swap3A_1592] {strides = array<i32>} : memref<2x128xi32, #tpu.memory_space<vmem>>, vector<1x16xi32>,
    %swap3A_1594 = vector.shape_cast %swap3A_1593 : vector<1x16xi32> to vector<16xi32>
    %swap3A_1595 = vector.shape_cast %shift_right_logical3A_1589 : vector<16xi32> to vector<1x16xi32>
    tpu.vector_store %arg12[%swap3A_1591, %swap3A_1592], %swap3A_1595 {strides = array<i32>} : memref<2x128xi32, #tpu.memory_space<vmem>>, vector<1x16xi32>,
    %add3A_1596 = arith.addi %shift_right_logical3A_1589, %broadcast_in_dim3A_5 : vector<16xi32>
    %swap3A_1597 = arith.constant 1 : i32
    %swap3A_1598 = arith.index_cast %swap3A_1597 : i32 to index
    %swap3A_1599 = arith.constant 112 : index
    %swap3A_1600 = tpu.vector_load %arg13[%swap3A_1598, %swap3A_1599] {strides = array<i32>} : memref<2x128xi32, #tpu.memory_space<vmem>>, vector<1x16xi32>,
    %swap3A_1601 = vector.shape_cast %swap3A_1600 : vector<1x16xi32> to vector<16xi32>
    %swap3A_1602 = vector.shape_cast %add3A_1596 : vector<16xi32> to vector<1x16xi32>
    tpu.vector_store %arg13[%swap3A_1598, %swap3A_1599], %swap3A_1602 {strides = array<i32>} : memref<2x128xi32, #tpu.memory_space<vmem>>, vector<1x16xi32>,
    %dma_start3A = arith.constant 0 : i32
    %dma_start3A_1603 = arith.constant 0 : i32
    %dma_start3A_1604 = arith.constant 0 : i32
    %dma_start3A_1605 = tpu.memref_slice %arg14[%dma_start3A_1603, %dma_start3A_1604] : memref<1024x8xf32, #tpu.memory_space<vmem>> -> memref<128x8xf32, #tpu.memory_space<vmem>>
    %dma_start3A_1606 = arith.constant 0 : i32
    %dma_start3A_1607 = tpu.memref_slice %arg10[%dma_start3A, %dma_start3A_1606] : memref<8x128xi32, #tpu.memory_space<vmem>> -> memref<1x128xi32, #tpu.memory_space<vmem>>
    %dma_start3A_1608 = tpu.memref_squeeze %dma_start3A_1607 : memref<1x128xi32, #tpu.memory_space<vmem>> -> memref<128xi32, #tpu.memory_space<vmem>>
    %dma_start3A_1609 = arith.constant 0 : i32
    %dma_start3A_1610 = arith.constant 0 : i32
    %dma_start3A_1611 = tpu.memref_slice %arg2[%add3A, %dma_start3A_1609, %dma_start3A_1610] : memref<32x2585x8xf32, #tpu.memory_space<hbm>> -> memref<1x2585x8xf32, #tpu.memory_space<hbm>>
    %dma_start3A_1612 = tpu.memref_squeeze %dma_start3A_1611 : memref<1x2585x8xf32, #tpu.memory_space<hbm>> -> memref<2585x8xf32, #tpu.memory_space<hbm>>
    %dma_start3A_1613 = arith.constant 0 : i32
    %dma_start3A_1614 = arith.constant 0 : i32
    %dma_start3A_1615 = tpu.memref_slice %dma_start3A_1612[%dma_start3A_1613, %dma_start3A_1614] : memref<2585x8xf32, #tpu.memory_space<hbm>> -> memref<2585x8xf32, #tpu.memory_space<hbm>>
    tpu.enqueue_indirect_dma source(%dma_start3A_1615 : memref<2585x8xf32, #tpu.memory_space<hbm>>) target(%dma_start3A_1605 : memref<128x8xf32, #tpu.memory_space<vmem>>) offsets(%dma_start3A_1608 : memref<128xi32, #tpu.memory_space<vmem>>) semaphore(%arg18 : memref<!tpu.dma_semaphore, #tpu.memory_space<semaphore_mem>>)
    %dma_start3A_1616 = arith.constant 1 : i32
    %dma_start3A_1617 = arith.constant 128 : i32
    %dma_start3A_1618 = arith.constant 0 : i32
    %dma_start3A_1619 = tpu.memref_slice %arg14[%dma_start3A_1617, %dma_start3A_1618] : memref<1024x8xf32, #tpu.memory_space<vmem>> -> memref<128x8xf32, #tpu.memory_space<vmem>>
    %dma_start3A_1620 = arith.constant 0 : i32
    %dma_start3A_1621 = tpu.memref_slice %arg10[%dma_start3A_1616, %dma_start3A_1620] : memref<8x128xi32, #tpu.memory_space<vmem>> -> memref<1x128xi32, #tpu.memory_space<vmem>>
    %dma_start3A_1622 = tpu.memref_squeeze %dma_start3A_1621 : memref<1x128xi32, #tpu.memory_space<vmem>> -> memref<128xi32, #tpu.memory_space<vmem>>
    %dma_start3A_1623 = arith.constant 0 : i32
    %dma_start3A_1624 = arith.constant 0 : i32
    %dma_start3A_1625 = tpu.memref_slice %arg2[%add3A, %dma_start3A_1623, %dma_start3A_1624] : memref<32x2585x8xf32, #tpu.memory_space<hbm>> -> memref<1x2585x8xf32, #tpu.memory_space<hbm>>
    %dma_start3A_1626 = tpu.memref_squeeze %dma_start3A_1625 : memref<1x2585x8xf32, #tpu.memory_space<hbm>> -> memref<2585x8xf32, #tpu.memory_space<hbm>>
    %dma_start3A_1627 = arith.constant 0 : i32
    %dma_start3A_1628 = arith.constant 0 : i32
    %dma_start3A_1629 = tpu.memref_slice %dma_start3A_1626[%dma_start3A_1627, %dma_start3A_1628] : memref<2585x8xf32, #tpu.memory_space<hbm>> -> memref<2585x8xf32, #tpu.memory_space<hbm>>
    tpu.enqueue_indirect_dma source(%dma_start3A_1629 : memref<2585x8xf32, #tpu.memory_space<hbm>>) target(%dma_start3A_1619 : memref<128x8xf32, #tpu.memory_space<vmem>>) offsets(%dma_start3A_1622 : memref<128xi32, #tpu.memory_space<vmem>>) semaphore(%arg18 : memref<!tpu.dma_semaphore, #tpu.memory_space<semaphore_mem>>)
    %dma_start3A_1630 = arith.constant 2 : i32
    %dma_start3A_1631 = arith.constant 256 : i32
    %dma_start3A_1632 = arith.constant 0 : i32
    %dma_start3A_1633 = tpu.memref_slice %arg14[%dma_start3A_1631, %dma_start3A_1632] : memref<1024x8xf32, #tpu.memory_space<vmem>> -> memref<128x8xf32, #tpu.memory_space<vmem>>
    %dma_start3A_1634 = arith.constant 0 : i32
    %dma_start3A_1635 = tpu.memref_slice %arg10[%dma_start3A_1630, %dma_start3A_1634] : memref<8x128xi32, #tpu.memory_space<vmem>> -> memref<1x128xi32, #tpu.memory_space<vmem>>
    %dma_start3A_1636 = tpu.memref_squeeze %dma_start3A_1635 : memref<1x128xi32, #tpu.memory_space<vmem>> -> memref<128xi32, #tpu.memory_space<vmem>>
    %dma_start3A_1637 = arith.constant 0 : i32
    %dma_start3A_1638 = arith.constant 0 : i32
    %dma_start3A_1639 = tpu.memref_slice %arg2[%add3A, %dma_start3A_1637, %dma_start3A_1638] : memref<32x2585x8xf32, #tpu.memory_space<hbm>> -> memref<1x2585x8xf32, #tpu.memory_space<hbm>>
    %dma_start3A_1640 = tpu.memref_squeeze %dma_start3A_1639 : memref<1x2585x8xf32, #tpu.memory_space<hbm>> -> memref<2585x8xf32, #tpu.memory_space<hbm>>
    %dma_start3A_1641 = arith.constant 0 : i32
    %dma_start3A_1642 = arith.constant 0 : i32
    %dma_start3A_1643 = tpu.memref_slice %dma_start3A_1640[%dma_start3A_1641, %dma_start3A_1642] : memref<2585x8xf32, #tpu.memory_space<hbm>> -> memref<2585x8xf32, #tpu.memory_space<hbm>>
    tpu.enqueue_indirect_dma source(%dma_start3A_1643 : memref<2585x8xf32, #tpu.memory_space<hbm>>) target(%dma_start3A_1633 : memref<128x8xf32, #tpu.memory_space<vmem>>) offsets(%dma_start3A_1636 : memref<128xi32, #tpu.memory_space<vmem>>) semaphore(%arg18 : memref<!tpu.dma_semaphore, #tpu.memory_space<semaphore_mem>>)
    %dma_start3A_1644 = arith.constant 3 : i32
    %dma_start3A_1645 = arith.constant 384 : i32
    %dma_start3A_1646 = arith.constant 0 : i32
    %dma_start3A_1647 = tpu.memref_slice %arg14[%dma_start3A_1645, %dma_start3A_1646] : memref<1024x8xf32, #tpu.memory_space<vmem>> -> memref<128x8xf32, #tpu.memory_space<vmem>>
    %dma_start3A_1648 = arith.constant 0 : i32
    %dma_start3A_1649 = tpu.memref_slice %arg10[%dma_start3A_1644, %dma_start3A_1648] : memref<8x128xi32, #tpu.memory_space<vmem>> -> memref<1x128xi32, #tpu.memory_space<vmem>>
    %dma_start3A_1650 = tpu.memref_squeeze %dma_start3A_1649 : memref<1x128xi32, #tpu.memory_space<vmem>> -> memref<128xi32, #tpu.memory_space<vmem>>
    %dma_start3A_1651 = arith.constant 0 : i32
    %dma_start3A_1652 = arith.constant 0 : i32
    %dma_start3A_1653 = tpu.memref_slice %arg2[%add3A, %dma_start3A_1651, %dma_start3A_1652] : memref<32x2585x8xf32, #tpu.memory_space<hbm>> -> memref<1x2585x8xf32, #tpu.memory_space<hbm>>
    %dma_start3A_1654 = tpu.memref_squeeze %dma_start3A_1653 : memref<1x2585x8xf32, #tpu.memory_space<hbm>> -> memref<2585x8xf32, #tpu.memory_space<hbm>>
    %dma_start3A_1655 = arith.constant 0 : i32
    %dma_start3A_1656 = arith.constant 0 : i32
    %dma_start3A_1657 = tpu.memref_slice %dma_start3A_1654[%dma_start3A_1655, %dma_start3A_1656] : memref<2585x8xf32, #tpu.memory_space<hbm>> -> memref<2585x8xf32, #tpu.memory_space<hbm>>
    tpu.enqueue_indirect_dma source(%dma_start3A_1657 : memref<2585x8xf32, #tpu.memory_space<hbm>>) target(%dma_start3A_1647 : memref<128x8xf32, #tpu.memory_space<vmem>>) offsets(%dma_start3A_1650 : memref<128xi32, #tpu.memory_space<vmem>>) semaphore(%arg18 : memref<!tpu.dma_semaphore, #tpu.memory_space<semaphore_mem>>)
    %dma_start3A_1658 = arith.constant 4 : i32
    %dma_start3A_1659 = arith.constant 512 : i32
    %dma_start3A_1660 = arith.constant 0 : i32
    %dma_start3A_1661 = tpu.memref_slice %arg14[%dma_start3A_1659, %dma_start3A_1660] : memref<1024x8xf32, #tpu.memory_space<vmem>> -> memref<128x8xf32, #tpu.memory_space<vmem>>
    %dma_start3A_1662 = arith.constant 0 : i32
    %dma_start3A_1663 = tpu.memref_slice %arg10[%dma_start3A_1658, %dma_start3A_1662] : memref<8x128xi32, #tpu.memory_space<vmem>> -> memref<1x128xi32, #tpu.memory_space<vmem>>
    %dma_start3A_1664 = tpu.memref_squeeze %dma_start3A_1663 : memref<1x128xi32, #tpu.memory_space<vmem>> -> memref<128xi32, #tpu.memory_space<vmem>>
    %dma_start3A_1665 = arith.constant 0 : i32
    %dma_start3A_1666 = arith.constant 0 : i32
    %dma_start3A_1667 = tpu.memref_slice %arg2[%add3A, %dma_start3A_1665, %dma_start3A_1666] : memref<32x2585x8xf32, #tpu.memory_space<hbm>> -> memref<1x2585x8xf32, #tpu.memory_space<hbm>>
    %dma_start3A_1668 = tpu.memref_squeeze %dma_start3A_1667 : memref<1x2585x8xf32, #tpu.memory_space<hbm>> -> memref<2585x8xf32, #tpu.memory_space<hbm>>
    %dma_start3A_1669 = arith.constant 0 : i32
    %dma_start3A_1670 = arith.constant 0 : i32
    %dma_start3A_1671 = tpu.memref_slice %dma_start3A_1668[%dma_start3A_1669, %dma_start3A_1670] : memref<2585x8xf32, #tpu.memory_space<hbm>> -> memref<2585x8xf32, #tpu.memory_space<hbm>>
    tpu.enqueue_indirect_dma source(%dma_start3A_1671 : memref<2585x8xf32, #tpu.memory_space<hbm>>) target(%dma_start3A_1661 : memref<128x8xf32, #tpu.memory_space<vmem>>) offsets(%dma_start3A_1664 : memref<128xi32, #tpu.memory_space<vmem>>) semaphore(%arg18 : memref<!tpu.dma_semaphore, #tpu.memory_space<semaphore_mem>>)
    %dma_start3A_1672 = arith.constant 5 : i32
    %dma_start3A_1673 = arith.constant 640 : i32
    %dma_start3A_1674 = arith.constant 0 : i32
    %dma_start3A_1675 = tpu.memref_slice %arg14[%dma_start3A_1673, %dma_start3A_1674] : memref<1024x8xf32, #tpu.memory_space<vmem>> -> memref<128x8xf32, #tpu.memory_space<vmem>>
    %dma_start3A_1676 = arith.constant 0 : i32
    %dma_start3A_1677 = tpu.memref_slice %arg10[%dma_start3A_1672, %dma_start3A_1676] : memref<8x128xi32, #tpu.memory_space<vmem>> -> memref<1x128xi32, #tpu.memory_space<vmem>>
    %dma_start3A_1678 = tpu.memref_squeeze %dma_start3A_1677 : memref<1x128xi32, #tpu.memory_space<vmem>> -> memref<128xi32, #tpu.memory_space<vmem>>
    %dma_start3A_1679 = arith.constant 0 : i32
    %dma_start3A_1680 = arith.constant 0 : i32
    %dma_start3A_1681 = tpu.memref_slice %arg2[%add3A, %dma_start3A_1679, %dma_start3A_1680] : memref<32x2585x8xf32, #tpu.memory_space<hbm>> -> memref<1x2585x8xf32, #tpu.memory_space<hbm>>
    %dma_start3A_1682 = tpu.memref_squeeze %dma_start3A_1681 : memref<1x2585x8xf32, #tpu.memory_space<hbm>> -> memref<2585x8xf32, #tpu.memory_space<hbm>>
    %dma_start3A_1683 = arith.constant 0 : i32
    %dma_start3A_1684 = arith.constant 0 : i32
    %dma_start3A_1685 = tpu.memref_slice %dma_start3A_1682[%dma_start3A_1683, %dma_start3A_1684] : memref<2585x8xf32, #tpu.memory_space<hbm>> -> memref<2585x8xf32, #tpu.memory_space<hbm>>
    tpu.enqueue_indirect_dma source(%dma_start3A_1685 : memref<2585x8xf32, #tpu.memory_space<hbm>>) target(%dma_start3A_1675 : memref<128x8xf32, #tpu.memory_space<vmem>>) offsets(%dma_start3A_1678 : memref<128xi32, #tpu.memory_space<vmem>>) semaphore(%arg18 : memref<!tpu.dma_semaphore, #tpu.memory_space<semaphore_mem>>)
    %dma_start3A_1686 = arith.constant 6 : i32
    %dma_start3A_1687 = arith.constant 768 : i32
    %dma_start3A_1688 = arith.constant 0 : i32
    %dma_start3A_1689 = tpu.memref_slice %arg14[%dma_start3A_1687, %dma_start3A_1688] : memref<1024x8xf32, #tpu.memory_space<vmem>> -> memref<128x8xf32, #tpu.memory_space<vmem>>
    %dma_start3A_1690 = arith.constant 0 : i32
    %dma_start3A_1691 = tpu.memref_slice %arg10[%dma_start3A_1686, %dma_start3A_1690] : memref<8x128xi32, #tpu.memory_space<vmem>> -> memref<1x128xi32, #tpu.memory_space<vmem>>
    %dma_start3A_1692 = tpu.memref_squeeze %dma_start3A_1691 : memref<1x128xi32, #tpu.memory_space<vmem>> -> memref<128xi32, #tpu.memory_space<vmem>>
    %dma_start3A_1693 = arith.constant 0 : i32
    %dma_start3A_1694 = arith.constant 0 : i32
    %dma_start3A_1695 = tpu.memref_slice %arg2[%add3A, %dma_start3A_1693, %dma_start3A_1694] : memref<32x2585x8xf32, #tpu.memory_space<hbm>> -> memref<1x2585x8xf32, #tpu.memory_space<hbm>>
    %dma_start3A_1696 = tpu.memref_squeeze %dma_start3A_1695 : memref<1x2585x8xf32, #tpu.memory_space<hbm>> -> memref<2585x8xf32, #tpu.memory_space<hbm>>
    %dma_start3A_1697 = arith.constant 0 : i32
    %dma_start3A_1698 = arith.constant 0 : i32
    %dma_start3A_1699 = tpu.memref_slice %dma_start3A_1696[%dma_start3A_1697, %dma_start3A_1698] : memref<2585x8xf32, #tpu.memory_space<hbm>> -> memref<2585x8xf32, #tpu.memory_space<hbm>>
    tpu.enqueue_indirect_dma source(%dma_start3A_1699 : memref<2585x8xf32, #tpu.memory_space<hbm>>) target(%dma_start3A_1689 : memref<128x8xf32, #tpu.memory_space<vmem>>) offsets(%dma_start3A_1692 : memref<128xi32, #tpu.memory_space<vmem>>) semaphore(%arg18 : memref<!tpu.dma_semaphore, #tpu.memory_space<semaphore_mem>>)
    %dma_start3A_1700 = arith.constant 7 : i32
    %dma_start3A_1701 = arith.constant 896 : i32
    %dma_start3A_1702 = arith.constant 0 : i32
    %dma_start3A_1703 = tpu.memref_slice %arg14[%dma_start3A_1701, %dma_start3A_1702] : memref<1024x8xf32, #tpu.memory_space<vmem>> -> memref<128x8xf32, #tpu.memory_space<vmem>>
    %dma_start3A_1704 = arith.constant 0 : i32
    %dma_start3A_1705 = tpu.memref_slice %arg10[%dma_start3A_1700, %dma_start3A_1704] : memref<8x128xi32, #tpu.memory_space<vmem>> -> memref<1x128xi32, #tpu.memory_space<vmem>>
    %dma_start3A_1706 = tpu.memref_squeeze %dma_start3A_1705 : memref<1x128xi32, #tpu.memory_space<vmem>> -> memref<128xi32, #tpu.memory_space<vmem>>
    %dma_start3A_1707 = arith.constant 0 : i32
    %dma_start3A_1708 = arith.constant 0 : i32
    %dma_start3A_1709 = tpu.memref_slice %arg2[%add3A, %dma_start3A_1707, %dma_start3A_1708] : memref<32x2585x8xf32, #tpu.memory_space<hbm>> -> memref<1x2585x8xf32, #tpu.memory_space<hbm>>
    %dma_start3A_1710 = tpu.memref_squeeze %dma_start3A_1709 : memref<1x2585x8xf32, #tpu.memory_space<hbm>> -> memref<2585x8xf32, #tpu.memory_space<hbm>>
    %dma_start3A_1711 = arith.constant 0 : i32
    %dma_start3A_1712 = arith.constant 0 : i32
    %dma_start3A_1713 = tpu.memref_slice %dma_start3A_1710[%dma_start3A_1711, %dma_start3A_1712] : memref<2585x8xf32, #tpu.memory_space<hbm>> -> memref<2585x8xf32, #tpu.memory_space<hbm>>
    tpu.enqueue_indirect_dma source(%dma_start3A_1713 : memref<2585x8xf32, #tpu.memory_space<hbm>>) target(%dma_start3A_1703 : memref<128x8xf32, #tpu.memory_space<vmem>>) offsets(%dma_start3A_1706 : memref<128xi32, #tpu.memory_space<vmem>>) semaphore(%arg18 : memref<!tpu.dma_semaphore, #tpu.memory_space<semaphore_mem>>)
    %dma_start3A_1714 = arith.constant 0 : i32
    %dma_start3A_1715 = arith.constant 0 : i32
    %dma_start3A_1716 = arith.constant 0 : i32
    %dma_start3A_1717 = tpu.memref_slice %arg15[%dma_start3A_1715, %dma_start3A_1716] : memref<1024x8xf32, #tpu.memory_space<vmem>> -> memref<128x8xf32, #tpu.memory_space<vmem>>
    %dma_start3A_1718 = arith.constant 0 : i32
    %dma_start3A_1719 = tpu.memref_slice %arg11[%dma_start3A_1714, %dma_start3A_1718] : memref<8x128xi32, #tpu.memory_space<vmem>> -> memref<1x128xi32, #tpu.memory_space<vmem>>
    %dma_start3A_1720 = tpu.memref_squeeze %dma_start3A_1719 : memref<1x128xi32, #tpu.memory_space<vmem>> -> memref<128xi32, #tpu.memory_space<vmem>>
    %dma_start3A_1721 = arith.constant 0 : i32
    %dma_start3A_1722 = arith.constant 0 : i32
    %dma_start3A_1723 = tpu.memref_slice %arg2[%add3A, %dma_start3A_1721, %dma_start3A_1722] : memref<32x2585x8xf32, #tpu.memory_space<hbm>> -> memref<1x2585x8xf32, #tpu.memory_space<hbm>>
    %dma_start3A_1724 = tpu.memref_squeeze %dma_start3A_1723 : memref<1x2585x8xf32, #tpu.memory_space<hbm>> -> memref<2585x8xf32, #tpu.memory_space<hbm>>
    %dma_start3A_1725 = arith.constant 0 : i32
    %dma_start3A_1726 = arith.constant 0 : i32
    %dma_start3A_1727 = tpu.memref_slice %dma_start3A_1724[%dma_start3A_1725, %dma_start3A_1726] : memref<2585x8xf32, #tpu.memory_space<hbm>> -> memref<2585x8xf32, #tpu.memory_space<hbm>>
    tpu.enqueue_indirect_dma source(%dma_start3A_1727 : memref<2585x8xf32, #tpu.memory_space<hbm>>) target(%dma_start3A_1717 : memref<128x8xf32, #tpu.memory_space<vmem>>) offsets(%dma_start3A_1720 : memref<128xi32, #tpu.memory_space<vmem>>) semaphore(%arg18 : memref<!tpu.dma_semaphore, #tpu.memory_space<semaphore_mem>>)
    %dma_start3A_1728 = arith.constant 1 : i32
    %dma_start3A_1729 = arith.constant 128 : i32
    %dma_start3A_1730 = arith.constant 0 : i32
    %dma_start3A_1731 = tpu.memref_slice %arg15[%dma_start3A_1729, %dma_start3A_1730] : memref<1024x8xf32, #tpu.memory_space<vmem>> -> memref<128x8xf32, #tpu.memory_space<vmem>>
    %dma_start3A_1732 = arith.constant 0 : i32
    %dma_start3A_1733 = tpu.memref_slice %arg11[%dma_start3A_1728, %dma_start3A_1732] : memref<8x128xi32, #tpu.memory_space<vmem>> -> memref<1x128xi32, #tpu.memory_space<vmem>>
    %dma_start3A_1734 = tpu.memref_squeeze %dma_start3A_1733 : memref<1x128xi32, #tpu.memory_space<vmem>> -> memref<128xi32, #tpu.memory_space<vmem>>
    %dma_start3A_1735 = arith.constant 0 : i32
    %dma_start3A_1736 = arith.constant 0 : i32
    %dma_start3A_1737 = tpu.memref_slice %arg2[%add3A, %dma_start3A_1735, %dma_start3A_1736] : memref<32x2585x8xf32, #tpu.memory_space<hbm>> -> memref<1x2585x8xf32, #tpu.memory_space<hbm>>
    %dma_start3A_1738 = tpu.memref_squeeze %dma_start3A_1737 : memref<1x2585x8xf32, #tpu.memory_space<hbm>> -> memref<2585x8xf32, #tpu.memory_space<hbm>>
    %dma_start3A_1739 = arith.constant 0 : i32
    %dma_start3A_1740 = arith.constant 0 : i32
    %dma_start3A_1741 = tpu.memref_slice %dma_start3A_1738[%dma_start3A_1739, %dma_start3A_1740] : memref<2585x8xf32, #tpu.memory_space<hbm>> -> memref<2585x8xf32, #tpu.memory_space<hbm>>
    tpu.enqueue_indirect_dma source(%dma_start3A_1741 : memref<2585x8xf32, #tpu.memory_space<hbm>>) target(%dma_start3A_1731 : memref<128x8xf32, #tpu.memory_space<vmem>>) offsets(%dma_start3A_1734 : memref<128xi32, #tpu.memory_space<vmem>>) semaphore(%arg18 : memref<!tpu.dma_semaphore, #tpu.memory_space<semaphore_mem>>)
    %dma_start3A_1742 = arith.constant 2 : i32
    %dma_start3A_1743 = arith.constant 256 : i32
    %dma_start3A_1744 = arith.constant 0 : i32
    %dma_start3A_1745 = tpu.memref_slice %arg15[%dma_start3A_1743, %dma_start3A_1744] : memref<1024x8xf32, #tpu.memory_space<vmem>> -> memref<128x8xf32, #tpu.memory_space<vmem>>
    %dma_start3A_1746 = arith.constant 0 : i32
    %dma_start3A_1747 = tpu.memref_slice %arg11[%dma_start3A_1742, %dma_start3A_1746] : memref<8x128xi32, #tpu.memory_space<vmem>> -> memref<1x128xi32, #tpu.memory_space<vmem>>
    %dma_start3A_1748 = tpu.memref_squeeze %dma_start3A_1747 : memref<1x128xi32, #tpu.memory_space<vmem>> -> memref<128xi32, #tpu.memory_space<vmem>>
    %dma_start3A_1749 = arith.constant 0 : i32
    %dma_start3A_1750 = arith.constant 0 : i32
    %dma_start3A_1751 = tpu.memref_slice %arg2[%add3A, %dma_start3A_1749, %dma_start3A_1750] : memref<32x2585x8xf32, #tpu.memory_space<hbm>> -> memref<1x2585x8xf32, #tpu.memory_space<hbm>>
    %dma_start3A_1752 = tpu.memref_squeeze %dma_start3A_1751 : memref<1x2585x8xf32, #tpu.memory_space<hbm>> -> memref<2585x8xf32, #tpu.memory_space<hbm>>
    %dma_start3A_1753 = arith.constant 0 : i32
    %dma_start3A_1754 = arith.constant 0 : i32
    %dma_start3A_1755 = tpu.memref_slice %dma_start3A_1752[%dma_start3A_1753, %dma_start3A_1754] : memref<2585x8xf32, #tpu.memory_space<hbm>> -> memref<2585x8xf32, #tpu.memory_space<hbm>>
    tpu.enqueue_indirect_dma source(%dma_start3A_1755 : memref<2585x8xf32, #tpu.memory_space<hbm>>) target(%dma_start3A_1745 : memref<128x8xf32, #tpu.memory_space<vmem>>) offsets(%dma_start3A_1748 : memref<128xi32, #tpu.memory_space<vmem>>) semaphore(%arg18 : memref<!tpu.dma_semaphore, #tpu.memory_space<semaphore_mem>>)
    %dma_start3A_1756 = arith.constant 3 : i32
    %dma_start3A_1757 = arith.constant 384 : i32
    %dma_start3A_1758 = arith.constant 0 : i32
    %dma_start3A_1759 = tpu.memref_slice %arg15[%dma_start3A_1757, %dma_start3A_1758] : memref<1024x8xf32, #tpu.memory_space<vmem>> -> memref<128x8xf32, #tpu.memory_space<vmem>>
    %dma_start3A_1760 = arith.constant 0 : i32
    %dma_start3A_1761 = tpu.memref_slice %arg11[%dma_start3A_1756, %dma_start3A_1760] : memref<8x128xi32, #tpu.memory_space<vmem>> -> memref<1x128xi32, #tpu.memory_space<vmem>>
    %dma_start3A_1762 = tpu.memref_squeeze %dma_start3A_1761 : memref<1x128xi32, #tpu.memory_space<vmem>> -> memref<128xi32, #tpu.memory_space<vmem>>
    %dma_start3A_1763 = arith.constant 0 : i32
    %dma_start3A_1764 = arith.constant 0 : i32
    %dma_start3A_1765 = tpu.memref_slice %arg2[%add3A, %dma_start3A_1763, %dma_start3A_1764] : memref<32x2585x8xf32, #tpu.memory_space<hbm>> -> memref<1x2585x8xf32, #tpu.memory_space<hbm>>
    %dma_start3A_1766 = tpu.memref_squeeze %dma_start3A_1765 : memref<1x2585x8xf32, #tpu.memory_space<hbm>> -> memref<2585x8xf32, #tpu.memory_space<hbm>>
    %dma_start3A_1767 = arith.constant 0 : i32
    %dma_start3A_1768 = arith.constant 0 : i32
    %dma_start3A_1769 = tpu.memref_slice %dma_start3A_1766[%dma_start3A_1767, %dma_start3A_1768] : memref<2585x8xf32, #tpu.memory_space<hbm>> -> memref<2585x8xf32, #tpu.memory_space<hbm>>
    tpu.enqueue_indirect_dma source(%dma_start3A_1769 : memref<2585x8xf32, #tpu.memory_space<hbm>>) target(%dma_start3A_1759 : memref<128x8xf32, #tpu.memory_space<vmem>>) offsets(%dma_start3A_1762 : memref<128xi32, #tpu.memory_space<vmem>>) semaphore(%arg18 : memref<!tpu.dma_semaphore, #tpu.memory_space<semaphore_mem>>)
    %dma_start3A_1770 = arith.constant 4 : i32
    %dma_start3A_1771 = arith.constant 512 : i32
    %dma_start3A_1772 = arith.constant 0 : i32
    %dma_start3A_1773 = tpu.memref_slice %arg15[%dma_start3A_1771, %dma_start3A_1772] : memref<1024x8xf32, #tpu.memory_space<vmem>> -> memref<128x8xf32, #tpu.memory_space<vmem>>
    %dma_start3A_1774 = arith.constant 0 : i32
    %dma_start3A_1775 = tpu.memref_slice %arg11[%dma_start3A_1770, %dma_start3A_1774] : memref<8x128xi32, #tpu.memory_space<vmem>> -> memref<1x128xi32, #tpu.memory_space<vmem>>
    %dma_start3A_1776 = tpu.memref_squeeze %dma_start3A_1775 : memref<1x128xi32, #tpu.memory_space<vmem>> -> memref<128xi32, #tpu.memory_space<vmem>>
    %dma_start3A_1777 = arith.constant 0 : i32
    %dma_start3A_1778 = arith.constant 0 : i32
    %dma_start3A_1779 = tpu.memref_slice %arg2[%add3A, %dma_start3A_1777, %dma_start3A_1778] : memref<32x2585x8xf32, #tpu.memory_space<hbm>> -> memref<1x2585x8xf32, #tpu.memory_space<hbm>>
    %dma_start3A_1780 = tpu.memref_squeeze %dma_start3A_1779 : memref<1x2585x8xf32, #tpu.memory_space<hbm>> -> memref<2585x8xf32, #tpu.memory_space<hbm>>
    %dma_start3A_1781 = arith.constant 0 : i32
    %dma_start3A_1782 = arith.constant 0 : i32
    %dma_start3A_1783 = tpu.memref_slice %dma_start3A_1780[%dma_start3A_1781, %dma_start3A_1782] : memref<2585x8xf32, #tpu.memory_space<hbm>> -> memref<2585x8xf32, #tpu.memory_space<hbm>>
    tpu.enqueue_indirect_dma source(%dma_start3A_1783 : memref<2585x8xf32, #tpu.memory_space<hbm>>) target(%dma_start3A_1773 : memref<128x8xf32, #tpu.memory_space<vmem>>) offsets(%dma_start3A_1776 : memref<128xi32, #tpu.memory_space<vmem>>) semaphore(%arg18 : memref<!tpu.dma_semaphore, #tpu.memory_space<semaphore_mem>>)
    %dma_start3A_1784 = arith.constant 5 : i32
    %dma_start3A_1785 = arith.constant 640 : i32
    %dma_start3A_1786 = arith.constant 0 : i32
    %dma_start3A_1787 = tpu.memref_slice %arg15[%dma_start3A_1785, %dma_start3A_1786] : memref<1024x8xf32, #tpu.memory_space<vmem>> -> memref<128x8xf32, #tpu.memory_space<vmem>>
    %dma_start3A_1788 = arith.constant 0 : i32
    %dma_start3A_1789 = tpu.memref_slice %arg11[%dma_start3A_1784, %dma_start3A_1788] : memref<8x128xi32, #tpu.memory_space<vmem>> -> memref<1x128xi32, #tpu.memory_space<vmem>>
    %dma_start3A_1790 = tpu.memref_squeeze %dma_start3A_1789 : memref<1x128xi32, #tpu.memory_space<vmem>> -> memref<128xi32, #tpu.memory_space<vmem>>
    %dma_start3A_1791 = arith.constant 0 : i32
    %dma_start3A_1792 = arith.constant 0 : i32
    %dma_start3A_1793 = tpu.memref_slice %arg2[%add3A, %dma_start3A_1791, %dma_start3A_1792] : memref<32x2585x8xf32, #tpu.memory_space<hbm>> -> memref<1x2585x8xf32, #tpu.memory_space<hbm>>
    %dma_start3A_1794 = tpu.memref_squeeze %dma_start3A_1793 : memref<1x2585x8xf32, #tpu.memory_space<hbm>> -> memref<2585x8xf32, #tpu.memory_space<hbm>>
    %dma_start3A_1795 = arith.constant 0 : i32
    %dma_start3A_1796 = arith.constant 0 : i32
    %dma_start3A_1797 = tpu.memref_slice %dma_start3A_1794[%dma_start3A_1795, %dma_start3A_1796] : memref<2585x8xf32, #tpu.memory_space<hbm>> -> memref<2585x8xf32, #tpu.memory_space<hbm>>
    tpu.enqueue_indirect_dma source(%dma_start3A_1797 : memref<2585x8xf32, #tpu.memory_space<hbm>>) target(%dma_start3A_1787 : memref<128x8xf32, #tpu.memory_space<vmem>>) offsets(%dma_start3A_1790 : memref<128xi32, #tpu.memory_space<vmem>>) semaphore(%arg18 : memref<!tpu.dma_semaphore, #tpu.memory_space<semaphore_mem>>)
    %dma_start3A_1798 = arith.constant 6 : i32
    %dma_start3A_1799 = arith.constant 768 : i32
    %dma_start3A_1800 = arith.constant 0 : i32
    %dma_start3A_1801 = tpu.memref_slice %arg15[%dma_start3A_1799, %dma_start3A_1800] : memref<1024x8xf32, #tpu.memory_space<vmem>> -> memref<128x8xf32, #tpu.memory_space<vmem>>
    %dma_start3A_1802 = arith.constant 0 : i32
    %dma_start3A_1803 = tpu.memref_slice %arg11[%dma_start3A_1798, %dma_start3A_1802] : memref<8x128xi32, #tpu.memory_space<vmem>> -> memref<1x128xi32, #tpu.memory_space<vmem>>
    %dma_start3A_1804 = tpu.memref_squeeze %dma_start3A_1803 : memref<1x128xi32, #tpu.memory_space<vmem>> -> memref<128xi32, #tpu.memory_space<vmem>>
    %dma_start3A_1805 = arith.constant 0 : i32
    %dma_start3A_1806 = arith.constant 0 : i32
    %dma_start3A_1807 = tpu.memref_slice %arg2[%add3A, %dma_start3A_1805, %dma_start3A_1806] : memref<32x2585x8xf32, #tpu.memory_space<hbm>> -> memref<1x2585x8xf32, #tpu.memory_space<hbm>>
    %dma_start3A_1808 = tpu.memref_squeeze %dma_start3A_1807 : memref<1x2585x8xf32, #tpu.memory_space<hbm>> -> memref<2585x8xf32, #tpu.memory_space<hbm>>
    %dma_start3A_1809 = arith.constant 0 : i32
    %dma_start3A_1810 = arith.constant 0 : i32
    %dma_start3A_1811 = tpu.memref_slice %dma_start3A_1808[%dma_start3A_1809, %dma_start3A_1810] : memref<2585x8xf32, #tpu.memory_space<hbm>> -> memref<2585x8xf32, #tpu.memory_space<hbm>>
    tpu.enqueue_indirect_dma source(%dma_start3A_1811 : memref<2585x8xf32, #tpu.memory_space<hbm>>) target(%dma_start3A_1801 : memref<128x8xf32, #tpu.memory_space<vmem>>) offsets(%dma_start3A_1804 : memref<128xi32, #tpu.memory_space<vmem>>) semaphore(%arg18 : memref<!tpu.dma_semaphore, #tpu.memory_space<semaphore_mem>>)
    %dma_start3A_1812 = arith.constant 7 : i32
    %dma_start3A_1813 = arith.constant 896 : i32
    %dma_start3A_1814 = arith.constant 0 : i32
    %dma_start3A_1815 = tpu.memref_slice %arg15[%dma_start3A_1813, %dma_start3A_1814] : memref<1024x8xf32, #tpu.memory_space<vmem>> -> memref<128x8xf32, #tpu.memory_space<vmem>>
    %dma_start3A_1816 = arith.constant 0 : i32
    %dma_start3A_1817 = tpu.memref_slice %arg11[%dma_start3A_1812, %dma_start3A_1816] : memref<8x128xi32, #tpu.memory_space<vmem>> -> memref<1x128xi32, #tpu.memory_space<vmem>>
    %dma_start3A_1818 = tpu.memref_squeeze %dma_start3A_1817 : memref<1x128xi32, #tpu.memory_space<vmem>> -> memref<128xi32, #tpu.memory_space<vmem>>
    %dma_start3A_1819 = arith.constant 0 : i32
    %dma_start3A_1820 = arith.constant 0 : i32
    %dma_start3A_1821 = tpu.memref_slice %arg2[%add3A, %dma_start3A_1819, %dma_start3A_1820] : memref<32x2585x8xf32, #tpu.memory_space<hbm>> -> memref<1x2585x8xf32, #tpu.memory_space<hbm>>
    %dma_start3A_1822 = tpu.memref_squeeze %dma_start3A_1821 : memref<1x2585x8xf32, #tpu.memory_space<hbm>> -> memref<2585x8xf32, #tpu.memory_space<hbm>>
    %dma_start3A_1823 = arith.constant 0 : i32
    %dma_start3A_1824 = arith.constant 0 : i32
    %dma_start3A_1825 = tpu.memref_slice %dma_start3A_1822[%dma_start3A_1823, %dma_start3A_1824] : memref<2585x8xf32, #tpu.memory_space<hbm>> -> memref<2585x8xf32, #tpu.memory_space<hbm>>
    tpu.enqueue_indirect_dma source(%dma_start3A_1825 : memref<2585x8xf32, #tpu.memory_space<hbm>>) target(%dma_start3A_1815 : memref<128x8xf32, #tpu.memory_space<vmem>>) offsets(%dma_start3A_1818 : memref<128xi32, #tpu.memory_space<vmem>>) semaphore(%arg18 : memref<!tpu.dma_semaphore, #tpu.memory_space<semaphore_mem>>)
    %dma_start3A_1826 = arith.constant 0 : i32
    %dma_start3A_1827 = arith.constant 0 : i32
    %dma_start3A_1828 = arith.constant 0 : i32
    %dma_start3A_1829 = tpu.memref_slice %arg16[%dma_start3A_1827, %dma_start3A_1828] : memref<256x8xf32, #tpu.memory_space<vmem>> -> memref<128x8xf32, #tpu.memory_space<vmem>>
    %dma_start3A_1830 = arith.constant 0 : i32
    %dma_start3A_1831 = tpu.memref_slice %arg12[%dma_start3A_1826, %dma_start3A_1830] : memref<2x128xi32, #tpu.memory_space<vmem>> -> memref<1x128xi32, #tpu.memory_space<vmem>>
    %dma_start3A_1832 = tpu.memref_squeeze %dma_start3A_1831 : memref<1x128xi32, #tpu.memory_space<vmem>> -> memref<128xi32, #tpu.memory_space<vmem>>
    %dma_start3A_1833 = arith.constant 0 : i32
    %dma_start3A_1834 = arith.constant 0 : i32
    %dma_start3A_1835 = tpu.memref_slice %arg3[%add3A, %dma_start3A_1833, %dma_start3A_1834] : memref<32x3751x8xf32, #tpu.memory_space<hbm>> -> memref<1x3751x8xf32, #tpu.memory_space<hbm>>
    %dma_start3A_1836 = tpu.memref_squeeze %dma_start3A_1835 : memref<1x3751x8xf32, #tpu.memory_space<hbm>> -> memref<3751x8xf32, #tpu.memory_space<hbm>>
    %dma_start3A_1837 = arith.constant 0 : i32
    %dma_start3A_1838 = arith.constant 0 : i32
    %dma_start3A_1839 = tpu.memref_slice %dma_start3A_1836[%dma_start3A_1837, %dma_start3A_1838] : memref<3751x8xf32, #tpu.memory_space<hbm>> -> memref<3751x8xf32, #tpu.memory_space<hbm>>
    tpu.enqueue_indirect_dma source(%dma_start3A_1839 : memref<3751x8xf32, #tpu.memory_space<hbm>>) target(%dma_start3A_1829 : memref<128x8xf32, #tpu.memory_space<vmem>>) offsets(%dma_start3A_1832 : memref<128xi32, #tpu.memory_space<vmem>>) semaphore(%arg18 : memref<!tpu.dma_semaphore, #tpu.memory_space<semaphore_mem>>)
    %dma_start3A_1840 = arith.constant 1 : i32
    %dma_start3A_1841 = arith.constant 128 : i32
    %dma_start3A_1842 = arith.constant 0 : i32
    %dma_start3A_1843 = tpu.memref_slice %arg16[%dma_start3A_1841, %dma_start3A_1842] : memref<256x8xf32, #tpu.memory_space<vmem>> -> memref<128x8xf32, #tpu.memory_space<vmem>>
    %dma_start3A_1844 = arith.constant 0 : i32
    %dma_start3A_1845 = tpu.memref_slice %arg12[%dma_start3A_1840, %dma_start3A_1844] : memref<2x128xi32, #tpu.memory_space<vmem>> -> memref<1x128xi32, #tpu.memory_space<vmem>>
    %dma_start3A_1846 = tpu.memref_squeeze %dma_start3A_1845 : memref<1x128xi32, #tpu.memory_space<vmem>> -> memref<128xi32, #tpu.memory_space<vmem>>
    %dma_start3A_1847 = arith.constant 0 : i32
    %dma_start3A_1848 = arith.constant 0 : i32
    %dma_start3A_1849 = tpu.memref_slice %arg3[%add3A, %dma_start3A_1847, %dma_start3A_1848] : memref<32x3751x8xf32, #tpu.memory_space<hbm>> -> memref<1x3751x8xf32, #tpu.memory_space<hbm>>
    %dma_start3A_1850 = tpu.memref_squeeze %dma_start3A_1849 : memref<1x3751x8xf32, #tpu.memory_space<hbm>> -> memref<3751x8xf32, #tpu.memory_space<hbm>>
    %dma_start3A_1851 = arith.constant 0 : i32
    %dma_start3A_1852 = arith.constant 0 : i32
    %dma_start3A_1853 = tpu.memref_slice %dma_start3A_1850[%dma_start3A_1851, %dma_start3A_1852] : memref<3751x8xf32, #tpu.memory_space<hbm>> -> memref<3751x8xf32, #tpu.memory_space<hbm>>
    tpu.enqueue_indirect_dma source(%dma_start3A_1853 : memref<3751x8xf32, #tpu.memory_space<hbm>>) target(%dma_start3A_1843 : memref<128x8xf32, #tpu.memory_space<vmem>>) offsets(%dma_start3A_1846 : memref<128xi32, #tpu.memory_space<vmem>>) semaphore(%arg18 : memref<!tpu.dma_semaphore, #tpu.memory_space<semaphore_mem>>)
    %dma_start3A_1854 = arith.constant 0 : i32
    %dma_start3A_1855 = arith.constant 0 : i32
    %dma_start3A_1856 = arith.constant 0 : i32
    %dma_start3A_1857 = tpu.memref_slice %arg17[%dma_start3A_1855, %dma_start3A_1856] : memref<256x8xf32, #tpu.memory_space<vmem>> -> memref<128x8xf32, #tpu.memory_space<vmem>>
    %dma_start3A_1858 = arith.constant 0 : i32
    %dma_start3A_1859 = tpu.memref_slice %arg13[%dma_start3A_1854, %dma_start3A_1858] : memref<2x128xi32, #tpu.memory_space<vmem>> -> memref<1x128xi32, #tpu.memory_space<vmem>>
    %dma_start3A_1860 = tpu.memref_squeeze %dma_start3A_1859 : memref<1x128xi32, #tpu.memory_space<vmem>> -> memref<128xi32, #tpu.memory_space<vmem>>
    %dma_start3A_1861 = arith.constant 0 : i32
    %dma_start3A_1862 = arith.constant 0 : i32
    %dma_start3A_1863 = tpu.memref_slice %arg3[%add3A, %dma_start3A_1861, %dma_start3A_1862] : memref<32x3751x8xf32, #tpu.memory_space<hbm>> -> memref<1x3751x8xf32, #tpu.memory_space<hbm>>
    %dma_start3A_1864 = tpu.memref_squeeze %dma_start3A_1863 : memref<1x3751x8xf32, #tpu.memory_space<hbm>> -> memref<3751x8xf32, #tpu.memory_space<hbm>>
    %dma_start3A_1865 = arith.constant 0 : i32
    %dma_start3A_1866 = arith.constant 0 : i32
    %dma_start3A_1867 = tpu.memref_slice %dma_start3A_1864[%dma_start3A_1865, %dma_start3A_1866] : memref<3751x8xf32, #tpu.memory_space<hbm>> -> memref<3751x8xf32, #tpu.memory_space<hbm>>
    tpu.enqueue_indirect_dma source(%dma_start3A_1867 : memref<3751x8xf32, #tpu.memory_space<hbm>>) target(%dma_start3A_1857 : memref<128x8xf32, #tpu.memory_space<vmem>>) offsets(%dma_start3A_1860 : memref<128xi32, #tpu.memory_space<vmem>>) semaphore(%arg18 : memref<!tpu.dma_semaphore, #tpu.memory_space<semaphore_mem>>)
    %dma_start3A_1868 = arith.constant 1 : i32
    %dma_start3A_1869 = arith.constant 128 : i32
    %dma_start3A_1870 = arith.constant 0 : i32
    %dma_start3A_1871 = tpu.memref_slice %arg17[%dma_start3A_1869, %dma_start3A_1870] : memref<256x8xf32, #tpu.memory_space<vmem>> -> memref<128x8xf32, #tpu.memory_space<vmem>>
    %dma_start3A_1872 = arith.constant 0 : i32
    %dma_start3A_1873 = tpu.memref_slice %arg13[%dma_start3A_1868, %dma_start3A_1872] : memref<2x128xi32, #tpu.memory_space<vmem>> -> memref<1x128xi32, #tpu.memory_space<vmem>>
    %dma_start3A_1874 = tpu.memref_squeeze %dma_start3A_1873 : memref<1x128xi32, #tpu.memory_space<vmem>> -> memref<128xi32, #tpu.memory_space<vmem>>
    %dma_start3A_1875 = arith.constant 0 : i32
    %dma_start3A_1876 = arith.constant 0 : i32
    %dma_start3A_1877 = tpu.memref_slice %arg3[%add3A, %dma_start3A_1875, %dma_start3A_1876] : memref<32x3751x8xf32, #tpu.memory_space<hbm>> -> memref<1x3751x8xf32, #tpu.memory_space<hbm>>
    %dma_start3A_1878 = tpu.memref_squeeze %dma_start3A_1877 : memref<1x3751x8xf32, #tpu.memory_space<hbm>> -> memref<3751x8xf32, #tpu.memory_space<hbm>>
    %dma_start3A_1879 = arith.constant 0 : i32
    %dma_start3A_1880 = arith.constant 0 : i32
    %dma_start3A_1881 = tpu.memref_slice %dma_start3A_1878[%dma_start3A_1879, %dma_start3A_1880] : memref<3751x8xf32, #tpu.memory_space<hbm>> -> memref<3751x8xf32, #tpu.memory_space<hbm>>
    tpu.enqueue_indirect_dma source(%dma_start3A_1881 : memref<3751x8xf32, #tpu.memory_space<hbm>>) target(%dma_start3A_1871 : memref<128x8xf32, #tpu.memory_space<vmem>>) offsets(%dma_start3A_1874 : memref<128xi32, #tpu.memory_space<vmem>>) semaphore(%arg18 : memref<!tpu.dma_semaphore, #tpu.memory_space<semaphore_mem>>)
    %dma_wait3A = arith.constant 0 : i32
    %dma_wait3A_1882 = arith.constant 0 : i32
    %dma_wait3A_1883 = arith.constant 0 : i32
    %dma_wait3A_1884 = tpu.memref_slice %arg14[%dma_wait3A_1882, %dma_wait3A_1883] : memref<1024x8xf32, #tpu.memory_space<vmem>> -> memref<128x8xf32, #tpu.memory_space<vmem>>
    %dma_wait3A_1885 = arith.constant 0 : i32
    %dma_wait3A_1886 = tpu.memref_slice %arg10[%dma_wait3A, %dma_wait3A_1885] : memref<8x128xi32, #tpu.memory_space<vmem>> -> memref<1x128xi32, #tpu.memory_space<vmem>>
    %dma_wait3A_1887 = tpu.memref_squeeze %dma_wait3A_1886 : memref<1x128xi32, #tpu.memory_space<vmem>> -> memref<128xi32, #tpu.memory_space<vmem>>
    %dma_wait3A_1888 = arith.constant 0 : i32
    %dma_wait3A_1889 = arith.constant 0 : i32
    %dma_wait3A_1890 = tpu.memref_slice %arg2[%add3A, %dma_wait3A_1888, %dma_wait3A_1889] : memref<32x2585x8xf32, #tpu.memory_space<hbm>> -> memref<1x2585x8xf32, #tpu.memory_space<hbm>>
    %dma_wait3A_1891 = tpu.memref_squeeze %dma_wait3A_1890 : memref<1x2585x8xf32, #tpu.memory_space<hbm>> -> memref<2585x8xf32, #tpu.memory_space<hbm>>
    %dma_wait3A_1892 = arith.constant 0 : i32
    %dma_wait3A_1893 = arith.constant 0 : i32
    %dma_wait3A_1894 = tpu.memref_slice %dma_wait3A_1891[%dma_wait3A_1892, %dma_wait3A_1893] : memref<2585x8xf32, #tpu.memory_space<hbm>> -> memref<2585x8xf32, #tpu.memory_space<hbm>>
    tpu.wait_indirect_dma semaphore(%arg18 : memref<!tpu.dma_semaphore, #tpu.memory_space<semaphore_mem>>) src(%dma_wait3A_1894 : memref<2585x8xf32, #tpu.memory_space<hbm>>) dst(%dma_wait3A_1884 : memref<128x8xf32, #tpu.memory_space<vmem>>)
    %dma_wait3A_1895 = arith.constant 1 : i32
    %dma_wait3A_1896 = arith.constant 128 : i32
    %dma_wait3A_1897 = arith.constant 0 : i32
    %dma_wait3A_1898 = tpu.memref_slice %arg14[%dma_wait3A_1896, %dma_wait3A_1897] : memref<1024x8xf32, #tpu.memory_space<vmem>> -> memref<128x8xf32, #tpu.memory_space<vmem>>
    %dma_wait3A_1899 = arith.constant 0 : i32
    %dma_wait3A_1900 = tpu.memref_slice %arg10[%dma_wait3A_1895, %dma_wait3A_1899] : memref<8x128xi32, #tpu.memory_space<vmem>> -> memref<1x128xi32, #tpu.memory_space<vmem>>
    %dma_wait3A_1901 = tpu.memref_squeeze %dma_wait3A_1900 : memref<1x128xi32, #tpu.memory_space<vmem>> -> memref<128xi32, #tpu.memory_space<vmem>>
    %dma_wait3A_1902 = arith.constant 0 : i32
    %dma_wait3A_1903 = arith.constant 0 : i32
    %dma_wait3A_1904 = tpu.memref_slice %arg2[%add3A, %dma_wait3A_1902, %dma_wait3A_1903] : memref<32x2585x8xf32, #tpu.memory_space<hbm>> -> memref<1x2585x8xf32, #tpu.memory_space<hbm>>
    %dma_wait3A_1905 = tpu.memref_squeeze %dma_wait3A_1904 : memref<1x2585x8xf32, #tpu.memory_space<hbm>> -> memref<2585x8xf32, #tpu.memory_space<hbm>>
    %dma_wait3A_1906 = arith.constant 0 : i32
    %dma_wait3A_1907 = arith.constant 0 : i32
    %dma_wait3A_1908 = tpu.memref_slice %dma_wait3A_1905[%dma_wait3A_1906, %dma_wait3A_1907] : memref<2585x8xf32, #tpu.memory_space<hbm>> -> memref<2585x8xf32, #tpu.memory_space<hbm>>
    tpu.wait_indirect_dma semaphore(%arg18 : memref<!tpu.dma_semaphore, #tpu.memory_space<semaphore_mem>>) src(%dma_wait3A_1908 : memref<2585x8xf32, #tpu.memory_space<hbm>>) dst(%dma_wait3A_1898 : memref<128x8xf32, #tpu.memory_space<vmem>>)
    %dma_wait3A_1909 = arith.constant 2 : i32
    %dma_wait3A_1910 = arith.constant 256 : i32
    %dma_wait3A_1911 = arith.constant 0 : i32
    %dma_wait3A_1912 = tpu.memref_slice %arg14[%dma_wait3A_1910, %dma_wait3A_1911] : memref<1024x8xf32, #tpu.memory_space<vmem>> -> memref<128x8xf32, #tpu.memory_space<vmem>>
    %dma_wait3A_1913 = arith.constant 0 : i32
    %dma_wait3A_1914 = tpu.memref_slice %arg10[%dma_wait3A_1909, %dma_wait3A_1913] : memref<8x128xi32, #tpu.memory_space<vmem>> -> memref<1x128xi32, #tpu.memory_space<vmem>>
    %dma_wait3A_1915 = tpu.memref_squeeze %dma_wait3A_1914 : memref<1x128xi32, #tpu.memory_space<vmem>> -> memref<128xi32, #tpu.memory_space<vmem>>
    %dma_wait3A_1916 = arith.constant 0 : i32
    %dma_wait3A_1917 = arith.constant 0 : i32
    %dma_wait3A_1918 = tpu.memref_slice %arg2[%add3A, %dma_wait3A_1916, %dma_wait3A_1917] : memref<32x2585x8xf32, #tpu.memory_space<hbm>> -> memref<1x2585x8xf32, #tpu.memory_space<hbm>>
    %dma_wait3A_1919 = tpu.memref_squeeze %dma_wait3A_1918 : memref<1x2585x8xf32, #tpu.memory_space<hbm>> -> memref<2585x8xf32, #tpu.memory_space<hbm>>
    %dma_wait3A_1920 = arith.constant 0 : i32
    %dma_wait3A_1921 = arith.constant 0 : i32
    %dma_wait3A_1922 = tpu.memref_slice %dma_wait3A_1919[%dma_wait3A_1920, %dma_wait3A_1921] : memref<2585x8xf32, #tpu.memory_space<hbm>> -> memref<2585x8xf32, #tpu.memory_space<hbm>>
    tpu.wait_indirect_dma semaphore(%arg18 : memref<!tpu.dma_semaphore, #tpu.memory_space<semaphore_mem>>) src(%dma_wait3A_1922 : memref<2585x8xf32, #tpu.memory_space<hbm>>) dst(%dma_wait3A_1912 : memref<128x8xf32, #tpu.memory_space<vmem>>)
    %dma_wait3A_1923 = arith.constant 3 : i32
    %dma_wait3A_1924 = arith.constant 384 : i32
    %dma_wait3A_1925 = arith.constant 0 : i32
    %dma_wait3A_1926 = tpu.memref_slice %arg14[%dma_wait3A_1924, %dma_wait3A_1925] : memref<1024x8xf32, #tpu.memory_space<vmem>> -> memref<128x8xf32, #tpu.memory_space<vmem>>
    %dma_wait3A_1927 = arith.constant 0 : i32
    %dma_wait3A_1928 = tpu.memref_slice %arg10[%dma_wait3A_1923, %dma_wait3A_1927] : memref<8x128xi32, #tpu.memory_space<vmem>> -> memref<1x128xi32, #tpu.memory_space<vmem>>
    %dma_wait3A_1929 = tpu.memref_squeeze %dma_wait3A_1928 : memref<1x128xi32, #tpu.memory_space<vmem>> -> memref<128xi32, #tpu.memory_space<vmem>>
    %dma_wait3A_1930 = arith.constant 0 : i32
    %dma_wait3A_1931 = arith.constant 0 : i32
    %dma_wait3A_1932 = tpu.memref_slice %arg2[%add3A, %dma_wait3A_1930, %dma_wait3A_1931] : memref<32x2585x8xf32, #tpu.memory_space<hbm>> -> memref<1x2585x8xf32, #tpu.memory_space<hbm>>
    %dma_wait3A_1933 = tpu.memref_squeeze %dma_wait3A_1932 : memref<1x2585x8xf32, #tpu.memory_space<hbm>> -> memref<2585x8xf32, #tpu.memory_space<hbm>>
    %dma_wait3A_1934 = arith.constant 0 : i32
    %dma_wait3A_1935 = arith.constant 0 : i32
    %dma_wait3A_1936 = tpu.memref_slice %dma_wait3A_1933[%dma_wait3A_1934, %dma_wait3A_1935] : memref<2585x8xf32, #tpu.memory_space<hbm>> -> memref<2585x8xf32, #tpu.memory_space<hbm>>
    tpu.wait_indirect_dma semaphore(%arg18 : memref<!tpu.dma_semaphore, #tpu.memory_space<semaphore_mem>>) src(%dma_wait3A_1936 : memref<2585x8xf32, #tpu.memory_space<hbm>>) dst(%dma_wait3A_1926 : memref<128x8xf32, #tpu.memory_space<vmem>>)
    %dma_wait3A_1937 = arith.constant 4 : i32
    %dma_wait3A_1938 = arith.constant 512 : i32
    %dma_wait3A_1939 = arith.constant 0 : i32
    %dma_wait3A_1940 = tpu.memref_slice %arg14[%dma_wait3A_1938, %dma_wait3A_1939] : memref<1024x8xf32, #tpu.memory_space<vmem>> -> memref<128x8xf32, #tpu.memory_space<vmem>>
    %dma_wait3A_1941 = arith.constant 0 : i32
    %dma_wait3A_1942 = tpu.memref_slice %arg10[%dma_wait3A_1937, %dma_wait3A_1941] : memref<8x128xi32, #tpu.memory_space<vmem>> -> memref<1x128xi32, #tpu.memory_space<vmem>>
    %dma_wait3A_1943 = tpu.memref_squeeze %dma_wait3A_1942 : memref<1x128xi32, #tpu.memory_space<vmem>> -> memref<128xi32, #tpu.memory_space<vmem>>
    %dma_wait3A_1944 = arith.constant 0 : i32
    %dma_wait3A_1945 = arith.constant 0 : i32
    %dma_wait3A_1946 = tpu.memref_slice %arg2[%add3A, %dma_wait3A_1944, %dma_wait3A_1945] : memref<32x2585x8xf32, #tpu.memory_space<hbm>> -> memref<1x2585x8xf32, #tpu.memory_space<hbm>>
    %dma_wait3A_1947 = tpu.memref_squeeze %dma_wait3A_1946 : memref<1x2585x8xf32, #tpu.memory_space<hbm>> -> memref<2585x8xf32, #tpu.memory_space<hbm>>
    %dma_wait3A_1948 = arith.constant 0 : i32
    %dma_wait3A_1949 = arith.constant 0 : i32
    %dma_wait3A_1950 = tpu.memref_slice %dma_wait3A_1947[%dma_wait3A_1948, %dma_wait3A_1949] : memref<2585x8xf32, #tpu.memory_space<hbm>> -> memref<2585x8xf32, #tpu.memory_space<hbm>>
    tpu.wait_indirect_dma semaphore(%arg18 : memref<!tpu.dma_semaphore, #tpu.memory_space<semaphore_mem>>) src(%dma_wait3A_1950 : memref<2585x8xf32, #tpu.memory_space<hbm>>) dst(%dma_wait3A_1940 : memref<128x8xf32, #tpu.memory_space<vmem>>)
    %dma_wait3A_1951 = arith.constant 5 : i32
    %dma_wait3A_1952 = arith.constant 640 : i32
    %dma_wait3A_1953 = arith.constant 0 : i32
    %dma_wait3A_1954 = tpu.memref_slice %arg14[%dma_wait3A_1952, %dma_wait3A_1953] : memref<1024x8xf32, #tpu.memory_space<vmem>> -> memref<128x8xf32, #tpu.memory_space<vmem>>
    %dma_wait3A_1955 = arith.constant 0 : i32
    %dma_wait3A_1956 = tpu.memref_slice %arg10[%dma_wait3A_1951, %dma_wait3A_1955] : memref<8x128xi32, #tpu.memory_space<vmem>> -> memref<1x128xi32, #tpu.memory_space<vmem>>
    %dma_wait3A_1957 = tpu.memref_squeeze %dma_wait3A_1956 : memref<1x128xi32, #tpu.memory_space<vmem>> -> memref<128xi32, #tpu.memory_space<vmem>>
    %dma_wait3A_1958 = arith.constant 0 : i32
    %dma_wait3A_1959 = arith.constant 0 : i32
    %dma_wait3A_1960 = tpu.memref_slice %arg2[%add3A, %dma_wait3A_1958, %dma_wait3A_1959] : memref<32x2585x8xf32, #tpu.memory_space<hbm>> -> memref<1x2585x8xf32, #tpu.memory_space<hbm>>
    %dma_wait3A_1961 = tpu.memref_squeeze %dma_wait3A_1960 : memref<1x2585x8xf32, #tpu.memory_space<hbm>> -> memref<2585x8xf32, #tpu.memory_space<hbm>>
    %dma_wait3A_1962 = arith.constant 0 : i32
    %dma_wait3A_1963 = arith.constant 0 : i32
    %dma_wait3A_1964 = tpu.memref_slice %dma_wait3A_1961[%dma_wait3A_1962, %dma_wait3A_1963] : memref<2585x8xf32, #tpu.memory_space<hbm>> -> memref<2585x8xf32, #tpu.memory_space<hbm>>
    tpu.wait_indirect_dma semaphore(%arg18 : memref<!tpu.dma_semaphore, #tpu.memory_space<semaphore_mem>>) src(%dma_wait3A_1964 : memref<2585x8xf32, #tpu.memory_space<hbm>>) dst(%dma_wait3A_1954 : memref<128x8xf32, #tpu.memory_space<vmem>>)
    %dma_wait3A_1965 = arith.constant 6 : i32
    %dma_wait3A_1966 = arith.constant 768 : i32
    %dma_wait3A_1967 = arith.constant 0 : i32
    %dma_wait3A_1968 = tpu.memref_slice %arg14[%dma_wait3A_1966, %dma_wait3A_1967] : memref<1024x8xf32, #tpu.memory_space<vmem>> -> memref<128x8xf32, #tpu.memory_space<vmem>>
    %dma_wait3A_1969 = arith.constant 0 : i32
    %dma_wait3A_1970 = tpu.memref_slice %arg10[%dma_wait3A_1965, %dma_wait3A_1969] : memref<8x128xi32, #tpu.memory_space<vmem>> -> memref<1x128xi32, #tpu.memory_space<vmem>>
    %dma_wait3A_1971 = tpu.memref_squeeze %dma_wait3A_1970 : memref<1x128xi32, #tpu.memory_space<vmem>> -> memref<128xi32, #tpu.memory_space<vmem>>
    %dma_wait3A_1972 = arith.constant 0 : i32
    %dma_wait3A_1973 = arith.constant 0 : i32
    %dma_wait3A_1974 = tpu.memref_slice %arg2[%add3A, %dma_wait3A_1972, %dma_wait3A_1973] : memref<32x2585x8xf32, #tpu.memory_space<hbm>> -> memref<1x2585x8xf32, #tpu.memory_space<hbm>>
    %dma_wait3A_1975 = tpu.memref_squeeze %dma_wait3A_1974 : memref<1x2585x8xf32, #tpu.memory_space<hbm>> -> memref<2585x8xf32, #tpu.memory_space<hbm>>
    %dma_wait3A_1976 = arith.constant 0 : i32
    %dma_wait3A_1977 = arith.constant 0 : i32
    %dma_wait3A_1978 = tpu.memref_slice %dma_wait3A_1975[%dma_wait3A_1976, %dma_wait3A_1977] : memref<2585x8xf32, #tpu.memory_space<hbm>> -> memref<2585x8xf32, #tpu.memory_space<hbm>>
    tpu.wait_indirect_dma semaphore(%arg18 : memref<!tpu.dma_semaphore, #tpu.memory_space<semaphore_mem>>) src(%dma_wait3A_1978 : memref<2585x8xf32, #tpu.memory_space<hbm>>) dst(%dma_wait3A_1968 : memref<128x8xf32, #tpu.memory_space<vmem>>)
    %dma_wait3A_1979 = arith.constant 7 : i32
    %dma_wait3A_1980 = arith.constant 896 : i32
    %dma_wait3A_1981 = arith.constant 0 : i32
    %dma_wait3A_1982 = tpu.memref_slice %arg14[%dma_wait3A_1980, %dma_wait3A_1981] : memref<1024x8xf32, #tpu.memory_space<vmem>> -> memref<128x8xf32, #tpu.memory_space<vmem>>
    %dma_wait3A_1983 = arith.constant 0 : i32
    %dma_wait3A_1984 = tpu.memref_slice %arg10[%dma_wait3A_1979, %dma_wait3A_1983] : memref<8x128xi32, #tpu.memory_space<vmem>> -> memref<1x128xi32, #tpu.memory_space<vmem>>
    %dma_wait3A_1985 = tpu.memref_squeeze %dma_wait3A_1984 : memref<1x128xi32, #tpu.memory_space<vmem>> -> memref<128xi32, #tpu.memory_space<vmem>>
    %dma_wait3A_1986 = arith.constant 0 : i32
    %dma_wait3A_1987 = arith.constant 0 : i32
    %dma_wait3A_1988 = tpu.memref_slice %arg2[%add3A, %dma_wait3A_1986, %dma_wait3A_1987] : memref<32x2585x8xf32, #tpu.memory_space<hbm>> -> memref<1x2585x8xf32, #tpu.memory_space<hbm>>
    %dma_wait3A_1989 = tpu.memref_squeeze %dma_wait3A_1988 : memref<1x2585x8xf32, #tpu.memory_space<hbm>> -> memref<2585x8xf32, #tpu.memory_space<hbm>>
    %dma_wait3A_1990 = arith.constant 0 : i32
    %dma_wait3A_1991 = arith.constant 0 : i32
    %dma_wait3A_1992 = tpu.memref_slice %dma_wait3A_1989[%dma_wait3A_1990, %dma_wait3A_1991] : memref<2585x8xf32, #tpu.memory_space<hbm>> -> memref<2585x8xf32, #tpu.memory_space<hbm>>
    tpu.wait_indirect_dma semaphore(%arg18 : memref<!tpu.dma_semaphore, #tpu.memory_space<semaphore_mem>>) src(%dma_wait3A_1992 : memref<2585x8xf32, #tpu.memory_space<hbm>>) dst(%dma_wait3A_1982 : memref<128x8xf32, #tpu.memory_space<vmem>>)
    %dma_wait3A_1993 = arith.constant 0 : i32
    %dma_wait3A_1994 = arith.constant 0 : i32
    %dma_wait3A_1995 = arith.constant 0 : i32
    %dma_wait3A_1996 = tpu.memref_slice %arg15[%dma_wait3A_1994, %dma_wait3A_1995] : memref<1024x8xf32, #tpu.memory_space<vmem>> -> memref<128x8xf32, #tpu.memory_space<vmem>>
    %dma_wait3A_1997 = arith.constant 0 : i32
    %dma_wait3A_1998 = tpu.memref_slice %arg11[%dma_wait3A_1993, %dma_wait3A_1997] : memref<8x128xi32, #tpu.memory_space<vmem>> -> memref<1x128xi32, #tpu.memory_space<vmem>>
    %dma_wait3A_1999 = tpu.memref_squeeze %dma_wait3A_1998 : memref<1x128xi32, #tpu.memory_space<vmem>> -> memref<128xi32, #tpu.memory_space<vmem>>
    %dma_wait3A_2000 = arith.constant 0 : i32
    %dma_wait3A_2001 = arith.constant 0 : i32
    %dma_wait3A_2002 = tpu.memref_slice %arg2[%add3A, %dma_wait3A_2000, %dma_wait3A_2001] : memref<32x2585x8xf32, #tpu.memory_space<hbm>> -> memref<1x2585x8xf32, #tpu.memory_space<hbm>>
    %dma_wait3A_2003 = tpu.memref_squeeze %dma_wait3A_2002 : memref<1x2585x8xf32, #tpu.memory_space<hbm>> -> memref<2585x8xf32, #tpu.memory_space<hbm>>
    %dma_wait3A_2004 = arith.constant 0 : i32
    %dma_wait3A_2005 = arith.constant 0 : i32
    %dma_wait3A_2006 = tpu.memref_slice %dma_wait3A_2003[%dma_wait3A_2004, %dma_wait3A_2005] : memref<2585x8xf32, #tpu.memory_space<hbm>> -> memref<2585x8xf32, #tpu.memory_space<hbm>>
    tpu.wait_indirect_dma semaphore(%arg18 : memref<!tpu.dma_semaphore, #tpu.memory_space<semaphore_mem>>) src(%dma_wait3A_2006 : memref<2585x8xf32, #tpu.memory_space<hbm>>) dst(%dma_wait3A_1996 : memref<128x8xf32, #tpu.memory_space<vmem>>)
    %dma_wait3A_2007 = arith.constant 1 : i32
    %dma_wait3A_2008 = arith.constant 128 : i32
    %dma_wait3A_2009 = arith.constant 0 : i32
    %dma_wait3A_2010 = tpu.memref_slice %arg15[%dma_wait3A_2008, %dma_wait3A_2009] : memref<1024x8xf32, #tpu.memory_space<vmem>> -> memref<128x8xf32, #tpu.memory_space<vmem>>
    %dma_wait3A_2011 = arith.constant 0 : i32
    %dma_wait3A_2012 = tpu.memref_slice %arg11[%dma_wait3A_2007, %dma_wait3A_2011] : memref<8x128xi32, #tpu.memory_space<vmem>> -> memref<1x128xi32, #tpu.memory_space<vmem>>
    %dma_wait3A_2013 = tpu.memref_squeeze %dma_wait3A_2012 : memref<1x128xi32, #tpu.memory_space<vmem>> -> memref<128xi32, #tpu.memory_space<vmem>>
    %dma_wait3A_2014 = arith.constant 0 : i32
    %dma_wait3A_2015 = arith.constant 0 : i32
    %dma_wait3A_2016 = tpu.memref_slice %arg2[%add3A, %dma_wait3A_2014, %dma_wait3A_2015] : memref<32x2585x8xf32, #tpu.memory_space<hbm>> -> memref<1x2585x8xf32, #tpu.memory_space<hbm>>
    %dma_wait3A_2017 = tpu.memref_squeeze %dma_wait3A_2016 : memref<1x2585x8xf32, #tpu.memory_space<hbm>> -> memref<2585x8xf32, #tpu.memory_space<hbm>>
    %dma_wait3A_2018 = arith.constant 0 : i32
    %dma_wait3A_2019 = arith.constant 0 : i32
    %dma_wait3A_2020 = tpu.memref_slice %dma_wait3A_2017[%dma_wait3A_2018, %dma_wait3A_2019] : memref<2585x8xf32, #tpu.memory_space<hbm>> -> memref<2585x8xf32, #tpu.memory_space<hbm>>
    tpu.wait_indirect_dma semaphore(%arg18 : memref<!tpu.dma_semaphore, #tpu.memory_space<semaphore_mem>>) src(%dma_wait3A_2020 : memref<2585x8xf32, #tpu.memory_space<hbm>>) dst(%dma_wait3A_2010 : memref<128x8xf32, #tpu.memory_space<vmem>>)
    %dma_wait3A_2021 = arith.constant 2 : i32
    %dma_wait3A_2022 = arith.constant 256 : i32
    %dma_wait3A_2023 = arith.constant 0 : i32
    %dma_wait3A_2024 = tpu.memref_slice %arg15[%dma_wait3A_2022, %dma_wait3A_2023] : memref<1024x8xf32, #tpu.memory_space<vmem>> -> memref<128x8xf32, #tpu.memory_space<vmem>>
    %dma_wait3A_2025 = arith.constant 0 : i32
    %dma_wait3A_2026 = tpu.memref_slice %arg11[%dma_wait3A_2021, %dma_wait3A_2025] : memref<8x128xi32, #tpu.memory_space<vmem>> -> memref<1x128xi32, #tpu.memory_space<vmem>>
    %dma_wait3A_2027 = tpu.memref_squeeze %dma_wait3A_2026 : memref<1x128xi32, #tpu.memory_space<vmem>> -> memref<128xi32, #tpu.memory_space<vmem>>
    %dma_wait3A_2028 = arith.constant 0 : i32
    %dma_wait3A_2029 = arith.constant 0 : i32
    %dma_wait3A_2030 = tpu.memref_slice %arg2[%add3A, %dma_wait3A_2028, %dma_wait3A_2029] : memref<32x2585x8xf32, #tpu.memory_space<hbm>> -> memref<1x2585x8xf32, #tpu.memory_space<hbm>>
    %dma_wait3A_2031 = tpu.memref_squeeze %dma_wait3A_2030 : memref<1x2585x8xf32, #tpu.memory_space<hbm>> -> memref<2585x8xf32, #tpu.memory_space<hbm>>
    %dma_wait3A_2032 = arith.constant 0 : i32
    %dma_wait3A_2033 = arith.constant 0 : i32
    %dma_wait3A_2034 = tpu.memref_slice %dma_wait3A_2031[%dma_wait3A_2032, %dma_wait3A_2033] : memref<2585x8xf32, #tpu.memory_space<hbm>> -> memref<2585x8xf32, #tpu.memory_space<hbm>>
    tpu.wait_indirect_dma semaphore(%arg18 : memref<!tpu.dma_semaphore, #tpu.memory_space<semaphore_mem>>) src(%dma_wait3A_2034 : memref<2585x8xf32, #tpu.memory_space<hbm>>) dst(%dma_wait3A_2024 : memref<128x8xf32, #tpu.memory_space<vmem>>)
    %dma_wait3A_2035 = arith.constant 3 : i32
    %dma_wait3A_2036 = arith.constant 384 : i32
    %dma_wait3A_2037 = arith.constant 0 : i32
    %dma_wait3A_2038 = tpu.memref_slice %arg15[%dma_wait3A_2036, %dma_wait3A_2037] : memref<1024x8xf32, #tpu.memory_space<vmem>> -> memref<128x8xf32, #tpu.memory_space<vmem>>
    %dma_wait3A_2039 = arith.constant 0 : i32
    %dma_wait3A_2040 = tpu.memref_slice %arg11[%dma_wait3A_2035, %dma_wait3A_2039] : memref<8x128xi32, #tpu.memory_space<vmem>> -> memref<1x128xi32, #tpu.memory_space<vmem>>
    %dma_wait3A_2041 = tpu.memref_squeeze %dma_wait3A_2040 : memref<1x128xi32, #tpu.memory_space<vmem>> -> memref<128xi32, #tpu.memory_space<vmem>>
    %dma_wait3A_2042 = arith.constant 0 : i32
    %dma_wait3A_2043 = arith.constant 0 : i32
    %dma_wait3A_2044 = tpu.memref_slice %arg2[%add3A, %dma_wait3A_2042, %dma_wait3A_2043] : memref<32x2585x8xf32, #tpu.memory_space<hbm>> -> memref<1x2585x8xf32, #tpu.memory_space<hbm>>
    %dma_wait3A_2045 = tpu.memref_squeeze %dma_wait3A_2044 : memref<1x2585x8xf32, #tpu.memory_space<hbm>> -> memref<2585x8xf32, #tpu.memory_space<hbm>>
    %dma_wait3A_2046 = arith.constant 0 : i32
    %dma_wait3A_2047 = arith.constant 0 : i32
    %dma_wait3A_2048 = tpu.memref_slice %dma_wait3A_2045[%dma_wait3A_2046, %dma_wait3A_2047] : memref<2585x8xf32, #tpu.memory_space<hbm>> -> memref<2585x8xf32, #tpu.memory_space<hbm>>
    tpu.wait_indirect_dma semaphore(%arg18 : memref<!tpu.dma_semaphore, #tpu.memory_space<semaphore_mem>>) src(%dma_wait3A_2048 : memref<2585x8xf32, #tpu.memory_space<hbm>>) dst(%dma_wait3A_2038 : memref<128x8xf32, #tpu.memory_space<vmem>>)
    %dma_wait3A_2049 = arith.constant 4 : i32
    %dma_wait3A_2050 = arith.constant 512 : i32
    %dma_wait3A_2051 = arith.constant 0 : i32
    %dma_wait3A_2052 = tpu.memref_slice %arg15[%dma_wait3A_2050, %dma_wait3A_2051] : memref<1024x8xf32, #tpu.memory_space<vmem>> -> memref<128x8xf32, #tpu.memory_space<vmem>>
    %dma_wait3A_2053 = arith.constant 0 : i32
    %dma_wait3A_2054 = tpu.memref_slice %arg11[%dma_wait3A_2049, %dma_wait3A_2053] : memref<8x128xi32, #tpu.memory_space<vmem>> -> memref<1x128xi32, #tpu.memory_space<vmem>>
    %dma_wait3A_2055 = tpu.memref_squeeze %dma_wait3A_2054 : memref<1x128xi32, #tpu.memory_space<vmem>> -> memref<128xi32, #tpu.memory_space<vmem>>
    %dma_wait3A_2056 = arith.constant 0 : i32
    %dma_wait3A_2057 = arith.constant 0 : i32
    %dma_wait3A_2058 = tpu.memref_slice %arg2[%add3A, %dma_wait3A_2056, %dma_wait3A_2057] : memref<32x2585x8xf32, #tpu.memory_space<hbm>> -> memref<1x2585x8xf32, #tpu.memory_space<hbm>>
    %dma_wait3A_2059 = tpu.memref_squeeze %dma_wait3A_2058 : memref<1x2585x8xf32, #tpu.memory_space<hbm>> -> memref<2585x8xf32, #tpu.memory_space<hbm>>
    %dma_wait3A_2060 = arith.constant 0 : i32
    %dma_wait3A_2061 = arith.constant 0 : i32
    %dma_wait3A_2062 = tpu.memref_slice %dma_wait3A_2059[%dma_wait3A_2060, %dma_wait3A_2061] : memref<2585x8xf32, #tpu.memory_space<hbm>> -> memref<2585x8xf32, #tpu.memory_space<hbm>>
    tpu.wait_indirect_dma semaphore(%arg18 : memref<!tpu.dma_semaphore, #tpu.memory_space<semaphore_mem>>) src(%dma_wait3A_2062 : memref<2585x8xf32, #tpu.memory_space<hbm>>) dst(%dma_wait3A_2052 : memref<128x8xf32, #tpu.memory_space<vmem>>)
    %dma_wait3A_2063 = arith.constant 5 : i32
    %dma_wait3A_2064 = arith.constant 640 : i32
    %dma_wait3A_2065 = arith.constant 0 : i32
    %dma_wait3A_2066 = tpu.memref_slice %arg15[%dma_wait3A_2064, %dma_wait3A_2065] : memref<1024x8xf32, #tpu.memory_space<vmem>> -> memref<128x8xf32, #tpu.memory_space<vmem>>
    %dma_wait3A_2067 = arith.constant 0 : i32
    %dma_wait3A_2068 = tpu.memref_slice %arg11[%dma_wait3A_2063, %dma_wait3A_2067] : memref<8x128xi32, #tpu.memory_space<vmem>> -> memref<1x128xi32, #tpu.memory_space<vmem>>
    %dma_wait3A_2069 = tpu.memref_squeeze %dma_wait3A_2068 : memref<1x128xi32, #tpu.memory_space<vmem>> -> memref<128xi32, #tpu.memory_space<vmem>>
    %dma_wait3A_2070 = arith.constant 0 : i32
    %dma_wait3A_2071 = arith.constant 0 : i32
    %dma_wait3A_2072 = tpu.memref_slice %arg2[%add3A, %dma_wait3A_2070, %dma_wait3A_2071] : memref<32x2585x8xf32, #tpu.memory_space<hbm>> -> memref<1x2585x8xf32, #tpu.memory_space<hbm>>
    %dma_wait3A_2073 = tpu.memref_squeeze %dma_wait3A_2072 : memref<1x2585x8xf32, #tpu.memory_space<hbm>> -> memref<2585x8xf32, #tpu.memory_space<hbm>>
    %dma_wait3A_2074 = arith.constant 0 : i32
    %dma_wait3A_2075 = arith.constant 0 : i32
    %dma_wait3A_2076 = tpu.memref_slice %dma_wait3A_2073[%dma_wait3A_2074, %dma_wait3A_2075] : memref<2585x8xf32, #tpu.memory_space<hbm>> -> memref<2585x8xf32, #tpu.memory_space<hbm>>
    tpu.wait_indirect_dma semaphore(%arg18 : memref<!tpu.dma_semaphore, #tpu.memory_space<semaphore_mem>>) src(%dma_wait3A_2076 : memref<2585x8xf32, #tpu.memory_space<hbm>>) dst(%dma_wait3A_2066 : memref<128x8xf32, #tpu.memory_space<vmem>>)
    %dma_wait3A_2077 = arith.constant 6 : i32
    %dma_wait3A_2078 = arith.constant 768 : i32
    %dma_wait3A_2079 = arith.constant 0 : i32
    %dma_wait3A_2080 = tpu.memref_slice %arg15[%dma_wait3A_2078, %dma_wait3A_2079] : memref<1024x8xf32, #tpu.memory_space<vmem>> -> memref<128x8xf32, #tpu.memory_space<vmem>>
    %dma_wait3A_2081 = arith.constant 0 : i32
    %dma_wait3A_2082 = tpu.memref_slice %arg11[%dma_wait3A_2077, %dma_wait3A_2081] : memref<8x128xi32, #tpu.memory_space<vmem>> -> memref<1x128xi32, #tpu.memory_space<vmem>>
    %dma_wait3A_2083 = tpu.memref_squeeze %dma_wait3A_2082 : memref<1x128xi32, #tpu.memory_space<vmem>> -> memref<128xi32, #tpu.memory_space<vmem>>
    %dma_wait3A_2084 = arith.constant 0 : i32
    %dma_wait3A_2085 = arith.constant 0 : i32
    %dma_wait3A_2086 = tpu.memref_slice %arg2[%add3A, %dma_wait3A_2084, %dma_wait3A_2085] : memref<32x2585x8xf32, #tpu.memory_space<hbm>> -> memref<1x2585x8xf32, #tpu.memory_space<hbm>>
    %dma_wait3A_2087 = tpu.memref_squeeze %dma_wait3A_2086 : memref<1x2585x8xf32, #tpu.memory_space<hbm>> -> memref<2585x8xf32, #tpu.memory_space<hbm>>
    %dma_wait3A_2088 = arith.constant 0 : i32
    %dma_wait3A_2089 = arith.constant 0 : i32
    %dma_wait3A_2090 = tpu.memref_slice %dma_wait3A_2087[%dma_wait3A_2088, %dma_wait3A_2089] : memref<2585x8xf32, #tpu.memory_space<hbm>> -> memref<2585x8xf32, #tpu.memory_space<hbm>>
    tpu.wait_indirect_dma semaphore(%arg18 : memref<!tpu.dma_semaphore, #tpu.memory_space<semaphore_mem>>) src(%dma_wait3A_2090 : memref<2585x8xf32, #tpu.memory_space<hbm>>) dst(%dma_wait3A_2080 : memref<128x8xf32, #tpu.memory_space<vmem>>)
    %dma_wait3A_2091 = arith.constant 7 : i32
    %dma_wait3A_2092 = arith.constant 896 : i32
    %dma_wait3A_2093 = arith.constant 0 : i32
    %dma_wait3A_2094 = tpu.memref_slice %arg15[%dma_wait3A_2092, %dma_wait3A_2093] : memref<1024x8xf32, #tpu.memory_space<vmem>> -> memref<128x8xf32, #tpu.memory_space<vmem>>
    %dma_wait3A_2095 = arith.constant 0 : i32
    %dma_wait3A_2096 = tpu.memref_slice %arg11[%dma_wait3A_2091, %dma_wait3A_2095] : memref<8x128xi32, #tpu.memory_space<vmem>> -> memref<1x128xi32, #tpu.memory_space<vmem>>
    %dma_wait3A_2097 = tpu.memref_squeeze %dma_wait3A_2096 : memref<1x128xi32, #tpu.memory_space<vmem>> -> memref<128xi32, #tpu.memory_space<vmem>>
    %dma_wait3A_2098 = arith.constant 0 : i32
    %dma_wait3A_2099 = arith.constant 0 : i32
    %dma_wait3A_2100 = tpu.memref_slice %arg2[%add3A, %dma_wait3A_2098, %dma_wait3A_2099] : memref<32x2585x8xf32, #tpu.memory_space<hbm>> -> memref<1x2585x8xf32, #tpu.memory_space<hbm>>
    %dma_wait3A_2101 = tpu.memref_squeeze %dma_wait3A_2100 : memref<1x2585x8xf32, #tpu.memory_space<hbm>> -> memref<2585x8xf32, #tpu.memory_space<hbm>>
    %dma_wait3A_2102 = arith.constant 0 : i32
    %dma_wait3A_2103 = arith.constant 0 : i32
    %dma_wait3A_2104 = tpu.memref_slice %dma_wait3A_2101[%dma_wait3A_2102, %dma_wait3A_2103] : memref<2585x8xf32, #tpu.memory_space<hbm>> -> memref<2585x8xf32, #tpu.memory_space<hbm>>
    tpu.wait_indirect_dma semaphore(%arg18 : memref<!tpu.dma_semaphore, #tpu.memory_space<semaphore_mem>>) src(%dma_wait3A_2104 : memref<2585x8xf32, #tpu.memory_space<hbm>>) dst(%dma_wait3A_2094 : memref<128x8xf32, #tpu.memory_space<vmem>>)
    %dma_wait3A_2105 = arith.constant 0 : i32
    %dma_wait3A_2106 = arith.constant 0 : i32
    %dma_wait3A_2107 = arith.constant 0 : i32
    %dma_wait3A_2108 = tpu.memref_slice %arg16[%dma_wait3A_2106, %dma_wait3A_2107] : memref<256x8xf32, #tpu.memory_space<vmem>> -> memref<128x8xf32, #tpu.memory_space<vmem>>
    %dma_wait3A_2109 = arith.constant 0 : i32
    %dma_wait3A_2110 = tpu.memref_slice %arg12[%dma_wait3A_2105, %dma_wait3A_2109] : memref<2x128xi32, #tpu.memory_space<vmem>> -> memref<1x128xi32, #tpu.memory_space<vmem>>
    %dma_wait3A_2111 = tpu.memref_squeeze %dma_wait3A_2110 : memref<1x128xi32, #tpu.memory_space<vmem>> -> memref<128xi32, #tpu.memory_space<vmem>>
    %dma_wait3A_2112 = arith.constant 0 : i32
    %dma_wait3A_2113 = arith.constant 0 : i32
    %dma_wait3A_2114 = tpu.memref_slice %arg3[%add3A, %dma_wait3A_2112, %dma_wait3A_2113] : memref<32x3751x8xf32, #tpu.memory_space<hbm>> -> memref<1x3751x8xf32, #tpu.memory_space<hbm>>
    %dma_wait3A_2115 = tpu.memref_squeeze %dma_wait3A_2114 : memref<1x3751x8xf32, #tpu.memory_space<hbm>> -> memref<3751x8xf32, #tpu.memory_space<hbm>>
    %dma_wait3A_2116 = arith.constant 0 : i32
    %dma_wait3A_2117 = arith.constant 0 : i32
    %dma_wait3A_2118 = tpu.memref_slice %dma_wait3A_2115[%dma_wait3A_2116, %dma_wait3A_2117] : memref<3751x8xf32, #tpu.memory_space<hbm>> -> memref<3751x8xf32, #tpu.memory_space<hbm>>
    tpu.wait_indirect_dma semaphore(%arg18 : memref<!tpu.dma_semaphore, #tpu.memory_space<semaphore_mem>>) src(%dma_wait3A_2118 : memref<3751x8xf32, #tpu.memory_space<hbm>>) dst(%dma_wait3A_2108 : memref<128x8xf32, #tpu.memory_space<vmem>>)
    %dma_wait3A_2119 = arith.constant 1 : i32
    %dma_wait3A_2120 = arith.constant 128 : i32
    %dma_wait3A_2121 = arith.constant 0 : i32
    %dma_wait3A_2122 = tpu.memref_slice %arg16[%dma_wait3A_2120, %dma_wait3A_2121] : memref<256x8xf32, #tpu.memory_space<vmem>> -> memref<128x8xf32, #tpu.memory_space<vmem>>
    %dma_wait3A_2123 = arith.constant 0 : i32
    %dma_wait3A_2124 = tpu.memref_slice %arg12[%dma_wait3A_2119, %dma_wait3A_2123] : memref<2x128xi32, #tpu.memory_space<vmem>> -> memref<1x128xi32, #tpu.memory_space<vmem>>
    %dma_wait3A_2125 = tpu.memref_squeeze %dma_wait3A_2124 : memref<1x128xi32, #tpu.memory_space<vmem>> -> memref<128xi32, #tpu.memory_space<vmem>>
    %dma_wait3A_2126 = arith.constant 0 : i32
    %dma_wait3A_2127 = arith.constant 0 : i32
    %dma_wait3A_2128 = tpu.memref_slice %arg3[%add3A, %dma_wait3A_2126, %dma_wait3A_2127] : memref<32x3751x8xf32, #tpu.memory_space<hbm>> -> memref<1x3751x8xf32, #tpu.memory_space<hbm>>
    %dma_wait3A_2129 = tpu.memref_squeeze %dma_wait3A_2128 : memref<1x3751x8xf32, #tpu.memory_space<hbm>> -> memref<3751x8xf32, #tpu.memory_space<hbm>>
    %dma_wait3A_2130 = arith.constant 0 : i32
    %dma_wait3A_2131 = arith.constant 0 : i32
    %dma_wait3A_2132 = tpu.memref_slice %dma_wait3A_2129[%dma_wait3A_2130, %dma_wait3A_2131] : memref<3751x8xf32, #tpu.memory_space<hbm>> -> memref<3751x8xf32, #tpu.memory_space<hbm>>
    tpu.wait_indirect_dma semaphore(%arg18 : memref<!tpu.dma_semaphore, #tpu.memory_space<semaphore_mem>>) src(%dma_wait3A_2132 : memref<3751x8xf32, #tpu.memory_space<hbm>>) dst(%dma_wait3A_2122 : memref<128x8xf32, #tpu.memory_space<vmem>>)
    %dma_wait3A_2133 = arith.constant 0 : i32
    %dma_wait3A_2134 = arith.constant 0 : i32
    %dma_wait3A_2135 = arith.constant 0 : i32
    %dma_wait3A_2136 = tpu.memref_slice %arg17[%dma_wait3A_2134, %dma_wait3A_2135] : memref<256x8xf32, #tpu.memory_space<vmem>> -> memref<128x8xf32, #tpu.memory_space<vmem>>
    %dma_wait3A_2137 = arith.constant 0 : i32
    %dma_wait3A_2138 = tpu.memref_slice %arg13[%dma_wait3A_2133, %dma_wait3A_2137] : memref<2x128xi32, #tpu.memory_space<vmem>> -> memref<1x128xi32, #tpu.memory_space<vmem>>
    %dma_wait3A_2139 = tpu.memref_squeeze %dma_wait3A_2138 : memref<1x128xi32, #tpu.memory_space<vmem>> -> memref<128xi32, #tpu.memory_space<vmem>>
    %dma_wait3A_2140 = arith.constant 0 : i32
    %dma_wait3A_2141 = arith.constant 0 : i32
    %dma_wait3A_2142 = tpu.memref_slice %arg3[%add3A, %dma_wait3A_2140, %dma_wait3A_2141] : memref<32x3751x8xf32, #tpu.memory_space<hbm>> -> memref<1x3751x8xf32, #tpu.memory_space<hbm>>
    %dma_wait3A_2143 = tpu.memref_squeeze %dma_wait3A_2142 : memref<1x3751x8xf32, #tpu.memory_space<hbm>> -> memref<3751x8xf32, #tpu.memory_space<hbm>>
    %dma_wait3A_2144 = arith.constant 0 : i32
    %dma_wait3A_2145 = arith.constant 0 : i32
    %dma_wait3A_2146 = tpu.memref_slice %dma_wait3A_2143[%dma_wait3A_2144, %dma_wait3A_2145] : memref<3751x8xf32, #tpu.memory_space<hbm>> -> memref<3751x8xf32, #tpu.memory_space<hbm>>
    tpu.wait_indirect_dma semaphore(%arg18 : memref<!tpu.dma_semaphore, #tpu.memory_space<semaphore_mem>>) src(%dma_wait3A_2146 : memref<3751x8xf32, #tpu.memory_space<hbm>>) dst(%dma_wait3A_2136 : memref<128x8xf32, #tpu.memory_space<vmem>>)
    %dma_wait3A_2147 = arith.constant 1 : i32
    %dma_wait3A_2148 = arith.constant 128 : i32
    %dma_wait3A_2149 = arith.constant 0 : i32
    %dma_wait3A_2150 = tpu.memref_slice %arg17[%dma_wait3A_2148, %dma_wait3A_2149] : memref<256x8xf32, #tpu.memory_space<vmem>> -> memref<128x8xf32, #tpu.memory_space<vmem>>
    %dma_wait3A_2151 = arith.constant 0 : i32
    %dma_wait3A_2152 = tpu.memref_slice %arg13[%dma_wait3A_2147, %dma_wait3A_2151] : memref<2x128xi32, #tpu.memory_space<vmem>> -> memref<1x128xi32, #tpu.memory_space<vmem>>
    %dma_wait3A_2153 = tpu.memref_squeeze %dma_wait3A_2152 : memref<1x128xi32, #tpu.memory_space<vmem>> -> memref<128xi32, #tpu.memory_space<vmem>>
    %dma_wait3A_2154 = arith.constant 0 : i32
    %dma_wait3A_2155 = arith.constant 0 : i32
    %dma_wait3A_2156 = tpu.memref_slice %arg3[%add3A, %dma_wait3A_2154, %dma_wait3A_2155] : memref<32x3751x8xf32, #tpu.memory_space<hbm>> -> memref<1x3751x8xf32, #tpu.memory_space<hbm>>
    %dma_wait3A_2157 = tpu.memref_squeeze %dma_wait3A_2156 : memref<1x3751x8xf32, #tpu.memory_space<hbm>> -> memref<3751x8xf32, #tpu.memory_space<hbm>>
    %dma_wait3A_2158 = arith.constant 0 : i32
    %dma_wait3A_2159 = arith.constant 0 : i32
    %dma_wait3A_2160 = tpu.memref_slice %dma_wait3A_2157[%dma_wait3A_2158, %dma_wait3A_2159] : memref<3751x8xf32, #tpu.memory_space<hbm>> -> memref<3751x8xf32, #tpu.memory_space<hbm>>
    tpu.wait_indirect_dma semaphore(%arg18 : memref<!tpu.dma_semaphore, #tpu.memory_space<semaphore_mem>>) src(%dma_wait3A_2160 : memref<3751x8xf32, #tpu.memory_space<hbm>>) dst(%dma_wait3A_2150 : memref<128x8xf32, #tpu.memory_space<vmem>>)
    %run_scoped3A = arith.constant 0 : i32
    "tpu.region"() ({
      %run_scoped3A_2164 = tpu.sem_alloc : memref<!tpu.dma_semaphore, #tpu.memory_space<semaphore_mem>>
      %dma_start3A_2165 = arith.constant 0 : i32
      %dma_start3A_2166 = arith.constant 0 : i32
      %dma_start3A_2167 = tpu.memref_slice %arg6[%add3A, %run_scoped3A, %dma_start3A_2165, %dma_start3A_2166] : memref<32x2x1024x8xf32, #tpu.memory_space<hbm>> -> memref<1x1x1024x8xf32, #tpu.memory_space<hbm>>
      %dma_start3A_2168 = tpu.memref_squeeze %dma_start3A_2167 : memref<1x1x1024x8xf32, #tpu.memory_space<hbm>> -> memref<1024x8xf32, #tpu.memory_space<hbm>>
      %dma_start3A_2169 = arith.constant 0 : i32
      %dma_start3A_2170 = arith.constant 0 : i32
      %dma_start3A_2171 = tpu.memref_slice %arg6[%add3A, %run_scoped3A, %dma_start3A_2169, %dma_start3A_2170] : memref<32x2x1024x8xf32, #tpu.memory_space<hbm>> -> memref<1x1x1024x8xf32, #tpu.memory_space<hbm>>
      %dma_start3A_2172 = tpu.memref_squeeze %dma_start3A_2171 : memref<1x1x1024x8xf32, #tpu.memory_space<hbm>> -> memref<1024x8xf32, #tpu.memory_space<hbm>>
      tpu.enqueue_dma source(%arg14 : memref<1024x8xf32, #tpu.memory_space<vmem>>) target(%dma_start3A_2172 : memref<1024x8xf32, #tpu.memory_space<hbm>>) target_semaphore(%run_scoped3A_2164 : memref<!tpu.dma_semaphore, #tpu.memory_space<semaphore_mem>>)
      %dma_wait3A_2173 = arith.constant 0 : i32
      %dma_wait3A_2174 = arith.constant 0 : i32
      %dma_wait3A_2175 = tpu.memref_slice %arg6[%add3A, %run_scoped3A, %dma_wait3A_2173, %dma_wait3A_2174] : memref<32x2x1024x8xf32, #tpu.memory_space<hbm>> -> memref<1x1x1024x8xf32, #tpu.memory_space<hbm>>
      %dma_wait3A_2176 = tpu.memref_squeeze %dma_wait3A_2175 : memref<1x1x1024x8xf32, #tpu.memory_space<hbm>> -> memref<1024x8xf32, #tpu.memory_space<hbm>>
      %dma_wait3A_2177 = arith.constant 0 : i32
      %dma_wait3A_2178 = arith.constant 0 : i32
      %dma_wait3A_2179 = tpu.memref_slice %arg6[%add3A, %run_scoped3A, %dma_wait3A_2177, %dma_wait3A_2178] : memref<32x2x1024x8xf32, #tpu.memory_space<hbm>> -> memref<1x1x1024x8xf32, #tpu.memory_space<hbm>>
      %dma_wait3A_2180 = tpu.memref_squeeze %dma_wait3A_2179 : memref<1x1x1024x8xf32, #tpu.memory_space<hbm>> -> memref<1024x8xf32, #tpu.memory_space<hbm>>
      tpu.wait_dma2 semaphore(%run_scoped3A_2164 : memref<!tpu.dma_semaphore, #tpu.memory_space<semaphore_mem>>) src(%arg14 : memref<1024x8xf32, #tpu.memory_space<vmem>>) dst(%dma_wait3A_2180 : memref<1024x8xf32, #tpu.memory_space<hbm>>)
      tpu.yield
    }) : () -> ()
    %run_scoped3A_2161 = arith.constant 1 : i32
    "tpu.region"() ({
      %run_scoped3A_2164 = tpu.sem_alloc : memref<!tpu.dma_semaphore, #tpu.memory_space<semaphore_mem>>
      %dma_start3A_2165 = arith.constant 0 : i32
      %dma_start3A_2166 = arith.constant 0 : i32
      %dma_start3A_2167 = tpu.memref_slice %arg6[%add3A, %run_scoped3A_2161, %dma_start3A_2165, %dma_start3A_2166] : memref<32x2x1024x8xf32, #tpu.memory_space<hbm>> -> memref<1x1x1024x8xf32, #tpu.memory_space<hbm>>
      %dma_start3A_2168 = tpu.memref_squeeze %dma_start3A_2167 : memref<1x1x1024x8xf32, #tpu.memory_space<hbm>> -> memref<1024x8xf32, #tpu.memory_space<hbm>>
      %dma_start3A_2169 = arith.constant 0 : i32
      %dma_start3A_2170 = arith.constant 0 : i32
      %dma_start3A_2171 = tpu.memref_slice %arg6[%add3A, %run_scoped3A_2161, %dma_start3A_2169, %dma_start3A_2170] : memref<32x2x1024x8xf32, #tpu.memory_space<hbm>> -> memref<1x1x1024x8xf32, #tpu.memory_space<hbm>>
      %dma_start3A_2172 = tpu.memref_squeeze %dma_start3A_2171 : memref<1x1x1024x8xf32, #tpu.memory_space<hbm>> -> memref<1024x8xf32, #tpu.memory_space<hbm>>
      tpu.enqueue_dma source(%arg15 : memref<1024x8xf32, #tpu.memory_space<vmem>>) target(%dma_start3A_2172 : memref<1024x8xf32, #tpu.memory_space<hbm>>) target_semaphore(%run_scoped3A_2164 : memref<!tpu.dma_semaphore, #tpu.memory_space<semaphore_mem>>)
      %dma_wait3A_2173 = arith.constant 0 : i32
      %dma_wait3A_2174 = arith.constant 0 : i32
      %dma_wait3A_2175 = tpu.memref_slice %arg6[%add3A, %run_scoped3A_2161, %dma_wait3A_2173, %dma_wait3A_2174] : memref<32x2x1024x8xf32, #tpu.memory_space<hbm>> -> memref<1x1x1024x8xf32, #tpu.memory_space<hbm>>
      %dma_wait3A_2176 = tpu.memref_squeeze %dma_wait3A_2175 : memref<1x1x1024x8xf32, #tpu.memory_space<hbm>> -> memref<1024x8xf32, #tpu.memory_space<hbm>>
      %dma_wait3A_2177 = arith.constant 0 : i32
      %dma_wait3A_2178 = arith.constant 0 : i32
      %dma_wait3A_2179 = tpu.memref_slice %arg6[%add3A, %run_scoped3A_2161, %dma_wait3A_2177, %dma_wait3A_2178] : memref<32x2x1024x8xf32, #tpu.memory_space<hbm>> -> memref<1x1x1024x8xf32, #tpu.memory_space<hbm>>
      %dma_wait3A_2180 = tpu.memref_squeeze %dma_wait3A_2179 : memref<1x1x1024x8xf32, #tpu.memory_space<hbm>> -> memref<1024x8xf32, #tpu.memory_space<hbm>>
      tpu.wait_dma2 semaphore(%run_scoped3A_2164 : memref<!tpu.dma_semaphore, #tpu.memory_space<semaphore_mem>>) src(%arg15 : memref<1024x8xf32, #tpu.memory_space<vmem>>) dst(%dma_wait3A_2180 : memref<1024x8xf32, #tpu.memory_space<hbm>>)
      tpu.yield
    }) : () -> ()
    %run_scoped3A_2162 = arith.constant 0 : i32
    "tpu.region"() ({
      %run_scoped3A_2164 = tpu.sem_alloc : memref<!tpu.dma_semaphore, #tpu.memory_space<semaphore_mem>>
      %dma_start3A_2165 = arith.constant 0 : i32
      %dma_start3A_2166 = arith.constant 0 : i32
      %dma_start3A_2167 = tpu.memref_slice %arg7[%add3A, %run_scoped3A_2162, %dma_start3A_2165, %dma_start3A_2166] : memref<32x2x256x8xf32, #tpu.memory_space<hbm>> -> memref<1x1x256x8xf32, #tpu.memory_space<hbm>>
      %dma_start3A_2168 = tpu.memref_squeeze %dma_start3A_2167 : memref<1x1x256x8xf32, #tpu.memory_space<hbm>> -> memref<256x8xf32, #tpu.memory_space<hbm>>
      %dma_start3A_2169 = arith.constant 0 : i32
      %dma_start3A_2170 = arith.constant 0 : i32
      %dma_start3A_2171 = tpu.memref_slice %arg7[%add3A, %run_scoped3A_2162, %dma_start3A_2169, %dma_start3A_2170] : memref<32x2x256x8xf32, #tpu.memory_space<hbm>> -> memref<1x1x256x8xf32, #tpu.memory_space<hbm>>
      %dma_start3A_2172 = tpu.memref_squeeze %dma_start3A_2171 : memref<1x1x256x8xf32, #tpu.memory_space<hbm>> -> memref<256x8xf32, #tpu.memory_space<hbm>>
      tpu.enqueue_dma source(%arg16 : memref<256x8xf32, #tpu.memory_space<vmem>>) target(%dma_start3A_2172 : memref<256x8xf32, #tpu.memory_space<hbm>>) target_semaphore(%run_scoped3A_2164 : memref<!tpu.dma_semaphore, #tpu.memory_space<semaphore_mem>>)
      %dma_wait3A_2173 = arith.constant 0 : i32
      %dma_wait3A_2174 = arith.constant 0 : i32
      %dma_wait3A_2175 = tpu.memref_slice %arg7[%add3A, %run_scoped3A_2162, %dma_wait3A_2173, %dma_wait3A_2174] : memref<32x2x256x8xf32, #tpu.memory_space<hbm>> -> memref<1x1x256x8xf32, #tpu.memory_space<hbm>>
      %dma_wait3A_2176 = tpu.memref_squeeze %dma_wait3A_2175 : memref<1x1x256x8xf32, #tpu.memory_space<hbm>> -> memref<256x8xf32, #tpu.memory_space<hbm>>
      %dma_wait3A_2177 = arith.constant 0 : i32
      %dma_wait3A_2178 = arith.constant 0 : i32
      %dma_wait3A_2179 = tpu.memref_slice %arg7[%add3A, %run_scoped3A_2162, %dma_wait3A_2177, %dma_wait3A_2178] : memref<32x2x256x8xf32, #tpu.memory_space<hbm>> -> memref<1x1x256x8xf32, #tpu.memory_space<hbm>>
      %dma_wait3A_2180 = tpu.memref_squeeze %dma_wait3A_2179 : memref<1x1x256x8xf32, #tpu.memory_space<hbm>> -> memref<256x8xf32, #tpu.memory_space<hbm>>
      tpu.wait_dma2 semaphore(%run_scoped3A_2164 : memref<!tpu.dma_semaphore, #tpu.memory_space<semaphore_mem>>) src(%arg16 : memref<256x8xf32, #tpu.memory_space<vmem>>) dst(%dma_wait3A_2180 : memref<256x8xf32, #tpu.memory_space<hbm>>)
      tpu.yield
    }) : () -> ()
    %run_scoped3A_2163 = arith.constant 1 : i32
    "tpu.region"() ({
      %run_scoped3A_2164 = tpu.sem_alloc : memref<!tpu.dma_semaphore, #tpu.memory_space<semaphore_mem>>
      %dma_start3A_2165 = arith.constant 0 : i32
      %dma_start3A_2166 = arith.constant 0 : i32
      %dma_start3A_2167 = tpu.memref_slice %arg7[%add3A, %run_scoped3A_2163, %dma_start3A_2165, %dma_start3A_2166] : memref<32x2x256x8xf32, #tpu.memory_space<hbm>> -> memref<1x1x256x8xf32, #tpu.memory_space<hbm>>
      %dma_start3A_2168 = tpu.memref_squeeze %dma_start3A_2167 : memref<1x1x256x8xf32, #tpu.memory_space<hbm>> -> memref<256x8xf32, #tpu.memory_space<hbm>>
      %dma_start3A_2169 = arith.constant 0 : i32
      %dma_start3A_2170 = arith.constant 0 : i32
      %dma_start3A_2171 = tpu.memref_slice %arg7[%add3A, %run_scoped3A_2163, %dma_start3A_2169, %dma_start3A_2170] : memref<32x2x256x8xf32, #tpu.memory_space<hbm>> -> memref<1x1x256x8xf32, #tpu.memory_space<hbm>>
      %dma_start3A_2172 = tpu.memref_squeeze %dma_start3A_2171 : memref<1x1x256x8xf32, #tpu.memory_space<hbm>> -> memref<256x8xf32, #tpu.memory_space<hbm>>
      tpu.enqueue_dma source(%arg17 : memref<256x8xf32, #tpu.memory_space<vmem>>) target(%dma_start3A_2172 : memref<256x8xf32, #tpu.memory_space<hbm>>) target_semaphore(%run_scoped3A_2164 : memref<!tpu.dma_semaphore, #tpu.memory_space<semaphore_mem>>)
      %dma_wait3A_2173 = arith.constant 0 : i32
      %dma_wait3A_2174 = arith.constant 0 : i32
      %dma_wait3A_2175 = tpu.memref_slice %arg7[%add3A, %run_scoped3A_2163, %dma_wait3A_2173, %dma_wait3A_2174] : memref<32x2x256x8xf32, #tpu.memory_space<hbm>> -> memref<1x1x256x8xf32, #tpu.memory_space<hbm>>
      %dma_wait3A_2176 = tpu.memref_squeeze %dma_wait3A_2175 : memref<1x1x256x8xf32, #tpu.memory_space<hbm>> -> memref<256x8xf32, #tpu.memory_space<hbm>>
      %dma_wait3A_2177 = arith.constant 0 : i32
      %dma_wait3A_2178 = arith.constant 0 : i32
      %dma_wait3A_2179 = tpu.memref_slice %arg7[%add3A, %run_scoped3A_2163, %dma_wait3A_2177, %dma_wait3A_2178] : memref<32x2x256x8xf32, #tpu.memory_space<hbm>> -> memref<1x1x256x8xf32, #tpu.memory_space<hbm>>
      %dma_wait3A_2180 = tpu.memref_squeeze %dma_wait3A_2179 : memref<1x1x256x8xf32, #tpu.memory_space<hbm>> -> memref<256x8xf32, #tpu.memory_space<hbm>>
      tpu.wait_dma2 semaphore(%run_scoped3A_2164 : memref<!tpu.dma_semaphore, #tpu.memory_space<semaphore_mem>>) src(%arg17 : memref<256x8xf32, #tpu.memory_space<vmem>>) dst(%dma_wait3A_2180 : memref<256x8xf32, #tpu.memory_space<hbm>>)
      tpu.yield
    }) : () -> ()
    return
  }
}

module attributes {stable_mosaic.version = 14 : i64} {
  func.func @body(%arg0: i32, %arg1: i32, %arg2: memref<1x1024x768xf32, #tpu.memory_space<vmem>>, %arg3: memref<1x2x1024x8xf32, #tpu.memory_space<vmem>>, %arg4: memref<1x2x256x8xf32, #tpu.memory_space<vmem>>, %arg5: memref<1x1024x1xf32, #tpu.memory_space<vmem>>, %arg6: memref<1x256x1xf32, #tpu.memory_space<vmem>>, %arg7: memref<1x1xf32, #tpu.memory_space<smem>>) attributes {dimension_semantics = [#tpu.dimension_semantics<arbitrary>, #tpu.dimension_semantics<arbitrary>], iteration_bounds = array<i64: 32, 1>, scalar_prefetch = 0 : i64, scratch_operands = 0 : i64, tpu.core_type = #tpu.core_type<tc>, window_params = [{transform_indices = @transform_0, window_bounds = array<i64: 1, 1024, 768>}, {transform_indices = @transform_1, window_bounds = array<i64: 1, 2, 1024, 8>}, {transform_indices = @transform_2, window_bounds = array<i64: 1, 2, 256, 8>}, {transform_indices = @transform_3, window_bounds = array<i64: 1, 1024, 1>}, {transform_indices = @transform_4, window_bounds = array<i64: 1, 256, 1>}, {transform_indices = @transform_5, window_bounds = array<i64: 1, 1>}]} {
    %mul3A = arith.constant 1 : i32
    %mul3A_0 = arith.muli %arg0, %mul3A : i32
    %add3A = arith.addi %mul3A_0, %arg1 : i32
    %get3A = arith.constant 0 : index
    %get3A_1 = arith.constant 0 : index
    %get3A_2 = arith.constant 0 : index
    %get3A_3 = vector.load %arg2[%get3A, %get3A_1, %get3A_2] : memref<1x1024x768xf32, #tpu.memory_space<vmem>>, vector<1x1024x768xf32>
    %get3A_4 = vector.shape_cast %get3A_3 : vector<1x1024x768xf32> to vector<1024x768xf32>
    %get3A_5 = arith.constant 0 : index
    %get3A_6 = arith.constant 0 : index
    %get3A_7 = arith.constant 0 : index
    %get3A_8 = vector.load %arg5[%get3A_5, %get3A_6, %get3A_7] : memref<1x1024x1xf32, #tpu.memory_space<vmem>>, vector<1x1024x1xf32>
    %get3A_9 = vector.shape_cast %get3A_8 : vector<1x1024x1xf32> to vector<1024x1xf32>
    %convert_element_type3A = arith.fptosi %get3A_9 : vector<1024x1xf32> to vector<1024x1xi32>
    %get3A_10 = arith.constant 0 : index
    %get3A_11 = arith.constant 0 : index
    %get3A_12 = arith.constant 0 : index
    %get3A_13 = arith.constant 0 : index
    %get3A_14 = vector.load %arg3[%get3A_10, %get3A_11, %get3A_12, %get3A_13] : memref<1x2x1024x8xf32, #tpu.memory_space<vmem>>, vector<1x1x1024x8xf32>
    %get3A_15 = vector.shape_cast %get3A_14 : vector<1x1x1024x8xf32> to vector<1024x8xf32>
    %get3A_16 = arith.constant 0 : index
    %get3A_17 = arith.constant 1 : index
    %get3A_18 = arith.constant 0 : index
    %get3A_19 = arith.constant 0 : index
    %get3A_20 = vector.load %arg3[%get3A_16, %get3A_17, %get3A_18, %get3A_19] : memref<1x2x1024x8xf32, #tpu.memory_space<vmem>>, vector<1x1x1024x8xf32>
    %get3A_21 = vector.shape_cast %get3A_20 : vector<1x1x1024x8xf32> to vector<1024x8xf32>
    %concatenate3A = tpu.concatenate %get3A_15, %get3A_21 in 1 : vector<1024x8xf32>, vector<1024x8xf32> -> vector<1024x16xf32>
    %mul3A_22 = arith.constant 3 : i32
    %mul3A_23 = vector.broadcast %mul3A_22 : i32 to vector<1024x1xi32>
    %mul3A_24 = arith.muli %mul3A_23, %convert_element_type3A : vector<1024x1xi32>
    %broadcast_in_dim3A = arith.constant 7 : i32
    %broadcast_in_dim3A_25 = vector.broadcast %broadcast_in_dim3A : i32 to vector<1024x1xi32>
    %and3A = arith.andi %mul3A_24, %broadcast_in_dim3A_25 : vector<1024x1xi32>
    %broadcast_in_dim3A_26 = arith.constant 0.000000e+00 : f32
    %broadcast_in_dim3A_27 = vector.broadcast %broadcast_in_dim3A_26 : f32 to vector<1024x1xf32>
    %eq3A = arith.constant 0 : i32
    %eq3A_28 = vector.broadcast %eq3A : i32 to vector<1024x1xi32>
    %eq3A_29 = arith.cmpi eq, %and3A, %eq3A_28 : vector<1024x1xi32>
    %slice3A = vector.extract_strided_slice %concatenate3A {offsets = [0, 0], sizes = [1024, 1], strides = [1, 1]} : vector<1024x16xf32> to vector<1024x1xf32>
    %jit3A = arith.constant 0.000000e+00 : f32
    %broadcast_in_dim3A_30 = vector.broadcast %jit3A : f32 to vector<1024x1xf32>
    %select_n3A = arith.select %eq3A_29, %slice3A, %broadcast_in_dim3A_30 : vector<1024x1xi1>, vector<1024x1xf32>
    %add3A_31 = arith.addf %broadcast_in_dim3A_27, %select_n3A : vector<1024x1xf32>
    %eq3A_32 = arith.constant 1 : i32
    %eq3A_33 = vector.broadcast %eq3A_32 : i32 to vector<1024x1xi32>
    %eq3A_34 = arith.cmpi eq, %and3A, %eq3A_33 : vector<1024x1xi32>
    %slice3A_35 = vector.extract_strided_slice %concatenate3A {offsets = [0, 1], sizes = [1024, 1], strides = [1, 1]} : vector<1024x16xf32> to vector<1024x1xf32>
    %jit3A_36 = arith.constant 0.000000e+00 : f32
    %broadcast_in_dim3A_37 = vector.broadcast %jit3A_36 : f32 to vector<1024x1xf32>
    %select_n3A_38 = arith.select %eq3A_34, %slice3A_35, %broadcast_in_dim3A_37 : vector<1024x1xi1>, vector<1024x1xf32>
    %add3A_39 = arith.addf %add3A_31, %select_n3A_38 : vector<1024x1xf32>
    %eq3A_40 = arith.constant 2 : i32
    %eq3A_41 = vector.broadcast %eq3A_40 : i32 to vector<1024x1xi32>
    %eq3A_42 = arith.cmpi eq, %and3A, %eq3A_41 : vector<1024x1xi32>
    %slice3A_43 = vector.extract_strided_slice %concatenate3A {offsets = [0, 2], sizes = [1024, 1], strides = [1, 1]} : vector<1024x16xf32> to vector<1024x1xf32>
    %jit3A_44 = arith.constant 0.000000e+00 : f32
    %broadcast_in_dim3A_45 = vector.broadcast %jit3A_44 : f32 to vector<1024x1xf32>
    %select_n3A_46 = arith.select %eq3A_42, %slice3A_43, %broadcast_in_dim3A_45 : vector<1024x1xi1>, vector<1024x1xf32>
    %add3A_47 = arith.addf %add3A_39, %select_n3A_46 : vector<1024x1xf32>
    %eq3A_48 = arith.constant 3 : i32
    %eq3A_49 = vector.broadcast %eq3A_48 : i32 to vector<1024x1xi32>
    %eq3A_50 = arith.cmpi eq, %and3A, %eq3A_49 : vector<1024x1xi32>
    %slice3A_51 = vector.extract_strided_slice %concatenate3A {offsets = [0, 3], sizes = [1024, 1], strides = [1, 1]} : vector<1024x16xf32> to vector<1024x1xf32>
    %jit3A_52 = arith.constant 0.000000e+00 : f32
    %broadcast_in_dim3A_53 = vector.broadcast %jit3A_52 : f32 to vector<1024x1xf32>
    %select_n3A_54 = arith.select %eq3A_50, %slice3A_51, %broadcast_in_dim3A_53 : vector<1024x1xi1>, vector<1024x1xf32>
    %add3A_55 = arith.addf %add3A_47, %select_n3A_54 : vector<1024x1xf32>
    %eq3A_56 = arith.constant 4 : i32
    %eq3A_57 = vector.broadcast %eq3A_56 : i32 to vector<1024x1xi32>
    %eq3A_58 = arith.cmpi eq, %and3A, %eq3A_57 : vector<1024x1xi32>
    %slice3A_59 = vector.extract_strided_slice %concatenate3A {offsets = [0, 4], sizes = [1024, 1], strides = [1, 1]} : vector<1024x16xf32> to vector<1024x1xf32>
    %jit3A_60 = arith.constant 0.000000e+00 : f32
    %broadcast_in_dim3A_61 = vector.broadcast %jit3A_60 : f32 to vector<1024x1xf32>
    %select_n3A_62 = arith.select %eq3A_58, %slice3A_59, %broadcast_in_dim3A_61 : vector<1024x1xi1>, vector<1024x1xf32>
    %add3A_63 = arith.addf %add3A_55, %select_n3A_62 : vector<1024x1xf32>
    %eq3A_64 = arith.constant 5 : i32
    %eq3A_65 = vector.broadcast %eq3A_64 : i32 to vector<1024x1xi32>
    %eq3A_66 = arith.cmpi eq, %and3A, %eq3A_65 : vector<1024x1xi32>
    %slice3A_67 = vector.extract_strided_slice %concatenate3A {offsets = [0, 5], sizes = [1024, 1], strides = [1, 1]} : vector<1024x16xf32> to vector<1024x1xf32>
    %jit3A_68 = arith.constant 0.000000e+00 : f32
    %broadcast_in_dim3A_69 = vector.broadcast %jit3A_68 : f32 to vector<1024x1xf32>
    %select_n3A_70 = arith.select %eq3A_66, %slice3A_67, %broadcast_in_dim3A_69 : vector<1024x1xi1>, vector<1024x1xf32>
    %add3A_71 = arith.addf %add3A_63, %select_n3A_70 : vector<1024x1xf32>
    %eq3A_72 = arith.constant 6 : i32
    %eq3A_73 = vector.broadcast %eq3A_72 : i32 to vector<1024x1xi32>
    %eq3A_74 = arith.cmpi eq, %and3A, %eq3A_73 : vector<1024x1xi32>
    %slice3A_75 = vector.extract_strided_slice %concatenate3A {offsets = [0, 6], sizes = [1024, 1], strides = [1, 1]} : vector<1024x16xf32> to vector<1024x1xf32>
    %jit3A_76 = arith.constant 0.000000e+00 : f32
    %broadcast_in_dim3A_77 = vector.broadcast %jit3A_76 : f32 to vector<1024x1xf32>
    %select_n3A_78 = arith.select %eq3A_74, %slice3A_75, %broadcast_in_dim3A_77 : vector<1024x1xi1>, vector<1024x1xf32>
    %add3A_79 = arith.addf %add3A_71, %select_n3A_78 : vector<1024x1xf32>
    %eq3A_80 = arith.constant 7 : i32
    %eq3A_81 = vector.broadcast %eq3A_80 : i32 to vector<1024x1xi32>
    %eq3A_82 = arith.cmpi eq, %and3A, %eq3A_81 : vector<1024x1xi32>
    %slice3A_83 = vector.extract_strided_slice %concatenate3A {offsets = [0, 7], sizes = [1024, 1], strides = [1, 1]} : vector<1024x16xf32> to vector<1024x1xf32>
    %jit3A_84 = arith.constant 0.000000e+00 : f32
    %broadcast_in_dim3A_85 = vector.broadcast %jit3A_84 : f32 to vector<1024x1xf32>
    %select_n3A_86 = arith.select %eq3A_82, %slice3A_83, %broadcast_in_dim3A_85 : vector<1024x1xi1>, vector<1024x1xf32>
    %add3A_87 = arith.addf %add3A_79, %select_n3A_86 : vector<1024x1xf32>
    %broadcast_in_dim3A_88 = arith.constant 0.000000e+00 : f32
    %broadcast_in_dim3A_89 = vector.broadcast %broadcast_in_dim3A_88 : f32 to vector<1024x1xf32>
    %eq3A_90 = arith.constant 0 : i32
    %eq3A_91 = vector.broadcast %eq3A_90 : i32 to vector<1024x1xi32>
    %eq3A_92 = arith.cmpi eq, %and3A, %eq3A_91 : vector<1024x1xi32>
    %slice3A_93 = vector.extract_strided_slice %concatenate3A {offsets = [0, 1], sizes = [1024, 1], strides = [1, 1]} : vector<1024x16xf32> to vector<1024x1xf32>
    %jit3A_94 = arith.constant 0.000000e+00 : f32
    %broadcast_in_dim3A_95 = vector.broadcast %jit3A_94 : f32 to vector<1024x1xf32>
    %select_n3A_96 = arith.select %eq3A_92, %slice3A_93, %broadcast_in_dim3A_95 : vector<1024x1xi1>, vector<1024x1xf32>
    %add3A_97 = arith.addf %broadcast_in_dim3A_89, %select_n3A_96 : vector<1024x1xf32>
    %eq3A_98 = arith.constant 1 : i32
    %eq3A_99 = vector.broadcast %eq3A_98 : i32 to vector<1024x1xi32>
    %eq3A_100 = arith.cmpi eq, %and3A, %eq3A_99 : vector<1024x1xi32>
    %slice3A_101 = vector.extract_strided_slice %concatenate3A {offsets = [0, 2], sizes = [1024, 1], strides = [1, 1]} : vector<1024x16xf32> to vector<1024x1xf32>
    %jit3A_102 = arith.constant 0.000000e+00 : f32
    %broadcast_in_dim3A_103 = vector.broadcast %jit3A_102 : f32 to vector<1024x1xf32>
    %select_n3A_104 = arith.select %eq3A_100, %slice3A_101, %broadcast_in_dim3A_103 : vector<1024x1xi1>, vector<1024x1xf32>
    %add3A_105 = arith.addf %add3A_97, %select_n3A_104 : vector<1024x1xf32>
    %eq3A_106 = arith.constant 2 : i32
    %eq3A_107 = vector.broadcast %eq3A_106 : i32 to vector<1024x1xi32>
    %eq3A_108 = arith.cmpi eq, %and3A, %eq3A_107 : vector<1024x1xi32>
    %slice3A_109 = vector.extract_strided_slice %concatenate3A {offsets = [0, 3], sizes = [1024, 1], strides = [1, 1]} : vector<1024x16xf32> to vector<1024x1xf32>
    %jit3A_110 = arith.constant 0.000000e+00 : f32
    %broadcast_in_dim3A_111 = vector.broadcast %jit3A_110 : f32 to vector<1024x1xf32>
    %select_n3A_112 = arith.select %eq3A_108, %slice3A_109, %broadcast_in_dim3A_111 : vector<1024x1xi1>, vector<1024x1xf32>
    %add3A_113 = arith.addf %add3A_105, %select_n3A_112 : vector<1024x1xf32>
    %eq3A_114 = arith.constant 3 : i32
    %eq3A_115 = vector.broadcast %eq3A_114 : i32 to vector<1024x1xi32>
    %eq3A_116 = arith.cmpi eq, %and3A, %eq3A_115 : vector<1024x1xi32>
    %slice3A_117 = vector.extract_strided_slice %concatenate3A {offsets = [0, 4], sizes = [1024, 1], strides = [1, 1]} : vector<1024x16xf32> to vector<1024x1xf32>
    %jit3A_118 = arith.constant 0.000000e+00 : f32
    %broadcast_in_dim3A_119 = vector.broadcast %jit3A_118 : f32 to vector<1024x1xf32>
    %select_n3A_120 = arith.select %eq3A_116, %slice3A_117, %broadcast_in_dim3A_119 : vector<1024x1xi1>, vector<1024x1xf32>
    %add3A_121 = arith.addf %add3A_113, %select_n3A_120 : vector<1024x1xf32>
    %eq3A_122 = arith.constant 4 : i32
    %eq3A_123 = vector.broadcast %eq3A_122 : i32 to vector<1024x1xi32>
    %eq3A_124 = arith.cmpi eq, %and3A, %eq3A_123 : vector<1024x1xi32>
    %slice3A_125 = vector.extract_strided_slice %concatenate3A {offsets = [0, 5], sizes = [1024, 1], strides = [1, 1]} : vector<1024x16xf32> to vector<1024x1xf32>
    %jit3A_126 = arith.constant 0.000000e+00 : f32
    %broadcast_in_dim3A_127 = vector.broadcast %jit3A_126 : f32 to vector<1024x1xf32>
    %select_n3A_128 = arith.select %eq3A_124, %slice3A_125, %broadcast_in_dim3A_127 : vector<1024x1xi1>, vector<1024x1xf32>
    %add3A_129 = arith.addf %add3A_121, %select_n3A_128 : vector<1024x1xf32>
    %eq3A_130 = arith.constant 5 : i32
    %eq3A_131 = vector.broadcast %eq3A_130 : i32 to vector<1024x1xi32>
    %eq3A_132 = arith.cmpi eq, %and3A, %eq3A_131 : vector<1024x1xi32>
    %slice3A_133 = vector.extract_strided_slice %concatenate3A {offsets = [0, 6], sizes = [1024, 1], strides = [1, 1]} : vector<1024x16xf32> to vector<1024x1xf32>
    %jit3A_134 = arith.constant 0.000000e+00 : f32
    %broadcast_in_dim3A_135 = vector.broadcast %jit3A_134 : f32 to vector<1024x1xf32>
    %select_n3A_136 = arith.select %eq3A_132, %slice3A_133, %broadcast_in_dim3A_135 : vector<1024x1xi1>, vector<1024x1xf32>
    %add3A_137 = arith.addf %add3A_129, %select_n3A_136 : vector<1024x1xf32>
    %eq3A_138 = arith.constant 6 : i32
    %eq3A_139 = vector.broadcast %eq3A_138 : i32 to vector<1024x1xi32>
    %eq3A_140 = arith.cmpi eq, %and3A, %eq3A_139 : vector<1024x1xi32>
    %slice3A_141 = vector.extract_strided_slice %concatenate3A {offsets = [0, 7], sizes = [1024, 1], strides = [1, 1]} : vector<1024x16xf32> to vector<1024x1xf32>
    %jit3A_142 = arith.constant 0.000000e+00 : f32
    %broadcast_in_dim3A_143 = vector.broadcast %jit3A_142 : f32 to vector<1024x1xf32>
    %select_n3A_144 = arith.select %eq3A_140, %slice3A_141, %broadcast_in_dim3A_143 : vector<1024x1xi1>, vector<1024x1xf32>
    %add3A_145 = arith.addf %add3A_137, %select_n3A_144 : vector<1024x1xf32>
    %eq3A_146 = arith.constant 7 : i32
    %eq3A_147 = vector.broadcast %eq3A_146 : i32 to vector<1024x1xi32>
    %eq3A_148 = arith.cmpi eq, %and3A, %eq3A_147 : vector<1024x1xi32>
    %slice3A_149 = vector.extract_strided_slice %concatenate3A {offsets = [0, 8], sizes = [1024, 1], strides = [1, 1]} : vector<1024x16xf32> to vector<1024x1xf32>
    %jit3A_150 = arith.constant 0.000000e+00 : f32
    %broadcast_in_dim3A_151 = vector.broadcast %jit3A_150 : f32 to vector<1024x1xf32>
    %select_n3A_152 = arith.select %eq3A_148, %slice3A_149, %broadcast_in_dim3A_151 : vector<1024x1xi1>, vector<1024x1xf32>
    %add3A_153 = arith.addf %add3A_145, %select_n3A_152 : vector<1024x1xf32>
    %broadcast_in_dim3A_154 = arith.constant 0.000000e+00 : f32
    %broadcast_in_dim3A_155 = vector.broadcast %broadcast_in_dim3A_154 : f32 to vector<1024x1xf32>
    %eq3A_156 = arith.constant 0 : i32
    %eq3A_157 = vector.broadcast %eq3A_156 : i32 to vector<1024x1xi32>
    %eq3A_158 = arith.cmpi eq, %and3A, %eq3A_157 : vector<1024x1xi32>
    %slice3A_159 = vector.extract_strided_slice %concatenate3A {offsets = [0, 2], sizes = [1024, 1], strides = [1, 1]} : vector<1024x16xf32> to vector<1024x1xf32>
    %jit3A_160 = arith.constant 0.000000e+00 : f32
    %broadcast_in_dim3A_161 = vector.broadcast %jit3A_160 : f32 to vector<1024x1xf32>
    %select_n3A_162 = arith.select %eq3A_158, %slice3A_159, %broadcast_in_dim3A_161 : vector<1024x1xi1>, vector<1024x1xf32>
    %add3A_163 = arith.addf %broadcast_in_dim3A_155, %select_n3A_162 : vector<1024x1xf32>
    %eq3A_164 = arith.constant 1 : i32
    %eq3A_165 = vector.broadcast %eq3A_164 : i32 to vector<1024x1xi32>
    %eq3A_166 = arith.cmpi eq, %and3A, %eq3A_165 : vector<1024x1xi32>
    %slice3A_167 = vector.extract_strided_slice %concatenate3A {offsets = [0, 3], sizes = [1024, 1], strides = [1, 1]} : vector<1024x16xf32> to vector<1024x1xf32>
    %jit3A_168 = arith.constant 0.000000e+00 : f32
    %broadcast_in_dim3A_169 = vector.broadcast %jit3A_168 : f32 to vector<1024x1xf32>
    %select_n3A_170 = arith.select %eq3A_166, %slice3A_167, %broadcast_in_dim3A_169 : vector<1024x1xi1>, vector<1024x1xf32>
    %add3A_171 = arith.addf %add3A_163, %select_n3A_170 : vector<1024x1xf32>
    %eq3A_172 = arith.constant 2 : i32
    %eq3A_173 = vector.broadcast %eq3A_172 : i32 to vector<1024x1xi32>
    %eq3A_174 = arith.cmpi eq, %and3A, %eq3A_173 : vector<1024x1xi32>
    %slice3A_175 = vector.extract_strided_slice %concatenate3A {offsets = [0, 4], sizes = [1024, 1], strides = [1, 1]} : vector<1024x16xf32> to vector<1024x1xf32>
    %jit3A_176 = arith.constant 0.000000e+00 : f32
    %broadcast_in_dim3A_177 = vector.broadcast %jit3A_176 : f32 to vector<1024x1xf32>
    %select_n3A_178 = arith.select %eq3A_174, %slice3A_175, %broadcast_in_dim3A_177 : vector<1024x1xi1>, vector<1024x1xf32>
    %add3A_179 = arith.addf %add3A_171, %select_n3A_178 : vector<1024x1xf32>
    %eq3A_180 = arith.constant 3 : i32
    %eq3A_181 = vector.broadcast %eq3A_180 : i32 to vector<1024x1xi32>
    %eq3A_182 = arith.cmpi eq, %and3A, %eq3A_181 : vector<1024x1xi32>
    %slice3A_183 = vector.extract_strided_slice %concatenate3A {offsets = [0, 5], sizes = [1024, 1], strides = [1, 1]} : vector<1024x16xf32> to vector<1024x1xf32>
    %jit3A_184 = arith.constant 0.000000e+00 : f32
    %broadcast_in_dim3A_185 = vector.broadcast %jit3A_184 : f32 to vector<1024x1xf32>
    %select_n3A_186 = arith.select %eq3A_182, %slice3A_183, %broadcast_in_dim3A_185 : vector<1024x1xi1>, vector<1024x1xf32>
    %add3A_187 = arith.addf %add3A_179, %select_n3A_186 : vector<1024x1xf32>
    %eq3A_188 = arith.constant 4 : i32
    %eq3A_189 = vector.broadcast %eq3A_188 : i32 to vector<1024x1xi32>
    %eq3A_190 = arith.cmpi eq, %and3A, %eq3A_189 : vector<1024x1xi32>
    %slice3A_191 = vector.extract_strided_slice %concatenate3A {offsets = [0, 6], sizes = [1024, 1], strides = [1, 1]} : vector<1024x16xf32> to vector<1024x1xf32>
    %jit3A_192 = arith.constant 0.000000e+00 : f32
    %broadcast_in_dim3A_193 = vector.broadcast %jit3A_192 : f32 to vector<1024x1xf32>
    %select_n3A_194 = arith.select %eq3A_190, %slice3A_191, %broadcast_in_dim3A_193 : vector<1024x1xi1>, vector<1024x1xf32>
    %add3A_195 = arith.addf %add3A_187, %select_n3A_194 : vector<1024x1xf32>
    %eq3A_196 = arith.constant 5 : i32
    %eq3A_197 = vector.broadcast %eq3A_196 : i32 to vector<1024x1xi32>
    %eq3A_198 = arith.cmpi eq, %and3A, %eq3A_197 : vector<1024x1xi32>
    %slice3A_199 = vector.extract_strided_slice %concatenate3A {offsets = [0, 7], sizes = [1024, 1], strides = [1, 1]} : vector<1024x16xf32> to vector<1024x1xf32>
    %jit3A_200 = arith.constant 0.000000e+00 : f32
    %broadcast_in_dim3A_201 = vector.broadcast %jit3A_200 : f32 to vector<1024x1xf32>
    %select_n3A_202 = arith.select %eq3A_198, %slice3A_199, %broadcast_in_dim3A_201 : vector<1024x1xi1>, vector<1024x1xf32>
    %add3A_203 = arith.addf %add3A_195, %select_n3A_202 : vector<1024x1xf32>
    %eq3A_204 = arith.constant 6 : i32
    %eq3A_205 = vector.broadcast %eq3A_204 : i32 to vector<1024x1xi32>
    %eq3A_206 = arith.cmpi eq, %and3A, %eq3A_205 : vector<1024x1xi32>
    %slice3A_207 = vector.extract_strided_slice %concatenate3A {offsets = [0, 8], sizes = [1024, 1], strides = [1, 1]} : vector<1024x16xf32> to vector<1024x1xf32>
    %jit3A_208 = arith.constant 0.000000e+00 : f32
    %broadcast_in_dim3A_209 = vector.broadcast %jit3A_208 : f32 to vector<1024x1xf32>
    %select_n3A_210 = arith.select %eq3A_206, %slice3A_207, %broadcast_in_dim3A_209 : vector<1024x1xi1>, vector<1024x1xf32>
    %add3A_211 = arith.addf %add3A_203, %select_n3A_210 : vector<1024x1xf32>
    %eq3A_212 = arith.constant 7 : i32
    %eq3A_213 = vector.broadcast %eq3A_212 : i32 to vector<1024x1xi32>
    %eq3A_214 = arith.cmpi eq, %and3A, %eq3A_213 : vector<1024x1xi32>
    %slice3A_215 = vector.extract_strided_slice %concatenate3A {offsets = [0, 9], sizes = [1024, 1], strides = [1, 1]} : vector<1024x16xf32> to vector<1024x1xf32>
    %jit3A_216 = arith.constant 0.000000e+00 : f32
    %broadcast_in_dim3A_217 = vector.broadcast %jit3A_216 : f32 to vector<1024x1xf32>
    %select_n3A_218 = arith.select %eq3A_214, %slice3A_215, %broadcast_in_dim3A_217 : vector<1024x1xi1>, vector<1024x1xf32>
    %add3A_219 = arith.addf %add3A_211, %select_n3A_218 : vector<1024x1xf32>
    %iota3A = tpu.iota {dimensions = array<i32: 1>} : vector<1024x8xi32>
    %eq3A_220 = arith.constant 0 : i32
    %eq3A_221 = vector.broadcast %eq3A_220 : i32 to vector<1024x8xi32>
    %eq3A_222 = arith.cmpi eq, %iota3A, %eq3A_221 : vector<1024x8xi32>
    %eq3A_223 = arith.constant 1 : i32
    %eq3A_224 = vector.broadcast %eq3A_223 : i32 to vector<1024x8xi32>
    %eq3A_225 = arith.cmpi eq, %iota3A, %eq3A_224 : vector<1024x8xi32>
    %eq3A_226 = arith.constant 2 : i32
    %eq3A_227 = vector.broadcast %eq3A_226 : i32 to vector<1024x8xi32>
    %eq3A_228 = arith.cmpi eq, %iota3A, %eq3A_227 : vector<1024x8xi32>
    %eq3A_229 = arith.constant 3 : i32
    %eq3A_230 = vector.broadcast %eq3A_229 : i32 to vector<1024x8xi32>
    %eq3A_231 = arith.cmpi eq, %iota3A, %eq3A_230 : vector<1024x8xi32>
    %jit3A_232 = arith.constant 1.000000e+00 : f32
    %jit3A_233 = arith.constant 0.000000e+00 : f32
    %broadcast_in_dim3A_234 = vector.broadcast %jit3A_232 : f32 to vector<1024x8xf32>
    %broadcast_in_dim3A_235 = vector.broadcast %jit3A_233 : f32 to vector<1024x8xf32>
    %select_n3A_236 = arith.select %eq3A_231, %broadcast_in_dim3A_234, %broadcast_in_dim3A_235 : vector<1024x8xi1>, vector<1024x8xf32>
    %broadcast_in_dim3A_237 = vector.shape_cast %add3A_219 : vector<1024x1xf32> to vector<1024x1xf32>
    %broadcast_in_dim3A_238 = vector.broadcast %broadcast_in_dim3A_237 : vector<1024x1xf32> to vector<1024x8xf32>
    %select_n3A_239 = arith.select %eq3A_228, %broadcast_in_dim3A_238, %select_n3A_236 : vector<1024x8xi1>, vector<1024x8xf32>
    %broadcast_in_dim3A_240 = vector.shape_cast %add3A_153 : vector<1024x1xf32> to vector<1024x1xf32>
    %broadcast_in_dim3A_241 = vector.broadcast %broadcast_in_dim3A_240 : vector<1024x1xf32> to vector<1024x8xf32>
    %select_n3A_242 = arith.select %eq3A_225, %broadcast_in_dim3A_241, %select_n3A_239 : vector<1024x8xi1>, vector<1024x8xf32>
    %broadcast_in_dim3A_243 = vector.shape_cast %add3A_87 : vector<1024x1xf32> to vector<1024x1xf32>
    %broadcast_in_dim3A_244 = vector.broadcast %broadcast_in_dim3A_243 : vector<1024x1xf32> to vector<1024x8xf32>
    %select_n3A_245 = arith.select %eq3A_222, %broadcast_in_dim3A_244, %select_n3A_242 : vector<1024x8xi1>, vector<1024x8xf32>
    %get3A_246 = arith.constant 0 : index
    %get3A_247 = arith.constant 0 : index
    %get3A_248 = arith.constant 0 : index
    %get3A_249 = vector.load %arg6[%get3A_246, %get3A_247, %get3A_248] : memref<1x256x1xf32, #tpu.memory_space<vmem>>, vector<1x256x1xf32>
    %get3A_250 = vector.shape_cast %get3A_249 : vector<1x256x1xf32> to vector<256x1xf32>
    %convert_element_type3A_251 = arith.fptosi %get3A_250 : vector<256x1xf32> to vector<256x1xi32>
    %get3A_252 = arith.constant 0 : index
    %get3A_253 = arith.constant 0 : index
    %get3A_254 = arith.constant 0 : index
    %get3A_255 = arith.constant 0 : index
    %get3A_256 = vector.load %arg4[%get3A_252, %get3A_253, %get3A_254, %get3A_255] : memref<1x2x256x8xf32, #tpu.memory_space<vmem>>, vector<1x1x256x8xf32>
    %get3A_257 = vector.shape_cast %get3A_256 : vector<1x1x256x8xf32> to vector<256x8xf32>
    %get3A_258 = arith.constant 0 : index
    %get3A_259 = arith.constant 1 : index
    %get3A_260 = arith.constant 0 : index
    %get3A_261 = arith.constant 0 : index
    %get3A_262 = vector.load %arg4[%get3A_258, %get3A_259, %get3A_260, %get3A_261] : memref<1x2x256x8xf32, #tpu.memory_space<vmem>>, vector<1x1x256x8xf32>
    %get3A_263 = vector.shape_cast %get3A_262 : vector<1x1x256x8xf32> to vector<256x8xf32>
    %concatenate3A_264 = tpu.concatenate %get3A_257, %get3A_263 in 1 : vector<256x8xf32>, vector<256x8xf32> -> vector<256x16xf32>
    %mul3A_265 = arith.constant 3 : i32
    %mul3A_266 = vector.broadcast %mul3A_265 : i32 to vector<256x1xi32>
    %mul3A_267 = arith.muli %mul3A_266, %convert_element_type3A_251 : vector<256x1xi32>
    %broadcast_in_dim3A_268 = arith.constant 7 : i32
    %broadcast_in_dim3A_269 = vector.broadcast %broadcast_in_dim3A_268 : i32 to vector<256x1xi32>
    %and3A_270 = arith.andi %mul3A_267, %broadcast_in_dim3A_269 : vector<256x1xi32>
    %broadcast_in_dim3A_271 = arith.constant 0.000000e+00 : f32
    %broadcast_in_dim3A_272 = vector.broadcast %broadcast_in_dim3A_271 : f32 to vector<256x1xf32>
    %eq3A_273 = arith.constant 0 : i32
    %eq3A_274 = vector.broadcast %eq3A_273 : i32 to vector<256x1xi32>
    %eq3A_275 = arith.cmpi eq, %and3A_270, %eq3A_274 : vector<256x1xi32>
    %slice3A_276 = vector.extract_strided_slice %concatenate3A_264 {offsets = [0, 0], sizes = [256, 1], strides = [1, 1]} : vector<256x16xf32> to vector<256x1xf32>
    %jit3A_277 = arith.constant 0.000000e+00 : f32
    %broadcast_in_dim3A_278 = vector.broadcast %jit3A_277 : f32 to vector<256x1xf32>
    %select_n3A_279 = arith.select %eq3A_275, %slice3A_276, %broadcast_in_dim3A_278 : vector<256x1xi1>, vector<256x1xf32>
    %add3A_280 = arith.addf %broadcast_in_dim3A_272, %select_n3A_279 : vector<256x1xf32>
    %eq3A_281 = arith.constant 1 : i32
    %eq3A_282 = vector.broadcast %eq3A_281 : i32 to vector<256x1xi32>
    %eq3A_283 = arith.cmpi eq, %and3A_270, %eq3A_282 : vector<256x1xi32>
    %slice3A_284 = vector.extract_strided_slice %concatenate3A_264 {offsets = [0, 1], sizes = [256, 1], strides = [1, 1]} : vector<256x16xf32> to vector<256x1xf32>
    %jit3A_285 = arith.constant 0.000000e+00 : f32
    %broadcast_in_dim3A_286 = vector.broadcast %jit3A_285 : f32 to vector<256x1xf32>
    %select_n3A_287 = arith.select %eq3A_283, %slice3A_284, %broadcast_in_dim3A_286 : vector<256x1xi1>, vector<256x1xf32>
    %add3A_288 = arith.addf %add3A_280, %select_n3A_287 : vector<256x1xf32>
    %eq3A_289 = arith.constant 2 : i32
    %eq3A_290 = vector.broadcast %eq3A_289 : i32 to vector<256x1xi32>
    %eq3A_291 = arith.cmpi eq, %and3A_270, %eq3A_290 : vector<256x1xi32>
    %slice3A_292 = vector.extract_strided_slice %concatenate3A_264 {offsets = [0, 2], sizes = [256, 1], strides = [1, 1]} : vector<256x16xf32> to vector<256x1xf32>
    %jit3A_293 = arith.constant 0.000000e+00 : f32
    %broadcast_in_dim3A_294 = vector.broadcast %jit3A_293 : f32 to vector<256x1xf32>
    %select_n3A_295 = arith.select %eq3A_291, %slice3A_292, %broadcast_in_dim3A_294 : vector<256x1xi1>, vector<256x1xf32>
    %add3A_296 = arith.addf %add3A_288, %select_n3A_295 : vector<256x1xf32>
    %eq3A_297 = arith.constant 3 : i32
    %eq3A_298 = vector.broadcast %eq3A_297 : i32 to vector<256x1xi32>
    %eq3A_299 = arith.cmpi eq, %and3A_270, %eq3A_298 : vector<256x1xi32>
    %slice3A_300 = vector.extract_strided_slice %concatenate3A_264 {offsets = [0, 3], sizes = [256, 1], strides = [1, 1]} : vector<256x16xf32> to vector<256x1xf32>
    %jit3A_301 = arith.constant 0.000000e+00 : f32
    %broadcast_in_dim3A_302 = vector.broadcast %jit3A_301 : f32 to vector<256x1xf32>
    %select_n3A_303 = arith.select %eq3A_299, %slice3A_300, %broadcast_in_dim3A_302 : vector<256x1xi1>, vector<256x1xf32>
    %add3A_304 = arith.addf %add3A_296, %select_n3A_303 : vector<256x1xf32>
    %eq3A_305 = arith.constant 4 : i32
    %eq3A_306 = vector.broadcast %eq3A_305 : i32 to vector<256x1xi32>
    %eq3A_307 = arith.cmpi eq, %and3A_270, %eq3A_306 : vector<256x1xi32>
    %slice3A_308 = vector.extract_strided_slice %concatenate3A_264 {offsets = [0, 4], sizes = [256, 1], strides = [1, 1]} : vector<256x16xf32> to vector<256x1xf32>
    %jit3A_309 = arith.constant 0.000000e+00 : f32
    %broadcast_in_dim3A_310 = vector.broadcast %jit3A_309 : f32 to vector<256x1xf32>
    %select_n3A_311 = arith.select %eq3A_307, %slice3A_308, %broadcast_in_dim3A_310 : vector<256x1xi1>, vector<256x1xf32>
    %add3A_312 = arith.addf %add3A_304, %select_n3A_311 : vector<256x1xf32>
    %eq3A_313 = arith.constant 5 : i32
    %eq3A_314 = vector.broadcast %eq3A_313 : i32 to vector<256x1xi32>
    %eq3A_315 = arith.cmpi eq, %and3A_270, %eq3A_314 : vector<256x1xi32>
    %slice3A_316 = vector.extract_strided_slice %concatenate3A_264 {offsets = [0, 5], sizes = [256, 1], strides = [1, 1]} : vector<256x16xf32> to vector<256x1xf32>
    %jit3A_317 = arith.constant 0.000000e+00 : f32
    %broadcast_in_dim3A_318 = vector.broadcast %jit3A_317 : f32 to vector<256x1xf32>
    %select_n3A_319 = arith.select %eq3A_315, %slice3A_316, %broadcast_in_dim3A_318 : vector<256x1xi1>, vector<256x1xf32>
    %add3A_320 = arith.addf %add3A_312, %select_n3A_319 : vector<256x1xf32>
    %eq3A_321 = arith.constant 6 : i32
    %eq3A_322 = vector.broadcast %eq3A_321 : i32 to vector<256x1xi32>
    %eq3A_323 = arith.cmpi eq, %and3A_270, %eq3A_322 : vector<256x1xi32>
    %slice3A_324 = vector.extract_strided_slice %concatenate3A_264 {offsets = [0, 6], sizes = [256, 1], strides = [1, 1]} : vector<256x16xf32> to vector<256x1xf32>
    %jit3A_325 = arith.constant 0.000000e+00 : f32
    %broadcast_in_dim3A_326 = vector.broadcast %jit3A_325 : f32 to vector<256x1xf32>
    %select_n3A_327 = arith.select %eq3A_323, %slice3A_324, %broadcast_in_dim3A_326 : vector<256x1xi1>, vector<256x1xf32>
    %add3A_328 = arith.addf %add3A_320, %select_n3A_327 : vector<256x1xf32>
    %eq3A_329 = arith.constant 7 : i32
    %eq3A_330 = vector.broadcast %eq3A_329 : i32 to vector<256x1xi32>
    %eq3A_331 = arith.cmpi eq, %and3A_270, %eq3A_330 : vector<256x1xi32>
    %slice3A_332 = vector.extract_strided_slice %concatenate3A_264 {offsets = [0, 7], sizes = [256, 1], strides = [1, 1]} : vector<256x16xf32> to vector<256x1xf32>
    %jit3A_333 = arith.constant 0.000000e+00 : f32
    %broadcast_in_dim3A_334 = vector.broadcast %jit3A_333 : f32 to vector<256x1xf32>
    %select_n3A_335 = arith.select %eq3A_331, %slice3A_332, %broadcast_in_dim3A_334 : vector<256x1xi1>, vector<256x1xf32>
    %add3A_336 = arith.addf %add3A_328, %select_n3A_335 : vector<256x1xf32>
    %broadcast_in_dim3A_337 = arith.constant 0.000000e+00 : f32
    %broadcast_in_dim3A_338 = vector.broadcast %broadcast_in_dim3A_337 : f32 to vector<256x1xf32>
    %eq3A_339 = arith.constant 0 : i32
    %eq3A_340 = vector.broadcast %eq3A_339 : i32 to vector<256x1xi32>
    %eq3A_341 = arith.cmpi eq, %and3A_270, %eq3A_340 : vector<256x1xi32>
    %slice3A_342 = vector.extract_strided_slice %concatenate3A_264 {offsets = [0, 1], sizes = [256, 1], strides = [1, 1]} : vector<256x16xf32> to vector<256x1xf32>
    %jit3A_343 = arith.constant 0.000000e+00 : f32
    %broadcast_in_dim3A_344 = vector.broadcast %jit3A_343 : f32 to vector<256x1xf32>
    %select_n3A_345 = arith.select %eq3A_341, %slice3A_342, %broadcast_in_dim3A_344 : vector<256x1xi1>, vector<256x1xf32>
    %add3A_346 = arith.addf %broadcast_in_dim3A_338, %select_n3A_345 : vector<256x1xf32>
    %eq3A_347 = arith.constant 1 : i32
    %eq3A_348 = vector.broadcast %eq3A_347 : i32 to vector<256x1xi32>
    %eq3A_349 = arith.cmpi eq, %and3A_270, %eq3A_348 : vector<256x1xi32>
    %slice3A_350 = vector.extract_strided_slice %concatenate3A_264 {offsets = [0, 2], sizes = [256, 1], strides = [1, 1]} : vector<256x16xf32> to vector<256x1xf32>
    %jit3A_351 = arith.constant 0.000000e+00 : f32
    %broadcast_in_dim3A_352 = vector.broadcast %jit3A_351 : f32 to vector<256x1xf32>
    %select_n3A_353 = arith.select %eq3A_349, %slice3A_350, %broadcast_in_dim3A_352 : vector<256x1xi1>, vector<256x1xf32>
    %add3A_354 = arith.addf %add3A_346, %select_n3A_353 : vector<256x1xf32>
    %eq3A_355 = arith.constant 2 : i32
    %eq3A_356 = vector.broadcast %eq3A_355 : i32 to vector<256x1xi32>
    %eq3A_357 = arith.cmpi eq, %and3A_270, %eq3A_356 : vector<256x1xi32>
    %slice3A_358 = vector.extract_strided_slice %concatenate3A_264 {offsets = [0, 3], sizes = [256, 1], strides = [1, 1]} : vector<256x16xf32> to vector<256x1xf32>
    %jit3A_359 = arith.constant 0.000000e+00 : f32
    %broadcast_in_dim3A_360 = vector.broadcast %jit3A_359 : f32 to vector<256x1xf32>
    %select_n3A_361 = arith.select %eq3A_357, %slice3A_358, %broadcast_in_dim3A_360 : vector<256x1xi1>, vector<256x1xf32>
    %add3A_362 = arith.addf %add3A_354, %select_n3A_361 : vector<256x1xf32>
    %eq3A_363 = arith.constant 3 : i32
    %eq3A_364 = vector.broadcast %eq3A_363 : i32 to vector<256x1xi32>
    %eq3A_365 = arith.cmpi eq, %and3A_270, %eq3A_364 : vector<256x1xi32>
    %slice3A_366 = vector.extract_strided_slice %concatenate3A_264 {offsets = [0, 4], sizes = [256, 1], strides = [1, 1]} : vector<256x16xf32> to vector<256x1xf32>
    %jit3A_367 = arith.constant 0.000000e+00 : f32
    %broadcast_in_dim3A_368 = vector.broadcast %jit3A_367 : f32 to vector<256x1xf32>
    %select_n3A_369 = arith.select %eq3A_365, %slice3A_366, %broadcast_in_dim3A_368 : vector<256x1xi1>, vector<256x1xf32>
    %add3A_370 = arith.addf %add3A_362, %select_n3A_369 : vector<256x1xf32>
    %eq3A_371 = arith.constant 4 : i32
    %eq3A_372 = vector.broadcast %eq3A_371 : i32 to vector<256x1xi32>
    %eq3A_373 = arith.cmpi eq, %and3A_270, %eq3A_372 : vector<256x1xi32>
    %slice3A_374 = vector.extract_strided_slice %concatenate3A_264 {offsets = [0, 5], sizes = [256, 1], strides = [1, 1]} : vector<256x16xf32> to vector<256x1xf32>
    %jit3A_375 = arith.constant 0.000000e+00 : f32
    %broadcast_in_dim3A_376 = vector.broadcast %jit3A_375 : f32 to vector<256x1xf32>
    %select_n3A_377 = arith.select %eq3A_373, %slice3A_374, %broadcast_in_dim3A_376 : vector<256x1xi1>, vector<256x1xf32>
    %add3A_378 = arith.addf %add3A_370, %select_n3A_377 : vector<256x1xf32>
    %eq3A_379 = arith.constant 5 : i32
    %eq3A_380 = vector.broadcast %eq3A_379 : i32 to vector<256x1xi32>
    %eq3A_381 = arith.cmpi eq, %and3A_270, %eq3A_380 : vector<256x1xi32>
    %slice3A_382 = vector.extract_strided_slice %concatenate3A_264 {offsets = [0, 6], sizes = [256, 1], strides = [1, 1]} : vector<256x16xf32> to vector<256x1xf32>
    %jit3A_383 = arith.constant 0.000000e+00 : f32
    %broadcast_in_dim3A_384 = vector.broadcast %jit3A_383 : f32 to vector<256x1xf32>
    %select_n3A_385 = arith.select %eq3A_381, %slice3A_382, %broadcast_in_dim3A_384 : vector<256x1xi1>, vector<256x1xf32>
    %add3A_386 = arith.addf %add3A_378, %select_n3A_385 : vector<256x1xf32>
    %eq3A_387 = arith.constant 6 : i32
    %eq3A_388 = vector.broadcast %eq3A_387 : i32 to vector<256x1xi32>
    %eq3A_389 = arith.cmpi eq, %and3A_270, %eq3A_388 : vector<256x1xi32>
    %slice3A_390 = vector.extract_strided_slice %concatenate3A_264 {offsets = [0, 7], sizes = [256, 1], strides = [1, 1]} : vector<256x16xf32> to vector<256x1xf32>
    %jit3A_391 = arith.constant 0.000000e+00 : f32
    %broadcast_in_dim3A_392 = vector.broadcast %jit3A_391 : f32 to vector<256x1xf32>
    %select_n3A_393 = arith.select %eq3A_389, %slice3A_390, %broadcast_in_dim3A_392 : vector<256x1xi1>, vector<256x1xf32>
    %add3A_394 = arith.addf %add3A_386, %select_n3A_393 : vector<256x1xf32>
    %eq3A_395 = arith.constant 7 : i32
    %eq3A_396 = vector.broadcast %eq3A_395 : i32 to vector<256x1xi32>
    %eq3A_397 = arith.cmpi eq, %and3A_270, %eq3A_396 : vector<256x1xi32>
    %slice3A_398 = vector.extract_strided_slice %concatenate3A_264 {offsets = [0, 8], sizes = [256, 1], strides = [1, 1]} : vector<256x16xf32> to vector<256x1xf32>
    %jit3A_399 = arith.constant 0.000000e+00 : f32
    %broadcast_in_dim3A_400 = vector.broadcast %jit3A_399 : f32 to vector<256x1xf32>
    %select_n3A_401 = arith.select %eq3A_397, %slice3A_398, %broadcast_in_dim3A_400 : vector<256x1xi1>, vector<256x1xf32>
    %add3A_402 = arith.addf %add3A_394, %select_n3A_401 : vector<256x1xf32>
    %broadcast_in_dim3A_403 = arith.constant 0.000000e+00 : f32
    %broadcast_in_dim3A_404 = vector.broadcast %broadcast_in_dim3A_403 : f32 to vector<256x1xf32>
    %eq3A_405 = arith.constant 0 : i32
    %eq3A_406 = vector.broadcast %eq3A_405 : i32 to vector<256x1xi32>
    %eq3A_407 = arith.cmpi eq, %and3A_270, %eq3A_406 : vector<256x1xi32>
    %slice3A_408 = vector.extract_strided_slice %concatenate3A_264 {offsets = [0, 2], sizes = [256, 1], strides = [1, 1]} : vector<256x16xf32> to vector<256x1xf32>
    %jit3A_409 = arith.constant 0.000000e+00 : f32
    %broadcast_in_dim3A_410 = vector.broadcast %jit3A_409 : f32 to vector<256x1xf32>
    %select_n3A_411 = arith.select %eq3A_407, %slice3A_408, %broadcast_in_dim3A_410 : vector<256x1xi1>, vector<256x1xf32>
    %add3A_412 = arith.addf %broadcast_in_dim3A_404, %select_n3A_411 : vector<256x1xf32>
    %eq3A_413 = arith.constant 1 : i32
    %eq3A_414 = vector.broadcast %eq3A_413 : i32 to vector<256x1xi32>
    %eq3A_415 = arith.cmpi eq, %and3A_270, %eq3A_414 : vector<256x1xi32>
    %slice3A_416 = vector.extract_strided_slice %concatenate3A_264 {offsets = [0, 3], sizes = [256, 1], strides = [1, 1]} : vector<256x16xf32> to vector<256x1xf32>
    %jit3A_417 = arith.constant 0.000000e+00 : f32
    %broadcast_in_dim3A_418 = vector.broadcast %jit3A_417 : f32 to vector<256x1xf32>
    %select_n3A_419 = arith.select %eq3A_415, %slice3A_416, %broadcast_in_dim3A_418 : vector<256x1xi1>, vector<256x1xf32>
    %add3A_420 = arith.addf %add3A_412, %select_n3A_419 : vector<256x1xf32>
    %eq3A_421 = arith.constant 2 : i32
    %eq3A_422 = vector.broadcast %eq3A_421 : i32 to vector<256x1xi32>
    %eq3A_423 = arith.cmpi eq, %and3A_270, %eq3A_422 : vector<256x1xi32>
    %slice3A_424 = vector.extract_strided_slice %concatenate3A_264 {offsets = [0, 4], sizes = [256, 1], strides = [1, 1]} : vector<256x16xf32> to vector<256x1xf32>
    %jit3A_425 = arith.constant 0.000000e+00 : f32
    %broadcast_in_dim3A_426 = vector.broadcast %jit3A_425 : f32 to vector<256x1xf32>
    %select_n3A_427 = arith.select %eq3A_423, %slice3A_424, %broadcast_in_dim3A_426 : vector<256x1xi1>, vector<256x1xf32>
    %add3A_428 = arith.addf %add3A_420, %select_n3A_427 : vector<256x1xf32>
    %eq3A_429 = arith.constant 3 : i32
    %eq3A_430 = vector.broadcast %eq3A_429 : i32 to vector<256x1xi32>
    %eq3A_431 = arith.cmpi eq, %and3A_270, %eq3A_430 : vector<256x1xi32>
    %slice3A_432 = vector.extract_strided_slice %concatenate3A_264 {offsets = [0, 5], sizes = [256, 1], strides = [1, 1]} : vector<256x16xf32> to vector<256x1xf32>
    %jit3A_433 = arith.constant 0.000000e+00 : f32
    %broadcast_in_dim3A_434 = vector.broadcast %jit3A_433 : f32 to vector<256x1xf32>
    %select_n3A_435 = arith.select %eq3A_431, %slice3A_432, %broadcast_in_dim3A_434 : vector<256x1xi1>, vector<256x1xf32>
    %add3A_436 = arith.addf %add3A_428, %select_n3A_435 : vector<256x1xf32>
    %eq3A_437 = arith.constant 4 : i32
    %eq3A_438 = vector.broadcast %eq3A_437 : i32 to vector<256x1xi32>
    %eq3A_439 = arith.cmpi eq, %and3A_270, %eq3A_438 : vector<256x1xi32>
    %slice3A_440 = vector.extract_strided_slice %concatenate3A_264 {offsets = [0, 6], sizes = [256, 1], strides = [1, 1]} : vector<256x16xf32> to vector<256x1xf32>
    %jit3A_441 = arith.constant 0.000000e+00 : f32
    %broadcast_in_dim3A_442 = vector.broadcast %jit3A_441 : f32 to vector<256x1xf32>
    %select_n3A_443 = arith.select %eq3A_439, %slice3A_440, %broadcast_in_dim3A_442 : vector<256x1xi1>, vector<256x1xf32>
    %add3A_444 = arith.addf %add3A_436, %select_n3A_443 : vector<256x1xf32>
    %eq3A_445 = arith.constant 5 : i32
    %eq3A_446 = vector.broadcast %eq3A_445 : i32 to vector<256x1xi32>
    %eq3A_447 = arith.cmpi eq, %and3A_270, %eq3A_446 : vector<256x1xi32>
    %slice3A_448 = vector.extract_strided_slice %concatenate3A_264 {offsets = [0, 7], sizes = [256, 1], strides = [1, 1]} : vector<256x16xf32> to vector<256x1xf32>
    %jit3A_449 = arith.constant 0.000000e+00 : f32
    %broadcast_in_dim3A_450 = vector.broadcast %jit3A_449 : f32 to vector<256x1xf32>
    %select_n3A_451 = arith.select %eq3A_447, %slice3A_448, %broadcast_in_dim3A_450 : vector<256x1xi1>, vector<256x1xf32>
    %add3A_452 = arith.addf %add3A_444, %select_n3A_451 : vector<256x1xf32>
    %eq3A_453 = arith.constant 6 : i32
    %eq3A_454 = vector.broadcast %eq3A_453 : i32 to vector<256x1xi32>
    %eq3A_455 = arith.cmpi eq, %and3A_270, %eq3A_454 : vector<256x1xi32>
    %slice3A_456 = vector.extract_strided_slice %concatenate3A_264 {offsets = [0, 8], sizes = [256, 1], strides = [1, 1]} : vector<256x16xf32> to vector<256x1xf32>
    %jit3A_457 = arith.constant 0.000000e+00 : f32
    %broadcast_in_dim3A_458 = vector.broadcast %jit3A_457 : f32 to vector<256x1xf32>
    %select_n3A_459 = arith.select %eq3A_455, %slice3A_456, %broadcast_in_dim3A_458 : vector<256x1xi1>, vector<256x1xf32>
    %add3A_460 = arith.addf %add3A_452, %select_n3A_459 : vector<256x1xf32>
    %eq3A_461 = arith.constant 7 : i32
    %eq3A_462 = vector.broadcast %eq3A_461 : i32 to vector<256x1xi32>
    %eq3A_463 = arith.cmpi eq, %and3A_270, %eq3A_462 : vector<256x1xi32>
    %slice3A_464 = vector.extract_strided_slice %concatenate3A_264 {offsets = [0, 9], sizes = [256, 1], strides = [1, 1]} : vector<256x16xf32> to vector<256x1xf32>
    %jit3A_465 = arith.constant 0.000000e+00 : f32
    %broadcast_in_dim3A_466 = vector.broadcast %jit3A_465 : f32 to vector<256x1xf32>
    %select_n3A_467 = arith.select %eq3A_463, %slice3A_464, %broadcast_in_dim3A_466 : vector<256x1xi1>, vector<256x1xf32>
    %add3A_468 = arith.addf %add3A_460, %select_n3A_467 : vector<256x1xf32>
    %iota3A_469 = tpu.iota {dimensions = array<i32: 0>} : vector<256x768xi32>
    %iota3A_470 = tpu.iota {dimensions = array<i32: 1>} : vector<256x768xi32>
    %jit3A_471 = arith.constant 3 : i32
    %div3A = vector.broadcast %jit3A_471 : i32 to vector<256x768xi32>
    %div3A_472 = arith.divsi %iota3A_470, %div3A : vector<256x768xi32>
    %sign3A = arith.constant 0 : i32
    %sign3A_473 = vector.broadcast %sign3A : i32 to vector<256x768xi32>
    %sign3A_474 = arith.cmpi sgt, %iota3A_470, %sign3A_473 : vector<256x768xi32>
    %sign3A_475 = arith.extui %sign3A_474 : vector<256x768xi1> to vector<256x768xi32>
    %sign3A_476 = arith.constant 0 : i32
    %sign3A_477 = vector.broadcast %sign3A_476 : i32 to vector<256x768xi32>
    %sign3A_478 = arith.cmpi slt, %iota3A_470, %sign3A_477 : vector<256x768xi32>
    %sign3A_479 = arith.extui %sign3A_478 : vector<256x768xi1> to vector<256x768xi32>
    %sign3A_480 = arith.subi %sign3A_475, %sign3A_479 : vector<256x768xi32>
    %sign3A_481 = arith.constant 0 : i32
    %sign3A_482 = arith.cmpi sgt, %jit3A_471, %sign3A_481 : i32
    %sign3A_483 = arith.extui %sign3A_482 : i1 to i32
    %sign3A_484 = arith.constant 0 : i32
    %sign3A_485 = arith.cmpi slt, %jit3A_471, %sign3A_484 : i32
    %sign3A_486 = arith.extui %sign3A_485 : i1 to i32
    %sign3A_487 = arith.subi %sign3A_483, %sign3A_486 : i32
    %ne3A = vector.broadcast %sign3A_487 : i32 to vector<256x768xi32>
    %ne3A_488 = arith.cmpi ne, %sign3A_480, %ne3A : vector<256x768xi32>
    %rem3A = vector.broadcast %jit3A_471 : i32 to vector<256x768xi32>
    %rem3A_489 = arith.remsi %iota3A_470, %rem3A : vector<256x768xi32>
    %ne3A_490 = arith.constant 0 : i32
    %ne3A_491 = vector.broadcast %ne3A_490 : i32 to vector<256x768xi32>
    %ne3A_492 = arith.cmpi ne, %rem3A_489, %ne3A_491 : vector<256x768xi32>
    %and3A_493 = arith.andi %ne3A_488, %ne3A_492 : vector<256x768xi1>
    %sub3A = arith.constant 1 : i32
    %sub3A_494 = vector.broadcast %sub3A : i32 to vector<256x768xi32>
    %sub3A_495 = arith.subi %div3A_472, %sub3A_494 : vector<256x768xi32>
    %select_n3A_496 = arith.select %and3A_493, %sub3A_495, %div3A_472 : vector<256x768xi1>, vector<256x768xi32>
    %eq3A_497 = arith.cmpi eq, %iota3A_469, %select_n3A_496 : vector<256x768xi32>
    %convert_element_type3A_498 = arith.extui %eq3A_497 : vector<256x768xi1> to vector<256x768xi32>
    %convert_element_type3A_499 = arith.sitofp %convert_element_type3A_498 : vector<256x768xi32> to vector<256x768xf32>
    %iota3A_500 = tpu.iota {dimensions = array<i32: 1>} : vector<1x768xi32>
    %jit3A_501 = arith.constant 3 : i32
    %div3A_502 = vector.broadcast %jit3A_501 : i32 to vector<1x768xi32>
    %div3A_503 = arith.divsi %iota3A_500, %div3A_502 : vector<1x768xi32>
    %sign3A_504 = arith.constant 0 : i32
    %sign3A_505 = vector.broadcast %sign3A_504 : i32 to vector<1x768xi32>
    %sign3A_506 = arith.cmpi sgt, %iota3A_500, %sign3A_505 : vector<1x768xi32>
    %sign3A_507 = arith.extui %sign3A_506 : vector<1x768xi1> to vector<1x768xi32>
    %sign3A_508 = arith.constant 0 : i32
    %sign3A_509 = vector.broadcast %sign3A_508 : i32 to vector<1x768xi32>
    %sign3A_510 = arith.cmpi slt, %iota3A_500, %sign3A_509 : vector<1x768xi32>
    %sign3A_511 = arith.extui %sign3A_510 : vector<1x768xi1> to vector<1x768xi32>
    %sign3A_512 = arith.subi %sign3A_507, %sign3A_511 : vector<1x768xi32>
    %sign3A_513 = arith.constant 0 : i32
    %sign3A_514 = arith.cmpi sgt, %jit3A_501, %sign3A_513 : i32
    %sign3A_515 = arith.extui %sign3A_514 : i1 to i32
    %sign3A_516 = arith.constant 0 : i32
    %sign3A_517 = arith.cmpi slt, %jit3A_501, %sign3A_516 : i32
    %sign3A_518 = arith.extui %sign3A_517 : i1 to i32
    %sign3A_519 = arith.subi %sign3A_515, %sign3A_518 : i32
    %ne3A_520 = vector.broadcast %sign3A_519 : i32 to vector<1x768xi32>
    %ne3A_521 = arith.cmpi ne, %sign3A_512, %ne3A_520 : vector<1x768xi32>
    %rem3A_522 = vector.broadcast %jit3A_501 : i32 to vector<1x768xi32>
    %rem3A_523 = arith.remsi %iota3A_500, %rem3A_522 : vector<1x768xi32>
    %ne3A_524 = arith.constant 0 : i32
    %ne3A_525 = vector.broadcast %ne3A_524 : i32 to vector<1x768xi32>
    %ne3A_526 = arith.cmpi ne, %rem3A_523, %ne3A_525 : vector<1x768xi32>
    %and3A_527 = arith.andi %ne3A_521, %ne3A_526 : vector<1x768xi1>
    %sub3A_528 = arith.constant 1 : i32
    %sub3A_529 = vector.broadcast %sub3A_528 : i32 to vector<1x768xi32>
    %sub3A_530 = arith.subi %div3A_503, %sub3A_529 : vector<1x768xi32>
    %select_n3A_531 = arith.select %and3A_527, %sub3A_530, %div3A_503 : vector<1x768xi1>, vector<1x768xi32>
    %mul3A_532 = arith.constant 3 : i32
    %mul3A_533 = vector.broadcast %mul3A_532 : i32 to vector<1x768xi32>
    %mul3A_534 = arith.muli %select_n3A_531, %mul3A_533 : vector<1x768xi32>
    %sub3A_535 = arith.subi %iota3A_500, %mul3A_534 : vector<1x768xi32>
    %broadcast_in_dim3A_536 = arith.constant 0.000000e+00 : f32
    %broadcast_in_dim3A_537 = vector.broadcast %broadcast_in_dim3A_536 : f32 to vector<1x768xf32>
    %dot_general3A = arith.constant dense<0.000000e+00> : vector<1x768xf32>
    %dot_general3A_538 = tpu.matmul %add3A_336, %convert_element_type3A_499, %dot_general3A {dimension_numbers = #tpu.dot_dimension_numbers<[0], [0], [1], [1], [0, 1, 1, 1], [], []>, transpose_lhs_hint = false} : vector<256x1xf32>, vector<256x768xf32>, vector<1x768xf32> -> vector<1x768xf32>
    %eq3A_539 = arith.constant 0 : i32
    %eq3A_540 = vector.broadcast %eq3A_539 : i32 to vector<1x768xi32>
    %eq3A_541 = arith.cmpi eq, %sub3A_535, %eq3A_540 : vector<1x768xi32>
    %convert_element_type3A_542 = arith.extui %eq3A_541 : vector<1x768xi1> to vector<1x768xi32>
    %convert_element_type3A_543 = arith.sitofp %convert_element_type3A_542 : vector<1x768xi32> to vector<1x768xf32>
    %mul3A_544 = arith.mulf %dot_general3A_538, %convert_element_type3A_543 : vector<1x768xf32>
    %add3A_545 = arith.addf %broadcast_in_dim3A_537, %mul3A_544 : vector<1x768xf32>
    %dot_general3A_546 = arith.constant dense<0.000000e+00> : vector<1x768xf32>
    %dot_general3A_547 = tpu.matmul %add3A_402, %convert_element_type3A_499, %dot_general3A_546 {dimension_numbers = #tpu.dot_dimension_numbers<[0], [0], [1], [1], [0, 1, 1, 1], [], []>, transpose_lhs_hint = false} : vector<256x1xf32>, vector<256x768xf32>, vector<1x768xf32> -> vector<1x768xf32>
    %eq3A_548 = arith.constant 1 : i32
    %eq3A_549 = vector.broadcast %eq3A_548 : i32 to vector<1x768xi32>
    %eq3A_550 = arith.cmpi eq, %sub3A_535, %eq3A_549 : vector<1x768xi32>
    %convert_element_type3A_551 = arith.extui %eq3A_550 : vector<1x768xi1> to vector<1x768xi32>
    %convert_element_type3A_552 = arith.sitofp %convert_element_type3A_551 : vector<1x768xi32> to vector<1x768xf32>
    %mul3A_553 = arith.mulf %dot_general3A_547, %convert_element_type3A_552 : vector<1x768xf32>
    %add3A_554 = arith.addf %add3A_545, %mul3A_553 : vector<1x768xf32>
    %dot_general3A_555 = arith.constant dense<0.000000e+00> : vector<1x768xf32>
    %dot_general3A_556 = tpu.matmul %add3A_468, %convert_element_type3A_499, %dot_general3A_555 {dimension_numbers = #tpu.dot_dimension_numbers<[0], [0], [1], [1], [0, 1, 1, 1], [], []>, transpose_lhs_hint = false} : vector<256x1xf32>, vector<256x768xf32>, vector<1x768xf32> -> vector<1x768xf32>
    %eq3A_557 = arith.constant 2 : i32
    %eq3A_558 = vector.broadcast %eq3A_557 : i32 to vector<1x768xi32>
    %eq3A_559 = arith.cmpi eq, %sub3A_535, %eq3A_558 : vector<1x768xi32>
    %convert_element_type3A_560 = arith.extui %eq3A_559 : vector<1x768xi1> to vector<1x768xi32>
    %convert_element_type3A_561 = arith.sitofp %convert_element_type3A_560 : vector<1x768xi32> to vector<1x768xf32>
    %mul3A_562 = arith.mulf %dot_general3A_556, %convert_element_type3A_561 : vector<1x768xf32>
    %add3A_563 = arith.addf %add3A_554, %mul3A_562 : vector<1x768xf32>
    %iota3A_564 = tpu.iota {dimensions = array<i32: 0>} : vector<8x768xi32>
    %iota3A_565 = tpu.iota {dimensions = array<i32: 1>} : vector<8x768xi32>
    %jit3A_566 = arith.constant 3 : i32
    %div3A_567 = vector.broadcast %jit3A_566 : i32 to vector<8x768xi32>
    %div3A_568 = arith.divsi %iota3A_565, %div3A_567 : vector<8x768xi32>
    %sign3A_569 = arith.constant 0 : i32
    %sign3A_570 = vector.broadcast %sign3A_569 : i32 to vector<8x768xi32>
    %sign3A_571 = arith.cmpi sgt, %iota3A_565, %sign3A_570 : vector<8x768xi32>
    %sign3A_572 = arith.extui %sign3A_571 : vector<8x768xi1> to vector<8x768xi32>
    %sign3A_573 = arith.constant 0 : i32
    %sign3A_574 = vector.broadcast %sign3A_573 : i32 to vector<8x768xi32>
    %sign3A_575 = arith.cmpi slt, %iota3A_565, %sign3A_574 : vector<8x768xi32>
    %sign3A_576 = arith.extui %sign3A_575 : vector<8x768xi1> to vector<8x768xi32>
    %sign3A_577 = arith.subi %sign3A_572, %sign3A_576 : vector<8x768xi32>
    %sign3A_578 = arith.constant 0 : i32
    %sign3A_579 = arith.cmpi sgt, %jit3A_566, %sign3A_578 : i32
    %sign3A_580 = arith.extui %sign3A_579 : i1 to i32
    %sign3A_581 = arith.constant 0 : i32
    %sign3A_582 = arith.cmpi slt, %jit3A_566, %sign3A_581 : i32
    %sign3A_583 = arith.extui %sign3A_582 : i1 to i32
    %sign3A_584 = arith.subi %sign3A_580, %sign3A_583 : i32
    %ne3A_585 = vector.broadcast %sign3A_584 : i32 to vector<8x768xi32>
    %ne3A_586 = arith.cmpi ne, %sign3A_577, %ne3A_585 : vector<8x768xi32>
    %rem3A_587 = vector.broadcast %jit3A_566 : i32 to vector<8x768xi32>
    %rem3A_588 = arith.remsi %iota3A_565, %rem3A_587 : vector<8x768xi32>
    %ne3A_589 = arith.constant 0 : i32
    %ne3A_590 = vector.broadcast %ne3A_589 : i32 to vector<8x768xi32>
    %ne3A_591 = arith.cmpi ne, %rem3A_588, %ne3A_590 : vector<8x768xi32>
    %and3A_592 = arith.andi %ne3A_586, %ne3A_591 : vector<8x768xi1>
    %sub3A_593 = arith.constant 1 : i32
    %sub3A_594 = vector.broadcast %sub3A_593 : i32 to vector<8x768xi32>
    %sub3A_595 = arith.subi %div3A_568, %sub3A_594 : vector<8x768xi32>
    %select_n3A_596 = arith.select %and3A_592, %sub3A_595, %div3A_568 : vector<8x768xi1>, vector<8x768xi32>
    %mul3A_597 = arith.constant 3 : i32
    %mul3A_598 = vector.broadcast %mul3A_597 : i32 to vector<8x768xi32>
    %mul3A_599 = arith.muli %select_n3A_596, %mul3A_598 : vector<8x768xi32>
    %sub3A_600 = arith.subi %iota3A_565, %mul3A_599 : vector<8x768xi32>
    %eq3A_601 = arith.constant 3 : i32
    %eq3A_602 = vector.broadcast %eq3A_601 : i32 to vector<8x768xi32>
    %eq3A_603 = arith.cmpi eq, %iota3A_564, %eq3A_602 : vector<8x768xi32>
    %eq3A_604 = arith.cmpi eq, %iota3A_564, %sub3A_600 : vector<8x768xi32>
    %jit3A_605 = arith.constant -1.000000e+00 : f32
    %jit3A_606 = arith.constant 0.000000e+00 : f32
    %broadcast_in_dim3A_607 = vector.broadcast %jit3A_605 : f32 to vector<8x768xf32>
    %broadcast_in_dim3A_608 = vector.broadcast %jit3A_606 : f32 to vector<8x768xf32>
    %select_n3A_609 = arith.select %eq3A_604, %broadcast_in_dim3A_607, %broadcast_in_dim3A_608 : vector<8x768xi1>, vector<8x768xf32>
    %broadcast_in_dim3A_610 = vector.shape_cast %add3A_563 : vector<1x768xf32> to vector<1x768xf32>
    %broadcast_in_dim3A_611 = vector.broadcast %broadcast_in_dim3A_610 : vector<1x768xf32> to vector<8x768xf32>
    %select_n3A_612 = arith.select %eq3A_603, %broadcast_in_dim3A_611, %select_n3A_609 : vector<8x768xi1>, vector<8x768xf32>
    %dot_general3A_613 = arith.constant dense<0.000000e+00> : vector<1024x768xf32>
    %dot_general3A_614 = tpu.matmul %select_n3A_245, %select_n3A_612, %dot_general3A_613 {dimension_numbers = #tpu.dot_dimension_numbers<[1], [0], [0], [1], [0, 0, 1, 1], [], []>, transpose_lhs_hint = false} : vector<1024x8xf32>, vector<8x768xf32>, vector<1024x768xf32> -> vector<1024x768xf32>
    %sub3A_615 = arith.subf %dot_general3A_614, %get3A_4 : vector<1024x768xf32>
    %abs3A = math.absf %sub3A_615 : vector<1024x768xf32>
    %broadcast_in_dim3A_616 = arith.constant 1.000000e+00 : f32
    %broadcast_in_dim3A_617 = vector.broadcast %broadcast_in_dim3A_616 : f32 to vector<768x1xf32>
    %dot_general3A_618 = arith.constant dense<0.000000e+00> : vector<1024x1xf32>
    %dot_general3A_619 = tpu.matmul %abs3A, %broadcast_in_dim3A_617, %dot_general3A_618 {dimension_numbers = #tpu.dot_dimension_numbers<[1], [0], [0], [1], [0, 0, 1, 1], [], []>, transpose_lhs_hint = false} : vector<1024x768xf32>, vector<768x1xf32>, vector<1024x1xf32> -> vector<1024x1xf32>
    %reduce_sum3A = vector.shape_cast %dot_general3A_619 : vector<1024x1xf32> to vector<1x1024x1xf32>
    %reduce_sum3A_620 = arith.constant dense<0.000000e+00> : vector<1xf32>
    %reduce_sum3A_621 = vector.multi_reduction <add>, %reduce_sum3A, %reduce_sum3A_620 [1, 2] : vector<1x1024x1xf32> to vector<1xf32>
    %reduce_sum3A_622 = vector.shape_cast %reduce_sum3A_621 : vector<1xf32> to vector<1x1x1xf32>
    %reduce_sum3A_623 = vector.extract %reduce_sum3A_622[0, 0, 0] : f32 from vector<1x1x1xf32>
    %eq3A_624 = arith.constant 0 : i32
    %eq3A_625 = arith.cmpi eq, %add3A, %eq3A_624 : i32
    %convert_element_type3A_626 = arith.extui %eq3A_625 : i1 to i32
    %cond3A = arith.constant 0 : i32
    %cond3A_627 = arith.cmpi ne, %convert_element_type3A_626, %cond3A : i32
    scf.if %cond3A_627 {
      %swap3A = arith.constant 0 : index
      %swap3A_633 = arith.constant 0 : index
      %swap3A_634 = memref.load %arg7[%swap3A, %swap3A_633] : memref<1x1xf32, #tpu.memory_space<smem>>
      memref.store %reduce_sum3A_623, %arg7[%swap3A, %swap3A_633] : memref<1x1xf32, #tpu.memory_space<smem>>
    } else {
    }
    %ne3A_628 = arith.constant 0 : i32
    %ne3A_629 = arith.cmpi ne, %add3A, %ne3A_628 : i32
    %convert_element_type3A_630 = arith.extui %ne3A_629 : i1 to i32
    %cond3A_631 = arith.constant 0 : i32
    %cond3A_632 = arith.cmpi ne, %convert_element_type3A_630, %cond3A_631 : i32
    scf.if %cond3A_632 {
      %get3A_633 = arith.constant 0 : index
      %get3A_634 = arith.constant 0 : index
      %get3A_635 = memref.load %arg7[%get3A_633, %get3A_634] : memref<1x1xf32, #tpu.memory_space<smem>>
      %add3A_636 = arith.addf %get3A_635, %reduce_sum3A_623 : f32
      %swap3A = arith.constant 0 : index
      %swap3A_637 = arith.constant 0 : index
      %swap3A_638 = memref.load %arg7[%swap3A, %swap3A_637] : memref<1x1xf32, #tpu.memory_space<smem>>
      memref.store %add3A_636, %arg7[%swap3A, %swap3A_637] : memref<1x1xf32, #tpu.memory_space<smem>>
    } else {
    }
    return
  }
  func.func @transform_0(%arg0: i32, %arg1: i32) -> (i32, i32, i32) {
    %c0_i32 = arith.constant 0 : i32
    %c0_i32_0 = arith.constant 0 : i32
    return %arg0, %arg1, %c0_i32 : i32, i32, i32
  }
  func.func @transform_1(%arg0: i32, %arg1: i32) -> (i32, i32, i32, i32) {
    %c0_i32 = arith.constant 0 : i32
    %c0_i32_0 = arith.constant 0 : i32
    %c0_i32_1 = arith.constant 0 : i32
    return %arg0, %c0_i32, %arg1, %c0_i32_0 : i32, i32, i32, i32
  }
  func.func @transform_2(%arg0: i32, %arg1: i32) -> (i32, i32, i32, i32) {
    %c0_i32 = arith.constant 0 : i32
    %c0_i32_0 = arith.constant 0 : i32
    %c0_i32_1 = arith.constant 0 : i32
    %c0_i32_2 = arith.constant 0 : i32
    return %arg0, %c0_i32, %c0_i32_0, %c0_i32_1 : i32, i32, i32, i32
  }
  func.func @transform_3(%arg0: i32, %arg1: i32) -> (i32, i32, i32) {
    %c0_i32 = arith.constant 0 : i32
    %c0_i32_0 = arith.constant 0 : i32
    %c0_i32_1 = arith.constant 0 : i32
    return %c0_i32, %arg1, %c0_i32_0 : i32, i32, i32
  }
  func.func @transform_4(%arg0: i32, %arg1: i32) -> (i32, i32, i32) {
    %c0_i32 = arith.constant 0 : i32
    %c0_i32_0 = arith.constant 0 : i32
    %c0_i32_1 = arith.constant 0 : i32
    return %arg0, %c0_i32, %c0_i32_0 : i32, i32, i32
  }
  func.func @transform_5(%arg0: i32, %arg1: i32) -> (i32, i32) {
    %c0_i32 = arith.constant 0 : i32
    %c0_i32_0 = arith.constant 0 : i32
    %c0_i32_1 = arith.constant 0 : i32
    return %c0_i32, %c0_i32_0 : i32, i32
  }
}

</mosaic_0001>

<sc_bundles>
// kernel: kernel.4.cloned.1.call-start
scs
__scs_entry_jumppad:
0x0: {  	(pc) =	sbr.rel $0x88, $3  }
0x1: {  	(tag) =	ssettag $0x0;
	lr =	simm.s32 $0x1  }
0x2: {  	[smem:$0x3F9C] =	sst lr;
	_ =	strace $0xD0000000  }
0x3: {  	_ = 	snop  }
0x4: {  	_ = 	snop  }
0x5: {  	_ = 	snop  }
0x6: {  	_ = 	snop  }
0x7: {  	_ = 	snop  }
__scs_overlays_trampoline_lowered:
0x8: {  	[smem:$0x3FAB] =	sst s0  }
0x9: {  	[smem:$0x3FAC] =	sst s1  }
0xa: {  	[smem:$0x3FAD] =	sst s2  }
0xb: {  	[smem:$0x3FAE] =	sst s3  }
0xc: {  	[smem:$0x3FAF] =	sst s4  }
0xd: {  	[smem:$0x3FB0] =	sst s5  }
0xe: {  	[smem:$0x3FB1] =	sst s6  }
0xf: {  	[smem:$0x3FB2] =	sst s7  }
0x10: {  	[smem:$0x3FB3] =	sst s8  }
0x11: {  	[smem:$0x3FB4] =	sst s9;
	s0 =	simm.s32 @!p0 $0x0  }
0x12: {  	s1 =	sld [smem:$0x3F9A];
	s0 =	simm.s32 @p0 $0x1  }
0x13: {  	[smem:$0x3FB5] =	sst s0;
	s0 =	simm.s32 @!p1 $0x0  }
0x14: {  	s2 =	sld [smem:$0x3F99];
	s0 =	simm.s32 @p1 $0x1  }
0x15: {  	[smem:$0x3FB6] =	sst s0;
	s0 =	simm.s32 @!p2 $0x0  }
0x16: {  	s3 =	sld [smem:$0x3FDB];
	s0 =	simm.s32 @p2 $0x1  }
0x17: {  	s4 =	simm.s32 $0x1BF5;
	[smem:$0x3FB8] =	sst s0  }
0x18: {  	s0 =	sld [smem:$0x3F9B];
	_ =	swait.ge [sflag:s4], $0x0  }
0x19: {  	s7 =	sld [smem:$0x3F9C]  }
0x1a: {  	s8 =	sadd.s32 $0xFFFFE003, lr  }
0x1b: {  	s9 =	sadd.s32 $0xFFFFFEF7, lr;
	s5 =	simm.s32 $0xFFFFFFFF;
	p2 =	slt.u32 s8, $0xFFFFF086  }
0x1c: {  	p1 =	slt.u32 s9, $0xF7A;
	s5 =	simm.s32 @!p2 $0x0  }
0x1d: {  	s5 =	simm.s32 @p1 $0x1;
	p0 =	seq.s32 s7, s2  }
0x1e: {  	s7 =	smul.u32 @!p0 $0xF7A, s2;
	p2 =	seq.s32 @!p0 s5, $0x0  }
0x1f: {  	s9 =	smul.u32 $0xF7A, s1;
	s8 =	simm.s32 @!p0 $0x1BF5;
	p2 =	por !p2, p0  }
0x20: {  	[sflag:s8] =	ssyncset.s32 @!p0 $0xFFFFF086;
	s6 =	sadd.s32 @!p0 s3, s7;
	s7 =	simm.s32 @!p0 $0x108  }
0x21: {  	s3 =	sadd.s32 s3, s9;
	s6 =	sadd.s32 @!p0 $0x88, s6;
	s7 =	simm.s32 @p2 $0x1082  }
0x22: {  	[simem:s7], [sflag:s8] =	dma.local @!p0 [hbm:s6], $0xF7A  }
0x23: {  	s9 =	sor.u32 $0xD0000000, s2;
	s6 =	simm.s32 $0x108;
	_ =	swait.ge @!p0 [sflag:s8], $0x0  }
0x24: {  	s3 =	sadd.s32 $0x88, s3;
	s6 =	simm.s32 @!p1 $0x1082;
	[sflag:s4] =	ssyncset.s32 $0xFFFFF086  }
0x25: {  	[simem:s6], [sflag:s4] =	dma.local [hbm:s3], $0xF7A  }
0x26: {  	[smem:$0x3F9C] =	sst s1;
	(tag) =	ssettag s2;
	_ =	strace s9  }
0x27: {  	s1 =	sld [smem:$0x3FAC]  }
0x28: {  	s2 =	sld [smem:$0x3FAD]  }
0x29: {  	s4 =	sld [smem:$0x3FAF]  }
0x2a: {  	p0 =	seq.s32 s5, $0x0;
	s5 =	sld [smem:$0x3FB0]  }
0x2b: {  	s6 =	sld [smem:$0x3FB1]  }
0x2c: {  	s7 =	sld [smem:$0x3FB2]  }
0x2d: {  	s3 =	simm.s32 $0x108;
	s8 =	sld [smem:$0x3FB3]  }
0x2e: {  	s3 =	simm.s32 @!p0 $0x1082;
	s9 =	sld [smem:$0x3FB4]  }
0x2f: {  	lr =	sadd.s32 s0, s3;
	s0 =	sld [smem:$0x3FAB]  }
0x30: {  	s3 =	sld [smem:$0x3FAE]  }
0x31: {  	[smem:$0x3FB7] =	sst s10  }
0x32: {  	s10 =	sld [smem:$0x3FB5];
	_ =	sdelay $0x3  }
0x33: {  	p0 =	seq.s32 s10, $0x1;
	s10 =	sld [smem:$0x3FB7];
	_ =	sdelay $0x3  }
0x34: {  	[smem:$0x3FB7] =	sst s10  }
0x35: {  	s10 =	sld [smem:$0x3FB6];
	_ =	sdelay $0x3  }
0x36: {  	p1 =	seq.s32 s10, $0x1;
	s10 =	sld [smem:$0x3FB7];
	_ =	sdelay $0x3  }
0x37: {  	[smem:$0x3FB7] =	sst s10  }
0x38: {  	s10 =	sld [smem:$0x3FB8]  }
0x39: {  	_ = 	snop;
	(pc) =	sbr.ind lr, $3  }
0x3a: {  	_ = 	snop  }
0x3b: {  	_ = 	snop  }
0x3c: {  	p2 =	seq.s32 s10, $0x1;
	s10 =	sld [smem:$0x3FB7]  }
0x3d: {  	_ =	shalt  }
0x3e: {  	_ =	shalt  }
0x3f: {  	_ =	shalt  }
0x40: {  	_ =	shalt  }
0x41: {  	_ =	shalt  }
0x42: {  	_ =	shalt  }
0x43: {  	_ =	shalt  }
0x44: {  	_ =	shalt  }
0x45: {  	_ =	shalt  }
0x46: {  	_ =	shalt  }
0x47: {  	_ =	shalt  }
0x48: {  	_ =	shalt  }
0x49: {  	_ =	shalt  }
0x4a: {  	_ =	shalt  }
0x4b: {  	_ =	shalt  }
0x4c: {  	_ =	shalt  }
0x4d: {  	_ =	shalt  }
0x4e: {  	_ =	shalt  }
0x4f: {  	_ =	shalt  }
0x50: {  	_ =	shalt  }
0x51: {  	_ =	shalt  }
0x52: {  	_ =	shalt  }
0x53: {  	_ =	shalt  }
0x54: {  	_ =	shalt  }
0x55: {  	_ =	shalt  }
0x56: {  	_ =	shalt  }
0x57: {  	_ =	shalt  }
0x58: {  	_ =	shalt  }
0x59: {  	_ =	shalt  }
0x5a: {  	_ =	shalt  }
0x5b: {  	_ =	shalt  }
0x5c: {  	_ =	shalt  }
0x5d: {  	_ =	shalt  }
0x5e: {  	_ =	shalt  }
0x5f: {  	_ =	shalt  }
0x60: {  	_ =	shalt  }
0x61: {  	_ =	shalt  }
0x62: {  	_ =	shalt  }
0x63: {  	_ =	shalt  }
0x64: {  	_ =	shalt  }
0x65: {  	_ =	shalt  }
0x66: {  	_ =	shalt  }
0x67: {  	_ =	shalt  }
0x68: {  	_ =	shalt  }
0x69: {  	_ =	shalt  }
0x6a: {  	_ =	shalt  }
0x6b: {  	_ =	shalt  }
0x6c: {  	_ =	shalt  }
0x6d: {  	_ =	shalt  }
0x6e: {  	_ =	shalt  }
0x6f: {  	_ =	shalt  }
0x70: {  	_ =	shalt  }
0x71: {  	_ =	shalt  }
0x72: {  	_ =	shalt  }
0x73: {  	_ =	shalt  }
0x74: {  	_ =	shalt  }
0x75: {  	_ =	shalt  }
0x76: {  	_ =	shalt  }
0x77: {  	_ =	shalt  }
0x78: {  	_ =	shalt  }
0x79: {  	_ =	shalt  }
0x7a: {  	_ =	shalt  }
0x7b: {  	_ =	shalt  }
0x7c: {  	_ =	shalt  }
0x7d: {  	_ =	shalt  }
0x7e: {  	_ =	shalt  }
0x7f: {  	_ =	shalt  }
0x80: {  	_ =	shalt  }
0x81: {  	_ =	shalt  }
0x82: {  	_ =	shalt  }
0x83: {  	_ =	shalt  }
0x84: {  	_ =	shalt  }
0x85: {  	_ =	shalt  }
0x86: {  	_ =	shalt  }
0x87: {  	_ =	shalt  }
.Lfunc_end0:
.L_simem_size_0:
called_computation.1_lowered:
.L_overlay_start_0:
0x88: {  	s2 =	sld [smem:$0x3FD9]  }
0x89: {  	s3 =	sld [smem:$0x3FFE];
	_ =	sdelay $0x1  }
0x8a: {  	s1 =	srdreg.scid  }
0x8b: {  	s0 =	sand.u32 $0x1, s1  }
0x8c: {  	s17 =	sshll.u32 s0, $0xA;
	s2 =	sadd.s32 s3, s2  }
0x8d: {  	s2 =	sadd.s32 s2, s17  }
0x8e: {  	[smem:$0x3FC3] =	sst s2  }
0x8f: {  	_ = 	snop  }
0x90: {  	s2 =	sld [smem:$0x3FC6];
	(tm) =	ssettm $0x1  }
0x91: {  	s18 =	sld [smem:$0x3FFB];
	_ =	sdelay $0x3  }
0x92: {  	_ =	strace s18  }
0x93: {  	s3 =	sld [smem:$0x3FFC];
	_ =	sdelay $0x3  }
0x94: {  	_ =	strace s3  }
0x95: {  	s3 =	sld [smem:$0x3FFD];
	_ =	sdelay $0x3  }
0x96: {  	_ =	strace s3  }
0x97: {  	_ =	strace $0x8FFFFFFF  }
0x98: {  	s19 =	sld [smem:$0x3FDB];
	_ =	sdelay $0x1  }
0x99: {  	s4 =	simm.s32 $_scs_section_size  }
0x9a: {  	s5 =	simm.s32 $_size__tile_overlayer_lowered;
	s6 =	simm.s32 $_tile_overlayer_lowered  }
0x9b: {  	s22 =	simm.s32 $0x1BFF;
	s21 =	sshll.u32 s6, $0x1;
	s3 =	sadd.s32 s4, s19  }
0x9c: {  	s7 =	simm.s32 $0x0;
	s20 =	sshll.u32 s5, $0x1;
	s5 =	sadd.s32 s21, s3  }
0x9d: {  	[timem:s7], [sflag:s22] =	dma.local [hbm:s5], s20  }
0x9e: {  	_ =	swait.ge [sflag:s22], s20  }
0x9f: {  	s4 =	ssub.s32 $0x0, s20;
	[sflag:s22] =	ssyncset.done $0x0  }
0xa0: {  	[sflag:s22] =	ssyncadd.s32 s4;
	_ =	sdelay $0x1  }
0xa1: {  	s23 =	simm.s32 $0x1B8B  }
0xa2: {  	_ =	swait.ge [sflag:s23], $0x1  }
0xa3: {  	[sflag:s23] =	ssyncset.done $0x0  }
0xa4: {  	s25 =	simm.s32 $0x1B8E;
	s24 =	sld [smem:$0x3FFE];
	[sflag:s23] =	ssyncadd.s32 $0xFFFFFFFF  }
0xa5: {  	s26 =	simm.s32 $execute0_lowered;
	[smem:$0x3FD2] =	sst s25  }
0xa6: {  	s5 =	sshll.u32 s26, $0x1;
	_ =	strace $0x80000046;
	[dreg:$0x1] =	wrdreg $0xFFFFFFFF  }
0xa7: {  	s28 =	simm.s32 $_size_execute0_lowered;
	s3 =	sadd.s32 s3, s5;
	[dreg:$0x0] =	wrdreg $0x0  }
0xa8: {  	s5 =	sshll.u32 s28, $0x1;
	[dreg:$0x2] =	wrdreg s3  }
0xa9: {  	[dreg:$0x3] =	wrdreg s5  }
0xaa: {  	[dreg:$0x4] =	wrdreg $0xC0  }
0xab: {  	_ =	task [dreg:s7], $0x5FFFF  }
0xac: {  	[dreg:$0x1] =	wrdreg $0xFFFFFFFF  }
0xad: {  	[dreg:$0x0] =	wrdreg $0x60  }
0xae: {  	[dreg:$0x2] =	wrdreg s24  }
0xaf: {  	[dreg:$0x3] =	wrdreg s2  }
0xb0: {  	[dreg:$0x4] =	wrdreg $0xA  }
0xb1: {  	_ =	task.clear_ibuf [dreg:s7], $0x5FFFF;
	_ =	strace $0x90000046  }
0xb2: {  	s29 =	simm.s32 $0xA;
	_ =	strace $0x80000048  }
0xb3: {  	_ =	swait.ge [sflag:s29], $0x1  }
0xb4: {  	[sflag:s29] =	ssyncadd.s32 $0xFFFFFFFF  }
0xb5: {  	_ =	strace $0x90000048  }
0xb6: {  	_ =	sfence  }
0xb7: {  	s30 =	sld [smem:$0x0];
	_ =	sdelay $0x2  }
0xb8: {  	s31 =	sshll.u32 s1, $0xD;
	s1 =	sshrl.u32 s1, $0x2  }
0xb9: {  	s3 =	sand.u32 $0x4000, s31;
	s1 =	sadd.s32 s1, s30  }
0xba: {  	s0 =	sor.u32 s3, s0;
	s1 =	sshll.u32 s1, $0x11  }
0xbb: {  	s0 =	sor.u32 s1, s0  }
0xbc: {  	s0 =	sadd.s32 $0x8F2B, s0  }
0xbd: {  	[sflag:s0] =	ssyncadd.remote.s32 $0x1  }
0xbe: {  	_ =	sfence.sel $0xFFFF  }
0xbf: {  	[dreg:$0x0] =	wrdreg $0xFFFFFFFF;
	(pc) =	sbr.abs _section_cstart, $3  }
0xc0: {  	[dreg:$0x1] =	wrdreg $0xFFFFFFFF  }
0xc1: {  	_ =	task.clear_ibuf [dreg:s7], $0x2FFFF;
	_ =	strace $0x9FFFFFFF  }
0xc2: {  	(tm) =	ssettm $0x7FFFFFFF  }
0xc3: {  	_ =	shalt  }
tec
execute0_lowered:
.L_overlay_start_1:
0x0: {  	(tag) =	ssettag $0x1  }
0x1: {  	s1 =	rddreg [dreg:$0x0]  }
0x2: {  	s2 =	srdreg.scid;
	s3 =	rddreg [dreg:$0x1]  }
0x3: {  	s4 =	sand.u32 $0x1, s2;
	[dreg:$0x3] =	wrdreg s3;
	s2 =	simm.s32 $0x0  }
0x4: {  	s0 =	stileid.u32;
	s8 =	simm.s32 $0x500;
	[smem:$0x7FF] =	sst s2  }
0x5: {  	s9 =	simm.s32 $0x580;
	_ =	strace $0x80000047;
	[dreg:$0xa] =	wrdreg s8  }
0x6: {  	s10 =	simm.s32 $0x1300;
	s11 =	simm.s32 $0x600;
	[dreg:$0xb] =	wrdreg s9  }
0x7: {  	s13 =	simm.s32 $0x1700;
	s14 =	simm.s32 $0x680;
	[dreg:$0xc] =	wrdreg s10  }
0x8: {  	s15 =	simm.s32 $0x1B00;
	s16 =	simm.s32 $0x700;
	[dreg:$0xd] =	wrdreg s11  }
0x9: {  	s17 =	simm.s32 $0x1F00;
	s19 =	simm.s32 $0x780;
	[dreg:$0xe] =	wrdreg s13  }
0xa: {  	s20 =	simm.s32 $0x2300;
	s21 =	simm.s32 $0x800;
	[dreg:$0xf] =	wrdreg s14  }
0xb: {  	s22 =	simm.s32 $0x2700;
	s28 =	simm.s32 $0xE00;
	[dreg:$0x10] =	wrdreg s15  }
0xc: {  	s29 =	simm.s32 $0x5700;
	s30 =	simm.s32 $0xE80;
	[dreg:$0x11] =	wrdreg s16  }
0xd: {  	s31 =	simm.s32 $0x5B00;
	s23 =	sshll.u32 s0, $0x1;
	[dreg:$0x12] =	wrdreg s17  }
0xe: {  	s24 =	sor.u32 s4, s23;
	s4 =	ssub.s32 $0x2, s4;
	[dreg:$0x13] =	wrdreg s19  }
0xf: {  	s23 =	simm.s32 $0x880;
	s5 =	sshll.u32 s24, $0x5;
	[dreg:$0x14] =	wrdreg s20  }
0x10: {  	s6 =	sshll.u32 s24, $0xB;
	s12 =	smul.u32 $0xA19, s24;
	[dreg:$0x15] =	wrdreg s21  }
0x11: {  	s7 =	sshll.u32 s24, $0x9;
	s3 =	smul.u32 $0xEA7, s24;
	[dreg:$0x16] =	wrdreg s22  }
0x12: {  	s18 =	sshrl.u32 s4, $0x1;
	[dreg:$0x17] =	wrdreg s23;
	s24 =	simm.s32 $0x2B00  }
0x13: {  	s8 =	simm.s32 $0xF00;
	s9 =	simm.s32 $0x2F00;
	s13 =	simm.s32 $0xA80  }
0x14: {  	s14 =	simm.s32 $0x3B00;
	s15 =	simm.s32 $0xB00;
	s16 =	simm.s32 $0x3F00  }
0x15: {  	s17 =	simm.s32 $0xB80;
	s19 =	simm.s32 $0xC00;
	s5 =	sadd.s32 s5, s1  }
0x16: {  	s6 =	sadd.s32 s6, s1;
	[dreg:$0x18] =	wrdreg s24;
	s5 =	sadd.s32 $0x1000, s5  }
0x17: {  	s20 =	simm.s32 $0x4700;
	s25 =	sadd.s32 $0x22A00, s6;
	[dreg:$0x4] =	wrdreg s5  }
0x18: {  	s7 =	sadd.s32 s7, s1;
	s26 =	sadd.s32 $0x22E00, s6;
	[dreg:$0x5] =	wrdreg s25  }
0x19: {  	s21 =	simm.s32 $0xC80;
	s0 =	sadd.s32 $0x1EA00, s7;
	[dreg:$0x6] =	wrdreg s26  }
0x1a: {  	s22 =	simm.s32 $0x4B00;
	s6 =	sadd.s32 $0x1EB00, s7;
	[dreg:$0x7] =	wrdreg s0  }
0x1b: {  	s23 =	simm.s32 $0xD00;
	s7 =	simm.s32 $0x400;
	[dreg:$0x8] =	wrdreg s6  }
0x1c: {  	s24 =	simm.s32 $0x4F00;
	[dreg:$0x9] =	wrdreg s7;
	s6 =	sadd.s32 s12, s1  }
0x1d: {  	s1 =	sadd.s32 s3, s1;
	s5 =	ssub.s32 s4, s18;
	s7 =	simm.s32 $0x80  }
0x1e: {  	s25 =	simm.s32 $0x900;
	s26 =	simm.s32 $0x980;
	s18 =	simm.s32 $0x4300  }
0x1f: {  	s3 =	sadd.s32 $0x145400, s6;
	s4 =	sadd.s32 $0x1400, s1;
	[dreg:$0x19] =	wrdreg s25  }
0x20: {  	s5 =	smax.u32 s5, $0x1;
	s6 =	simm.s32 $0x2;
	[dreg:$0x1a] =	wrdreg s26  }
0x21: {  	s25 =	simm.s32 $0xD80;
	s26 =	simm.s32 $0x5300;
	s1 =	simm.s32 $0x1  }
.LBB2_1:
0x22: {  	s0 =	rddreg [dreg:$0x3]  }
0x23: {  	[tilespmem:s2], [sflag:$0x2] =	stream.linear.gather [hbm4b:s0+s2], $0x400, $0x38;
	[tilespmem:$0x5F00] =	vst v63  }
0x24: {  	_ =	swait.ge [sflag:s6], $0x400  }
0x25: {  	s12 =	rddreg [dreg:$0x4];
	[sflag:s6] =	ssyncset.done $0x0  }
0x26: {  	s10 =	rddreg [dreg:$0x9];
	[sflag:s6] =	ssyncadd.s32 $0xFFFFFC00  }
0x27: {  	[tilespmem:s10], [sflag:$0x2] =	stream.linear.gather [hbm4b:s12+s2], $0x100, $0x38;
	[tilespmem:$0x5F00] =	vst v63  }
0x28: {  	_ =	swait.ge [sflag:s6], $0x100  }
0x29: {  	[sflag:s6] =	ssyncset.done $0x0  }
0x2a: {  	[sflag:s6] =	ssyncadd.s32 $0xFFFFFF00  }
0x2b: {  	v0 =	vld [tilespmem:$0x0]  }
0x2c: {  	v1 =	vld [tilespmem:$0x10]  }
0x2d: {  	v2 =	vld [tilespmem:$0x20]  }
0x2e: {  	v3 =	vld [tilespmem:$0x30]  }
0x2f: {  	v4 =	vld [tilespmem:$0x40]  }
0x30: {  	v63 =	vld [tilespmem:$0x50];
	v0 =	vmul.u32 $0x3, v0  }
0x31: {  	v9 =	vld [tilespmem:$0x60];
	v1 =	vmul.u32 $0x3, v1  }
0x32: {  	v12 =	vld [tilespmem:$0x70];
	v62 =	vmul.u32 $0x3, v2;
	v0 =	vshrl.u32 v0, $0x3  }
0x33: {  	v15 =	vld [tilespmem:$0x80];
	v8 =	vmul.u32 $0x3, v3;
	v61 =	vshrl.u32 v1, $0x3;
	[tilespmem:$0x500] =	vst v0  }
0x34: {  	v18 =	vld [tilespmem:$0x90];
	v11 =	vmul.u32 $0x3, v4;
	v7 =	vshrl.u32 v62, $0x3;
	[tilespmem:$0x510] =	vst v61  }
0x35: {  	v21 =	vld [tilespmem:$0xA0];
	v14 =	vmul.u32 $0x3, v63;
	v10 =	vshrl.u32 v8, $0x3;
	[tilespmem:$0x520] =	vst v7  }
0x36: {  	v24 =	vld [tilespmem:$0xB0];
	v17 =	vmul.u32 $0x3, v9;
	v13 =	vshrl.u32 v11, $0x3;
	[tilespmem:$0x530] =	vst v10  }
0x37: {  	v27 =	vld [tilespmem:$0xC0];
	v20 =	vmul.u32 $0x3, v12;
	v16 =	vshrl.u32 v14, $0x3;
	[tilespmem:$0x540] =	vst v13  }
0x38: {  	v30 =	vld [tilespmem:$0xD0];
	v23 =	vmul.u32 $0x3, v15;
	v19 =	vshrl.u32 v17, $0x3;
	[tilespmem:$0x550] =	vst v16  }
0x39: {  	v33 =	vld [tilespmem:$0xE0];
	v26 =	vmul.u32 $0x3, v18;
	v22 =	vshrl.u32 v20, $0x3;
	[tilespmem:$0x560] =	vst v19  }
0x3a: {  	v36 =	vld [tilespmem:$0xF0];
	v29 =	vmul.u32 $0x3, v21;
	v25 =	vshrl.u32 v23, $0x3;
	[tilespmem:$0x570] =	vst v22  }
0x3b: {  	v39 =	vld [tilespmem:$0x100];
	v32 =	vmul.u32 $0x3, v24;
	v28 =	vshrl.u32 v26, $0x3;
	[tilespmem:$0x580] =	vst v25  }
0x3c: {  	v42 =	vld [tilespmem:$0x110];
	v35 =	vmul.u32 $0x3, v27;
	v31 =	vshrl.u32 v29, $0x3;
	[tilespmem:$0x590] =	vst v28  }
0x3d: {  	v45 =	vld [tilespmem:$0x120];
	v38 =	vmul.u32 $0x3, v30;
	v34 =	vshrl.u32 v32, $0x3;
	[tilespmem:$0x5A0] =	vst v31  }
0x3e: {  	v48 =	vld [tilespmem:$0x130];
	v41 =	vmul.u32 $0x3, v33;
	v37 =	vshrl.u32 v35, $0x3;
	[tilespmem:$0x5B0] =	vst v34  }
0x3f: {  	v44 =	vmul.u32 $0x3, v36;
	v40 =	vshrl.u32 v38, $0x3;
	[tilespmem:$0x5C0] =	vst v37  }
0x40: {  	v47 =	vmul.u32 $0x3, v39;
	v43 =	vshrl.u32 v41, $0x3;
	[tilespmem:$0x5D0] =	vst v40  }
0x41: {  	v51 =	vld [tilespmem:$0x140];
	v50 =	vmul.u32 $0x3, v42;
	v46 =	vshrl.u32 v44, $0x3;
	[tilespmem:$0x5E0] =	vst v43  }
0x42: {  	v53 =	vmul.u32 $0x3, v45;
	v49 =	vshrl.u32 v47, $0x3;
	[tilespmem:$0x5F0] =	vst v46  }
0x43: {  	v54 =	vld [tilespmem:$0x150];
	v56 =	vmul.u32 $0x3, v48;
	v52 =	vshrl.u32 v50, $0x3;
	[tilespmem:$0x600] =	vst v49  }
0x44: {  	v55 =	vshrl.u32 v53, $0x3;
	[tilespmem:$0x610] =	vst v52  }
0x45: {  	v57 =	vld [tilespmem:$0x160];
	v58 =	vshrl.u32 v56, $0x3;
	[tilespmem:$0x620] =	vst v55  }
0x46: {  	v59 =	vmul.u32 $0x3, v51;
	v0 =	vadd.s32 $0x1, v0;
	[tilespmem:$0x630] =	vst v58  }
0x47: {  	v60 =	vld [tilespmem:$0x170];
	[tilespmem:$0x900] =	vst v0;
	v0 =	vadd.s32 $0x1, v61  }
0x48: {  	v62 =	vmul.u32 $0x3, v54;
	v61 =	vshrl.u32 v59, $0x3;
	[tilespmem:$0x910] =	vst v0  }
0x49: {  	v63 =	vld [tilespmem:$0x180];
	v0 =	vadd.s32 $0x1, v7;
	[tilespmem:$0x640] =	vst v61  }
0x4a: {  	v8 =	vmul.u32 $0x3, v57;
	v7 =	vshrl.u32 v62, $0x3;
	[tilespmem:$0x920] =	vst v0  }
0x4b: {  	v9 =	vld [tilespmem:$0x190];
	v0 =	vadd.s32 $0x1, v10;
	[tilespmem:$0x650] =	vst v7  }
0x4c: {  	v11 =	vmul.u32 $0x3, v60;
	v10 =	vshrl.u32 v8, $0x3;
	[tilespmem:$0x930] =	vst v0  }
0x4d: {  	v12 =	vld [tilespmem:$0x1A0];
	v0 =	vadd.s32 $0x1, v13;
	[tilespmem:$0x660] =	vst v10  }
0x4e: {  	v14 =	vmul.u32 $0x3, v63;
	v13 =	vshrl.u32 v11, $0x3;
	[tilespmem:$0x940] =	vst v0  }
0x4f: {  	v15 =	vld [tilespmem:$0x1B0];
	v0 =	vadd.s32 $0x1, v16;
	[tilespmem:$0x670] =	vst v13  }
0x50: {  	v17 =	vmul.u32 $0x3, v9;
	v16 =	vshrl.u32 v14, $0x3;
	[tilespmem:$0x950] =	vst v0  }
0x51: {  	v18 =	vld [tilespmem:$0x1C0];
	v0 =	vadd.s32 $0x1, v19;
	[tilespmem:$0x680] =	vst v16  }
0x52: {  	v20 =	vmul.u32 $0x3, v12;
	v19 =	vshrl.u32 v17, $0x3;
	[tilespmem:$0x960] =	vst v0  }
0x53: {  	v21 =	vld [tilespmem:$0x1D0];
	v0 =	vadd.s32 $0x1, v22;
	[tilespmem:$0x690] =	vst v19  }
0x54: {  	v23 =	vmul.u32 $0x3, v15;
	v22 =	vshrl.u32 v20, $0x3;
	[tilespmem:$0x970] =	vst v0  }
0x55: {  	v24 =	vld [tilespmem:$0x1E0];
	v0 =	vadd.s32 $0x1, v25;
	[tilespmem:$0x6A0] =	vst v22  }
0x56: {  	v26 =	vmul.u32 $0x3, v18;
	v25 =	vshrl.u32 v23, $0x3;
	[tilespmem:$0x980] =	vst v0  }
0x57: {  	v27 =	vld [tilespmem:$0x1F0];
	v0 =	vadd.s32 $0x1, v28;
	[tilespmem:$0x6B0] =	vst v25  }
0x58: {  	v29 =	vmul.u32 $0x3, v21;
	v28 =	vshrl.u32 v26, $0x3;
	[tilespmem:$0x990] =	vst v0  }
0x59: {  	v30 =	vld [tilespmem:$0x200];
	v0 =	vadd.s32 $0x1, v31;
	[tilespmem:$0x6C0] =	vst v28  }
0x5a: {  	v32 =	vmul.u32 $0x3, v24;
	v31 =	vshrl.u32 v29, $0x3;
	[tilespmem:$0x9A0] =	vst v0  }
0x5b: {  	v33 =	vld [tilespmem:$0x210];
	v0 =	vadd.s32 $0x1, v34;
	[tilespmem:$0x6D0] =	vst v31  }
0x5c: {  	v35 =	vmul.u32 $0x3, v27;
	v34 =	vshrl.u32 v32, $0x3;
	[tilespmem:$0x9B0] =	vst v0  }
0x5d: {  	v36 =	vld [tilespmem:$0x220];
	v0 =	vadd.s32 $0x1, v37;
	[tilespmem:$0x6E0] =	vst v34  }
0x5e: {  	v38 =	vmul.u32 $0x3, v30;
	v37 =	vshrl.u32 v35, $0x3;
	[tilespmem:$0x9C0] =	vst v0  }
0x5f: {  	v39 =	vld [tilespmem:$0x230];
	v0 =	vadd.s32 $0x1, v40;
	[tilespmem:$0x6F0] =	vst v37  }
0x60: {  	v41 =	vmul.u32 $0x3, v33;
	v40 =	vshrl.u32 v38, $0x3;
	[tilespmem:$0x9D0] =	vst v0  }
0x61: {  	v42 =	vld [tilespmem:$0x240];
	v0 =	vadd.s32 $0x1, v43;
	[tilespmem:$0x700] =	vst v40  }
0x62: {  	v44 =	vmul.u32 $0x3, v36;
	v43 =	vshrl.u32 v41, $0x3;
	[tilespmem:$0x9E0] =	vst v0  }
0x63: {  	v45 =	vld [tilespmem:$0x250];
	v0 =	vadd.s32 $0x1, v46;
	[tilespmem:$0x710] =	vst v43  }
0x64: {  	v47 =	vmul.u32 $0x3, v39;
	v46 =	vshrl.u32 v44, $0x3;
	[tilespmem:$0x9F0] =	vst v0  }
0x65: {  	v48 =	vld [tilespmem:$0x260];
	v0 =	vadd.s32 $0x1, v49;
	[tilespmem:$0x720] =	vst v46  }
0x66: {  	v50 =	vmul.u32 $0x3, v42;
	v49 =	vshrl.u32 v47, $0x3;
	[tilespmem:$0xA00] =	vst v0  }
0x67: {  	v51 =	vld [tilespmem:$0x270];
	v0 =	vadd.s32 $0x1, v52;
	[tilespmem:$0x730] =	vst v49  }
0x68: {  	v53 =	vmul.u32 $0x3, v45;
	v52 =	vshrl.u32 v50, $0x3;
	[tilespmem:$0xA10] =	vst v0  }
0x69: {  	v54 =	vld [tilespmem:$0x280];
	v0 =	vadd.s32 $0x1, v55;
	[tilespmem:$0x740] =	vst v52  }
0x6a: {  	v56 =	vmul.u32 $0x3, v48;
	v55 =	vshrl.u32 v53, $0x3;
	[tilespmem:$0xA20] =	vst v0  }
0x6b: {  	v57 =	vld [tilespmem:$0x290];
	v0 =	vadd.s32 $0x1, v58;
	[tilespmem:$0x750] =	vst v55  }
0x6c: {  	v59 =	vmul.u32 $0x3, v51;
	v58 =	vshrl.u32 v56, $0x3;
	[tilespmem:$0xA30] =	vst v0  }
0x6d: {  	v60 =	vld [tilespmem:$0x2A0];
	v0 =	vadd.s32 $0x1, v61;
	[tilespmem:$0x760] =	vst v58  }
0x6e: {  	v62 =	vmul.u32 $0x3, v54;
	v54 =	vld [tilespmem:$0x3B0];
	v61 =	vshrl.u32 v59, $0x3;
	[tilespmem:$0xA40] =	vst v0  }
0x6f: {  	v0 =	vadd.s32 $0x1, v7;
	[tilespmem:$0x770] =	vst v61  }
0x70: {  	v63 =	vld [tilespmem:$0x2B0];
	v8 =	vmul.u32 $0x3, v57;
	v7 =	vshrl.u32 v62, $0x3;
	[tilespmem:$0xA50] =	vst v0  }
0x71: {  	v0 =	vadd.s32 $0x1, v10;
	[tilespmem:$0x780] =	vst v7  }
0x72: {  	v9 =	vld [tilespmem:$0x2C0];
	v11 =	vmul.u32 $0x3, v60;
	v10 =	vshrl.u32 v8, $0x3;
	[tilespmem:$0xA60] =	vst v0  }
0x73: {  	v62 =	vmul.u32 $0x3, v54;
	v0 =	vadd.s32 $0x1, v13;
	[tilespmem:$0x790] =	vst v10  }
0x74: {  	v12 =	vld [tilespmem:$0x2D0];
	v13 =	vshrl.u32 v11, $0x3;
	[tilespmem:$0xA70] =	vst v0  }
0x75: {  	v14 =	vmul.u32 $0x3, v63;
	v6 =	vshrl.u32 v62, $0x3;
	[tilespmem:$0x7A0] =	vst v13  }
0x76: {  	v15 =	vld [tilespmem:$0x2E0];
	v0 =	vadd.s32 $0x1, v16;
	[tilespmem:$0x8B0] =	vst v6  }
0x77: {  	v17 =	vmul.u32 $0x3, v9;
	v16 =	vshrl.u32 v14, $0x3;
	[tilespmem:$0xA80] =	vst v0  }
0x78: {  	v18 =	vld [tilespmem:$0x2F0];
	v0 =	vadd.s32 $0x1, v19;
	[tilespmem:$0x7B0] =	vst v16  }
0x79: {  	v20 =	vmul.u32 $0x3, v12;
	v19 =	vshrl.u32 v17, $0x3;
	[tilespmem:$0xA90] =	vst v0  }
0x7a: {  	v21 =	vld [tilespmem:$0x300];
	v0 =	vadd.s32 $0x1, v22;
	[tilespmem:$0x7C0] =	vst v19  }
0x7b: {  	v23 =	vmul.u32 $0x3, v15;
	v22 =	vshrl.u32 v20, $0x3;
	[tilespmem:$0xAA0] =	vst v0  }
0x7c: {  	v24 =	vld [tilespmem:$0x310];
	v0 =	vadd.s32 $0x1, v25;
	[tilespmem:$0x7D0] =	vst v22  }
0x7d: {  	v26 =	vmul.u32 $0x3, v18;
	v25 =	vshrl.u32 v23, $0x3;
	[tilespmem:$0xAB0] =	vst v0  }
0x7e: {  	v27 =	vld [tilespmem:$0x320];
	v0 =	vadd.s32 $0x1, v28;
	[tilespmem:$0x7E0] =	vst v25  }
0x7f: {  	v29 =	vmul.u32 $0x3, v21;
	v28 =	vshrl.u32 v26, $0x3;
	[tilespmem:$0xAC0] =	vst v0  }
0x80: {  	v30 =	vld [tilespmem:$0x330];
	v0 =	vadd.s32 $0x1, v31;
	[tilespmem:$0x7F0] =	vst v28  }
0x81: {  	v32 =	vmul.u32 $0x3, v24;
	v31 =	vshrl.u32 v29, $0x3;
	[tilespmem:$0xAD0] =	vst v0  }
0x82: {  	v33 =	vld [tilespmem:$0x340];
	v0 =	vadd.s32 $0x1, v34;
	[tilespmem:$0x800] =	vst v31  }
0x83: {  	v35 =	vmul.u32 $0x3, v27;
	v34 =	vshrl.u32 v32, $0x3;
	[tilespmem:$0xAE0] =	vst v0  }
0x84: {  	v36 =	vld [tilespmem:$0x350];
	v0 =	vadd.s32 $0x1, v37;
	[tilespmem:$0x810] =	vst v34  }
0x85: {  	v38 =	vmul.u32 $0x3, v30;
	v37 =	vshrl.u32 v35, $0x3;
	[tilespmem:$0xAF0] =	vst v0  }
0x86: {  	v39 =	vld [tilespmem:$0x360];
	v0 =	vadd.s32 $0x1, v40;
	[tilespmem:$0x820] =	vst v37  }
0x87: {  	v41 =	vmul.u32 $0x3, v33;
	v40 =	vshrl.u32 v38, $0x3;
	[tilespmem:$0xB00] =	vst v0  }
0x88: {  	v42 =	vld [tilespmem:$0x370];
	v0 =	vadd.s32 $0x1, v43;
	[tilespmem:$0x830] =	vst v40  }
0x89: {  	v44 =	vmul.u32 $0x3, v36;
	v43 =	vshrl.u32 v41, $0x3;
	[tilespmem:$0xB10] =	vst v0  }
0x8a: {  	v45 =	vld [tilespmem:$0x380];
	v0 =	vadd.s32 $0x1, v46;
	[tilespmem:$0x840] =	vst v43  }
0x8b: {  	v47 =	vmul.u32 $0x3, v39;
	v46 =	vshrl.u32 v44, $0x3;
	[tilespmem:$0xB20] =	vst v0  }
0x8c: {  	v48 =	vld [tilespmem:$0x390];
	v0 =	vadd.s32 $0x1, v49;
	[tilespmem:$0x850] =	vst v46  }
0x8d: {  	v50 =	vmul.u32 $0x3, v42;
	v49 =	vshrl.u32 v47, $0x3;
	[tilespmem:$0xB30] =	vst v0  }
0x8e: {  	v51 =	vld [tilespmem:$0x3A0];
	v0 =	vadd.s32 $0x1, v52;
	[tilespmem:$0x860] =	vst v49  }
0x8f: {  	v53 =	vmul.u32 $0x3, v45;
	v52 =	vshrl.u32 v50, $0x3;
	[tilespmem:$0xB40] =	vst v0  }
0x90: {  	v0 =	vadd.s32 $0x1, v55;
	[tilespmem:$0x870] =	vst v52  }
0x91: {  	v56 =	vmul.u32 $0x3, v48;
	v55 =	vshrl.u32 v53, $0x3;
	[tilespmem:$0xB50] =	vst v0  }
0x92: {  	v57 =	vld [tilespmem:$0x3C0];
	v0 =	vadd.s32 $0x1, v58;
	[tilespmem:$0x880] =	vst v55  }
0x93: {  	v59 =	vmul.u32 $0x3, v51;
	v58 =	vshrl.u32 v56, $0x3;
	[tilespmem:$0xB60] =	vst v0  }
0x94: {  	v60 =	vld [tilespmem:$0x3D0];
	v0 =	vadd.s32 $0x1, v61;
	[tilespmem:$0x890] =	vst v58  }
0x95: {  	v61 =	vshrl.u32 v59, $0x3;
	[tilespmem:$0xB70] =	vst v0  }
0x96: {  	v63 =	vld [tilespmem:$0x3E0];
	v0 =	vadd.s32 $0x1, v7;
	[tilespmem:$0x8A0] =	vst v61  }
0x97: {  	v7 =	vmul.u32 $0x3, v57;
	[tilespmem:$0xB80] =	vst v0;
	v0 =	vadd.s32 $0x1, v10  }
0x98: {  	v8 =	vld [tilespmem:$0x3F0];
	[tilespmem:$0xB90] =	vst v0;
	v0 =	vadd.s32 $0x1, v13  }
0x99: {  	v56 =	vld [tilespmem:$0x4F0];
	v10 =	vmul.u32 $0x3, v60;
	v9 =	vshrl.u32 v7, $0x3;
	[tilespmem:$0xBA0] =	vst v0  }
0x9a: {  	v0 =	vadd.s32 $0x1, v16;
	[tilespmem:$0x8C0] =	vst v9  }
0x9b: {  	v11 =	vld [tilespmem:$0x400];
	v13 =	vmul.u32 $0x3, v63;
	v12 =	vshrl.u32 v10, $0x3;
	[tilespmem:$0xBB0] =	vst v0  }
0x9c: {  	v0 =	vadd.s32 $0x1, v19;
	[tilespmem:$0x8D0] =	vst v12  }
0x9d: {  	v14 =	vld [tilespmem:$0x410];
	v16 =	vmul.u32 $0x3, v8;
	v15 =	vshrl.u32 v13, $0x3;
	[tilespmem:$0xBC0] =	vst v0  }
0x9e: {  	v62 =	vmul.u32 $0x3, v56;
	v0 =	vadd.s32 $0x1, v22;
	[tilespmem:$0x8E0] =	vst v15  }
0x9f: {  	v17 =	vld [tilespmem:$0x420];
	v18 =	vshrl.u32 v16, $0x3;
	[tilespmem:$0xBD0] =	vst v0  }
0xa0: {  	v19 =	vmul.u32 $0x3, v11;
	v63 =	vshrl.u32 v62, $0x3;
	[tilespmem:$0x8F0] =	vst v18  }
0xa1: {  	v20 =	vld [tilespmem:$0x430];
	v0 =	vadd.s32 $0x1, v25;
	[tilespmem:$0xDF0] =	vst v63  }
0xa2: {  	v22 =	vmul.u32 $0x3, v14;
	v21 =	vshrl.u32 v19, $0x3;
	[tilespmem:$0xBE0] =	vst v0  }
0xa3: {  	v23 =	vld [tilespmem:$0x440];
	v0 =	vadd.s32 $0x1, v28;
	[tilespmem:$0xD00] =	vst v21  }
0xa4: {  	v25 =	vmul.u32 $0x3, v17;
	v24 =	vshrl.u32 v22, $0x3;
	[tilespmem:$0xBF0] =	vst v0  }
0xa5: {  	v26 =	vld [tilespmem:$0x450];
	v0 =	vadd.s32 $0x1, v31;
	[tilespmem:$0xD10] =	vst v24  }
0xa6: {  	v28 =	vmul.u32 $0x3, v20;
	v27 =	vshrl.u32 v25, $0x3;
	[tilespmem:$0xC00] =	vst v0  }
0xa7: {  	v29 =	vld [tilespmem:$0x460];
	v0 =	vadd.s32 $0x1, v34;
	[tilespmem:$0xD20] =	vst v27  }
0xa8: {  	v31 =	vmul.u32 $0x3, v23;
	v30 =	vshrl.u32 v28, $0x3;
	[tilespmem:$0xC10] =	vst v0  }
0xa9: {  	v32 =	vld [tilespmem:$0x470];
	v0 =	vadd.s32 $0x1, v37;
	[tilespmem:$0xD30] =	vst v30  }
0xaa: {  	v34 =	vmul.u32 $0x3, v26;
	v33 =	vshrl.u32 v31, $0x3;
	[tilespmem:$0xC20] =	vst v0  }
0xab: {  	v35 =	vld [tilespmem:$0x480];
	v0 =	vadd.s32 $0x1, v40;
	[tilespmem:$0xD40] =	vst v33  }
0xac: {  	v37 =	vmul.u32 $0x3, v29;
	v36 =	vshrl.u32 v34, $0x3;
	[tilespmem:$0xC30] =	vst v0  }
0xad: {  	v38 =	vld [tilespmem:$0x490];
	v0 =	vadd.s32 $0x1, v43;
	[tilespmem:$0xD50] =	vst v36  }
0xae: {  	v40 =	vmul.u32 $0x3, v32;
	v39 =	vshrl.u32 v37, $0x3;
	[tilespmem:$0xC40] =	vst v0  }
0xaf: {  	v41 =	vld [tilespmem:$0x4A0];
	v0 =	vadd.s32 $0x1, v46;
	[tilespmem:$0xD60] =	vst v39  }
0xb0: {  	v43 =	vmul.u32 $0x3, v35;
	v42 =	vshrl.u32 v40, $0x3;
	[tilespmem:$0xC50] =	vst v0  }
0xb1: {  	v44 =	vld [tilespmem:$0x4B0];
	v0 =	vadd.s32 $0x1, v49;
	[tilespmem:$0xD70] =	vst v42  }
0xb2: {  	v46 =	vmul.u32 $0x3, v38;
	v45 =	vshrl.u32 v43, $0x3;
	[tilespmem:$0xC60] =	vst v0  }
0xb3: {  	v47 =	vld [tilespmem:$0x4C0];
	v0 =	vadd.s32 $0x1, v52;
	[tilespmem:$0xD80] =	vst v45  }
0xb4: {  	v53 =	vld [tilespmem:$0x4E0];
	v49 =	vmul.u32 $0x3, v41;
	v48 =	vshrl.u32 v46, $0x3;
	[tilespmem:$0xC70] =	vst v0  }
0xb5: {  	v0 =	vadd.s32 $0x1, v55;
	[tilespmem:$0xD90] =	vst v48  }
0xb6: {  	v50 =	vld [tilespmem:$0x4D0];
	v52 =	vmul.u32 $0x3, v44;
	v51 =	vshrl.u32 v49, $0x3;
	[tilespmem:$0xC80] =	vst v0  }
0xb7: {  	v0 =	vadd.s32 $0x1, v58;
	[tilespmem:$0xDA0] =	vst v51  }
0xb8: {  	v55 =	vmul.u32 $0x3, v47;
	v54 =	vshrl.u32 v52, $0x3;
	[tilespmem:$0xC90] =	vst v0  }
0xb9: {  	v60 =	vmul.u32 $0x3, v53;
	v0 =	vadd.s32 $0x1, v61;
	[tilespmem:$0xDB0] =	vst v54  }
0xba: {  	v57 =	vshrl.u32 v55, $0x3;
	[tilespmem:$0xCA0] =	vst v0  }
0xbb: {  	v58 =	vmul.u32 $0x3, v50;
	v61 =	vshrl.u32 v60, $0x3;
	[tilespmem:$0xDC0] =	vst v57  }
0xbc: {  	v0 =	vadd.s32 $0x1, v6;
	[tilespmem:$0xDE0] =	vst v61  }
0xbd: {  	v59 =	vshrl.u32 v58, $0x3;
	[tilespmem:$0xCB0] =	vst v0  }
0xbe: {  	v0 =	vadd.s32 $0x1, v9;
	[tilespmem:$0xDD0] =	vst v59  }
0xbf: {  	[tilespmem:$0xCC0] =	vst v0;
	v0 =	vadd.s32 $0x1, v12  }
0xc0: {  	[tilespmem:$0xCD0] =	vst v0;
	v0 =	vadd.s32 $0x1, v15  }
0xc1: {  	[tilespmem:$0xCE0] =	vst v0;
	v0 =	vadd.s32 $0x1, v18  }
0xc2: {  	[tilespmem:$0xCF0] =	vst v0;
	v0 =	vadd.s32 $0x1, v21  }
0xc3: {  	[tilespmem:$0xE00] =	vst v0;
	v0 =	vadd.s32 $0x1, v24  }
0xc4: {  	[tilespmem:$0xE10] =	vst v0;
	v0 =	vadd.s32 $0x1, v27  }
0xc5: {  	[tilespmem:$0xE20] =	vst v0;
	v0 =	vadd.s32 $0x1, v30  }
0xc6: {  	[tilespmem:$0xE30] =	vst v0;
	v0 =	vadd.s32 $0x1, v33  }
0xc7: {  	[tilespmem:$0xE40] =	vst v0;
	v0 =	vadd.s32 $0x1, v36  }
0xc8: {  	[tilespmem:$0xE50] =	vst v0;
	v0 =	vadd.s32 $0x1, v39  }
0xc9: {  	[tilespmem:$0xE60] =	vst v0;
	v0 =	vadd.s32 $0x1, v42  }
0xca: {  	[tilespmem:$0xE70] =	vst v0;
	v0 =	vadd.s32 $0x1, v45  }
0xcb: {  	[tilespmem:$0xE80] =	vst v0;
	v0 =	vadd.s32 $0x1, v48  }
0xcc: {  	[tilespmem:$0xE90] =	vst v0;
	v0 =	vadd.s32 $0x1, v51  }
0xcd: {  	[tilespmem:$0xEA0] =	vst v0;
	v0 =	vadd.s32 $0x1, v54  }
0xce: {  	[tilespmem:$0xEB0] =	vst v0;
	v0 =	vadd.s32 $0x1, v57  }
0xcf: {  	s10 =	rddreg [dreg:$0xa];
	[tilespmem:$0xEC0] =	vst v0;
	v0 =	vadd.s32 $0x1, v59  }
0xd0: {  	s12 =	rddreg [dreg:$0xb];
	[tilespmem:$0xED0] =	vst v0;
	v0 =	vadd.s32 $0x1, v61  }
0xd1: {  	s11 =	rddreg [dreg:$0xc];
	[tilespmem:$0xEE0] =	vst v0;
	v0 =	vadd.s32 $0x1, v63  }
0xd2: {  	s0 =	rddreg [dreg:$0xd];
	[tilespmem:$0xEF0] =	vst v0  }
0xd3: {  	[tilespmem:s8], [sflag:$0x1] =	stream.indirect.gather [hbm4b:s3+s7], $0x8, s10, s7, $0xb8;
	[tilespmem:$0x5F00] =	vst v63  }
0xd4: {  	s10 =	rddreg [dreg:$0xe]  }
0xd5: {  	[tilespmem:s11], [sflag:$0x1] =	stream.indirect.gather [hbm4b:s3+s7], $0x8, s12, s7, $0xb8;
	[tilespmem:$0x5F00] =	vst v63  }
0xd6: {  	s11 =	rddreg [dreg:$0xf]  }
0xd7: {  	s12 =	rddreg [dreg:$0x10]  }
0xd8: {  	[tilespmem:s10], [sflag:$0x1] =	stream.indirect.gather [hbm4b:s3+s7], $0x8, s0, s7, $0xb8;
	[tilespmem:$0x5F00] =	vst v63  }
0xd9: {  	s0 =	rddreg [dreg:$0x11]  }
0xda: {  	s10 =	rddreg [dreg:$0x12]  }
0xdb: {  	[tilespmem:s12], [sflag:$0x1] =	stream.indirect.gather [hbm4b:s3+s7], $0x8, s11, s7, $0xb8;
	[tilespmem:$0x5F00] =	vst v63  }
0xdc: {  	s11 =	rddreg [dreg:$0x13]  }
0xdd: {  	s12 =	rddreg [dreg:$0x14]  }
0xde: {  	[tilespmem:s10], [sflag:$0x1] =	stream.indirect.gather [hbm4b:s3+s7], $0x8, s0, s7, $0xb8;
	[tilespmem:$0x5F00] =	vst v63  }
0xdf: {  	s0 =	rddreg [dreg:$0x15]  }
0xe0: {  	s10 =	rddreg [dreg:$0x16]  }
0xe1: {  	[tilespmem:s12], [sflag:$0x1] =	stream.indirect.gather [hbm4b:s3+s7], $0x8, s11, s7, $0xb8;
	[tilespmem:$0x5F00] =	vst v63  }
0xe2: {  	s11 =	rddreg [dreg:$0x17]  }
0xe3: {  	[tilespmem:s10], [sflag:$0x1] =	stream.indirect.gather [hbm4b:s3+s7], $0x8, s0, s7, $0xb8;
	[tilespmem:$0x5F00] =	vst v63  }
0xe4: {  	s12 =	rddreg [dreg:$0x18]  }
0xe5: {  	[tilespmem:s12], [sflag:$0x1] =	stream.indirect.gather [hbm4b:s3+s7], $0x8, s11, s7, $0xb8;
	[tilespmem:$0x5F00] =	vst v63  }
0xe6: {  	s10 =	rddreg [dreg:$0x19]  }
0xe7: {  	[tilespmem:s9], [sflag:$0x1] =	stream.indirect.gather [hbm4b:s3+s7], $0x8, s10, s7, $0xb8;
	[tilespmem:$0x5F00] =	vst v63  }
0xe8: {  	s11 =	rddreg [dreg:$0x1a];
	s12 =	simm.s32 $0x3300  }
0xe9: {  	[tilespmem:s12], [sflag:$0x1] =	stream.indirect.gather [hbm4b:s3+s7], $0x8, s11, s7, $0xb8;
	[tilespmem:$0x5F00] =	vst v63  }
0xea: {  	s10 =	simm.s32 $0xA00;
	s11 =	simm.s32 $0x3700  }
0xeb: {  	[tilespmem:s11], [sflag:$0x1] =	stream.indirect.gather [hbm4b:s3+s7], $0x8, s10, s7, $0xb8;
	[tilespmem:$0x5F00] =	vst v63  }
0xec: {  	_ = 	snop  }
0xed: {  	[tilespmem:s14], [sflag:$0x1] =	stream.indirect.gather [hbm4b:s3+s7], $0x8, s13, s7, $0xb8;
	[tilespmem:$0x5F00] =	vst v63  }
0xee: {  	_ = 	snop  }
0xef: {  	[tilespmem:s16], [sflag:$0x1] =	stream.indirect.gather [hbm4b:s3+s7], $0x8, s15, s7, $0xb8;
	[tilespmem:$0x5F00] =	vst v63  }
0xf0: {  	_ = 	snop  }
0xf1: {  	[tilespmem:s18], [sflag:$0x1] =	stream.indirect.gather [hbm4b:s3+s7], $0x8, s17, s7, $0xb8;
	[tilespmem:$0x5F00] =	vst v63  }
0xf2: {  	_ = 	snop  }
0xf3: {  	[tilespmem:s20], [sflag:$0x1] =	stream.indirect.gather [hbm4b:s3+s7], $0x8, s19, s7, $0xb8;
	[tilespmem:$0x5F00] =	vst v63  }
0xf4: {  	_ = 	snop  }
0xf5: {  	[tilespmem:s22], [sflag:$0x1] =	stream.indirect.gather [hbm4b:s3+s7], $0x8, s21, s7, $0xb8;
	[tilespmem:$0x5F00] =	vst v63  }
0xf6: {  	_ = 	snop  }
0xf7: {  	[tilespmem:s24], [sflag:$0x1] =	stream.indirect.gather [hbm4b:s4+s7], $0x8, s23, s7, $0xb8;
	[tilespmem:$0x5F00] =	vst v63  }
0xf8: {  	_ = 	snop  }
0xf9: {  	[tilespmem:s26], [sflag:$0x1] =	stream.indirect.gather [hbm4b:s4+s7], $0x8, s25, s7, $0xb8;
	[tilespmem:$0x5F00] =	vst v63  }
0xfa: {  	_ = 	snop  }
0xfb: {  	[tilespmem:s29], [sflag:$0x1] =	stream.indirect.gather [hbm4b:s4+s7], $0x8, s28, s7, $0xb8;
	[tilespmem:$0x5F00] =	vst v63  }
0xfc: {  	_ = 	snop  }
0xfd: {  	[tilespmem:s31], [sflag:$0x1] =	stream.indirect.gather [hbm4b:s4+s7], $0x8, s30, s7, $0xb8;
	[tilespmem:$0x5F00] =	vst v63  }
0xfe: {  	_ =	swait.ge [sflag:s1], $0x400  }
0xff: {  	[sflag:s1] =	ssyncset.done $0x0  }
0x100: {  	[sflag:s1] =	ssyncadd.s32 $0xFFFFFC00  }
0x101: {  	_ =	swait.ge [sflag:s1], $0x400  }
0x102: {  	[sflag:s1] =	ssyncset.done $0x0  }
0x103: {  	[sflag:s1] =	ssyncadd.s32 $0xFFFFFC00  }
0x104: {  	_ =	swait.ge [sflag:s1], $0x400  }
0x105: {  	[sflag:s1] =	ssyncset.done $0x0  }
0x106: {  	[sflag:s1] =	ssyncadd.s32 $0xFFFFFC00  }
0x107: {  	_ =	swait.ge [sflag:s1], $0x400  }
0x108: {  	[sflag:s1] =	ssyncset.done $0x0  }
0x109: {  	[sflag:s1] =	ssyncadd.s32 $0xFFFFFC00  }
0x10a: {  	_ =	swait.ge [sflag:s1], $0x400  }
0x10b: {  	[sflag:s1] =	ssyncset.done $0x0  }
0x10c: {  	[sflag:s1] =	ssyncadd.s32 $0xFFFFFC00  }
0x10d: {  	_ =	swait.ge [sflag:s1], $0x400  }
0x10e: {  	[sflag:s1] =	ssyncset.done $0x0  }
0x10f: {  	[sflag:s1] =	ssyncadd.s32 $0xFFFFFC00  }
0x110: {  	_ =	swait.ge [sflag:s1], $0x400  }
0x111: {  	[sflag:s1] =	ssyncset.done $0x0  }
0x112: {  	[sflag:s1] =	ssyncadd.s32 $0xFFFFFC00  }
0x113: {  	_ =	swait.ge [sflag:s1], $0x400  }
0x114: {  	[sflag:s1] =	ssyncset.done $0x0  }
0x115: {  	[sflag:s1] =	ssyncadd.s32 $0xFFFFFC00  }
0x116: {  	_ =	swait.ge [sflag:s1], $0x400  }
0x117: {  	[sflag:s1] =	ssyncset.done $0x0  }
0x118: {  	[sflag:s1] =	ssyncadd.s32 $0xFFFFFC00  }
0x119: {  	_ =	swait.ge [sflag:s1], $0x400  }
0x11a: {  	[sflag:s1] =	ssyncset.done $0x0  }
0x11b: {  	[sflag:s1] =	ssyncadd.s32 $0xFFFFFC00  }
0x11c: {  	_ =	swait.ge [sflag:s1], $0x400  }
0x11d: {  	[sflag:s1] =	ssyncset.done $0x0  }
0x11e: {  	[sflag:s1] =	ssyncadd.s32 $0xFFFFFC00  }
0x11f: {  	_ =	swait.ge [sflag:s1], $0x400  }
0x120: {  	[sflag:s1] =	ssyncset.done $0x0  }
0x121: {  	[sflag:s1] =	ssyncadd.s32 $0xFFFFFC00  }
0x122: {  	_ =	swait.ge [sflag:s1], $0x400  }
0x123: {  	[sflag:s1] =	ssyncset.done $0x0  }
0x124: {  	[sflag:s1] =	ssyncadd.s32 $0xFFFFFC00  }
0x125: {  	_ =	swait.ge [sflag:s1], $0x400  }
0x126: {  	[sflag:s1] =	ssyncset.done $0x0  }
0x127: {  	[sflag:s1] =	ssyncadd.s32 $0xFFFFFC00  }
0x128: {  	_ =	swait.ge [sflag:s1], $0x400  }
0x129: {  	[sflag:s1] =	ssyncset.done $0x0  }
0x12a: {  	[sflag:s1] =	ssyncadd.s32 $0xFFFFFC00  }
0x12b: {  	_ =	swait.ge [sflag:s1], $0x400  }
0x12c: {  	[sflag:s1] =	ssyncset.done $0x0  }
0x12d: {  	[sflag:s1] =	ssyncadd.s32 $0xFFFFFC00  }
0x12e: {  	_ =	swait.ge [sflag:s1], $0x400  }
0x12f: {  	[sflag:s1] =	ssyncset.done $0x0  }
0x130: {  	[sflag:s1] =	ssyncadd.s32 $0xFFFFFC00  }
0x131: {  	_ =	swait.ge [sflag:s1], $0x400  }
0x132: {  	[sflag:s1] =	ssyncset.done $0x0  }
0x133: {  	[sflag:s1] =	ssyncadd.s32 $0xFFFFFC00  }
0x134: {  	_ =	swait.ge [sflag:s1], $0x400  }
0x135: {  	[sflag:s1] =	ssyncset.done $0x0  }
0x136: {  	[sflag:s1] =	ssyncadd.s32 $0xFFFFFC00  }
0x137: {  	_ =	swait.ge [sflag:s1], $0x400  }
0x138: {  	[sflag:s1] =	ssyncset.done $0x0  }
0x139: {  	s12 =	rddreg [dreg:$0x5];
	[sflag:s1] =	ssyncadd.s32 $0xFFFFFC00  }
0x13a: {  	[hbm4b:s12+s2] =	stream.linear.scatter [tilespmem:s8], [sflag:$0x2], $0x2000, $0x38;
	[tilespmem:$0x5F00] =	vst v63  }
0x13b: {  	_ =	swait.ge [sflag:s6], $0x2000  }
0x13c: {  	[sflag:s6] =	ssyncset.done $0x0  }
0x13d: {  	s10 =	rddreg [dreg:$0x6];
	[sflag:s6] =	ssyncadd.s32 $0xFFFFE000  }
0x13e: {  	[hbm4b:s10+s2] =	stream.linear.scatter [tilespmem:s9], [sflag:$0x2], $0x2000, $0x38;
	[tilespmem:$0x5F00] =	vst v63  }
0x13f: {  	_ =	swait.ge [sflag:s6], $0x2000  }
0x140: {  	[sflag:s6] =	ssyncset.done $0x0  }
0x141: {  	s11 =	rddreg [dreg:$0x7];
	[sflag:s6] =	ssyncadd.s32 $0xFFFFE000  }
0x142: {  	[hbm4b:s11+s2] =	stream.linear.scatter [tilespmem:s24], [sflag:$0x2], $0x800, $0x38;
	[tilespmem:$0x5F00] =	vst v63  }
0x143: {  	_ =	swait.ge [sflag:s6], $0x800  }
0x144: {  	p0 =	sne.s32 s5, $0x1;
	[sflag:s6] =	ssyncset.done $0x0  }
.Ltmp0:
0x145: {  	s12 =	rddreg [dreg:$0x8];
	[sflag:s6] =	ssyncadd.s32 $0xFFFFF800;
	(pc) =	sbr.rel @p0 .LBB2_1-.Ltmp0, $4  }
0x146: {  	[hbm4b:s12+s2] =	stream.linear.scatter [tilespmem:s29], [sflag:$0x2], $0x800, $0x38;
	[tilespmem:$0x5F00] =	vst v63  }
0x147: {  	_ =	swait.ge [sflag:s6], $0x800  }
0x148: {  	[sflag:s6] =	ssyncset.done $0x0  }
0x149: {  	s5 =	sadd.s32 $0xFFFFFFFF, s5;
	[sflag:s6] =	ssyncadd.s32 $0xFFFFF800  }
0x14a: {  	_ =	sfence.sel $0x180000  }
0x14b: {  	[bflag:$0x0] =	sbarrier.arrive $0xFFFF  }
0x14c: {  	_ =	strace $0x90000047  }
0x14d: {  	s0 =	stileid.u32;
	[bflag:$0x2] =	sbarrier.arrive $0xFFFF  }
0x14e: {  	p0 =	sne.s32 s0, $0x0;
	s0 =	rddreg [dreg:$0x2]  }
0x14f: {  	s0 =	sadd.s32 @!p0 $0x100000, s0  }
0x150: {  	[sflag:s0] =	ssyncadd.tile.s32 @!p0 $0x1;
	_ =	shalt  }
.Lfunc_end2:
_tile_overlayer_lowered:
.L_overlay_start_2:
0x151: {  	(tag) =	ssettag $0x2  }
0x152: {  	s0 =	rddreg [dreg:$0x0];
	s2 =	stileid.u32  }
0x153: {  	s1 =	rddreg [dreg:$0x1];
	p0 =	sne.s32 s2, $0x0  }
0x154: {  	s3 =	rddreg [dreg:$0x2];
	[bflag:$0x3] =	sbarrier.arrive $0xFFFF;
	s2 =	simm.s32 @!p0 $0x1C02  }
0x155: {  	[timem:s3], [sflag:s2] =	dma.local @!p0 [hbm:s0], s1  }
0x156: {  	s0 =	simm.s32 @!p0 $0x2  }
0x157: {  	_ =	swait.ge @!p0 [sflag:s0], s1  }
0x158: {  	s1 =	ssub.s32 @!p0 $0x0, s1;
	[sflag:s0] =	ssyncset.done @!p0 $0x0  }
0x159: {  	[sflag:s0] =	ssyncadd.s32 @!p0 s1  }
0x15a: {  	[bflag:$0x3] =	sbarrier.arrive $0xFFFF  }
0x15b: {  	_ =	shalt  }

// kernel: sparse-core-data-format-call.cloned.1.call-start
scs
called_computation_lowered:
.L_overlay_start_0:
0x0: {  	s2 =	sld [smem:$0x3FD9]  }
0x1: {  	s3 =	sld [smem:$0x3FFE];
	_ =	sdelay $0x1  }
0x2: {  	s1 =	srdreg.scid  }
0x3: {  	s0 =	sand.u32 $0x1, s1  }
0x4: {  	s18 =	sshll.u32 s0, $0xA;
	s2 =	sadd.s32 s3, s2  }
0x5: {  	s2 =	sadd.s32 s2, s18  }
0x6: {  	[smem:$0x3FC3] =	sst s2  }
0x7: {  	_ = 	snop  }
0x8: {  	s19 =	sld [smem:$0x3FC7];
	(tm) =	ssettm $0x1  }
0x9: {  	s20 =	sld [smem:$0x3FFB];
	_ =	sdelay $0x3  }
0xa: {  	_ =	strace s20  }
0xb: {  	s2 =	sld [smem:$0x3FFC];
	_ =	sdelay $0x3  }
0xc: {  	_ =	strace s2  }
0xd: {  	s2 =	sld [smem:$0x3FFD];
	_ =	sdelay $0x3  }
0xe: {  	_ =	strace s2  }
0xf: {  	_ =	strace $0x8FFFFFFF  }
0x10: {  	s21 =	sld [smem:$0x3FDB];
	_ =	sdelay $0x1  }
0x11: {  	s4 =	simm.s32 $_scs_section_size  }
0x12: {  	s5 =	simm.s32 $_size__tile_overlayer_lowered;
	s6 =	simm.s32 $_tile_overlayer_lowered  }
0x13: {  	s7 =	simm.s32 $0x1BFF;
	s22 =	sshll.u32 s6, $0x1;
	s4 =	sadd.s32 s4, s21  }
0x14: {  	s23 =	simm.s32 $0x0;
	s5 =	sshll.u32 s5, $0x1;
	s6 =	sadd.s32 s22, s4  }
0x15: {  	[timem:s23], [sflag:s7] =	dma.local [hbm:s6], s5  }
0x16: {  	_ =	swait.ge [sflag:s7], s5  }
0x17: {  	s5 =	ssub.s32 $0x0, s5;
	[sflag:s7] =	ssyncset.done $0x0  }
0x18: {  	[sflag:s7] =	ssyncadd.s32 s5;
	_ =	sdelay $0x1  }
0x19: {  	s24 =	simm.s32 $0x1B8B  }
0x1a: {  	_ =	swait.ge [sflag:s24], $0x1  }
0x1b: {  	[sflag:s24] =	ssyncset.done $0x0  }
0x1c: {  	[sflag:s24] =	ssyncadd.s32 $0xFFFFFFFF  }
0x1d: {  	s5 =	sld [smem:$0x0]  }
0x1e: {  	s6 =	sand.u32 $0xFFFFFFFE, s1  }
0x1f: {  	p0 =	sne.s32 s1, s6  }
0x20: {  	s6 =	sshll.u32 @p0 s6, $0xE  }
0x21: {  	s6 =	sadd.s32 @p0 $0x11B8D, s6;
	s7 =	sshll.u32 @p0 s5, $0x11  }
0x22: {  	s6 =	sor.u32 @p0 s7, s6  }
0x23: {  	[sflag:s6] =	ssyncadd.remote.s32 @p0 $0x1;
	_ =	sdelay $0x1  }
0x24: {  	s6 =	simm.s32 @p0 $0x1B8D  }
0x25: {  	_ =	swait.eq @p0 [sflag:s6], $0x1  }
0x26: {  	[sflag:s6] =	ssyncadd.s32 @p0 $0xFFFFFFFF  }
0x27: {  	s7 =	sshll.u32 @!p0 s1, $0xE  }
0x28: {  	s7 =	sor.u32 @!p0 $0x4000, s7;
	s6 =	simm.s32 @!p0 $0x1B8D  }
0x29: {  	s5 =	sshll.u32 @!p0 s5, $0x11;
	s7 =	sadd.s32 @!p0 $0x11B8D, s7;
	_ =	swait.eq @!p0 [sflag:s6], $0x1  }
0x2a: {  	s5 =	sor.u32 @!p0 s5, s7;
	[sflag:s6] =	ssyncadd.s32 @!p0 $0xFFFFFFFF  }
0x2b: {  	s26 =	simm.s32 $0x1B8E;
	s25 =	sld [smem:$0x3FFE];
	[sflag:s5] =	ssyncadd.remote.s32 @!p0 $0x1  }
0x2c: {  	s27 =	simm.s32 $execute0_lowered;
	[smem:$0x3FD2] =	sst s26  }
0x2d: {  	s6 =	sshll.u32 s27, $0x1;
	_ =	strace $0x80000049;
	[dreg:$0x1] =	wrdreg $0xFFFFFFFF  }
0x2e: {  	s28 =	simm.s32 $_size_execute0_lowered;
	s4 =	sadd.s32 s4, s6;
	[dreg:$0x0] =	wrdreg $0x0  }
0x2f: {  	s6 =	sshll.u32 s28, $0x1;
	[dreg:$0x2] =	wrdreg s4  }
0x30: {  	[dreg:$0x3] =	wrdreg s6  }
0x31: {  	[dreg:$0x4] =	wrdreg $0xC0  }
0x32: {  	_ =	task [dreg:s23], $0x5FFFF  }
0x33: {  	[dreg:$0x1] =	wrdreg $0xFFFFFFFF  }
0x34: {  	[dreg:$0x0] =	wrdreg $0x60  }
0x35: {  	[dreg:$0x2] =	wrdreg s19  }
0x36: {  	[dreg:$0x3] =	wrdreg s25  }
0x37: {  	[dreg:$0x4] =	wrdreg $0x9  }
0x38: {  	_ =	task.clear_ibuf [dreg:s23], $0x5FFFF;
	_ =	strace $0x90000049  }
0x39: {  	s29 =	simm.s32 $0x9;
	_ =	strace $0x8000004B  }
0x3a: {  	_ =	swait.ge [sflag:s29], $0x1  }
0x3b: {  	[sflag:s29] =	ssyncadd.s32 $0xFFFFFFFF  }
0x3c: {  	_ =	strace $0x9000004B  }
0x3d: {  	_ =	sfence  }
0x3e: {  	s30 =	sld [smem:$0x0];
	_ =	sdelay $0x2  }
0x3f: {  	s31 =	sshll.u32 s1, $0xD;
	s1 =	sshrl.u32 s1, $0x2  }
0x40: {  	s4 =	sand.u32 $0x4000, s31;
	s1 =	sadd.s32 s1, s30  }
0x41: {  	s0 =	sor.u32 s4, s0;
	s1 =	sshll.u32 s1, $0x11  }
0x42: {  	s0 =	sor.u32 s1, s0  }
0x43: {  	s0 =	sadd.s32 $0x8F2B, s0  }
0x44: {  	[sflag:s0] =	ssyncadd.remote.s32 $0x1  }
0x45: {  	_ =	sfence.sel $0xFFFF  }
0x46: {  	[dreg:$0x0] =	wrdreg $0xFFFFFFFF;
	(pc) =	sbr.abs _section_cstart, $3  }
0x47: {  	[dreg:$0x1] =	wrdreg $0xFFFFFFFF  }
0x48: {  	_ =	task.clear_ibuf [dreg:s23], $0x2FFFF;
	_ =	strace $0x9FFFFFFF  }
0x49: {  	(tm) =	ssettm $0x7FFFFFFF  }
tec
execute0_lowered:
.L_overlay_start_1:
0x0: {  	(tag) =	ssettag $0x1  }
0x1: {  	s7 =	stileid.u32;
	s3 =	rddreg [dreg:$0x0]  }
0x2: {  	s0 =	srdreg.scid;
	s6 =	rddreg [dreg:$0x1]  }
0x3: {  	_ =	strace $0x8000004A;
	s1 =	sshll.u32 s7, $0x1;
	s0 =	sshll.u32 s0, $0x5  }
0x4: {  	s4 =	simm.s32 $0x1;
	s31 =	simm.s32 $0x2;
	s0 =	sor.u32 s1, s0  }
0x5: {  	s17 =	simm.s32 $0x0;
	s9 =	simm.s32 $0xC0000;
	s2 =	sand.u32 $0x38, s0  }
0x6: {  	s10 =	simm.s32 $0x0;
	s16 =	simm.s32 $0x0;
	s0 =	ssub.s32 $0x400, s2  }
0x7: {  	s19 =	simm.s32 $0x0;
	s18 =	simm.s32 $0x0;
	s30 =	sand.u32 $0x38, s0  }
0x8: {  	s11 =	simm.s32 $0x0;
	s1 =	simm.s32 $0x1;
	p0 =	sne.s32 s30, $0x0  }
.Ltmp0:
0x9: {  	s0 =	sshrl.u32 s0, $0x6;
	s1 =	simm.s32 @!p0 $0x0;
	(pc) =	sbr.rel .LBB1_1-.Ltmp0, $4  }
0xa: {  	s12 =	simm.s32 $0x0;
	s15 =	simm.s32 $0x0;
	s0 =	sadd.s32 s1, s0  }
0xb: {  	s25 =	simm.s32 $0x0;
	[sflag:s4] =	ssyncpa.u1 $0x0;
	s5 =	smul.u32 $0x3, s0  }
0xc: {  	s6 =	sadd.s32 $0x159800, s6;
	s7 =	sand.u32 $0x3, s7;
	[sflag:s31] =	ssyncpa.u1 $0x0  }
0xd: {  	s14 =	smov.u32 s7;
	s13 =	smov.u32 s2;
	s8 =	sadd.s32 $0x1, s5  }
.LBB1_7:
0xe: {  	s0 =	sadd.s32 $0x100, s11  }
0xf: {  	s1 =	sadd.s32 $0x8, s12;
	s20 =	smov.u32 s12;
	p1 =	sgt.s32 s0, $0x2FF  }
0x10: {  	s20 =	smov.u32 @p1 s1  }
0x11: {  	s21 =	smov.u32 s13;
	s1 =	sadd.s32 $0x40, s13;
	p2 =	sgt.s32 s20, $0x7  }
0x12: {  	s21 =	smov.u32 @p2 s1  }
0x13: {  	s22 =	smov.u32 s14;
	s1 =	sadd.s32 $0x4, s14;
	p3 =	sgt.s32 s21, $0x3FF  }
0x14: {  	p0 =	slt.u32 s15, $0x2;
	s22 =	smov.u32 @p3 s1  }
0x15: {  	s17 =	smov.u32 s11;
	s0 =	simm.s32 @p1 $0x0;
	p1 =	sgt.s32 s22, $0x3  }
0x16: {  	s16 =	smov.u32 s12;
	s22 =	smov.u32 @p1 s7;
	p1 =	sne.s32 s15, s8  }
.Ltmp1:
0x17: {  	s19 =	smov.u32 s13;
	s18 =	smov.u32 s14;
	(pc) =	sbr.rel @!p1 .LBB1_8-.Ltmp1, $4  }
0x18: {  	s10 =	sadd.s32 $0x4000, s10;
	s11 =	smov.u32 s0;
	s1 =	simm.s32 @!p0 $0x2  }
0x19: {  	s20 =	simm.s32 @p2 $0x0;
	s21 =	smov.u32 @p3 s2;
	_ =	swait.ge @!p0 [sflag:s1], $0x4000  }
0x1a: {  	s12 =	smov.u32 s20;
	s13 =	smov.u32 s21;
	[sflag:s1] =	ssyncset.done @!p0 $0x0  }
0x1b: {  	s15 =	sadd.s32 $0x1, s15;
	[sflag:s1] =	ssyncadd.s32 @!p0 $0xFFFFC000;
	s14 =	smov.u32 s22  }
.LBB1_1:
0x1c: {  	p0 =	sge.u32 s15, s5  }
0x1d: {  	s0 =	sshrl.u32 @!p0 s12, $0x3  }
0x1e: {  	s1 =	sshll.u32 @!p0 s11, $0x3;
	s0 =	smul.u32 @!p0 $0x1800, s0  }
0x1f: {  	s20 =	sshll.u32 @!p0 s12, $0x7;
	s1 =	sand.u32 @!p0 $0xFFFFFC00, s1  }
0x20: {  	s0 =	sadd.s32 @!p0 s0, s1;
	s1 =	sand.u32 @!p0 $0x380, s20  }
0x21: {  	s20 =	sand.u32 @!p0 $0x7F, s11;
	s0 =	sor.u32 @!p0 s1, s0  }
0x22: {  	s1 =	sor.u32 @!p0 s20, s0  }
0x23: {  	s20 =	smulhi.u32 @!p0 $0xAAAAAAAB, s1  }
0x24: {  	s0 =	smulhi.u32 @!p0 $0xAAAAAAAB, s0  }
0x25: {  	s31 =	sadd.s32 $0xFFFFFFFF, s15;
	s22 =	smul.u32 @!p0 $0xC0000, s14;
	s20 =	sshrl.u32 @!p0 s20, $0x9  }
0x26: {  	s21 =	sxor.u32 @!p0 $0xFFFFFFFF, s15;
	s0 =	sshrl.u32 @!p0 s0, $0x9;
	s20 =	smul.u32 @!p0 $0x300, s20  }
0x27: {  	s23 =	smul.u32 @!p0 $0x300, s13;
	s21 =	sshll.u32 @!p0 s21, $0xE;
	s0 =	sand.u32 @!p0 $0x7, s0  }
0x28: {  	s0 =	smul.u32 @!p0 $0x60, s0;
	s1 =	ssub.s32 @!p0 s1, s20;
	s20 =	sadd.s32 @!p0 s3, s22  }
0x29: {  	s21 =	sand.u32 @!p0 $0x4000, s21;
	s20 =	sadd.s32 @!p0 s23, s20;
	s22 =	sand.u32 @!p0 $0x7, s1  }
0x2a: {  	s1 =	sshrl.u32 @!p0 s1, $0x3;
	s0 =	sadd.s32 @!p0 s0, s20;
	s20 =	sshll.u32 @!p0 s22, $0x12  }
0x2b: {  	s0 =	sadd.s32 @!p0 s1, s0;
	s1 =	sor.u32 @!p0 $0x800, s20;
	s20 =	simm.s32 @!p0 $0x1800  }
0x2c: {  	[tilespmem:s21], [sflag:$0x1] =	stream.strided.gather @!p0 [hbm4b:s0+s1], $0x4000, s20, s1, $0x38;
	[tilespmem:$0x10000] =	vst v63  }
0x2d: {  	p0 =	sge.u32 s31, s5  }
.Ltmp2:
0x2e: {  	_ = 	snop;
	(pc) =	sbr.rel @p0 .LBB1_7-.Ltmp2, $1  }
0x2f: {  	_ =	sdelay $0x3  }
0x30: {  	s0 =	sshll.u32 s10, $0x2;
	_ =	swait.ge [sflag:s4], $0x4000;
	s1 =	sshll.u32 s15, $0xE  }
0x31: {  	p0 =	por $0x0, $0x0;
	s26 =	simm.s32 $0x0;
	s27 =	simm.s32 $0x0  }
0x32: {  	s0 =	sand.u32 $0x10000, s0;
	[sflag:s4] =	ssyncset.done $0x0;
	s23 =	sand.u32 $0x4000, s1  }
0x33: {  	s0 =	sshrl.u32 s0, $0x2;
	[sflag:s4] =	ssyncadd.s32 $0xFFFFC000;
	s20 =	sor.u32 $0x8000, s23  }
0x34: {  	s21 =	sor.u32 $0x40, s0;
	s22 =	sor.u32 $0x8410, s0;
	s24 =	sadd.s32 $0x8400, s0  }
.LBB1_3:
0x35: {  	v1 =	vld [tilespmem:s21+$0xFFFFFFD0]  }
0x36: {  	v2 =	vld [tilespmem:s21+$0x430]  }
0x37: {  	s0 =	sshll.u32 s27, $0xB;
	v4 =	vld [tilespmem:s21+$0xFFFFFFE0]  }
0x38: {  	v7 =	vld [tilespmem:s21+$0xFFFFFFF0];
	v0 =	vmov s0  }
0x39: {  	v8 =	vld [tilespmem:s21+$0x0]  }
0x3a: {  	v9 =	vld [tilespmem:s21+$0x10];
	s0 =	sand.u32 $0x300, s25  }
0x3b: {  	s1 =	sand.u32 $0x80, s25;
	v10 =	vld [tilespmem:s21+$0x20];
	s0 =	sadd.s32 s0, s23  }
0x3c: {  	v11 =	vld [tilespmem:s21+$0x30];
	s0 =	sadd.s32 s1, s0;
	s1 =	simm.s32 $0x1;
	[tilespmem:s22+$0x60] =	vst v2  }
0x3d: {  	s1 =	simm.s32 @!p0 $0x0;
	[tilespmem:s22+$0xFFFFFC00] =	vst v1;
	v3 =	vld.idx.msk [tilespmem:v0+s0+$0x400 ss:$0x1], $0xffff;
	s0 =	sshll.u32 s26, $0x2  }
0x3e: {  	v6 =	vld [tilespmem:s21+$0x3D0];
	s1 =	sshll.u32 s1, $0x9;
	[tilespmem:s22+$0xFFFFFC10] =	vst v4;
	s0 =	sand.u32 $0xFFFFFC00, s0  }
0x3f: {  	v5 =	vld [tilespmem:s21+$0x3E0];
	[tilespmem:s22+$0xFFFFFC20] =	vst v7;
	s0 =	sor.u32 s1, s0  }
0x40: {  	[tilespmem:s22+$0xFFFFFC30] =	vst v8;
	v4 =	vld [tilespmem:s21+$0x400];
	s0 =	sshrl.u32 s0, $0x2  }
0x41: {  	[tilespmem:s22+$0xFFFFFC40] =	vst v9;
	v1 =	vld [tilespmem:s21+$0x410];
	s28 =	sadd.s32 s0, s24  }
0x42: {  	[tilespmem:s28+$0x0] =	vst v3;
	v3 =	vld [tilespmem:s21+$0x3F0]  }
0x43: {  	s31 =	simm.s32 $0x100;
	[tilespmem:s22+$0xFFFFFC50] =	vst v10;
	v2 =	vld [tilespmem:s21+$0x420];
	s1 =	simm.s32 $0x80  }
0x44: {  	s29 =	sadd.s32 $0x80, s21;
	s30 =	smov.u32 s22;
	v7 =	vld [tilespmem:s21+$0xFFFFFFC0];
	[tilespmem:s22+$0xFFFFFC60] =	vst v11;
	s0 =	sand.u32 $0x300, s1  }
.LBB1_4:
0x45: {  	p1 =	sne.s32 s31, $0x380;
	v8 =	vld [tilespmem:s29+$0xFFFFFFD0];
	s1 =	sand.u32 $0x80, s1;
	s0 =	sadd.s32 s0, s23;
	[tilespmem:s30+$0x0] =	vst v6  }
0x46: {  	s0 =	sadd.s32 s1, s0;
	v6 =	vld [tilespmem:s29+$0x430];
	[tilespmem:s30+$0x10] =	vst v5;
	s1 =	smov.u32 s31  }
0x47: {  	v5 =	vld.idx.msk [tilespmem:v0+s0+$0x400 ss:$0x1], $0xffff;
	[tilespmem:s30+$0x20] =	vst v3  }
0x48: {  	v3 =	vld [tilespmem:s29+$0xFFFFFFE0];
	[tilespmem:s30+$0x30] =	vst v4  }
0x49: {  	v4 =	vld [tilespmem:s29+$0xFFFFFFF0];
	[tilespmem:s30+$0xFFFFFBF0] =	vst v7  }
0x4a: {  	v7 =	vld [tilespmem:s29+$0x0];
	[tilespmem:s30+$0x40] =	vst v1  }
0x4b: {  	v1 =	vld [tilespmem:s29+$0x10];
	[tilespmem:s30+$0x50] =	vst v2;
	s30 =	sadd.s32 $0x800, s30  }
0x4c: {  	s28 =	sadd.s32 $0x800, s28;
	v2 =	vld [tilespmem:s29+$0x20];
	[tilespmem:s30+$0x60] =	vst v6  }
0x4d: {  	v9 =	vld [tilespmem:s29+$0x30];
	[tilespmem:s28+$0x0] =	vst v5  }
0x4e: {  	[tilespmem:s30+$0xFFFFFC00] =	vst v8;
	v6 =	vld [tilespmem:s29+$0x3D0]  }
0x4f: {  	[tilespmem:s30+$0xFFFFFC10] =	vst v3;
	v5 =	vld [tilespmem:s29+$0x3E0]  }
.Ltmp3:
0x50: {  	[tilespmem:s30+$0xFFFFFC20] =	vst v4;
	v3 =	vld [tilespmem:s29+$0x3F0];
	(pc) =	sbr.rel @p1 .LBB1_4-.Ltmp3, $4  }
0x51: {  	[tilespmem:s30+$0xFFFFFC30] =	vst v7;
	v4 =	vld [tilespmem:s29+$0x400]  }
0x52: {  	[tilespmem:s30+$0xFFFFFC40] =	vst v1;
	v1 =	vld [tilespmem:s29+$0x410]  }
0x53: {  	[tilespmem:s30+$0xFFFFFC50] =	vst v2;
	v2 =	vld [tilespmem:s29+$0x420]  }
0x54: {  	s31 =	sadd.s32 $0x80, s31;
	s0 =	sand.u32 $0x300, s1;
	v7 =	vld [tilespmem:s29+$0xFFFFFFC0];
	[tilespmem:s30+$0xFFFFFC60] =	vst v9;
	s29 =	sadd.s32 $0x80, s29  }
0x55: {  	[tilespmem:s30+$0x0] =	vst v6  }
0x56: {  	[tilespmem:s30+$0x10] =	vst v5  }
0x57: {  	v49 =	vld [tilespmem:s29+$0x430];
	[tilespmem:s30+$0x20] =	vst v3  }
0x58: {  	v50 =	vld [tilespmem:s29+$0xFFFFFFD0];
	[tilespmem:s30+$0x30] =	vst v4  }
0x59: {  	v51 =	vld [tilespmem:s29+$0xFFFFFFE0];
	[tilespmem:s30+$0x40] =	vst v1  }
0x5a: {  	v52 =	vld [tilespmem:s29+$0xFFFFFFF0];
	[tilespmem:s30+$0x50] =	vst v2  }
0x5b: {  	v53 =	vld [tilespmem:s29+$0x0];
	[tilespmem:s30+$0xFFFFFBF0] =	vst v7;
	s30 =	sadd.s32 $0x800, s30  }
0x5c: {  	v54 =	vld [tilespmem:s29+$0x10];
	[tilespmem:s30+$0x60] =	vst v49  }
0x5d: {  	v55 =	vld [tilespmem:s29+$0x20];
	[tilespmem:s30+$0xFFFFFC00] =	vst v50  }
0x5e: {  	v56 =	vld [tilespmem:s29+$0x30];
	[tilespmem:s30+$0xFFFFFC10] =	vst v51  }
0x5f: {  	v57 =	vld [tilespmem:s29+$0x3D0];
	[tilespmem:s30+$0xFFFFFC20] =	vst v52  }
0x60: {  	v58 =	vld [tilespmem:s29+$0x3E0];
	[tilespmem:s30+$0xFFFFFC30] =	vst v53  }
0x61: {  	v59 =	vld [tilespmem:s29+$0x3F0];
	[tilespmem:s30+$0xFFFFFC40] =	vst v54  }
0x62: {  	v60 =	vld [tilespmem:s29+$0x400];
	[tilespmem:s30+$0xFFFFFC50] =	vst v55  }
0x63: {  	v61 =	vld [tilespmem:s29+$0xFFFFFFC0];
	[tilespmem:s30+$0xFFFFFC60] =	vst v56  }
0x64: {  	s1 =	sand.u32 $0x80, s1;
	s0 =	sadd.s32 s0, s23;
	v62 =	vld [tilespmem:s29+$0x410];
	[tilespmem:s30+$0x0] =	vst v57  }
0x65: {  	v63 =	vld [tilespmem:s29+$0x420];
	s27 =	sadd.s32 $0x1, s27;
	s0 =	sadd.s32 s1, s0;
	[tilespmem:s30+$0x10] =	vst v58  }
0x66: {  	p1 =	sne.s32 s27, $0x8;
	v0 =	vld.idx.msk [tilespmem:v0+s0+$0x400 ss:$0x1], $0xffff;
	[tilespmem:s30+$0x20] =	vst v59  }
.Ltmp4:
0x67: {  	[tilespmem:s30+$0x30] =	vst v60;
	(pc) =	sbr.rel @p1 .LBB1_3-.Ltmp4, $4  }
0x68: {  	[tilespmem:s30+$0xFFFFFBF0] =	vst v61  }
0x69: {  	[tilespmem:s30+$0x40] =	vst v62  }
0x6a: {  	s31 =	sadd.s32 $0x800, s28;
	s21 =	sadd.s32 $0x800, s21;
	[tilespmem:s30+$0x50] =	vst v63  }
0x6b: {  	s26 =	sadd.s32 $0x80, s26;
	p0 =	por !p0, !p0;
	s22 =	sadd.s32 $0x80, s22;
	[tilespmem:s31+$0x0] =	vst v0  }
0x6c: {  	s0 =	sshrl.u32 s19, $0x3  }
0x6d: {  	s1 =	sshll.u32 s17, $0x3;
	s0 =	smul.u32 $0x1800, s0  }
0x6e: {  	s24 =	sshll.u32 s19, $0x7;
	s1 =	sand.u32 $0xFFFFFC00, s1  }
0x6f: {  	s26 =	sand.u32 $0x380, s24;
	s0 =	sadd.s32 s0, s1  }
0x70: {  	s27 =	sand.u32 $0x7F, s17;
	s0 =	sor.u32 s26, s0  }
0x71: {  	s1 =	sor.u32 s27, s0;
	s0 =	smulhi.u32 $0xAAAAAAAB, s0  }
0x72: {  	s17 =	smulhi.u32 $0xAAAAAAAB, s1  }
0x73: {  	s18 =	smul.u32 $0xC0000, s18  }
0x74: {  	s16 =	smul.u32 $0x18000, s16;
	s0 =	sshrl.u32 s0, $0x9;
	s17 =	sshrl.u32 s17, $0x9  }
0x75: {  	s0 =	sand.u32 $0x3FF, s0;
	s17 =	smul.u32 $0x300, s17  }
0x76: {  	s0 =	smul.u32 $0x60, s0  }
.Ltmp5:
0x77: {  	s28 =	sadd.s32 s6, s18;
	s1 =	ssub.s32 s1, s17;
	(pc) =	sbr.rel .LBB1_7-.Ltmp5, $4  }
0x78: {  	s16 =	sadd.s32 s16, s28;
	s29 =	sand.u32 $0x7, s1  }
0x79: {  	s0 =	sadd.s32 s0, s16;
	s1 =	sshrl.u32 s1, $0x3;
	s30 =	sshll.u32 s29, $0x12  }
0x7a: {  	s0 =	sadd.s32 s1, s0;
	s31 =	sor.u32 $0x800, s30  }
0x7b: {  	[hbm4b:s0+s31] =	stream.strided.scatter [tilespmem:s20], [sflag:$0x2], $0x4000, s9, s31, $0x38;
	[tilespmem:$0x10000] =	vst v63  }
.LBB1_8:
0x7c: {  	_ =	sfence.sel $0x180000  }
0x7d: {  	s0 =	simm.s32 $0x1;
	[bflag:$0x0] =	sbarrier.arrive $0xFFFF  }
0x7e: {  	s30 =	simm.s32 $0x2;
	[sflag:s0] =	ssyncpa.u1 $0x1  }
0x7f: {  	[sflag:s30] =	ssyncpa.u1 $0x1  }
0x80: {  	_ =	strace $0x9000004A  }
0x81: {  	s31 =	stileid.u32;
	[bflag:$0x2] =	sbarrier.arrive $0xFFFF  }
0x82: {  	p0 =	sne.s32 s31, $0x0;
	s0 =	rddreg [dreg:$0x2]  }
0x83: {  	s0 =	sadd.s32 @!p0 $0x100000, s0  }
0x84: {  	[sflag:s0] =	ssyncadd.tile.s32 @!p0 $0x1;
	_ =	shalt  }
.Lfunc_end1:
_tile_overlayer_lowered:
.L_overlay_start_2:
0x85: {  	(tag) =	ssettag $0x2  }
0x86: {  	s0 =	rddreg [dreg:$0x0];
	s2 =	stileid.u32  }
0x87: {  	s1 =	rddreg [dreg:$0x1];
	p0 =	sne.s32 s2, $0x0  }
0x88: {  	s3 =	rddreg [dreg:$0x2];
	[bflag:$0x3] =	sbarrier.arrive $0xFFFF;
	s2 =	simm.s32 @!p0 $0x1C01  }
0x89: {  	[timem:s3], [sflag:s2] =	dma.local @!p0 [hbm:s0], s1  }
0x8a: {  	s0 =	simm.s32 @!p0 $0x1  }
0x8b: {  	_ =	swait.ge @!p0 [sflag:s0], s1  }
0x8c: {  	s1 =	ssub.s32 @!p0 $0x0, s1;
	[sflag:s0] =	ssyncset.done @!p0 $0x0  }
0x8d: {  	[sflag:s0] =	ssyncadd.s32 @!p0 s1  }
0x8e: {  	[bflag:$0x3] =	sbarrier.arrive $0xFFFF  }
0x8f: {  	_ =	shalt  }

</sc_bundles>
